<compile_context>
chip_gen: v7x
topology: tpu7x:2x2x1
jax: 0.10.2.dev20260603
libtpu: 0.0.44.dev20260713+nightly
codegen_flags: <defaults>
</compile_context>

<pallas_src>
import functools

import jax
import jax.numpy as jnp
from jax import lax
from jax.experimental import pallas as pl
from jax.experimental.pallas import tpu as pltpu
from jax.experimental.pallas import tpu_sc as plsc

VOCAB = 100000
DIM = 64
B = 16384
L = 50

NC = 2
NS = 16
NW = NC * NS
CH = 128
TCB = B // CH
KPW = TCB // NW
NCH = L * KPW
TP = CH + 8


def _make_kernel():
  mesh = plsc.VectorSubcoreMesh(core_axis_name="c", subcore_axis_name="s")

  @functools.partial(
      pl.kernel,
      mesh=mesh,
      compiler_params=pltpu.CompilerParams(
          use_tc_tiling_on_sc=False, needs_layout_passes=False),
      out_type=jax.ShapeDtypeStruct((L * 8, TCB, 8, CH), jnp.float32),
      scratch_types=[
          pltpu.VMEM((L, KPW * CH), jnp.int32),
          pltpu.VMEM((CH, DIM), jnp.float32),
          pltpu.VMEM((CH, DIM), jnp.float32),
          pltpu.VMEM((CH, DIM), jnp.float32),
          pltpu.VMEM((CH, DIM), jnp.float32),
          pltpu.VMEM((DIM, TP), jnp.float32),
          pltpu.VMEM((DIM, TP), jnp.float32),
          pltpu.SemaphoreType.DMA,
          pltpu.SemaphoreType.DMA,
      ],
  )
  def emb(table_hbm, xt_hbm, out_hbm, idx_v, g0, g1, g2, g3, t0, t1,
          gsem, wsem):
    gbufs = (g0, g1, g2, g3)
    tbufs = (t0, t1)
    wid = lax.axis_index("s") * NC + lax.axis_index("c")
    bcol0 = wid * (KPW * CH)

    pltpu.sync_copy(xt_hbm.at[:, pl.ds(bcol0, KPW * CH)], idx_v)

    lanes = lax.iota(jnp.int32, 16)
    drow = [lanes + q * 16 for q in range(4)]

    def idx_slice(j):
      l = j // KPW
      k = lax.rem(j, KPW)
      return idx_v.at[l, pl.ds(k * CH, CH)]

    def transpose(gbuf, tbuf):
      def browloop(it, carry):
        for s in range(8):
          b = it * 8 + s
          bcol = jnp.full((16,), 0, jnp.int32) + b
          vals = [gbuf[b, pl.ds(q * 16, 16)] for q in range(4)]
          for q in range(4):
            plsc.store_scatter(tbuf, [drow[q], bcol], vals[q])
        return carry

      lax.fori_loop(0, CH // 8, browloop, 0)

    for u in range(3):
      pltpu.async_copy(table_hbm.at[idx_slice(u)], gbufs[u], gsem)

    def chunk(j, gbuf, gbuf_next, tbuf):
      l = j // KPW
      k = lax.rem(j, KPW)
      tcg = wid * KPW + k
      pltpu.make_async_copy(table_hbm.at[idx_slice(j)], gbuf, gsem).wait()

      @pl.when(j + 3 < NCH)
      def _():
        pltpu.async_copy(table_hbm.at[idx_slice(j + 3)], gbuf_next, gsem)

      @pl.when(j >= 2)
      def _():
        for _w in range(8):
          pltpu.make_async_copy(
              tbuf.at[pl.ds(0, 8), pl.ds(0, CH)], out_hbm.at[0, 0],
              wsem).wait()

      transpose(gbuf, tbuf)
      for tr in range(8):
        pltpu.async_copy(
            tbuf.at[pl.ds(tr * 8, 8), pl.ds(0, CH)],
            out_hbm.at[l * 8 + tr, tcg], wsem)

    def body(gr, carry):
      for u in range(4):
        j = gr * 4 + u
        chunk(j, gbufs[u], gbufs[(u + 3) % 4], tbufs[u % 2])
      return carry

    lax.fori_loop(0, NCH // 4, body, 0)

    for u in range(2):
      for _w in range(8):
        pltpu.make_async_copy(
            tbufs[u].at[pl.ds(0, 8), pl.ds(0, CH)], out_hbm.at[0, 0],
            wsem).wait()

  return emb


_emb = _make_kernel()


@jax.jit
def kernel(x, table):
  xt = x.T.astype(jnp.int32)
  q = _emb(table, xt)
  q5 = q.reshape(L, 8, TCB, 8, CH)
  return q5.transpose(2, 4, 0, 1, 3).reshape(B, L, DIM)

# --- scband reference (transcript-rebuilt; emitter-appended) ---
"""Pipeline reference for scband-text-embedding-15040975470675 (READ-ONLY COPY).

The authoritative reference and input builder live on the scoring server;
editing this copy changes nothing except your own understanding.
"""

import jax, jax.numpy as jnp
import numpy as np

VOCAB = 100000
DIM = 64
B = 16384
L = 50

def setup_inputs(seed: int = 0) -> dict:
    key = jax.random.key(seed)
    k1, k2 = jax.random.split(key)
    x = jax.random.randint(k1, (B, L), 0, VOCAB, dtype=jnp.int64 if jax.config.read('jax_enable_x64') else jnp.int32)
    table = jax.random.normal(k2, (VOCAB, DIM), dtype=jnp.float32)
    return {"x": x, "table": table}

def reference(x, table):
    # nn.Embedding forward: gather rows of the embedding table
    return jnp.take(table, x, axis=0)

if __name__ == "__main__":
    import jax
    _d = setup_inputs()
    print(jax.jit(kernel)(*tuple(_d.values())))

</pallas_src>

<mosaic_0001>
#map = affine_map<(d0, d1) -> (0, 0)>
#map1 = affine_map<(d0, d1) -> (0, 0, 0, 0)>
module attributes {stable_mosaic.version = 14 : i64} {
  func.func @emb(%arg0: i32, %arg1: i32, %arg2: memref<100000x64xf32, #tpu.memory_space<hbm>>, %arg3: memref<50x16384xi32, #tpu.memory_space<hbm>>, %arg4: memref<400x128x8x128xf32, #tpu.memory_space<hbm>>, %arg5: memref<50x512xi32, #tpu.memory_space<vmem>>, %arg6: memref<128x64xf32, #tpu.memory_space<vmem>>, %arg7: memref<128x64xf32, #tpu.memory_space<vmem>>, %arg8: memref<128x64xf32, #tpu.memory_space<vmem>>, %arg9: memref<128x64xf32, #tpu.memory_space<vmem>>, %arg10: memref<64x136xf32, #tpu.memory_space<vmem>>, %arg11: memref<64x136xf32, #tpu.memory_space<vmem>>, %arg12: memref<!tpu.dma_semaphore, #tpu.memory_space<semaphore_mem>>, %arg13: memref<!tpu.dma_semaphore, #tpu.memory_space<semaphore_mem>>) attributes {dimension_semantics = [#tpu.dimension_semantics<core_parallel>, #tpu.dimension_semantics<subcore_parallel>], iteration_bounds = array<i64: 2, 16>, scalar_prefetch = 0 : i64, scratch_operands = 9 : i64, tpu.core_type = #tpu.core_type<sc_vector_subcore>, window_params = [{transform_indices = #map}, {transform_indices = #map}, {transform_indices = #map1}]} {
    %mul3A = arith.constant 2 : i32
    %mul3A_0 = arith.muli %arg1, %mul3A : i32
    %add3A = arith.addi %mul3A_0, %arg0 : i32
    %mul3A_1 = arith.constant 512 : i32
    %mul3A_2 = arith.muli %add3A, %mul3A_1 : i32
    "tpu.region"() ({
      %run_scoped3A = tpu.sem_alloc : memref<!tpu.dma_semaphore, #tpu.memory_space<semaphore_mem>>
      %dma_start3A_306 = arith.constant 0 : i32
      %dma_start3A_307 = tpu.memref_slice %arg3[%dma_start3A_306, %mul3A_2] : memref<50x16384xi32, #tpu.memory_space<hbm>> -> memref<50x512xi32, #tpu.memory_space<hbm>>
      %dma_start3A_308 = arith.constant 0 : i32
      %dma_start3A_309 = tpu.memref_slice %arg3[%dma_start3A_308, %mul3A_2] : memref<50x16384xi32, #tpu.memory_space<hbm>> -> memref<50x512xi32, #tpu.memory_space<hbm>>
      tpu.enqueue_dma source(%dma_start3A_309 : memref<50x512xi32, #tpu.memory_space<hbm>>) target(%arg5 : memref<50x512xi32, #tpu.memory_space<vmem>>) target_semaphore(%run_scoped3A : memref<!tpu.dma_semaphore, #tpu.memory_space<semaphore_mem>>)
      %dma_wait3A_310 = arith.constant 0 : i32
      %dma_wait3A_311 = tpu.memref_slice %arg3[%dma_wait3A_310, %mul3A_2] : memref<50x16384xi32, #tpu.memory_space<hbm>> -> memref<50x512xi32, #tpu.memory_space<hbm>>
      %dma_wait3A_312 = arith.constant 0 : i32
      %dma_wait3A_313 = tpu.memref_slice %arg3[%dma_wait3A_312, %mul3A_2] : memref<50x16384xi32, #tpu.memory_space<hbm>> -> memref<50x512xi32, #tpu.memory_space<hbm>>
      tpu.wait_dma2 semaphore(%run_scoped3A : memref<!tpu.dma_semaphore, #tpu.memory_space<semaphore_mem>>) src(%dma_wait3A_313 : memref<50x512xi32, #tpu.memory_space<hbm>>) dst(%arg5 : memref<50x512xi32, #tpu.memory_space<vmem>>)
      tpu.yield
    }) : () -> ()
    %iota3A = tpu.iota {dimensions = array<i32: 0>} : vector<16xi32>
    %add3A_3 = arith.constant 0 : i32
    %add3A_4 = vector.broadcast %add3A_3 : i32 to vector<16xi32>
    %add3A_5 = arith.addi %iota3A, %add3A_4 : vector<16xi32>
    %add3A_6 = arith.constant 16 : i32
    %add3A_7 = vector.broadcast %add3A_6 : i32 to vector<16xi32>
    %add3A_8 = arith.addi %iota3A, %add3A_7 : vector<16xi32>
    %add3A_9 = arith.constant 32 : i32
    %add3A_10 = vector.broadcast %add3A_9 : i32 to vector<16xi32>
    %add3A_11 = arith.addi %iota3A, %add3A_10 : vector<16xi32>
    %add3A_12 = arith.constant 48 : i32
    %add3A_13 = vector.broadcast %add3A_12 : i32 to vector<16xi32>
    %add3A_14 = arith.addi %iota3A, %add3A_13 : vector<16xi32>
    %rem3A = arith.constant 0 : i32
    %rem3A_15 = arith.constant 4 : i32
    %rem3A_16 = arith.remsi %rem3A, %rem3A_15 : i32
    %mul3A_17 = arith.constant 128 : i32
    %mul3A_18 = arith.muli %rem3A_16, %mul3A_17 : i32
    %dma_start3A = arith.constant 0 : i32
    %dma_start3A_19 = tpu.memref_slice %arg5[%dma_start3A, %mul3A_18] : memref<50x512xi32, #tpu.memory_space<vmem>> -> memref<1x128xi32, #tpu.memory_space<vmem>>
    %dma_start3A_20 = tpu.memref_squeeze %dma_start3A_19 : memref<1x128xi32, #tpu.memory_space<vmem>> -> memref<128xi32, #tpu.memory_space<vmem>>
    %dma_start3A_21 = arith.constant 0 : i32
    %dma_start3A_22 = arith.constant 0 : i32
    %dma_start3A_23 = tpu.memref_slice %arg2[%dma_start3A_21, %dma_start3A_22] : memref<100000x64xf32, #tpu.memory_space<hbm>> -> memref<100000x64xf32, #tpu.memory_space<hbm>>
    tpu.enqueue_indirect_dma source(%dma_start3A_23 : memref<100000x64xf32, #tpu.memory_space<hbm>>) target(%arg6 : memref<128x64xf32, #tpu.memory_space<vmem>>) offsets(%dma_start3A_20 : memref<128xi32, #tpu.memory_space<vmem>>) semaphore(%arg12 : memref<!tpu.dma_semaphore, #tpu.memory_space<semaphore_mem>>)
    %rem3A_24 = arith.constant 1 : i32
    %rem3A_25 = arith.constant 4 : i32
    %rem3A_26 = arith.remsi %rem3A_24, %rem3A_25 : i32
    %mul3A_27 = arith.constant 128 : i32
    %mul3A_28 = arith.muli %rem3A_26, %mul3A_27 : i32
    %dma_start3A_29 = arith.constant 0 : i32
    %dma_start3A_30 = tpu.memref_slice %arg5[%dma_start3A_29, %mul3A_28] : memref<50x512xi32, #tpu.memory_space<vmem>> -> memref<1x128xi32, #tpu.memory_space<vmem>>
    %dma_start3A_31 = tpu.memref_squeeze %dma_start3A_30 : memref<1x128xi32, #tpu.memory_space<vmem>> -> memref<128xi32, #tpu.memory_space<vmem>>
    %dma_start3A_32 = arith.constant 0 : i32
    %dma_start3A_33 = arith.constant 0 : i32
    %dma_start3A_34 = tpu.memref_slice %arg2[%dma_start3A_32, %dma_start3A_33] : memref<100000x64xf32, #tpu.memory_space<hbm>> -> memref<100000x64xf32, #tpu.memory_space<hbm>>
    tpu.enqueue_indirect_dma source(%dma_start3A_34 : memref<100000x64xf32, #tpu.memory_space<hbm>>) target(%arg7 : memref<128x64xf32, #tpu.memory_space<vmem>>) offsets(%dma_start3A_31 : memref<128xi32, #tpu.memory_space<vmem>>) semaphore(%arg12 : memref<!tpu.dma_semaphore, #tpu.memory_space<semaphore_mem>>)
    %rem3A_35 = arith.constant 2 : i32
    %rem3A_36 = arith.constant 4 : i32
    %rem3A_37 = arith.remsi %rem3A_35, %rem3A_36 : i32
    %mul3A_38 = arith.constant 128 : i32
    %mul3A_39 = arith.muli %rem3A_37, %mul3A_38 : i32
    %dma_start3A_40 = arith.constant 0 : i32
    %dma_start3A_41 = tpu.memref_slice %arg5[%dma_start3A_40, %mul3A_39] : memref<50x512xi32, #tpu.memory_space<vmem>> -> memref<1x128xi32, #tpu.memory_space<vmem>>
    %dma_start3A_42 = tpu.memref_squeeze %dma_start3A_41 : memref<1x128xi32, #tpu.memory_space<vmem>> -> memref<128xi32, #tpu.memory_space<vmem>>
    %dma_start3A_43 = arith.constant 0 : i32
    %dma_start3A_44 = arith.constant 0 : i32
    %dma_start3A_45 = tpu.memref_slice %arg2[%dma_start3A_43, %dma_start3A_44] : memref<100000x64xf32, #tpu.memory_space<hbm>> -> memref<100000x64xf32, #tpu.memory_space<hbm>>
    tpu.enqueue_indirect_dma source(%dma_start3A_45 : memref<100000x64xf32, #tpu.memory_space<hbm>>) target(%arg8 : memref<128x64xf32, #tpu.memory_space<vmem>>) offsets(%dma_start3A_42 : memref<128xi32, #tpu.memory_space<vmem>>) semaphore(%arg12 : memref<!tpu.dma_semaphore, #tpu.memory_space<semaphore_mem>>)
    %scan3A = arith.constant 0 : i32
    %scan3A_46 = arith.constant 0 : i32
    %scan3A_47 = arith.constant 50 : i32
    %scan3A_48 = arith.addi %scan3A_46, %scan3A_47 : i32
    %scan3A_49 = arith.constant 1 : i32
    scf.for %scan3A_306 = %scan3A_46 to %scan3A_48 step %scan3A_49  : i32 {
      %mul3A_307 = arith.constant 4 : i32
      %mul3A_308 = arith.muli %scan3A_306, %mul3A_307 : i32
      %add3A_309 = arith.constant 0 : i32
      %add3A_310 = arith.addi %mul3A_308, %add3A_309 : i32
      %jit3A = arith.constant 4 : i32
      %div3A = arith.divsi %add3A_310, %jit3A : i32
      %sign3A = arith.constant 0 : i32
      %sign3A_311 = arith.cmpi sgt, %add3A_310, %sign3A : i32
      %sign3A_312 = arith.extui %sign3A_311 : i1 to i32
      %sign3A_313 = arith.constant 0 : i32
      %sign3A_314 = arith.cmpi slt, %add3A_310, %sign3A_313 : i32
      %sign3A_315 = arith.extui %sign3A_314 : i1 to i32
      %sign3A_316 = arith.subi %sign3A_312, %sign3A_315 : i32
      %sign3A_317 = arith.constant 0 : i32
      %sign3A_318 = arith.cmpi sgt, %jit3A, %sign3A_317 : i32
      %sign3A_319 = arith.extui %sign3A_318 : i1 to i32
      %sign3A_320 = arith.constant 0 : i32
      %sign3A_321 = arith.cmpi slt, %jit3A, %sign3A_320 : i32
      %sign3A_322 = arith.extui %sign3A_321 : i1 to i32
      %sign3A_323 = arith.subi %sign3A_319, %sign3A_322 : i32
      %ne3A = arith.cmpi ne, %sign3A_316, %sign3A_323 : i32
      %rem3A_324 = arith.remsi %add3A_310, %jit3A : i32
      %ne3A_325 = arith.constant 0 : i32
      %ne3A_326 = arith.cmpi ne, %rem3A_324, %ne3A_325 : i32
      %and3A = arith.andi %ne3A, %ne3A_326 : i1
      %sub3A = arith.constant 1 : i32
      %sub3A_327 = arith.subi %div3A, %sub3A : i32
      %select_n3A = arith.select %and3A, %sub3A_327, %div3A : i32
      %rem3A_328 = arith.constant 4 : i32
      %rem3A_329 = arith.remsi %add3A_310, %rem3A_328 : i32
      %mul3A_330 = arith.constant 4 : i32
      %mul3A_331 = arith.muli %add3A, %mul3A_330 : i32
      %add3A_332 = arith.addi %mul3A_331, %rem3A_329 : i32
      %jit3A_333 = arith.constant 4 : i32
      %div3A_334 = arith.divsi %add3A_310, %jit3A_333 : i32
      %sign3A_335 = arith.constant 0 : i32
      %sign3A_336 = arith.cmpi sgt, %add3A_310, %sign3A_335 : i32
      %sign3A_337 = arith.extui %sign3A_336 : i1 to i32
      %sign3A_338 = arith.constant 0 : i32
      %sign3A_339 = arith.cmpi slt, %add3A_310, %sign3A_338 : i32
      %sign3A_340 = arith.extui %sign3A_339 : i1 to i32
      %sign3A_341 = arith.subi %sign3A_337, %sign3A_340 : i32
      %sign3A_342 = arith.constant 0 : i32
      %sign3A_343 = arith.cmpi sgt, %jit3A_333, %sign3A_342 : i32
      %sign3A_344 = arith.extui %sign3A_343 : i1 to i32
      %sign3A_345 = arith.constant 0 : i32
      %sign3A_346 = arith.cmpi slt, %jit3A_333, %sign3A_345 : i32
      %sign3A_347 = arith.extui %sign3A_346 : i1 to i32
      %sign3A_348 = arith.subi %sign3A_344, %sign3A_347 : i32
      %ne3A_349 = arith.cmpi ne, %sign3A_341, %sign3A_348 : i32
      %rem3A_350 = arith.remsi %add3A_310, %jit3A_333 : i32
      %ne3A_351 = arith.constant 0 : i32
      %ne3A_352 = arith.cmpi ne, %rem3A_350, %ne3A_351 : i32
      %and3A_353 = arith.andi %ne3A_349, %ne3A_352 : i1
      %sub3A_354 = arith.constant 1 : i32
      %sub3A_355 = arith.subi %div3A_334, %sub3A_354 : i32
      %select_n3A_356 = arith.select %and3A_353, %sub3A_355, %div3A_334 : i32
      %rem3A_357 = arith.constant 4 : i32
      %rem3A_358 = arith.remsi %add3A_310, %rem3A_357 : i32
      %mul3A_359 = arith.constant 128 : i32
      %mul3A_360 = arith.muli %rem3A_358, %mul3A_359 : i32
      %dma_wait3A_361 = tpu.memref_slice %arg5[%select_n3A_356, %mul3A_360] : memref<50x512xi32, #tpu.memory_space<vmem>> -> memref<1x128xi32, #tpu.memory_space<vmem>>
      %dma_wait3A_362 = tpu.memref_squeeze %dma_wait3A_361 : memref<1x128xi32, #tpu.memory_space<vmem>> -> memref<128xi32, #tpu.memory_space<vmem>>
      %dma_wait3A_363 = arith.constant 0 : i32
      %dma_wait3A_364 = arith.constant 0 : i32
      %dma_wait3A_365 = tpu.memref_slice %arg2[%dma_wait3A_363, %dma_wait3A_364] : memref<100000x64xf32, #tpu.memory_space<hbm>> -> memref<100000x64xf32, #tpu.memory_space<hbm>>
      tpu.wait_indirect_dma semaphore(%arg12 : memref<!tpu.dma_semaphore, #tpu.memory_space<semaphore_mem>>) src(%dma_wait3A_365 : memref<100000x64xf32, #tpu.memory_space<hbm>>) dst(%arg6 : memref<128x64xf32, #tpu.memory_space<vmem>>)
      %add3A_366 = arith.constant 3 : i32
      %add3A_367 = arith.addi %add3A_310, %add3A_366 : i32
      %lt3A = arith.constant 200 : i32
      %lt3A_368 = arith.cmpi slt, %add3A_367, %lt3A : i32
      %convert_element_type3A = arith.extui %lt3A_368 : i1 to i32
      %cond3A = arith.constant 0 : i32
      %cond3A_369 = arith.cmpi ne, %convert_element_type3A, %cond3A : i32
      scf.if %cond3A_369 {
        %add3A_1208 = arith.constant 3 : i32
        %add3A_1209 = arith.addi %add3A_310, %add3A_1208 : i32
        %jit3A_1210 = arith.constant 4 : i32
        %div3A_1211 = arith.divsi %add3A_1209, %jit3A_1210 : i32
        %sign3A_1212 = arith.constant 0 : i32
        %sign3A_1213 = arith.cmpi sgt, %add3A_1209, %sign3A_1212 : i32
        %sign3A_1214 = arith.extui %sign3A_1213 : i1 to i32
        %sign3A_1215 = arith.constant 0 : i32
        %sign3A_1216 = arith.cmpi slt, %add3A_1209, %sign3A_1215 : i32
        %sign3A_1217 = arith.extui %sign3A_1216 : i1 to i32
        %sign3A_1218 = arith.subi %sign3A_1214, %sign3A_1217 : i32
        %sign3A_1219 = arith.constant 0 : i32
        %sign3A_1220 = arith.cmpi sgt, %jit3A_1210, %sign3A_1219 : i32
        %sign3A_1221 = arith.extui %sign3A_1220 : i1 to i32
        %sign3A_1222 = arith.constant 0 : i32
        %sign3A_1223 = arith.cmpi slt, %jit3A_1210, %sign3A_1222 : i32
        %sign3A_1224 = arith.extui %sign3A_1223 : i1 to i32
        %sign3A_1225 = arith.subi %sign3A_1221, %sign3A_1224 : i32
        %ne3A_1226 = arith.cmpi ne, %sign3A_1218, %sign3A_1225 : i32
        %rem3A_1227 = arith.remsi %add3A_1209, %jit3A_1210 : i32
        %ne3A_1228 = arith.constant 0 : i32
        %ne3A_1229 = arith.cmpi ne, %rem3A_1227, %ne3A_1228 : i32
        %and3A_1230 = arith.andi %ne3A_1226, %ne3A_1229 : i1
        %sub3A_1231 = arith.constant 1 : i32
        %sub3A_1232 = arith.subi %div3A_1211, %sub3A_1231 : i32
        %select_n3A_1233 = arith.select %and3A_1230, %sub3A_1232, %div3A_1211 : i32
        %rem3A_1234 = arith.constant 4 : i32
        %rem3A_1235 = arith.remsi %add3A_1209, %rem3A_1234 : i32
        %mul3A_1236 = arith.constant 128 : i32
        %mul3A_1237 = arith.muli %rem3A_1235, %mul3A_1236 : i32
        %dma_start3A_1238 = tpu.memref_slice %arg5[%select_n3A_1233, %mul3A_1237] : memref<50x512xi32, #tpu.memory_space<vmem>> -> memref<1x128xi32, #tpu.memory_space<vmem>>
        %dma_start3A_1239 = tpu.memref_squeeze %dma_start3A_1238 : memref<1x128xi32, #tpu.memory_space<vmem>> -> memref<128xi32, #tpu.memory_space<vmem>>
        %dma_start3A_1240 = arith.constant 0 : i32
        %dma_start3A_1241 = arith.constant 0 : i32
        %dma_start3A_1242 = tpu.memref_slice %arg2[%dma_start3A_1240, %dma_start3A_1241] : memref<100000x64xf32, #tpu.memory_space<hbm>> -> memref<100000x64xf32, #tpu.memory_space<hbm>>
        tpu.enqueue_indirect_dma source(%dma_start3A_1242 : memref<100000x64xf32, #tpu.memory_space<hbm>>) target(%arg9 : memref<128x64xf32, #tpu.memory_space<vmem>>) offsets(%dma_start3A_1239 : memref<128xi32, #tpu.memory_space<vmem>>) semaphore(%arg12 : memref<!tpu.dma_semaphore, #tpu.memory_space<semaphore_mem>>)
      } else {
      }
      %ge3A = arith.constant 2 : i32
      %ge3A_370 = arith.cmpi sge, %add3A_310, %ge3A : i32
      %convert_element_type3A_371 = arith.extui %ge3A_370 : i1 to i32
      %cond3A_372 = arith.constant 0 : i32
      %cond3A_373 = arith.cmpi ne, %convert_element_type3A_371, %cond3A_372 : i32
      scf.if %cond3A_373 {
        %dma_wait3A_1208 = arith.constant 0 : i32
        %dma_wait3A_1209 = arith.constant 0 : i32
        %dma_wait3A_1210 = arith.constant 0 : i32
        %dma_wait3A_1211 = arith.constant 0 : i32
        %dma_wait3A_1212 = tpu.memref_slice %arg10[%dma_wait3A_1210, %dma_wait3A_1211] : memref<64x136xf32, #tpu.memory_space<vmem>> -> memref<8x128xf32, #tpu.memory_space<vmem>>
        %dma_wait3A_1213 = arith.constant 0 : i32
        %dma_wait3A_1214 = arith.constant 0 : i32
        %dma_wait3A_1215 = tpu.memref_slice %arg4[%dma_wait3A_1208, %dma_wait3A_1209, %dma_wait3A_1213, %dma_wait3A_1214] : memref<400x128x8x128xf32, #tpu.memory_space<hbm>> -> memref<1x1x8x128xf32, #tpu.memory_space<hbm>>
        %dma_wait3A_1216 = tpu.memref_squeeze %dma_wait3A_1215 : memref<1x1x8x128xf32, #tpu.memory_space<hbm>> -> memref<8x128xf32, #tpu.memory_space<hbm>>
        %dma_wait3A_1217 = arith.constant 0 : i32
        %dma_wait3A_1218 = arith.constant 0 : i32
        %dma_wait3A_1219 = tpu.memref_slice %arg4[%dma_wait3A_1208, %dma_wait3A_1209, %dma_wait3A_1217, %dma_wait3A_1218] : memref<400x128x8x128xf32, #tpu.memory_space<hbm>> -> memref<1x1x8x128xf32, #tpu.memory_space<hbm>>
        %dma_wait3A_1220 = tpu.memref_squeeze %dma_wait3A_1219 : memref<1x1x8x128xf32, #tpu.memory_space<hbm>> -> memref<8x128xf32, #tpu.memory_space<hbm>>
        %dma_wait3A_1221 = arith.constant 0 : i32
        %dma_wait3A_1222 = arith.constant 0 : i32
        %dma_wait3A_1223 = tpu.memref_slice %arg10[%dma_wait3A_1221, %dma_wait3A_1222] : memref<64x136xf32, #tpu.memory_space<vmem>> -> memref<8x128xf32, #tpu.memory_space<vmem>>
        tpu.wait_dma2 semaphore(%arg13 : memref<!tpu.dma_semaphore, #tpu.memory_space<semaphore_mem>>) src(%dma_wait3A_1223 : memref<8x128xf32, #tpu.memory_space<vmem>>) dst(%dma_wait3A_1220 : memref<8x128xf32, #tpu.memory_space<hbm>>)
        %dma_wait3A_1224 = arith.constant 0 : i32
        %dma_wait3A_1225 = arith.constant 0 : i32
        %dma_wait3A_1226 = arith.constant 0 : i32
        %dma_wait3A_1227 = arith.constant 0 : i32
        %dma_wait3A_1228 = tpu.memref_slice %arg10[%dma_wait3A_1226, %dma_wait3A_1227] : memref<64x136xf32, #tpu.memory_space<vmem>> -> memref<8x128xf32, #tpu.memory_space<vmem>>
        %dma_wait3A_1229 = arith.constant 0 : i32
        %dma_wait3A_1230 = arith.constant 0 : i32
        %dma_wait3A_1231 = tpu.memref_slice %arg4[%dma_wait3A_1224, %dma_wait3A_1225, %dma_wait3A_1229, %dma_wait3A_1230] : memref<400x128x8x128xf32, #tpu.memory_space<hbm>> -> memref<1x1x8x128xf32, #tpu.memory_space<hbm>>
        %dma_wait3A_1232 = tpu.memref_squeeze %dma_wait3A_1231 : memref<1x1x8x128xf32, #tpu.memory_space<hbm>> -> memref<8x128xf32, #tpu.memory_space<hbm>>
        %dma_wait3A_1233 = arith.constant 0 : i32
        %dma_wait3A_1234 = arith.constant 0 : i32
        %dma_wait3A_1235 = tpu.memref_slice %arg4[%dma_wait3A_1224, %dma_wait3A_1225, %dma_wait3A_1233, %dma_wait3A_1234] : memref<400x128x8x128xf32, #tpu.memory_space<hbm>> -> memref<1x1x8x128xf32, #tpu.memory_space<hbm>>
        %dma_wait3A_1236 = tpu.memref_squeeze %dma_wait3A_1235 : memref<1x1x8x128xf32, #tpu.memory_space<hbm>> -> memref<8x128xf32, #tpu.memory_space<hbm>>
        %dma_wait3A_1237 = arith.constant 0 : i32
        %dma_wait3A_1238 = arith.constant 0 : i32
        %dma_wait3A_1239 = tpu.memref_slice %arg10[%dma_wait3A_1237, %dma_wait3A_1238] : memref<64x136xf32, #tpu.memory_space<vmem>> -> memref<8x128xf32, #tpu.memory_space<vmem>>
        tpu.wait_dma2 semaphore(%arg13 : memref<!tpu.dma_semaphore, #tpu.memory_space<semaphore_mem>>) src(%dma_wait3A_1239 : memref<8x128xf32, #tpu.memory_space<vmem>>) dst(%dma_wait3A_1236 : memref<8x128xf32, #tpu.memory_space<hbm>>)
        %dma_wait3A_1240 = arith.constant 0 : i32
        %dma_wait3A_1241 = arith.constant 0 : i32
        %dma_wait3A_1242 = arith.constant 0 : i32
        %dma_wait3A_1243 = arith.constant 0 : i32
        %dma_wait3A_1244 = tpu.memref_slice %arg10[%dma_wait3A_1242, %dma_wait3A_1243] : memref<64x136xf32, #tpu.memory_space<vmem>> -> memref<8x128xf32, #tpu.memory_space<vmem>>
        %dma_wait3A_1245 = arith.constant 0 : i32
        %dma_wait3A_1246 = arith.constant 0 : i32
        %dma_wait3A_1247 = tpu.memref_slice %arg4[%dma_wait3A_1240, %dma_wait3A_1241, %dma_wait3A_1245, %dma_wait3A_1246] : memref<400x128x8x128xf32, #tpu.memory_space<hbm>> -> memref<1x1x8x128xf32, #tpu.memory_space<hbm>>
        %dma_wait3A_1248 = tpu.memref_squeeze %dma_wait3A_1247 : memref<1x1x8x128xf32, #tpu.memory_space<hbm>> -> memref<8x128xf32, #tpu.memory_space<hbm>>
        %dma_wait3A_1249 = arith.constant 0 : i32
        %dma_wait3A_1250 = arith.constant 0 : i32
        %dma_wait3A_1251 = tpu.memref_slice %arg4[%dma_wait3A_1240, %dma_wait3A_1241, %dma_wait3A_1249, %dma_wait3A_1250] : memref<400x128x8x128xf32, #tpu.memory_space<hbm>> -> memref<1x1x8x128xf32, #tpu.memory_space<hbm>>
        %dma_wait3A_1252 = tpu.memref_squeeze %dma_wait3A_1251 : memref<1x1x8x128xf32, #tpu.memory_space<hbm>> -> memref<8x128xf32, #tpu.memory_space<hbm>>
        %dma_wait3A_1253 = arith.constant 0 : i32
        %dma_wait3A_1254 = arith.constant 0 : i32
        %dma_wait3A_1255 = tpu.memref_slice %arg10[%dma_wait3A_1253, %dma_wait3A_1254] : memref<64x136xf32, #tpu.memory_space<vmem>> -> memref<8x128xf32, #tpu.memory_space<vmem>>
        tpu.wait_dma2 semaphore(%arg13 : memref<!tpu.dma_semaphore, #tpu.memory_space<semaphore_mem>>) src(%dma_wait3A_1255 : memref<8x128xf32, #tpu.memory_space<vmem>>) dst(%dma_wait3A_1252 : memref<8x128xf32, #tpu.memory_space<hbm>>)
        %dma_wait3A_1256 = arith.constant 0 : i32
        %dma_wait3A_1257 = arith.constant 0 : i32
        %dma_wait3A_1258 = arith.constant 0 : i32
        %dma_wait3A_1259 = arith.constant 0 : i32
        %dma_wait3A_1260 = tpu.memref_slice %arg10[%dma_wait3A_1258, %dma_wait3A_1259] : memref<64x136xf32, #tpu.memory_space<vmem>> -> memref<8x128xf32, #tpu.memory_space<vmem>>
        %dma_wait3A_1261 = arith.constant 0 : i32
        %dma_wait3A_1262 = arith.constant 0 : i32
        %dma_wait3A_1263 = tpu.memref_slice %arg4[%dma_wait3A_1256, %dma_wait3A_1257, %dma_wait3A_1261, %dma_wait3A_1262] : memref<400x128x8x128xf32, #tpu.memory_space<hbm>> -> memref<1x1x8x128xf32, #tpu.memory_space<hbm>>
        %dma_wait3A_1264 = tpu.memref_squeeze %dma_wait3A_1263 : memref<1x1x8x128xf32, #tpu.memory_space<hbm>> -> memref<8x128xf32, #tpu.memory_space<hbm>>
        %dma_wait3A_1265 = arith.constant 0 : i32
        %dma_wait3A_1266 = arith.constant 0 : i32
        %dma_wait3A_1267 = tpu.memref_slice %arg4[%dma_wait3A_1256, %dma_wait3A_1257, %dma_wait3A_1265, %dma_wait3A_1266] : memref<400x128x8x128xf32, #tpu.memory_space<hbm>> -> memref<1x1x8x128xf32, #tpu.memory_space<hbm>>
        %dma_wait3A_1268 = tpu.memref_squeeze %dma_wait3A_1267 : memref<1x1x8x128xf32, #tpu.memory_space<hbm>> -> memref<8x128xf32, #tpu.memory_space<hbm>>
        %dma_wait3A_1269 = arith.constant 0 : i32
        %dma_wait3A_1270 = arith.constant 0 : i32
        %dma_wait3A_1271 = tpu.memref_slice %arg10[%dma_wait3A_1269, %dma_wait3A_1270] : memref<64x136xf32, #tpu.memory_space<vmem>> -> memref<8x128xf32, #tpu.memory_space<vmem>>
        tpu.wait_dma2 semaphore(%arg13 : memref<!tpu.dma_semaphore, #tpu.memory_space<semaphore_mem>>) src(%dma_wait3A_1271 : memref<8x128xf32, #tpu.memory_space<vmem>>) dst(%dma_wait3A_1268 : memref<8x128xf32, #tpu.memory_space<hbm>>)
        %dma_wait3A_1272 = arith.constant 0 : i32
        %dma_wait3A_1273 = arith.constant 0 : i32
        %dma_wait3A_1274 = arith.constant 0 : i32
        %dma_wait3A_1275 = arith.constant 0 : i32
        %dma_wait3A_1276 = tpu.memref_slice %arg10[%dma_wait3A_1274, %dma_wait3A_1275] : memref<64x136xf32, #tpu.memory_space<vmem>> -> memref<8x128xf32, #tpu.memory_space<vmem>>
        %dma_wait3A_1277 = arith.constant 0 : i32
        %dma_wait3A_1278 = arith.constant 0 : i32
        %dma_wait3A_1279 = tpu.memref_slice %arg4[%dma_wait3A_1272, %dma_wait3A_1273, %dma_wait3A_1277, %dma_wait3A_1278] : memref<400x128x8x128xf32, #tpu.memory_space<hbm>> -> memref<1x1x8x128xf32, #tpu.memory_space<hbm>>
        %dma_wait3A_1280 = tpu.memref_squeeze %dma_wait3A_1279 : memref<1x1x8x128xf32, #tpu.memory_space<hbm>> -> memref<8x128xf32, #tpu.memory_space<hbm>>
        %dma_wait3A_1281 = arith.constant 0 : i32
        %dma_wait3A_1282 = arith.constant 0 : i32
        %dma_wait3A_1283 = tpu.memref_slice %arg4[%dma_wait3A_1272, %dma_wait3A_1273, %dma_wait3A_1281, %dma_wait3A_1282] : memref<400x128x8x128xf32, #tpu.memory_space<hbm>> -> memref<1x1x8x128xf32, #tpu.memory_space<hbm>>
        %dma_wait3A_1284 = tpu.memref_squeeze %dma_wait3A_1283 : memref<1x1x8x128xf32, #tpu.memory_space<hbm>> -> memref<8x128xf32, #tpu.memory_space<hbm>>
        %dma_wait3A_1285 = arith.constant 0 : i32
        %dma_wait3A_1286 = arith.constant 0 : i32
        %dma_wait3A_1287 = tpu.memref_slice %arg10[%dma_wait3A_1285, %dma_wait3A_1286] : memref<64x136xf32, #tpu.memory_space<vmem>> -> memref<8x128xf32, #tpu.memory_space<vmem>>
        tpu.wait_dma2 semaphore(%arg13 : memref<!tpu.dma_semaphore, #tpu.memory_space<semaphore_mem>>) src(%dma_wait3A_1287 : memref<8x128xf32, #tpu.memory_space<vmem>>) dst(%dma_wait3A_1284 : memref<8x128xf32, #tpu.memory_space<hbm>>)
        %dma_wait3A_1288 = arith.constant 0 : i32
        %dma_wait3A_1289 = arith.constant 0 : i32
        %dma_wait3A_1290 = arith.constant 0 : i32
        %dma_wait3A_1291 = arith.constant 0 : i32
        %dma_wait3A_1292 = tpu.memref_slice %arg10[%dma_wait3A_1290, %dma_wait3A_1291] : memref<64x136xf32, #tpu.memory_space<vmem>> -> memref<8x128xf32, #tpu.memory_space<vmem>>
        %dma_wait3A_1293 = arith.constant 0 : i32
        %dma_wait3A_1294 = arith.constant 0 : i32
        %dma_wait3A_1295 = tpu.memref_slice %arg4[%dma_wait3A_1288, %dma_wait3A_1289, %dma_wait3A_1293, %dma_wait3A_1294] : memref<400x128x8x128xf32, #tpu.memory_space<hbm>> -> memref<1x1x8x128xf32, #tpu.memory_space<hbm>>
        %dma_wait3A_1296 = tpu.memref_squeeze %dma_wait3A_1295 : memref<1x1x8x128xf32, #tpu.memory_space<hbm>> -> memref<8x128xf32, #tpu.memory_space<hbm>>
        %dma_wait3A_1297 = arith.constant 0 : i32
        %dma_wait3A_1298 = arith.constant 0 : i32
        %dma_wait3A_1299 = tpu.memref_slice %arg4[%dma_wait3A_1288, %dma_wait3A_1289, %dma_wait3A_1297, %dma_wait3A_1298] : memref<400x128x8x128xf32, #tpu.memory_space<hbm>> -> memref<1x1x8x128xf32, #tpu.memory_space<hbm>>
        %dma_wait3A_1300 = tpu.memref_squeeze %dma_wait3A_1299 : memref<1x1x8x128xf32, #tpu.memory_space<hbm>> -> memref<8x128xf32, #tpu.memory_space<hbm>>
        %dma_wait3A_1301 = arith.constant 0 : i32
        %dma_wait3A_1302 = arith.constant 0 : i32
        %dma_wait3A_1303 = tpu.memref_slice %arg10[%dma_wait3A_1301, %dma_wait3A_1302] : memref<64x136xf32, #tpu.memory_space<vmem>> -> memref<8x128xf32, #tpu.memory_space<vmem>>
        tpu.wait_dma2 semaphore(%arg13 : memref<!tpu.dma_semaphore, #tpu.memory_space<semaphore_mem>>) src(%dma_wait3A_1303 : memref<8x128xf32, #tpu.memory_space<vmem>>) dst(%dma_wait3A_1300 : memref<8x128xf32, #tpu.memory_space<hbm>>)
        %dma_wait3A_1304 = arith.constant 0 : i32
        %dma_wait3A_1305 = arith.constant 0 : i32
        %dma_wait3A_1306 = arith.constant 0 : i32
        %dma_wait3A_1307 = arith.constant 0 : i32
        %dma_wait3A_1308 = tpu.memref_slice %arg10[%dma_wait3A_1306, %dma_wait3A_1307] : memref<64x136xf32, #tpu.memory_space<vmem>> -> memref<8x128xf32, #tpu.memory_space<vmem>>
        %dma_wait3A_1309 = arith.constant 0 : i32
        %dma_wait3A_1310 = arith.constant 0 : i32
        %dma_wait3A_1311 = tpu.memref_slice %arg4[%dma_wait3A_1304, %dma_wait3A_1305, %dma_wait3A_1309, %dma_wait3A_1310] : memref<400x128x8x128xf32, #tpu.memory_space<hbm>> -> memref<1x1x8x128xf32, #tpu.memory_space<hbm>>
        %dma_wait3A_1312 = tpu.memref_squeeze %dma_wait3A_1311 : memref<1x1x8x128xf32, #tpu.memory_space<hbm>> -> memref<8x128xf32, #tpu.memory_space<hbm>>
        %dma_wait3A_1313 = arith.constant 0 : i32
        %dma_wait3A_1314 = arith.constant 0 : i32
        %dma_wait3A_1315 = tpu.memref_slice %arg4[%dma_wait3A_1304, %dma_wait3A_1305, %dma_wait3A_1313, %dma_wait3A_1314] : memref<400x128x8x128xf32, #tpu.memory_space<hbm>> -> memref<1x1x8x128xf32, #tpu.memory_space<hbm>>
        %dma_wait3A_1316 = tpu.memref_squeeze %dma_wait3A_1315 : memref<1x1x8x128xf32, #tpu.memory_space<hbm>> -> memref<8x128xf32, #tpu.memory_space<hbm>>
        %dma_wait3A_1317 = arith.constant 0 : i32
        %dma_wait3A_1318 = arith.constant 0 : i32
        %dma_wait3A_1319 = tpu.memref_slice %arg10[%dma_wait3A_1317, %dma_wait3A_1318] : memref<64x136xf32, #tpu.memory_space<vmem>> -> memref<8x128xf32, #tpu.memory_space<vmem>>
        tpu.wait_dma2 semaphore(%arg13 : memref<!tpu.dma_semaphore, #tpu.memory_space<semaphore_mem>>) src(%dma_wait3A_1319 : memref<8x128xf32, #tpu.memory_space<vmem>>) dst(%dma_wait3A_1316 : memref<8x128xf32, #tpu.memory_space<hbm>>)
        %dma_wait3A_1320 = arith.constant 0 : i32
        %dma_wait3A_1321 = arith.constant 0 : i32
        %dma_wait3A_1322 = arith.constant 0 : i32
        %dma_wait3A_1323 = arith.constant 0 : i32
        %dma_wait3A_1324 = tpu.memref_slice %arg10[%dma_wait3A_1322, %dma_wait3A_1323] : memref<64x136xf32, #tpu.memory_space<vmem>> -> memref<8x128xf32, #tpu.memory_space<vmem>>
        %dma_wait3A_1325 = arith.constant 0 : i32
        %dma_wait3A_1326 = arith.constant 0 : i32
        %dma_wait3A_1327 = tpu.memref_slice %arg4[%dma_wait3A_1320, %dma_wait3A_1321, %dma_wait3A_1325, %dma_wait3A_1326] : memref<400x128x8x128xf32, #tpu.memory_space<hbm>> -> memref<1x1x8x128xf32, #tpu.memory_space<hbm>>
        %dma_wait3A_1328 = tpu.memref_squeeze %dma_wait3A_1327 : memref<1x1x8x128xf32, #tpu.memory_space<hbm>> -> memref<8x128xf32, #tpu.memory_space<hbm>>
        %dma_wait3A_1329 = arith.constant 0 : i32
        %dma_wait3A_1330 = arith.constant 0 : i32
        %dma_wait3A_1331 = tpu.memref_slice %arg4[%dma_wait3A_1320, %dma_wait3A_1321, %dma_wait3A_1329, %dma_wait3A_1330] : memref<400x128x8x128xf32, #tpu.memory_space<hbm>> -> memref<1x1x8x128xf32, #tpu.memory_space<hbm>>
        %dma_wait3A_1332 = tpu.memref_squeeze %dma_wait3A_1331 : memref<1x1x8x128xf32, #tpu.memory_space<hbm>> -> memref<8x128xf32, #tpu.memory_space<hbm>>
        %dma_wait3A_1333 = arith.constant 0 : i32
        %dma_wait3A_1334 = arith.constant 0 : i32
        %dma_wait3A_1335 = tpu.memref_slice %arg10[%dma_wait3A_1333, %dma_wait3A_1334] : memref<64x136xf32, #tpu.memory_space<vmem>> -> memref<8x128xf32, #tpu.memory_space<vmem>>
        tpu.wait_dma2 semaphore(%arg13 : memref<!tpu.dma_semaphore, #tpu.memory_space<semaphore_mem>>) src(%dma_wait3A_1335 : memref<8x128xf32, #tpu.memory_space<vmem>>) dst(%dma_wait3A_1332 : memref<8x128xf32, #tpu.memory_space<hbm>>)
      } else {
      }
      %scan3A_374 = arith.constant 0 : i32
      %scan3A_375 = arith.constant 0 : i32
      %scan3A_376 = arith.constant 16 : i32
      %scan3A_377 = arith.addi %scan3A_375, %scan3A_376 : i32
      %scan3A_378 = arith.constant 1 : i32
      scf.for %scan3A_1208 = %scan3A_375 to %scan3A_377 step %scan3A_378  : i32 {
        %mul3A_1209 = arith.constant 8 : i32
        %mul3A_1210 = arith.muli %scan3A_1208, %mul3A_1209 : i32
        %add3A_1211 = arith.constant 0 : i32
        %add3A_1212 = arith.addi %mul3A_1210, %add3A_1211 : i32
        %broadcast_in_dim3A = arith.constant 0 : i32
        %broadcast_in_dim3A_1213 = vector.broadcast %broadcast_in_dim3A : i32 to vector<16xi32>
        %add3A_1214 = vector.broadcast %add3A_1212 : i32 to vector<16xi32>
        %add3A_1215 = arith.addi %broadcast_in_dim3A_1213, %add3A_1214 : vector<16xi32>
        %get3A = arith.index_cast %add3A_1212 : i32 to index
        %get3A_1216 = arith.constant 0 : index
        %get3A_1217 = tpu.vector_load %arg6[%get3A, %get3A_1216] {strides = array<i32>} : memref<128x64xf32, #tpu.memory_space<vmem>>, vector<16xf32>,
        %get3A_1218 = arith.index_cast %add3A_1212 : i32 to index
        %get3A_1219 = arith.constant 16 : index
        %get3A_1220 = tpu.vector_load %arg6[%get3A_1218, %get3A_1219] {strides = array<i32>} : memref<128x64xf32, #tpu.memory_space<vmem>>, vector<16xf32>,
        %get3A_1221 = arith.index_cast %add3A_1212 : i32 to index
        %get3A_1222 = arith.constant 32 : index
        %get3A_1223 = tpu.vector_load %arg6[%get3A_1221, %get3A_1222] {strides = array<i32>} : memref<128x64xf32, #tpu.memory_space<vmem>>, vector<16xf32>,
        %get3A_1224 = arith.index_cast %add3A_1212 : i32 to index
        %get3A_1225 = arith.constant 48 : index
        %get3A_1226 = tpu.vector_load %arg6[%get3A_1224, %get3A_1225] {strides = array<i32>} : memref<128x64xf32, #tpu.memory_space<vmem>>, vector<16xf32>,
        tpu.vector_store_idx %arg10[%add3A_5, %add3A_1215], %get3A_1217 : memref<64x136xf32, #tpu.memory_space<vmem>>[vector<16xi32>, vector<16xi32>], vector<16xf32>,
        tpu.vector_store_idx %arg10[%add3A_8, %add3A_1215], %get3A_1220 : memref<64x136xf32, #tpu.memory_space<vmem>>[vector<16xi32>, vector<16xi32>], vector<16xf32>,
        tpu.vector_store_idx %arg10[%add3A_11, %add3A_1215], %get3A_1223 : memref<64x136xf32, #tpu.memory_space<vmem>>[vector<16xi32>, vector<16xi32>], vector<16xf32>,
        tpu.vector_store_idx %arg10[%add3A_14, %add3A_1215], %get3A_1226 : memref<64x136xf32, #tpu.memory_space<vmem>>[vector<16xi32>, vector<16xi32>], vector<16xf32>,
        %mul3A_1227 = arith.constant 8 : i32
        %mul3A_1228 = arith.muli %scan3A_1208, %mul3A_1227 : i32
        %add3A_1229 = arith.constant 1 : i32
        %add3A_1230 = arith.addi %mul3A_1228, %add3A_1229 : i32
        %broadcast_in_dim3A_1231 = arith.constant 0 : i32
        %broadcast_in_dim3A_1232 = vector.broadcast %broadcast_in_dim3A_1231 : i32 to vector<16xi32>
        %add3A_1233 = vector.broadcast %add3A_1230 : i32 to vector<16xi32>
        %add3A_1234 = arith.addi %broadcast_in_dim3A_1232, %add3A_1233 : vector<16xi32>
        %get3A_1235 = arith.index_cast %add3A_1230 : i32 to index
        %get3A_1236 = arith.constant 0 : index
        %get3A_1237 = tpu.vector_load %arg6[%get3A_1235, %get3A_1236] {strides = array<i32>} : memref<128x64xf32, #tpu.memory_space<vmem>>, vector<16xf32>,
        %get3A_1238 = arith.index_cast %add3A_1230 : i32 to index
        %get3A_1239 = arith.constant 16 : index
        %get3A_1240 = tpu.vector_load %arg6[%get3A_1238, %get3A_1239] {strides = array<i32>} : memref<128x64xf32, #tpu.memory_space<vmem>>, vector<16xf32>,
        %get3A_1241 = arith.index_cast %add3A_1230 : i32 to index
        %get3A_1242 = arith.constant 32 : index
        %get3A_1243 = tpu.vector_load %arg6[%get3A_1241, %get3A_1242] {strides = array<i32>} : memref<128x64xf32, #tpu.memory_space<vmem>>, vector<16xf32>,
        %get3A_1244 = arith.index_cast %add3A_1230 : i32 to index
        %get3A_1245 = arith.constant 48 : index
        %get3A_1246 = tpu.vector_load %arg6[%get3A_1244, %get3A_1245] {strides = array<i32>} : memref<128x64xf32, #tpu.memory_space<vmem>>, vector<16xf32>,
        tpu.vector_store_idx %arg10[%add3A_5, %add3A_1234], %get3A_1237 : memref<64x136xf32, #tpu.memory_space<vmem>>[vector<16xi32>, vector<16xi32>], vector<16xf32>,
        tpu.vector_store_idx %arg10[%add3A_8, %add3A_1234], %get3A_1240 : memref<64x136xf32, #tpu.memory_space<vmem>>[vector<16xi32>, vector<16xi32>], vector<16xf32>,
        tpu.vector_store_idx %arg10[%add3A_11, %add3A_1234], %get3A_1243 : memref<64x136xf32, #tpu.memory_space<vmem>>[vector<16xi32>, vector<16xi32>], vector<16xf32>,
        tpu.vector_store_idx %arg10[%add3A_14, %add3A_1234], %get3A_1246 : memref<64x136xf32, #tpu.memory_space<vmem>>[vector<16xi32>, vector<16xi32>], vector<16xf32>,
        %mul3A_1247 = arith.constant 8 : i32
        %mul3A_1248 = arith.muli %scan3A_1208, %mul3A_1247 : i32
        %add3A_1249 = arith.constant 2 : i32
        %add3A_1250 = arith.addi %mul3A_1248, %add3A_1249 : i32
        %broadcast_in_dim3A_1251 = arith.constant 0 : i32
        %broadcast_in_dim3A_1252 = vector.broadcast %broadcast_in_dim3A_1251 : i32 to vector<16xi32>
        %add3A_1253 = vector.broadcast %add3A_1250 : i32 to vector<16xi32>
        %add3A_1254 = arith.addi %broadcast_in_dim3A_1252, %add3A_1253 : vector<16xi32>
        %get3A_1255 = arith.index_cast %add3A_1250 : i32 to index
        %get3A_1256 = arith.constant 0 : index
        %get3A_1257 = tpu.vector_load %arg6[%get3A_1255, %get3A_1256] {strides = array<i32>} : memref<128x64xf32, #tpu.memory_space<vmem>>, vector<16xf32>,
        %get3A_1258 = arith.index_cast %add3A_1250 : i32 to index
        %get3A_1259 = arith.constant 16 : index
        %get3A_1260 = tpu.vector_load %arg6[%get3A_1258, %get3A_1259] {strides = array<i32>} : memref<128x64xf32, #tpu.memory_space<vmem>>, vector<16xf32>,
        %get3A_1261 = arith.index_cast %add3A_1250 : i32 to index
        %get3A_1262 = arith.constant 32 : index
        %get3A_1263 = tpu.vector_load %arg6[%get3A_1261, %get3A_1262] {strides = array<i32>} : memref<128x64xf32, #tpu.memory_space<vmem>>, vector<16xf32>,
        %get3A_1264 = arith.index_cast %add3A_1250 : i32 to index
        %get3A_1265 = arith.constant 48 : index
        %get3A_1266 = tpu.vector_load %arg6[%get3A_1264, %get3A_1265] {strides = array<i32>} : memref<128x64xf32, #tpu.memory_space<vmem>>, vector<16xf32>,
        tpu.vector_store_idx %arg10[%add3A_5, %add3A_1254], %get3A_1257 : memref<64x136xf32, #tpu.memory_space<vmem>>[vector<16xi32>, vector<16xi32>], vector<16xf32>,
        tpu.vector_store_idx %arg10[%add3A_8, %add3A_1254], %get3A_1260 : memref<64x136xf32, #tpu.memory_space<vmem>>[vector<16xi32>, vector<16xi32>], vector<16xf32>,
        tpu.vector_store_idx %arg10[%add3A_11, %add3A_1254], %get3A_1263 : memref<64x136xf32, #tpu.memory_space<vmem>>[vector<16xi32>, vector<16xi32>], vector<16xf32>,
        tpu.vector_store_idx %arg10[%add3A_14, %add3A_1254], %get3A_1266 : memref<64x136xf32, #tpu.memory_space<vmem>>[vector<16xi32>, vector<16xi32>], vector<16xf32>,
        %mul3A_1267 = arith.constant 8 : i32
        %mul3A_1268 = arith.muli %scan3A_1208, %mul3A_1267 : i32
        %add3A_1269 = arith.constant 3 : i32
        %add3A_1270 = arith.addi %mul3A_1268, %add3A_1269 : i32
        %broadcast_in_dim3A_1271 = arith.constant 0 : i32
        %broadcast_in_dim3A_1272 = vector.broadcast %broadcast_in_dim3A_1271 : i32 to vector<16xi32>
        %add3A_1273 = vector.broadcast %add3A_1270 : i32 to vector<16xi32>
        %add3A_1274 = arith.addi %broadcast_in_dim3A_1272, %add3A_1273 : vector<16xi32>
        %get3A_1275 = arith.index_cast %add3A_1270 : i32 to index
        %get3A_1276 = arith.constant 0 : index
        %get3A_1277 = tpu.vector_load %arg6[%get3A_1275, %get3A_1276] {strides = array<i32>} : memref<128x64xf32, #tpu.memory_space<vmem>>, vector<16xf32>,
        %get3A_1278 = arith.index_cast %add3A_1270 : i32 to index
        %get3A_1279 = arith.constant 16 : index
        %get3A_1280 = tpu.vector_load %arg6[%get3A_1278, %get3A_1279] {strides = array<i32>} : memref<128x64xf32, #tpu.memory_space<vmem>>, vector<16xf32>,
        %get3A_1281 = arith.index_cast %add3A_1270 : i32 to index
        %get3A_1282 = arith.constant 32 : index
        %get3A_1283 = tpu.vector_load %arg6[%get3A_1281, %get3A_1282] {strides = array<i32>} : memref<128x64xf32, #tpu.memory_space<vmem>>, vector<16xf32>,
        %get3A_1284 = arith.index_cast %add3A_1270 : i32 to index
        %get3A_1285 = arith.constant 48 : index
        %get3A_1286 = tpu.vector_load %arg6[%get3A_1284, %get3A_1285] {strides = array<i32>} : memref<128x64xf32, #tpu.memory_space<vmem>>, vector<16xf32>,
        tpu.vector_store_idx %arg10[%add3A_5, %add3A_1274], %get3A_1277 : memref<64x136xf32, #tpu.memory_space<vmem>>[vector<16xi32>, vector<16xi32>], vector<16xf32>,
        tpu.vector_store_idx %arg10[%add3A_8, %add3A_1274], %get3A_1280 : memref<64x136xf32, #tpu.memory_space<vmem>>[vector<16xi32>, vector<16xi32>], vector<16xf32>,
        tpu.vector_store_idx %arg10[%add3A_11, %add3A_1274], %get3A_1283 : memref<64x136xf32, #tpu.memory_space<vmem>>[vector<16xi32>, vector<16xi32>], vector<16xf32>,
        tpu.vector_store_idx %arg10[%add3A_14, %add3A_1274], %get3A_1286 : memref<64x136xf32, #tpu.memory_space<vmem>>[vector<16xi32>, vector<16xi32>], vector<16xf32>,
        %mul3A_1287 = arith.constant 8 : i32
        %mul3A_1288 = arith.muli %scan3A_1208, %mul3A_1287 : i32
        %add3A_1289 = arith.constant 4 : i32
        %add3A_1290 = arith.addi %mul3A_1288, %add3A_1289 : i32
        %broadcast_in_dim3A_1291 = arith.constant 0 : i32
        %broadcast_in_dim3A_1292 = vector.broadcast %broadcast_in_dim3A_1291 : i32 to vector<16xi32>
        %add3A_1293 = vector.broadcast %add3A_1290 : i32 to vector<16xi32>
        %add3A_1294 = arith.addi %broadcast_in_dim3A_1292, %add3A_1293 : vector<16xi32>
        %get3A_1295 = arith.index_cast %add3A_1290 : i32 to index
        %get3A_1296 = arith.constant 0 : index
        %get3A_1297 = tpu.vector_load %arg6[%get3A_1295, %get3A_1296] {strides = array<i32>} : memref<128x64xf32, #tpu.memory_space<vmem>>, vector<16xf32>,
        %get3A_1298 = arith.index_cast %add3A_1290 : i32 to index
        %get3A_1299 = arith.constant 16 : index
        %get3A_1300 = tpu.vector_load %arg6[%get3A_1298, %get3A_1299] {strides = array<i32>} : memref<128x64xf32, #tpu.memory_space<vmem>>, vector<16xf32>,
        %get3A_1301 = arith.index_cast %add3A_1290 : i32 to index
        %get3A_1302 = arith.constant 32 : index
        %get3A_1303 = tpu.vector_load %arg6[%get3A_1301, %get3A_1302] {strides = array<i32>} : memref<128x64xf32, #tpu.memory_space<vmem>>, vector<16xf32>,
        %get3A_1304 = arith.index_cast %add3A_1290 : i32 to index
        %get3A_1305 = arith.constant 48 : index
        %get3A_1306 = tpu.vector_load %arg6[%get3A_1304, %get3A_1305] {strides = array<i32>} : memref<128x64xf32, #tpu.memory_space<vmem>>, vector<16xf32>,
        tpu.vector_store_idx %arg10[%add3A_5, %add3A_1294], %get3A_1297 : memref<64x136xf32, #tpu.memory_space<vmem>>[vector<16xi32>, vector<16xi32>], vector<16xf32>,
        tpu.vector_store_idx %arg10[%add3A_8, %add3A_1294], %get3A_1300 : memref<64x136xf32, #tpu.memory_space<vmem>>[vector<16xi32>, vector<16xi32>], vector<16xf32>,
        tpu.vector_store_idx %arg10[%add3A_11, %add3A_1294], %get3A_1303 : memref<64x136xf32, #tpu.memory_space<vmem>>[vector<16xi32>, vector<16xi32>], vector<16xf32>,
        tpu.vector_store_idx %arg10[%add3A_14, %add3A_1294], %get3A_1306 : memref<64x136xf32, #tpu.memory_space<vmem>>[vector<16xi32>, vector<16xi32>], vector<16xf32>,
        %mul3A_1307 = arith.constant 8 : i32
        %mul3A_1308 = arith.muli %scan3A_1208, %mul3A_1307 : i32
        %add3A_1309 = arith.constant 5 : i32
        %add3A_1310 = arith.addi %mul3A_1308, %add3A_1309 : i32
        %broadcast_in_dim3A_1311 = arith.constant 0 : i32
        %broadcast_in_dim3A_1312 = vector.broadcast %broadcast_in_dim3A_1311 : i32 to vector<16xi32>
        %add3A_1313 = vector.broadcast %add3A_1310 : i32 to vector<16xi32>
        %add3A_1314 = arith.addi %broadcast_in_dim3A_1312, %add3A_1313 : vector<16xi32>
        %get3A_1315 = arith.index_cast %add3A_1310 : i32 to index
        %get3A_1316 = arith.constant 0 : index
        %get3A_1317 = tpu.vector_load %arg6[%get3A_1315, %get3A_1316] {strides = array<i32>} : memref<128x64xf32, #tpu.memory_space<vmem>>, vector<16xf32>,
        %get3A_1318 = arith.index_cast %add3A_1310 : i32 to index
        %get3A_1319 = arith.constant 16 : index
        %get3A_1320 = tpu.vector_load %arg6[%get3A_1318, %get3A_1319] {strides = array<i32>} : memref<128x64xf32, #tpu.memory_space<vmem>>, vector<16xf32>,
        %get3A_1321 = arith.index_cast %add3A_1310 : i32 to index
        %get3A_1322 = arith.constant 32 : index
        %get3A_1323 = tpu.vector_load %arg6[%get3A_1321, %get3A_1322] {strides = array<i32>} : memref<128x64xf32, #tpu.memory_space<vmem>>, vector<16xf32>,
        %get3A_1324 = arith.index_cast %add3A_1310 : i32 to index
        %get3A_1325 = arith.constant 48 : index
        %get3A_1326 = tpu.vector_load %arg6[%get3A_1324, %get3A_1325] {strides = array<i32>} : memref<128x64xf32, #tpu.memory_space<vmem>>, vector<16xf32>,
        tpu.vector_store_idx %arg10[%add3A_5, %add3A_1314], %get3A_1317 : memref<64x136xf32, #tpu.memory_space<vmem>>[vector<16xi32>, vector<16xi32>], vector<16xf32>,
        tpu.vector_store_idx %arg10[%add3A_8, %add3A_1314], %get3A_1320 : memref<64x136xf32, #tpu.memory_space<vmem>>[vector<16xi32>, vector<16xi32>], vector<16xf32>,
        tpu.vector_store_idx %arg10[%add3A_11, %add3A_1314], %get3A_1323 : memref<64x136xf32, #tpu.memory_space<vmem>>[vector<16xi32>, vector<16xi32>], vector<16xf32>,
        tpu.vector_store_idx %arg10[%add3A_14, %add3A_1314], %get3A_1326 : memref<64x136xf32, #tpu.memory_space<vmem>>[vector<16xi32>, vector<16xi32>], vector<16xf32>,
        %mul3A_1327 = arith.constant 8 : i32
        %mul3A_1328 = arith.muli %scan3A_1208, %mul3A_1327 : i32
        %add3A_1329 = arith.constant 6 : i32
        %add3A_1330 = arith.addi %mul3A_1328, %add3A_1329 : i32
        %broadcast_in_dim3A_1331 = arith.constant 0 : i32
        %broadcast_in_dim3A_1332 = vector.broadcast %broadcast_in_dim3A_1331 : i32 to vector<16xi32>
        %add3A_1333 = vector.broadcast %add3A_1330 : i32 to vector<16xi32>
        %add3A_1334 = arith.addi %broadcast_in_dim3A_1332, %add3A_1333 : vector<16xi32>
        %get3A_1335 = arith.index_cast %add3A_1330 : i32 to index
        %get3A_1336 = arith.constant 0 : index
        %get3A_1337 = tpu.vector_load %arg6[%get3A_1335, %get3A_1336] {strides = array<i32>} : memref<128x64xf32, #tpu.memory_space<vmem>>, vector<16xf32>,
        %get3A_1338 = arith.index_cast %add3A_1330 : i32 to index
        %get3A_1339 = arith.constant 16 : index
        %get3A_1340 = tpu.vector_load %arg6[%get3A_1338, %get3A_1339] {strides = array<i32>} : memref<128x64xf32, #tpu.memory_space<vmem>>, vector<16xf32>,
        %get3A_1341 = arith.index_cast %add3A_1330 : i32 to index
        %get3A_1342 = arith.constant 32 : index
        %get3A_1343 = tpu.vector_load %arg6[%get3A_1341, %get3A_1342] {strides = array<i32>} : memref<128x64xf32, #tpu.memory_space<vmem>>, vector<16xf32>,
        %get3A_1344 = arith.index_cast %add3A_1330 : i32 to index
        %get3A_1345 = arith.constant 48 : index
        %get3A_1346 = tpu.vector_load %arg6[%get3A_1344, %get3A_1345] {strides = array<i32>} : memref<128x64xf32, #tpu.memory_space<vmem>>, vector<16xf32>,
        tpu.vector_store_idx %arg10[%add3A_5, %add3A_1334], %get3A_1337 : memref<64x136xf32, #tpu.memory_space<vmem>>[vector<16xi32>, vector<16xi32>], vector<16xf32>,
        tpu.vector_store_idx %arg10[%add3A_8, %add3A_1334], %get3A_1340 : memref<64x136xf32, #tpu.memory_space<vmem>>[vector<16xi32>, vector<16xi32>], vector<16xf32>,
        tpu.vector_store_idx %arg10[%add3A_11, %add3A_1334], %get3A_1343 : memref<64x136xf32, #tpu.memory_space<vmem>>[vector<16xi32>, vector<16xi32>], vector<16xf32>,
        tpu.vector_store_idx %arg10[%add3A_14, %add3A_1334], %get3A_1346 : memref<64x136xf32, #tpu.memory_space<vmem>>[vector<16xi32>, vector<16xi32>], vector<16xf32>,
        %mul3A_1347 = arith.constant 8 : i32
        %mul3A_1348 = arith.muli %scan3A_1208, %mul3A_1347 : i32
        %add3A_1349 = arith.constant 7 : i32
        %add3A_1350 = arith.addi %mul3A_1348, %add3A_1349 : i32
        %broadcast_in_dim3A_1351 = arith.constant 0 : i32
        %broadcast_in_dim3A_1352 = vector.broadcast %broadcast_in_dim3A_1351 : i32 to vector<16xi32>
        %add3A_1353 = vector.broadcast %add3A_1350 : i32 to vector<16xi32>
        %add3A_1354 = arith.addi %broadcast_in_dim3A_1352, %add3A_1353 : vector<16xi32>
        %get3A_1355 = arith.index_cast %add3A_1350 : i32 to index
        %get3A_1356 = arith.constant 0 : index
        %get3A_1357 = tpu.vector_load %arg6[%get3A_1355, %get3A_1356] {strides = array<i32>} : memref<128x64xf32, #tpu.memory_space<vmem>>, vector<16xf32>,
        %get3A_1358 = arith.index_cast %add3A_1350 : i32 to index
        %get3A_1359 = arith.constant 16 : index
        %get3A_1360 = tpu.vector_load %arg6[%get3A_1358, %get3A_1359] {strides = array<i32>} : memref<128x64xf32, #tpu.memory_space<vmem>>, vector<16xf32>,
        %get3A_1361 = arith.index_cast %add3A_1350 : i32 to index
        %get3A_1362 = arith.constant 32 : index
        %get3A_1363 = tpu.vector_load %arg6[%get3A_1361, %get3A_1362] {strides = array<i32>} : memref<128x64xf32, #tpu.memory_space<vmem>>, vector<16xf32>,
        %get3A_1364 = arith.index_cast %add3A_1350 : i32 to index
        %get3A_1365 = arith.constant 48 : index
        %get3A_1366 = tpu.vector_load %arg6[%get3A_1364, %get3A_1365] {strides = array<i32>} : memref<128x64xf32, #tpu.memory_space<vmem>>, vector<16xf32>,
        tpu.vector_store_idx %arg10[%add3A_5, %add3A_1354], %get3A_1357 : memref<64x136xf32, #tpu.memory_space<vmem>>[vector<16xi32>, vector<16xi32>], vector<16xf32>,
        tpu.vector_store_idx %arg10[%add3A_8, %add3A_1354], %get3A_1360 : memref<64x136xf32, #tpu.memory_space<vmem>>[vector<16xi32>, vector<16xi32>], vector<16xf32>,
        tpu.vector_store_idx %arg10[%add3A_11, %add3A_1354], %get3A_1363 : memref<64x136xf32, #tpu.memory_space<vmem>>[vector<16xi32>, vector<16xi32>], vector<16xf32>,
        tpu.vector_store_idx %arg10[%add3A_14, %add3A_1354], %get3A_1366 : memref<64x136xf32, #tpu.memory_space<vmem>>[vector<16xi32>, vector<16xi32>], vector<16xf32>,
      }
      %scan3A_379 = arith.constant 16 : i32
      %mul3A_380 = arith.constant 8 : i32
      %mul3A_381 = arith.muli %select_n3A, %mul3A_380 : i32
      %add3A_382 = arith.constant 0 : i32
      %add3A_383 = arith.addi %mul3A_381, %add3A_382 : i32
      %dma_start3A_384 = arith.constant 0 : i32
      %dma_start3A_385 = arith.constant 0 : i32
      %dma_start3A_386 = tpu.memref_slice %arg10[%dma_start3A_384, %dma_start3A_385] : memref<64x136xf32, #tpu.memory_space<vmem>> -> memref<8x128xf32, #tpu.memory_space<vmem>>
      %dma_start3A_387 = arith.constant 0 : i32
      %dma_start3A_388 = arith.constant 0 : i32
      %dma_start3A_389 = tpu.memref_slice %arg4[%add3A_383, %add3A_332, %dma_start3A_387, %dma_start3A_388] : memref<400x128x8x128xf32, #tpu.memory_space<hbm>> -> memref<1x1x8x128xf32, #tpu.memory_space<hbm>>
      %dma_start3A_390 = tpu.memref_squeeze %dma_start3A_389 : memref<1x1x8x128xf32, #tpu.memory_space<hbm>> -> memref<8x128xf32, #tpu.memory_space<hbm>>
      %dma_start3A_391 = arith.constant 0 : i32
      %dma_start3A_392 = arith.constant 0 : i32
      %dma_start3A_393 = tpu.memref_slice %arg4[%add3A_383, %add3A_332, %dma_start3A_391, %dma_start3A_392] : memref<400x128x8x128xf32, #tpu.memory_space<hbm>> -> memref<1x1x8x128xf32, #tpu.memory_space<hbm>>
      %dma_start3A_394 = tpu.memref_squeeze %dma_start3A_393 : memref<1x1x8x128xf32, #tpu.memory_space<hbm>> -> memref<8x128xf32, #tpu.memory_space<hbm>>
      %dma_start3A_395 = arith.constant 0 : i32
      %dma_start3A_396 = arith.constant 0 : i32
      %dma_start3A_397 = tpu.memref_slice %arg10[%dma_start3A_395, %dma_start3A_396] : memref<64x136xf32, #tpu.memory_space<vmem>> -> memref<8x128xf32, #tpu.memory_space<vmem>>
      tpu.enqueue_dma source(%dma_start3A_397 : memref<8x128xf32, #tpu.memory_space<vmem>>) target(%dma_start3A_394 : memref<8x128xf32, #tpu.memory_space<hbm>>) target_semaphore(%arg13 : memref<!tpu.dma_semaphore, #tpu.memory_space<semaphore_mem>>)
      %mul3A_398 = arith.constant 8 : i32
      %mul3A_399 = arith.muli %select_n3A, %mul3A_398 : i32
      %add3A_400 = arith.constant 1 : i32
      %add3A_401 = arith.addi %mul3A_399, %add3A_400 : i32
      %dma_start3A_402 = arith.constant 8 : i32
      %dma_start3A_403 = arith.constant 0 : i32
      %dma_start3A_404 = tpu.memref_slice %arg10[%dma_start3A_402, %dma_start3A_403] : memref<64x136xf32, #tpu.memory_space<vmem>> -> memref<8x128xf32, #tpu.memory_space<vmem>>
      %dma_start3A_405 = arith.constant 0 : i32
      %dma_start3A_406 = arith.constant 0 : i32
      %dma_start3A_407 = tpu.memref_slice %arg4[%add3A_401, %add3A_332, %dma_start3A_405, %dma_start3A_406] : memref<400x128x8x128xf32, #tpu.memory_space<hbm>> -> memref<1x1x8x128xf32, #tpu.memory_space<hbm>>
      %dma_start3A_408 = tpu.memref_squeeze %dma_start3A_407 : memref<1x1x8x128xf32, #tpu.memory_space<hbm>> -> memref<8x128xf32, #tpu.memory_space<hbm>>
      %dma_start3A_409 = arith.constant 0 : i32
      %dma_start3A_410 = arith.constant 0 : i32
      %dma_start3A_411 = tpu.memref_slice %arg4[%add3A_401, %add3A_332, %dma_start3A_409, %dma_start3A_410] : memref<400x128x8x128xf32, #tpu.memory_space<hbm>> -> memref<1x1x8x128xf32, #tpu.memory_space<hbm>>
      %dma_start3A_412 = tpu.memref_squeeze %dma_start3A_411 : memref<1x1x8x128xf32, #tpu.memory_space<hbm>> -> memref<8x128xf32, #tpu.memory_space<hbm>>
      %dma_start3A_413 = arith.constant 8 : i32
      %dma_start3A_414 = arith.constant 0 : i32
      %dma_start3A_415 = tpu.memref_slice %arg10[%dma_start3A_413, %dma_start3A_414] : memref<64x136xf32, #tpu.memory_space<vmem>> -> memref<8x128xf32, #tpu.memory_space<vmem>>
      tpu.enqueue_dma source(%dma_start3A_415 : memref<8x128xf32, #tpu.memory_space<vmem>>) target(%dma_start3A_412 : memref<8x128xf32, #tpu.memory_space<hbm>>) target_semaphore(%arg13 : memref<!tpu.dma_semaphore, #tpu.memory_space<semaphore_mem>>)
      %mul3A_416 = arith.constant 8 : i32
      %mul3A_417 = arith.muli %select_n3A, %mul3A_416 : i32
      %add3A_418 = arith.constant 2 : i32
      %add3A_419 = arith.addi %mul3A_417, %add3A_418 : i32
      %dma_start3A_420 = arith.constant 16 : i32
      %dma_start3A_421 = arith.constant 0 : i32
      %dma_start3A_422 = tpu.memref_slice %arg10[%dma_start3A_420, %dma_start3A_421] : memref<64x136xf32, #tpu.memory_space<vmem>> -> memref<8x128xf32, #tpu.memory_space<vmem>>
      %dma_start3A_423 = arith.constant 0 : i32
      %dma_start3A_424 = arith.constant 0 : i32
      %dma_start3A_425 = tpu.memref_slice %arg4[%add3A_419, %add3A_332, %dma_start3A_423, %dma_start3A_424] : memref<400x128x8x128xf32, #tpu.memory_space<hbm>> -> memref<1x1x8x128xf32, #tpu.memory_space<hbm>>
      %dma_start3A_426 = tpu.memref_squeeze %dma_start3A_425 : memref<1x1x8x128xf32, #tpu.memory_space<hbm>> -> memref<8x128xf32, #tpu.memory_space<hbm>>
      %dma_start3A_427 = arith.constant 0 : i32
      %dma_start3A_428 = arith.constant 0 : i32
      %dma_start3A_429 = tpu.memref_slice %arg4[%add3A_419, %add3A_332, %dma_start3A_427, %dma_start3A_428] : memref<400x128x8x128xf32, #tpu.memory_space<hbm>> -> memref<1x1x8x128xf32, #tpu.memory_space<hbm>>
      %dma_start3A_430 = tpu.memref_squeeze %dma_start3A_429 : memref<1x1x8x128xf32, #tpu.memory_space<hbm>> -> memref<8x128xf32, #tpu.memory_space<hbm>>
      %dma_start3A_431 = arith.constant 16 : i32
      %dma_start3A_432 = arith.constant 0 : i32
      %dma_start3A_433 = tpu.memref_slice %arg10[%dma_start3A_431, %dma_start3A_432] : memref<64x136xf32, #tpu.memory_space<vmem>> -> memref<8x128xf32, #tpu.memory_space<vmem>>
      tpu.enqueue_dma source(%dma_start3A_433 : memref<8x128xf32, #tpu.memory_space<vmem>>) target(%dma_start3A_430 : memref<8x128xf32, #tpu.memory_space<hbm>>) target_semaphore(%arg13 : memref<!tpu.dma_semaphore, #tpu.memory_space<semaphore_mem>>)
      %mul3A_434 = arith.constant 8 : i32
      %mul3A_435 = arith.muli %select_n3A, %mul3A_434 : i32
      %add3A_436 = arith.constant 3 : i32
      %add3A_437 = arith.addi %mul3A_435, %add3A_436 : i32
      %dma_start3A_438 = arith.constant 24 : i32
      %dma_start3A_439 = arith.constant 0 : i32
      %dma_start3A_440 = tpu.memref_slice %arg10[%dma_start3A_438, %dma_start3A_439] : memref<64x136xf32, #tpu.memory_space<vmem>> -> memref<8x128xf32, #tpu.memory_space<vmem>>
      %dma_start3A_441 = arith.constant 0 : i32
      %dma_start3A_442 = arith.constant 0 : i32
      %dma_start3A_443 = tpu.memref_slice %arg4[%add3A_437, %add3A_332, %dma_start3A_441, %dma_start3A_442] : memref<400x128x8x128xf32, #tpu.memory_space<hbm>> -> memref<1x1x8x128xf32, #tpu.memory_space<hbm>>
      %dma_start3A_444 = tpu.memref_squeeze %dma_start3A_443 : memref<1x1x8x128xf32, #tpu.memory_space<hbm>> -> memref<8x128xf32, #tpu.memory_space<hbm>>
      %dma_start3A_445 = arith.constant 0 : i32
      %dma_start3A_446 = arith.constant 0 : i32
      %dma_start3A_447 = tpu.memref_slice %arg4[%add3A_437, %add3A_332, %dma_start3A_445, %dma_start3A_446] : memref<400x128x8x128xf32, #tpu.memory_space<hbm>> -> memref<1x1x8x128xf32, #tpu.memory_space<hbm>>
      %dma_start3A_448 = tpu.memref_squeeze %dma_start3A_447 : memref<1x1x8x128xf32, #tpu.memory_space<hbm>> -> memref<8x128xf32, #tpu.memory_space<hbm>>
      %dma_start3A_449 = arith.constant 24 : i32
      %dma_start3A_450 = arith.constant 0 : i32
      %dma_start3A_451 = tpu.memref_slice %arg10[%dma_start3A_449, %dma_start3A_450] : memref<64x136xf32, #tpu.memory_space<vmem>> -> memref<8x128xf32, #tpu.memory_space<vmem>>
      tpu.enqueue_dma source(%dma_start3A_451 : memref<8x128xf32, #tpu.memory_space<vmem>>) target(%dma_start3A_448 : memref<8x128xf32, #tpu.memory_space<hbm>>) target_semaphore(%arg13 : memref<!tpu.dma_semaphore, #tpu.memory_space<semaphore_mem>>)
      %mul3A_452 = arith.constant 8 : i32
      %mul3A_453 = arith.muli %select_n3A, %mul3A_452 : i32
      %add3A_454 = arith.constant 4 : i32
      %add3A_455 = arith.addi %mul3A_453, %add3A_454 : i32
      %dma_start3A_456 = arith.constant 32 : i32
      %dma_start3A_457 = arith.constant 0 : i32
      %dma_start3A_458 = tpu.memref_slice %arg10[%dma_start3A_456, %dma_start3A_457] : memref<64x136xf32, #tpu.memory_space<vmem>> -> memref<8x128xf32, #tpu.memory_space<vmem>>
      %dma_start3A_459 = arith.constant 0 : i32
      %dma_start3A_460 = arith.constant 0 : i32
      %dma_start3A_461 = tpu.memref_slice %arg4[%add3A_455, %add3A_332, %dma_start3A_459, %dma_start3A_460] : memref<400x128x8x128xf32, #tpu.memory_space<hbm>> -> memref<1x1x8x128xf32, #tpu.memory_space<hbm>>
      %dma_start3A_462 = tpu.memref_squeeze %dma_start3A_461 : memref<1x1x8x128xf32, #tpu.memory_space<hbm>> -> memref<8x128xf32, #tpu.memory_space<hbm>>
      %dma_start3A_463 = arith.constant 0 : i32
      %dma_start3A_464 = arith.constant 0 : i32
      %dma_start3A_465 = tpu.memref_slice %arg4[%add3A_455, %add3A_332, %dma_start3A_463, %dma_start3A_464] : memref<400x128x8x128xf32, #tpu.memory_space<hbm>> -> memref<1x1x8x128xf32, #tpu.memory_space<hbm>>
      %dma_start3A_466 = tpu.memref_squeeze %dma_start3A_465 : memref<1x1x8x128xf32, #tpu.memory_space<hbm>> -> memref<8x128xf32, #tpu.memory_space<hbm>>
      %dma_start3A_467 = arith.constant 32 : i32
      %dma_start3A_468 = arith.constant 0 : i32
      %dma_start3A_469 = tpu.memref_slice %arg10[%dma_start3A_467, %dma_start3A_468] : memref<64x136xf32, #tpu.memory_space<vmem>> -> memref<8x128xf32, #tpu.memory_space<vmem>>
      tpu.enqueue_dma source(%dma_start3A_469 : memref<8x128xf32, #tpu.memory_space<vmem>>) target(%dma_start3A_466 : memref<8x128xf32, #tpu.memory_space<hbm>>) target_semaphore(%arg13 : memref<!tpu.dma_semaphore, #tpu.memory_space<semaphore_mem>>)
      %mul3A_470 = arith.constant 8 : i32
      %mul3A_471 = arith.muli %select_n3A, %mul3A_470 : i32
      %add3A_472 = arith.constant 5 : i32
      %add3A_473 = arith.addi %mul3A_471, %add3A_472 : i32
      %dma_start3A_474 = arith.constant 40 : i32
      %dma_start3A_475 = arith.constant 0 : i32
      %dma_start3A_476 = tpu.memref_slice %arg10[%dma_start3A_474, %dma_start3A_475] : memref<64x136xf32, #tpu.memory_space<vmem>> -> memref<8x128xf32, #tpu.memory_space<vmem>>
      %dma_start3A_477 = arith.constant 0 : i32
      %dma_start3A_478 = arith.constant 0 : i32
      %dma_start3A_479 = tpu.memref_slice %arg4[%add3A_473, %add3A_332, %dma_start3A_477, %dma_start3A_478] : memref<400x128x8x128xf32, #tpu.memory_space<hbm>> -> memref<1x1x8x128xf32, #tpu.memory_space<hbm>>
      %dma_start3A_480 = tpu.memref_squeeze %dma_start3A_479 : memref<1x1x8x128xf32, #tpu.memory_space<hbm>> -> memref<8x128xf32, #tpu.memory_space<hbm>>
      %dma_start3A_481 = arith.constant 0 : i32
      %dma_start3A_482 = arith.constant 0 : i32
      %dma_start3A_483 = tpu.memref_slice %arg4[%add3A_473, %add3A_332, %dma_start3A_481, %dma_start3A_482] : memref<400x128x8x128xf32, #tpu.memory_space<hbm>> -> memref<1x1x8x128xf32, #tpu.memory_space<hbm>>
      %dma_start3A_484 = tpu.memref_squeeze %dma_start3A_483 : memref<1x1x8x128xf32, #tpu.memory_space<hbm>> -> memref<8x128xf32, #tpu.memory_space<hbm>>
      %dma_start3A_485 = arith.constant 40 : i32
      %dma_start3A_486 = arith.constant 0 : i32
      %dma_start3A_487 = tpu.memref_slice %arg10[%dma_start3A_485, %dma_start3A_486] : memref<64x136xf32, #tpu.memory_space<vmem>> -> memref<8x128xf32, #tpu.memory_space<vmem>>
      tpu.enqueue_dma source(%dma_start3A_487 : memref<8x128xf32, #tpu.memory_space<vmem>>) target(%dma_start3A_484 : memref<8x128xf32, #tpu.memory_space<hbm>>) target_semaphore(%arg13 : memref<!tpu.dma_semaphore, #tpu.memory_space<semaphore_mem>>)
      %mul3A_488 = arith.constant 8 : i32
      %mul3A_489 = arith.muli %select_n3A, %mul3A_488 : i32
      %add3A_490 = arith.constant 6 : i32
      %add3A_491 = arith.addi %mul3A_489, %add3A_490 : i32
      %dma_start3A_492 = arith.constant 48 : i32
      %dma_start3A_493 = arith.constant 0 : i32
      %dma_start3A_494 = tpu.memref_slice %arg10[%dma_start3A_492, %dma_start3A_493] : memref<64x136xf32, #tpu.memory_space<vmem>> -> memref<8x128xf32, #tpu.memory_space<vmem>>
      %dma_start3A_495 = arith.constant 0 : i32
      %dma_start3A_496 = arith.constant 0 : i32
      %dma_start3A_497 = tpu.memref_slice %arg4[%add3A_491, %add3A_332, %dma_start3A_495, %dma_start3A_496] : memref<400x128x8x128xf32, #tpu.memory_space<hbm>> -> memref<1x1x8x128xf32, #tpu.memory_space<hbm>>
      %dma_start3A_498 = tpu.memref_squeeze %dma_start3A_497 : memref<1x1x8x128xf32, #tpu.memory_space<hbm>> -> memref<8x128xf32, #tpu.memory_space<hbm>>
      %dma_start3A_499 = arith.constant 0 : i32
      %dma_start3A_500 = arith.constant 0 : i32
      %dma_start3A_501 = tpu.memref_slice %arg4[%add3A_491, %add3A_332, %dma_start3A_499, %dma_start3A_500] : memref<400x128x8x128xf32, #tpu.memory_space<hbm>> -> memref<1x1x8x128xf32, #tpu.memory_space<hbm>>
      %dma_start3A_502 = tpu.memref_squeeze %dma_start3A_501 : memref<1x1x8x128xf32, #tpu.memory_space<hbm>> -> memref<8x128xf32, #tpu.memory_space<hbm>>
      %dma_start3A_503 = arith.constant 48 : i32
      %dma_start3A_504 = arith.constant 0 : i32
      %dma_start3A_505 = tpu.memref_slice %arg10[%dma_start3A_503, %dma_start3A_504] : memref<64x136xf32, #tpu.memory_space<vmem>> -> memref<8x128xf32, #tpu.memory_space<vmem>>
      tpu.enqueue_dma source(%dma_start3A_505 : memref<8x128xf32, #tpu.memory_space<vmem>>) target(%dma_start3A_502 : memref<8x128xf32, #tpu.memory_space<hbm>>) target_semaphore(%arg13 : memref<!tpu.dma_semaphore, #tpu.memory_space<semaphore_mem>>)
      %mul3A_506 = arith.constant 8 : i32
      %mul3A_507 = arith.muli %select_n3A, %mul3A_506 : i32
      %add3A_508 = arith.constant 7 : i32
      %add3A_509 = arith.addi %mul3A_507, %add3A_508 : i32
      %dma_start3A_510 = arith.constant 56 : i32
      %dma_start3A_511 = arith.constant 0 : i32
      %dma_start3A_512 = tpu.memref_slice %arg10[%dma_start3A_510, %dma_start3A_511] : memref<64x136xf32, #tpu.memory_space<vmem>> -> memref<8x128xf32, #tpu.memory_space<vmem>>
      %dma_start3A_513 = arith.constant 0 : i32
      %dma_start3A_514 = arith.constant 0 : i32
      %dma_start3A_515 = tpu.memref_slice %arg4[%add3A_509, %add3A_332, %dma_start3A_513, %dma_start3A_514] : memref<400x128x8x128xf32, #tpu.memory_space<hbm>> -> memref<1x1x8x128xf32, #tpu.memory_space<hbm>>
      %dma_start3A_516 = tpu.memref_squeeze %dma_start3A_515 : memref<1x1x8x128xf32, #tpu.memory_space<hbm>> -> memref<8x128xf32, #tpu.memory_space<hbm>>
      %dma_start3A_517 = arith.constant 0 : i32
      %dma_start3A_518 = arith.constant 0 : i32
      %dma_start3A_519 = tpu.memref_slice %arg4[%add3A_509, %add3A_332, %dma_start3A_517, %dma_start3A_518] : memref<400x128x8x128xf32, #tpu.memory_space<hbm>> -> memref<1x1x8x128xf32, #tpu.memory_space<hbm>>
      %dma_start3A_520 = tpu.memref_squeeze %dma_start3A_519 : memref<1x1x8x128xf32, #tpu.memory_space<hbm>> -> memref<8x128xf32, #tpu.memory_space<hbm>>
      %dma_start3A_521 = arith.constant 56 : i32
      %dma_start3A_522 = arith.constant 0 : i32
      %dma_start3A_523 = tpu.memref_slice %arg10[%dma_start3A_521, %dma_start3A_522] : memref<64x136xf32, #tpu.memory_space<vmem>> -> memref<8x128xf32, #tpu.memory_space<vmem>>
      tpu.enqueue_dma source(%dma_start3A_523 : memref<8x128xf32, #tpu.memory_space<vmem>>) target(%dma_start3A_520 : memref<8x128xf32, #tpu.memory_space<hbm>>) target_semaphore(%arg13 : memref<!tpu.dma_semaphore, #tpu.memory_space<semaphore_mem>>)
      %mul3A_524 = arith.constant 4 : i32
      %mul3A_525 = arith.muli %scan3A_306, %mul3A_524 : i32
      %add3A_526 = arith.constant 1 : i32
      %add3A_527 = arith.addi %mul3A_525, %add3A_526 : i32
      %jit3A_528 = arith.constant 4 : i32
      %div3A_529 = arith.divsi %add3A_527, %jit3A_528 : i32
      %sign3A_530 = arith.constant 0 : i32
      %sign3A_531 = arith.cmpi sgt, %add3A_527, %sign3A_530 : i32
      %sign3A_532 = arith.extui %sign3A_531 : i1 to i32
      %sign3A_533 = arith.constant 0 : i32
      %sign3A_534 = arith.cmpi slt, %add3A_527, %sign3A_533 : i32
      %sign3A_535 = arith.extui %sign3A_534 : i1 to i32
      %sign3A_536 = arith.subi %sign3A_532, %sign3A_535 : i32
      %sign3A_537 = arith.constant 0 : i32
      %sign3A_538 = arith.cmpi sgt, %jit3A_528, %sign3A_537 : i32
      %sign3A_539 = arith.extui %sign3A_538 : i1 to i32
      %sign3A_540 = arith.constant 0 : i32
      %sign3A_541 = arith.cmpi slt, %jit3A_528, %sign3A_540 : i32
      %sign3A_542 = arith.extui %sign3A_541 : i1 to i32
      %sign3A_543 = arith.subi %sign3A_539, %sign3A_542 : i32
      %ne3A_544 = arith.cmpi ne, %sign3A_536, %sign3A_543 : i32
      %rem3A_545 = arith.remsi %add3A_527, %jit3A_528 : i32
      %ne3A_546 = arith.constant 0 : i32
      %ne3A_547 = arith.cmpi ne, %rem3A_545, %ne3A_546 : i32
      %and3A_548 = arith.andi %ne3A_544, %ne3A_547 : i1
      %sub3A_549 = arith.constant 1 : i32
      %sub3A_550 = arith.subi %div3A_529, %sub3A_549 : i32
      %select_n3A_551 = arith.select %and3A_548, %sub3A_550, %div3A_529 : i32
      %rem3A_552 = arith.constant 4 : i32
      %rem3A_553 = arith.remsi %add3A_527, %rem3A_552 : i32
      %mul3A_554 = arith.constant 4 : i32
      %mul3A_555 = arith.muli %add3A, %mul3A_554 : i32
      %add3A_556 = arith.addi %mul3A_555, %rem3A_553 : i32
      %jit3A_557 = arith.constant 4 : i32
      %div3A_558 = arith.divsi %add3A_527, %jit3A_557 : i32
      %sign3A_559 = arith.constant 0 : i32
      %sign3A_560 = arith.cmpi sgt, %add3A_527, %sign3A_559 : i32
      %sign3A_561 = arith.extui %sign3A_560 : i1 to i32
      %sign3A_562 = arith.constant 0 : i32
      %sign3A_563 = arith.cmpi slt, %add3A_527, %sign3A_562 : i32
      %sign3A_564 = arith.extui %sign3A_563 : i1 to i32
      %sign3A_565 = arith.subi %sign3A_561, %sign3A_564 : i32
      %sign3A_566 = arith.constant 0 : i32
      %sign3A_567 = arith.cmpi sgt, %jit3A_557, %sign3A_566 : i32
      %sign3A_568 = arith.extui %sign3A_567 : i1 to i32
      %sign3A_569 = arith.constant 0 : i32
      %sign3A_570 = arith.cmpi slt, %jit3A_557, %sign3A_569 : i32
      %sign3A_571 = arith.extui %sign3A_570 : i1 to i32
      %sign3A_572 = arith.subi %sign3A_568, %sign3A_571 : i32
      %ne3A_573 = arith.cmpi ne, %sign3A_565, %sign3A_572 : i32
      %rem3A_574 = arith.remsi %add3A_527, %jit3A_557 : i32
      %ne3A_575 = arith.constant 0 : i32
      %ne3A_576 = arith.cmpi ne, %rem3A_574, %ne3A_575 : i32
      %and3A_577 = arith.andi %ne3A_573, %ne3A_576 : i1
      %sub3A_578 = arith.constant 1 : i32
      %sub3A_579 = arith.subi %div3A_558, %sub3A_578 : i32
      %select_n3A_580 = arith.select %and3A_577, %sub3A_579, %div3A_558 : i32
      %rem3A_581 = arith.constant 4 : i32
      %rem3A_582 = arith.remsi %add3A_527, %rem3A_581 : i32
      %mul3A_583 = arith.constant 128 : i32
      %mul3A_584 = arith.muli %rem3A_582, %mul3A_583 : i32
      %dma_wait3A_585 = tpu.memref_slice %arg5[%select_n3A_580, %mul3A_584] : memref<50x512xi32, #tpu.memory_space<vmem>> -> memref<1x128xi32, #tpu.memory_space<vmem>>
      %dma_wait3A_586 = tpu.memref_squeeze %dma_wait3A_585 : memref<1x128xi32, #tpu.memory_space<vmem>> -> memref<128xi32, #tpu.memory_space<vmem>>
      %dma_wait3A_587 = arith.constant 0 : i32
      %dma_wait3A_588 = arith.constant 0 : i32
      %dma_wait3A_589 = tpu.memref_slice %arg2[%dma_wait3A_587, %dma_wait3A_588] : memref<100000x64xf32, #tpu.memory_space<hbm>> -> memref<100000x64xf32, #tpu.memory_space<hbm>>
      tpu.wait_indirect_dma semaphore(%arg12 : memref<!tpu.dma_semaphore, #tpu.memory_space<semaphore_mem>>) src(%dma_wait3A_589 : memref<100000x64xf32, #tpu.memory_space<hbm>>) dst(%arg7 : memref<128x64xf32, #tpu.memory_space<vmem>>)
      %add3A_590 = arith.constant 3 : i32
      %add3A_591 = arith.addi %add3A_527, %add3A_590 : i32
      %lt3A_592 = arith.constant 200 : i32
      %lt3A_593 = arith.cmpi slt, %add3A_591, %lt3A_592 : i32
      %convert_element_type3A_594 = arith.extui %lt3A_593 : i1 to i32
      %cond3A_595 = arith.constant 0 : i32
      %cond3A_596 = arith.cmpi ne, %convert_element_type3A_594, %cond3A_595 : i32
      scf.if %cond3A_596 {
        %add3A_1208 = arith.constant 3 : i32
        %add3A_1209 = arith.addi %add3A_527, %add3A_1208 : i32
        %jit3A_1210 = arith.constant 4 : i32
        %div3A_1211 = arith.divsi %add3A_1209, %jit3A_1210 : i32
        %sign3A_1212 = arith.constant 0 : i32
        %sign3A_1213 = arith.cmpi sgt, %add3A_1209, %sign3A_1212 : i32
        %sign3A_1214 = arith.extui %sign3A_1213 : i1 to i32
        %sign3A_1215 = arith.constant 0 : i32
        %sign3A_1216 = arith.cmpi slt, %add3A_1209, %sign3A_1215 : i32
        %sign3A_1217 = arith.extui %sign3A_1216 : i1 to i32
        %sign3A_1218 = arith.subi %sign3A_1214, %sign3A_1217 : i32
        %sign3A_1219 = arith.constant 0 : i32
        %sign3A_1220 = arith.cmpi sgt, %jit3A_1210, %sign3A_1219 : i32
        %sign3A_1221 = arith.extui %sign3A_1220 : i1 to i32
        %sign3A_1222 = arith.constant 0 : i32
        %sign3A_1223 = arith.cmpi slt, %jit3A_1210, %sign3A_1222 : i32
        %sign3A_1224 = arith.extui %sign3A_1223 : i1 to i32
        %sign3A_1225 = arith.subi %sign3A_1221, %sign3A_1224 : i32
        %ne3A_1226 = arith.cmpi ne, %sign3A_1218, %sign3A_1225 : i32
        %rem3A_1227 = arith.remsi %add3A_1209, %jit3A_1210 : i32
        %ne3A_1228 = arith.constant 0 : i32
        %ne3A_1229 = arith.cmpi ne, %rem3A_1227, %ne3A_1228 : i32
        %and3A_1230 = arith.andi %ne3A_1226, %ne3A_1229 : i1
        %sub3A_1231 = arith.constant 1 : i32
        %sub3A_1232 = arith.subi %div3A_1211, %sub3A_1231 : i32
        %select_n3A_1233 = arith.select %and3A_1230, %sub3A_1232, %div3A_1211 : i32
        %rem3A_1234 = arith.constant 4 : i32
        %rem3A_1235 = arith.remsi %add3A_1209, %rem3A_1234 : i32
        %mul3A_1236 = arith.constant 128 : i32
        %mul3A_1237 = arith.muli %rem3A_1235, %mul3A_1236 : i32
        %dma_start3A_1238 = tpu.memref_slice %arg5[%select_n3A_1233, %mul3A_1237] : memref<50x512xi32, #tpu.memory_space<vmem>> -> memref<1x128xi32, #tpu.memory_space<vmem>>
        %dma_start3A_1239 = tpu.memref_squeeze %dma_start3A_1238 : memref<1x128xi32, #tpu.memory_space<vmem>> -> memref<128xi32, #tpu.memory_space<vmem>>
        %dma_start3A_1240 = arith.constant 0 : i32
        %dma_start3A_1241 = arith.constant 0 : i32
        %dma_start3A_1242 = tpu.memref_slice %arg2[%dma_start3A_1240, %dma_start3A_1241] : memref<100000x64xf32, #tpu.memory_space<hbm>> -> memref<100000x64xf32, #tpu.memory_space<hbm>>
        tpu.enqueue_indirect_dma source(%dma_start3A_1242 : memref<100000x64xf32, #tpu.memory_space<hbm>>) target(%arg6 : memref<128x64xf32, #tpu.memory_space<vmem>>) offsets(%dma_start3A_1239 : memref<128xi32, #tpu.memory_space<vmem>>) semaphore(%arg12 : memref<!tpu.dma_semaphore, #tpu.memory_space<semaphore_mem>>)
      } else {
      }
      %ge3A_597 = arith.constant 2 : i32
      %ge3A_598 = arith.cmpi sge, %add3A_527, %ge3A_597 : i32
      %convert_element_type3A_599 = arith.extui %ge3A_598 : i1 to i32
      %cond3A_600 = arith.constant 0 : i32
      %cond3A_601 = arith.cmpi ne, %convert_element_type3A_599, %cond3A_600 : i32
      scf.if %cond3A_601 {
        %dma_wait3A_1208 = arith.constant 0 : i32
        %dma_wait3A_1209 = arith.constant 0 : i32
        %dma_wait3A_1210 = arith.constant 0 : i32
        %dma_wait3A_1211 = arith.constant 0 : i32
        %dma_wait3A_1212 = tpu.memref_slice %arg11[%dma_wait3A_1210, %dma_wait3A_1211] : memref<64x136xf32, #tpu.memory_space<vmem>> -> memref<8x128xf32, #tpu.memory_space<vmem>>
        %dma_wait3A_1213 = arith.constant 0 : i32
        %dma_wait3A_1214 = arith.constant 0 : i32
        %dma_wait3A_1215 = tpu.memref_slice %arg4[%dma_wait3A_1208, %dma_wait3A_1209, %dma_wait3A_1213, %dma_wait3A_1214] : memref<400x128x8x128xf32, #tpu.memory_space<hbm>> -> memref<1x1x8x128xf32, #tpu.memory_space<hbm>>
        %dma_wait3A_1216 = tpu.memref_squeeze %dma_wait3A_1215 : memref<1x1x8x128xf32, #tpu.memory_space<hbm>> -> memref<8x128xf32, #tpu.memory_space<hbm>>
        %dma_wait3A_1217 = arith.constant 0 : i32
        %dma_wait3A_1218 = arith.constant 0 : i32
        %dma_wait3A_1219 = tpu.memref_slice %arg4[%dma_wait3A_1208, %dma_wait3A_1209, %dma_wait3A_1217, %dma_wait3A_1218] : memref<400x128x8x128xf32, #tpu.memory_space<hbm>> -> memref<1x1x8x128xf32, #tpu.memory_space<hbm>>
        %dma_wait3A_1220 = tpu.memref_squeeze %dma_wait3A_1219 : memref<1x1x8x128xf32, #tpu.memory_space<hbm>> -> memref<8x128xf32, #tpu.memory_space<hbm>>
        %dma_wait3A_1221 = arith.constant 0 : i32
        %dma_wait3A_1222 = arith.constant 0 : i32
        %dma_wait3A_1223 = tpu.memref_slice %arg11[%dma_wait3A_1221, %dma_wait3A_1222] : memref<64x136xf32, #tpu.memory_space<vmem>> -> memref<8x128xf32, #tpu.memory_space<vmem>>
        tpu.wait_dma2 semaphore(%arg13 : memref<!tpu.dma_semaphore, #tpu.memory_space<semaphore_mem>>) src(%dma_wait3A_1223 : memref<8x128xf32, #tpu.memory_space<vmem>>) dst(%dma_wait3A_1220 : memref<8x128xf32, #tpu.memory_space<hbm>>)
        %dma_wait3A_1224 = arith.constant 0 : i32
        %dma_wait3A_1225 = arith.constant 0 : i32
        %dma_wait3A_1226 = arith.constant 0 : i32
        %dma_wait3A_1227 = arith.constant 0 : i32
        %dma_wait3A_1228 = tpu.memref_slice %arg11[%dma_wait3A_1226, %dma_wait3A_1227] : memref<64x136xf32, #tpu.memory_space<vmem>> -> memref<8x128xf32, #tpu.memory_space<vmem>>
        %dma_wait3A_1229 = arith.constant 0 : i32
        %dma_wait3A_1230 = arith.constant 0 : i32
        %dma_wait3A_1231 = tpu.memref_slice %arg4[%dma_wait3A_1224, %dma_wait3A_1225, %dma_wait3A_1229, %dma_wait3A_1230] : memref<400x128x8x128xf32, #tpu.memory_space<hbm>> -> memref<1x1x8x128xf32, #tpu.memory_space<hbm>>
        %dma_wait3A_1232 = tpu.memref_squeeze %dma_wait3A_1231 : memref<1x1x8x128xf32, #tpu.memory_space<hbm>> -> memref<8x128xf32, #tpu.memory_space<hbm>>
        %dma_wait3A_1233 = arith.constant 0 : i32
        %dma_wait3A_1234 = arith.constant 0 : i32
        %dma_wait3A_1235 = tpu.memref_slice %arg4[%dma_wait3A_1224, %dma_wait3A_1225, %dma_wait3A_1233, %dma_wait3A_1234] : memref<400x128x8x128xf32, #tpu.memory_space<hbm>> -> memref<1x1x8x128xf32, #tpu.memory_space<hbm>>
        %dma_wait3A_1236 = tpu.memref_squeeze %dma_wait3A_1235 : memref<1x1x8x128xf32, #tpu.memory_space<hbm>> -> memref<8x128xf32, #tpu.memory_space<hbm>>
        %dma_wait3A_1237 = arith.constant 0 : i32
        %dma_wait3A_1238 = arith.constant 0 : i32
        %dma_wait3A_1239 = tpu.memref_slice %arg11[%dma_wait3A_1237, %dma_wait3A_1238] : memref<64x136xf32, #tpu.memory_space<vmem>> -> memref<8x128xf32, #tpu.memory_space<vmem>>
        tpu.wait_dma2 semaphore(%arg13 : memref<!tpu.dma_semaphore, #tpu.memory_space<semaphore_mem>>) src(%dma_wait3A_1239 : memref<8x128xf32, #tpu.memory_space<vmem>>) dst(%dma_wait3A_1236 : memref<8x128xf32, #tpu.memory_space<hbm>>)
        %dma_wait3A_1240 = arith.constant 0 : i32
        %dma_wait3A_1241 = arith.constant 0 : i32
        %dma_wait3A_1242 = arith.constant 0 : i32
        %dma_wait3A_1243 = arith.constant 0 : i32
        %dma_wait3A_1244 = tpu.memref_slice %arg11[%dma_wait3A_1242, %dma_wait3A_1243] : memref<64x136xf32, #tpu.memory_space<vmem>> -> memref<8x128xf32, #tpu.memory_space<vmem>>
        %dma_wait3A_1245 = arith.constant 0 : i32
        %dma_wait3A_1246 = arith.constant 0 : i32
        %dma_wait3A_1247 = tpu.memref_slice %arg4[%dma_wait3A_1240, %dma_wait3A_1241, %dma_wait3A_1245, %dma_wait3A_1246] : memref<400x128x8x128xf32, #tpu.memory_space<hbm>> -> memref<1x1x8x128xf32, #tpu.memory_space<hbm>>
        %dma_wait3A_1248 = tpu.memref_squeeze %dma_wait3A_1247 : memref<1x1x8x128xf32, #tpu.memory_space<hbm>> -> memref<8x128xf32, #tpu.memory_space<hbm>>
        %dma_wait3A_1249 = arith.constant 0 : i32
        %dma_wait3A_1250 = arith.constant 0 : i32
        %dma_wait3A_1251 = tpu.memref_slice %arg4[%dma_wait3A_1240, %dma_wait3A_1241, %dma_wait3A_1249, %dma_wait3A_1250] : memref<400x128x8x128xf32, #tpu.memory_space<hbm>> -> memref<1x1x8x128xf32, #tpu.memory_space<hbm>>
        %dma_wait3A_1252 = tpu.memref_squeeze %dma_wait3A_1251 : memref<1x1x8x128xf32, #tpu.memory_space<hbm>> -> memref<8x128xf32, #tpu.memory_space<hbm>>
        %dma_wait3A_1253 = arith.constant 0 : i32
        %dma_wait3A_1254 = arith.constant 0 : i32
        %dma_wait3A_1255 = tpu.memref_slice %arg11[%dma_wait3A_1253, %dma_wait3A_1254] : memref<64x136xf32, #tpu.memory_space<vmem>> -> memref<8x128xf32, #tpu.memory_space<vmem>>
        tpu.wait_dma2 semaphore(%arg13 : memref<!tpu.dma_semaphore, #tpu.memory_space<semaphore_mem>>) src(%dma_wait3A_1255 : memref<8x128xf32, #tpu.memory_space<vmem>>) dst(%dma_wait3A_1252 : memref<8x128xf32, #tpu.memory_space<hbm>>)
        %dma_wait3A_1256 = arith.constant 0 : i32
        %dma_wait3A_1257 = arith.constant 0 : i32
        %dma_wait3A_1258 = arith.constant 0 : i32
        %dma_wait3A_1259 = arith.constant 0 : i32
        %dma_wait3A_1260 = tpu.memref_slice %arg11[%dma_wait3A_1258, %dma_wait3A_1259] : memref<64x136xf32, #tpu.memory_space<vmem>> -> memref<8x128xf32, #tpu.memory_space<vmem>>
        %dma_wait3A_1261 = arith.constant 0 : i32
        %dma_wait3A_1262 = arith.constant 0 : i32
        %dma_wait3A_1263 = tpu.memref_slice %arg4[%dma_wait3A_1256, %dma_wait3A_1257, %dma_wait3A_1261, %dma_wait3A_1262] : memref<400x128x8x128xf32, #tpu.memory_space<hbm>> -> memref<1x1x8x128xf32, #tpu.memory_space<hbm>>
        %dma_wait3A_1264 = tpu.memref_squeeze %dma_wait3A_1263 : memref<1x1x8x128xf32, #tpu.memory_space<hbm>> -> memref<8x128xf32, #tpu.memory_space<hbm>>
        %dma_wait3A_1265 = arith.constant 0 : i32
        %dma_wait3A_1266 = arith.constant 0 : i32
        %dma_wait3A_1267 = tpu.memref_slice %arg4[%dma_wait3A_1256, %dma_wait3A_1257, %dma_wait3A_1265, %dma_wait3A_1266] : memref<400x128x8x128xf32, #tpu.memory_space<hbm>> -> memref<1x1x8x128xf32, #tpu.memory_space<hbm>>
        %dma_wait3A_1268 = tpu.memref_squeeze %dma_wait3A_1267 : memref<1x1x8x128xf32, #tpu.memory_space<hbm>> -> memref<8x128xf32, #tpu.memory_space<hbm>>
        %dma_wait3A_1269 = arith.constant 0 : i32
        %dma_wait3A_1270 = arith.constant 0 : i32
        %dma_wait3A_1271 = tpu.memref_slice %arg11[%dma_wait3A_1269, %dma_wait3A_1270] : memref<64x136xf32, #tpu.memory_space<vmem>> -> memref<8x128xf32, #tpu.memory_space<vmem>>
        tpu.wait_dma2 semaphore(%arg13 : memref<!tpu.dma_semaphore, #tpu.memory_space<semaphore_mem>>) src(%dma_wait3A_1271 : memref<8x128xf32, #tpu.memory_space<vmem>>) dst(%dma_wait3A_1268 : memref<8x128xf32, #tpu.memory_space<hbm>>)
        %dma_wait3A_1272 = arith.constant 0 : i32
        %dma_wait3A_1273 = arith.constant 0 : i32
        %dma_wait3A_1274 = arith.constant 0 : i32
        %dma_wait3A_1275 = arith.constant 0 : i32
        %dma_wait3A_1276 = tpu.memref_slice %arg11[%dma_wait3A_1274, %dma_wait3A_1275] : memref<64x136xf32, #tpu.memory_space<vmem>> -> memref<8x128xf32, #tpu.memory_space<vmem>>
        %dma_wait3A_1277 = arith.constant 0 : i32
        %dma_wait3A_1278 = arith.constant 0 : i32
        %dma_wait3A_1279 = tpu.memref_slice %arg4[%dma_wait3A_1272, %dma_wait3A_1273, %dma_wait3A_1277, %dma_wait3A_1278] : memref<400x128x8x128xf32, #tpu.memory_space<hbm>> -> memref<1x1x8x128xf32, #tpu.memory_space<hbm>>
        %dma_wait3A_1280 = tpu.memref_squeeze %dma_wait3A_1279 : memref<1x1x8x128xf32, #tpu.memory_space<hbm>> -> memref<8x128xf32, #tpu.memory_space<hbm>>
        %dma_wait3A_1281 = arith.constant 0 : i32
        %dma_wait3A_1282 = arith.constant 0 : i32
        %dma_wait3A_1283 = tpu.memref_slice %arg4[%dma_wait3A_1272, %dma_wait3A_1273, %dma_wait3A_1281, %dma_wait3A_1282] : memref<400x128x8x128xf32, #tpu.memory_space<hbm>> -> memref<1x1x8x128xf32, #tpu.memory_space<hbm>>
        %dma_wait3A_1284 = tpu.memref_squeeze %dma_wait3A_1283 : memref<1x1x8x128xf32, #tpu.memory_space<hbm>> -> memref<8x128xf32, #tpu.memory_space<hbm>>
        %dma_wait3A_1285 = arith.constant 0 : i32
        %dma_wait3A_1286 = arith.constant 0 : i32
        %dma_wait3A_1287 = tpu.memref_slice %arg11[%dma_wait3A_1285, %dma_wait3A_1286] : memref<64x136xf32, #tpu.memory_space<vmem>> -> memref<8x128xf32, #tpu.memory_space<vmem>>
        tpu.wait_dma2 semaphore(%arg13 : memref<!tpu.dma_semaphore, #tpu.memory_space<semaphore_mem>>) src(%dma_wait3A_1287 : memref<8x128xf32, #tpu.memory_space<vmem>>) dst(%dma_wait3A_1284 : memref<8x128xf32, #tpu.memory_space<hbm>>)
        %dma_wait3A_1288 = arith.constant 0 : i32
        %dma_wait3A_1289 = arith.constant 0 : i32
        %dma_wait3A_1290 = arith.constant 0 : i32
        %dma_wait3A_1291 = arith.constant 0 : i32
        %dma_wait3A_1292 = tpu.memref_slice %arg11[%dma_wait3A_1290, %dma_wait3A_1291] : memref<64x136xf32, #tpu.memory_space<vmem>> -> memref<8x128xf32, #tpu.memory_space<vmem>>
        %dma_wait3A_1293 = arith.constant 0 : i32
        %dma_wait3A_1294 = arith.constant 0 : i32
        %dma_wait3A_1295 = tpu.memref_slice %arg4[%dma_wait3A_1288, %dma_wait3A_1289, %dma_wait3A_1293, %dma_wait3A_1294] : memref<400x128x8x128xf32, #tpu.memory_space<hbm>> -> memref<1x1x8x128xf32, #tpu.memory_space<hbm>>
        %dma_wait3A_1296 = tpu.memref_squeeze %dma_wait3A_1295 : memref<1x1x8x128xf32, #tpu.memory_space<hbm>> -> memref<8x128xf32, #tpu.memory_space<hbm>>
        %dma_wait3A_1297 = arith.constant 0 : i32
        %dma_wait3A_1298 = arith.constant 0 : i32
        %dma_wait3A_1299 = tpu.memref_slice %arg4[%dma_wait3A_1288, %dma_wait3A_1289, %dma_wait3A_1297, %dma_wait3A_1298] : memref<400x128x8x128xf32, #tpu.memory_space<hbm>> -> memref<1x1x8x128xf32, #tpu.memory_space<hbm>>
        %dma_wait3A_1300 = tpu.memref_squeeze %dma_wait3A_1299 : memref<1x1x8x128xf32, #tpu.memory_space<hbm>> -> memref<8x128xf32, #tpu.memory_space<hbm>>
        %dma_wait3A_1301 = arith.constant 0 : i32
        %dma_wait3A_1302 = arith.constant 0 : i32
        %dma_wait3A_1303 = tpu.memref_slice %arg11[%dma_wait3A_1301, %dma_wait3A_1302] : memref<64x136xf32, #tpu.memory_space<vmem>> -> memref<8x128xf32, #tpu.memory_space<vmem>>
        tpu.wait_dma2 semaphore(%arg13 : memref<!tpu.dma_semaphore, #tpu.memory_space<semaphore_mem>>) src(%dma_wait3A_1303 : memref<8x128xf32, #tpu.memory_space<vmem>>) dst(%dma_wait3A_1300 : memref<8x128xf32, #tpu.memory_space<hbm>>)
        %dma_wait3A_1304 = arith.constant 0 : i32
        %dma_wait3A_1305 = arith.constant 0 : i32
        %dma_wait3A_1306 = arith.constant 0 : i32
        %dma_wait3A_1307 = arith.constant 0 : i32
        %dma_wait3A_1308 = tpu.memref_slice %arg11[%dma_wait3A_1306, %dma_wait3A_1307] : memref<64x136xf32, #tpu.memory_space<vmem>> -> memref<8x128xf32, #tpu.memory_space<vmem>>
        %dma_wait3A_1309 = arith.constant 0 : i32
        %dma_wait3A_1310 = arith.constant 0 : i32
        %dma_wait3A_1311 = tpu.memref_slice %arg4[%dma_wait3A_1304, %dma_wait3A_1305, %dma_wait3A_1309, %dma_wait3A_1310] : memref<400x128x8x128xf32, #tpu.memory_space<hbm>> -> memref<1x1x8x128xf32, #tpu.memory_space<hbm>>
        %dma_wait3A_1312 = tpu.memref_squeeze %dma_wait3A_1311 : memref<1x1x8x128xf32, #tpu.memory_space<hbm>> -> memref<8x128xf32, #tpu.memory_space<hbm>>
        %dma_wait3A_1313 = arith.constant 0 : i32
        %dma_wait3A_1314 = arith.constant 0 : i32
        %dma_wait3A_1315 = tpu.memref_slice %arg4[%dma_wait3A_1304, %dma_wait3A_1305, %dma_wait3A_1313, %dma_wait3A_1314] : memref<400x128x8x128xf32, #tpu.memory_space<hbm>> -> memref<1x1x8x128xf32, #tpu.memory_space<hbm>>
        %dma_wait3A_1316 = tpu.memref_squeeze %dma_wait3A_1315 : memref<1x1x8x128xf32, #tpu.memory_space<hbm>> -> memref<8x128xf32, #tpu.memory_space<hbm>>
        %dma_wait3A_1317 = arith.constant 0 : i32
        %dma_wait3A_1318 = arith.constant 0 : i32
        %dma_wait3A_1319 = tpu.memref_slice %arg11[%dma_wait3A_1317, %dma_wait3A_1318] : memref<64x136xf32, #tpu.memory_space<vmem>> -> memref<8x128xf32, #tpu.memory_space<vmem>>
        tpu.wait_dma2 semaphore(%arg13 : memref<!tpu.dma_semaphore, #tpu.memory_space<semaphore_mem>>) src(%dma_wait3A_1319 : memref<8x128xf32, #tpu.memory_space<vmem>>) dst(%dma_wait3A_1316 : memref<8x128xf32, #tpu.memory_space<hbm>>)
        %dma_wait3A_1320 = arith.constant 0 : i32
        %dma_wait3A_1321 = arith.constant 0 : i32
        %dma_wait3A_1322 = arith.constant 0 : i32
        %dma_wait3A_1323 = arith.constant 0 : i32
        %dma_wait3A_1324 = tpu.memref_slice %arg11[%dma_wait3A_1322, %dma_wait3A_1323] : memref<64x136xf32, #tpu.memory_space<vmem>> -> memref<8x128xf32, #tpu.memory_space<vmem>>
        %dma_wait3A_1325 = arith.constant 0 : i32
        %dma_wait3A_1326 = arith.constant 0 : i32
        %dma_wait3A_1327 = tpu.memref_slice %arg4[%dma_wait3A_1320, %dma_wait3A_1321, %dma_wait3A_1325, %dma_wait3A_1326] : memref<400x128x8x128xf32, #tpu.memory_space<hbm>> -> memref<1x1x8x128xf32, #tpu.memory_space<hbm>>
        %dma_wait3A_1328 = tpu.memref_squeeze %dma_wait3A_1327 : memref<1x1x8x128xf32, #tpu.memory_space<hbm>> -> memref<8x128xf32, #tpu.memory_space<hbm>>
        %dma_wait3A_1329 = arith.constant 0 : i32
        %dma_wait3A_1330 = arith.constant 0 : i32
        %dma_wait3A_1331 = tpu.memref_slice %arg4[%dma_wait3A_1320, %dma_wait3A_1321, %dma_wait3A_1329, %dma_wait3A_1330] : memref<400x128x8x128xf32, #tpu.memory_space<hbm>> -> memref<1x1x8x128xf32, #tpu.memory_space<hbm>>
        %dma_wait3A_1332 = tpu.memref_squeeze %dma_wait3A_1331 : memref<1x1x8x128xf32, #tpu.memory_space<hbm>> -> memref<8x128xf32, #tpu.memory_space<hbm>>
        %dma_wait3A_1333 = arith.constant 0 : i32
        %dma_wait3A_1334 = arith.constant 0 : i32
        %dma_wait3A_1335 = tpu.memref_slice %arg11[%dma_wait3A_1333, %dma_wait3A_1334] : memref<64x136xf32, #tpu.memory_space<vmem>> -> memref<8x128xf32, #tpu.memory_space<vmem>>
        tpu.wait_dma2 semaphore(%arg13 : memref<!tpu.dma_semaphore, #tpu.memory_space<semaphore_mem>>) src(%dma_wait3A_1335 : memref<8x128xf32, #tpu.memory_space<vmem>>) dst(%dma_wait3A_1332 : memref<8x128xf32, #tpu.memory_space<hbm>>)
      } else {
      }
      %scan3A_602 = arith.constant 0 : i32
      %scan3A_603 = arith.constant 0 : i32
      %scan3A_604 = arith.constant 16 : i32
      %scan3A_605 = arith.addi %scan3A_603, %scan3A_604 : i32
      %scan3A_606 = arith.constant 1 : i32
      scf.for %scan3A_1208 = %scan3A_603 to %scan3A_605 step %scan3A_606  : i32 {
        %mul3A_1209 = arith.constant 8 : i32
        %mul3A_1210 = arith.muli %scan3A_1208, %mul3A_1209 : i32
        %add3A_1211 = arith.constant 0 : i32
        %add3A_1212 = arith.addi %mul3A_1210, %add3A_1211 : i32
        %broadcast_in_dim3A = arith.constant 0 : i32
        %broadcast_in_dim3A_1213 = vector.broadcast %broadcast_in_dim3A : i32 to vector<16xi32>
        %add3A_1214 = vector.broadcast %add3A_1212 : i32 to vector<16xi32>
        %add3A_1215 = arith.addi %broadcast_in_dim3A_1213, %add3A_1214 : vector<16xi32>
        %get3A = arith.index_cast %add3A_1212 : i32 to index
        %get3A_1216 = arith.constant 0 : index
        %get3A_1217 = tpu.vector_load %arg7[%get3A, %get3A_1216] {strides = array<i32>} : memref<128x64xf32, #tpu.memory_space<vmem>>, vector<16xf32>,
        %get3A_1218 = arith.index_cast %add3A_1212 : i32 to index
        %get3A_1219 = arith.constant 16 : index
        %get3A_1220 = tpu.vector_load %arg7[%get3A_1218, %get3A_1219] {strides = array<i32>} : memref<128x64xf32, #tpu.memory_space<vmem>>, vector<16xf32>,
        %get3A_1221 = arith.index_cast %add3A_1212 : i32 to index
        %get3A_1222 = arith.constant 32 : index
        %get3A_1223 = tpu.vector_load %arg7[%get3A_1221, %get3A_1222] {strides = array<i32>} : memref<128x64xf32, #tpu.memory_space<vmem>>, vector<16xf32>,
        %get3A_1224 = arith.index_cast %add3A_1212 : i32 to index
        %get3A_1225 = arith.constant 48 : index
        %get3A_1226 = tpu.vector_load %arg7[%get3A_1224, %get3A_1225] {strides = array<i32>} : memref<128x64xf32, #tpu.memory_space<vmem>>, vector<16xf32>,
        tpu.vector_store_idx %arg11[%add3A_5, %add3A_1215], %get3A_1217 : memref<64x136xf32, #tpu.memory_space<vmem>>[vector<16xi32>, vector<16xi32>], vector<16xf32>,
        tpu.vector_store_idx %arg11[%add3A_8, %add3A_1215], %get3A_1220 : memref<64x136xf32, #tpu.memory_space<vmem>>[vector<16xi32>, vector<16xi32>], vector<16xf32>,
        tpu.vector_store_idx %arg11[%add3A_11, %add3A_1215], %get3A_1223 : memref<64x136xf32, #tpu.memory_space<vmem>>[vector<16xi32>, vector<16xi32>], vector<16xf32>,
        tpu.vector_store_idx %arg11[%add3A_14, %add3A_1215], %get3A_1226 : memref<64x136xf32, #tpu.memory_space<vmem>>[vector<16xi32>, vector<16xi32>], vector<16xf32>,
        %mul3A_1227 = arith.constant 8 : i32
        %mul3A_1228 = arith.muli %scan3A_1208, %mul3A_1227 : i32
        %add3A_1229 = arith.constant 1 : i32
        %add3A_1230 = arith.addi %mul3A_1228, %add3A_1229 : i32
        %broadcast_in_dim3A_1231 = arith.constant 0 : i32
        %broadcast_in_dim3A_1232 = vector.broadcast %broadcast_in_dim3A_1231 : i32 to vector<16xi32>
        %add3A_1233 = vector.broadcast %add3A_1230 : i32 to vector<16xi32>
        %add3A_1234 = arith.addi %broadcast_in_dim3A_1232, %add3A_1233 : vector<16xi32>
        %get3A_1235 = arith.index_cast %add3A_1230 : i32 to index
        %get3A_1236 = arith.constant 0 : index
        %get3A_1237 = tpu.vector_load %arg7[%get3A_1235, %get3A_1236] {strides = array<i32>} : memref<128x64xf32, #tpu.memory_space<vmem>>, vector<16xf32>,
        %get3A_1238 = arith.index_cast %add3A_1230 : i32 to index
        %get3A_1239 = arith.constant 16 : index
        %get3A_1240 = tpu.vector_load %arg7[%get3A_1238, %get3A_1239] {strides = array<i32>} : memref<128x64xf32, #tpu.memory_space<vmem>>, vector<16xf32>,
        %get3A_1241 = arith.index_cast %add3A_1230 : i32 to index
        %get3A_1242 = arith.constant 32 : index
        %get3A_1243 = tpu.vector_load %arg7[%get3A_1241, %get3A_1242] {strides = array<i32>} : memref<128x64xf32, #tpu.memory_space<vmem>>, vector<16xf32>,
        %get3A_1244 = arith.index_cast %add3A_1230 : i32 to index
        %get3A_1245 = arith.constant 48 : index
        %get3A_1246 = tpu.vector_load %arg7[%get3A_1244, %get3A_1245] {strides = array<i32>} : memref<128x64xf32, #tpu.memory_space<vmem>>, vector<16xf32>,
        tpu.vector_store_idx %arg11[%add3A_5, %add3A_1234], %get3A_1237 : memref<64x136xf32, #tpu.memory_space<vmem>>[vector<16xi32>, vector<16xi32>], vector<16xf32>,
        tpu.vector_store_idx %arg11[%add3A_8, %add3A_1234], %get3A_1240 : memref<64x136xf32, #tpu.memory_space<vmem>>[vector<16xi32>, vector<16xi32>], vector<16xf32>,
        tpu.vector_store_idx %arg11[%add3A_11, %add3A_1234], %get3A_1243 : memref<64x136xf32, #tpu.memory_space<vmem>>[vector<16xi32>, vector<16xi32>], vector<16xf32>,
        tpu.vector_store_idx %arg11[%add3A_14, %add3A_1234], %get3A_1246 : memref<64x136xf32, #tpu.memory_space<vmem>>[vector<16xi32>, vector<16xi32>], vector<16xf32>,
        %mul3A_1247 = arith.constant 8 : i32
        %mul3A_1248 = arith.muli %scan3A_1208, %mul3A_1247 : i32
        %add3A_1249 = arith.constant 2 : i32
        %add3A_1250 = arith.addi %mul3A_1248, %add3A_1249 : i32
        %broadcast_in_dim3A_1251 = arith.constant 0 : i32
        %broadcast_in_dim3A_1252 = vector.broadcast %broadcast_in_dim3A_1251 : i32 to vector<16xi32>
        %add3A_1253 = vector.broadcast %add3A_1250 : i32 to vector<16xi32>
        %add3A_1254 = arith.addi %broadcast_in_dim3A_1252, %add3A_1253 : vector<16xi32>
        %get3A_1255 = arith.index_cast %add3A_1250 : i32 to index
        %get3A_1256 = arith.constant 0 : index
        %get3A_1257 = tpu.vector_load %arg7[%get3A_1255, %get3A_1256] {strides = array<i32>} : memref<128x64xf32, #tpu.memory_space<vmem>>, vector<16xf32>,
        %get3A_1258 = arith.index_cast %add3A_1250 : i32 to index
        %get3A_1259 = arith.constant 16 : index
        %get3A_1260 = tpu.vector_load %arg7[%get3A_1258, %get3A_1259] {strides = array<i32>} : memref<128x64xf32, #tpu.memory_space<vmem>>, vector<16xf32>,
        %get3A_1261 = arith.index_cast %add3A_1250 : i32 to index
        %get3A_1262 = arith.constant 32 : index
        %get3A_1263 = tpu.vector_load %arg7[%get3A_1261, %get3A_1262] {strides = array<i32>} : memref<128x64xf32, #tpu.memory_space<vmem>>, vector<16xf32>,
        %get3A_1264 = arith.index_cast %add3A_1250 : i32 to index
        %get3A_1265 = arith.constant 48 : index
        %get3A_1266 = tpu.vector_load %arg7[%get3A_1264, %get3A_1265] {strides = array<i32>} : memref<128x64xf32, #tpu.memory_space<vmem>>, vector<16xf32>,
        tpu.vector_store_idx %arg11[%add3A_5, %add3A_1254], %get3A_1257 : memref<64x136xf32, #tpu.memory_space<vmem>>[vector<16xi32>, vector<16xi32>], vector<16xf32>,
        tpu.vector_store_idx %arg11[%add3A_8, %add3A_1254], %get3A_1260 : memref<64x136xf32, #tpu.memory_space<vmem>>[vector<16xi32>, vector<16xi32>], vector<16xf32>,
        tpu.vector_store_idx %arg11[%add3A_11, %add3A_1254], %get3A_1263 : memref<64x136xf32, #tpu.memory_space<vmem>>[vector<16xi32>, vector<16xi32>], vector<16xf32>,
        tpu.vector_store_idx %arg11[%add3A_14, %add3A_1254], %get3A_1266 : memref<64x136xf32, #tpu.memory_space<vmem>>[vector<16xi32>, vector<16xi32>], vector<16xf32>,
        %mul3A_1267 = arith.constant 8 : i32
        %mul3A_1268 = arith.muli %scan3A_1208, %mul3A_1267 : i32
        %add3A_1269 = arith.constant 3 : i32
        %add3A_1270 = arith.addi %mul3A_1268, %add3A_1269 : i32
        %broadcast_in_dim3A_1271 = arith.constant 0 : i32
        %broadcast_in_dim3A_1272 = vector.broadcast %broadcast_in_dim3A_1271 : i32 to vector<16xi32>
        %add3A_1273 = vector.broadcast %add3A_1270 : i32 to vector<16xi32>
        %add3A_1274 = arith.addi %broadcast_in_dim3A_1272, %add3A_1273 : vector<16xi32>
        %get3A_1275 = arith.index_cast %add3A_1270 : i32 to index
        %get3A_1276 = arith.constant 0 : index
        %get3A_1277 = tpu.vector_load %arg7[%get3A_1275, %get3A_1276] {strides = array<i32>} : memref<128x64xf32, #tpu.memory_space<vmem>>, vector<16xf32>,
        %get3A_1278 = arith.index_cast %add3A_1270 : i32 to index
        %get3A_1279 = arith.constant 16 : index
        %get3A_1280 = tpu.vector_load %arg7[%get3A_1278, %get3A_1279] {strides = array<i32>} : memref<128x64xf32, #tpu.memory_space<vmem>>, vector<16xf32>,
        %get3A_1281 = arith.index_cast %add3A_1270 : i32 to index
        %get3A_1282 = arith.constant 32 : index
        %get3A_1283 = tpu.vector_load %arg7[%get3A_1281, %get3A_1282] {strides = array<i32>} : memref<128x64xf32, #tpu.memory_space<vmem>>, vector<16xf32>,
        %get3A_1284 = arith.index_cast %add3A_1270 : i32 to index
        %get3A_1285 = arith.constant 48 : index
        %get3A_1286 = tpu.vector_load %arg7[%get3A_1284, %get3A_1285] {strides = array<i32>} : memref<128x64xf32, #tpu.memory_space<vmem>>, vector<16xf32>,
        tpu.vector_store_idx %arg11[%add3A_5, %add3A_1274], %get3A_1277 : memref<64x136xf32, #tpu.memory_space<vmem>>[vector<16xi32>, vector<16xi32>], vector<16xf32>,
        tpu.vector_store_idx %arg11[%add3A_8, %add3A_1274], %get3A_1280 : memref<64x136xf32, #tpu.memory_space<vmem>>[vector<16xi32>, vector<16xi32>], vector<16xf32>,
        tpu.vector_store_idx %arg11[%add3A_11, %add3A_1274], %get3A_1283 : memref<64x136xf32, #tpu.memory_space<vmem>>[vector<16xi32>, vector<16xi32>], vector<16xf32>,
        tpu.vector_store_idx %arg11[%add3A_14, %add3A_1274], %get3A_1286 : memref<64x136xf32, #tpu.memory_space<vmem>>[vector<16xi32>, vector<16xi32>], vector<16xf32>,
        %mul3A_1287 = arith.constant 8 : i32
        %mul3A_1288 = arith.muli %scan3A_1208, %mul3A_1287 : i32
        %add3A_1289 = arith.constant 4 : i32
        %add3A_1290 = arith.addi %mul3A_1288, %add3A_1289 : i32
        %broadcast_in_dim3A_1291 = arith.constant 0 : i32
        %broadcast_in_dim3A_1292 = vector.broadcast %broadcast_in_dim3A_1291 : i32 to vector<16xi32>
        %add3A_1293 = vector.broadcast %add3A_1290 : i32 to vector<16xi32>
        %add3A_1294 = arith.addi %broadcast_in_dim3A_1292, %add3A_1293 : vector<16xi32>
        %get3A_1295 = arith.index_cast %add3A_1290 : i32 to index
        %get3A_1296 = arith.constant 0 : index
        %get3A_1297 = tpu.vector_load %arg7[%get3A_1295, %get3A_1296] {strides = array<i32>} : memref<128x64xf32, #tpu.memory_space<vmem>>, vector<16xf32>,
        %get3A_1298 = arith.index_cast %add3A_1290 : i32 to index
        %get3A_1299 = arith.constant 16 : index
        %get3A_1300 = tpu.vector_load %arg7[%get3A_1298, %get3A_1299] {strides = array<i32>} : memref<128x64xf32, #tpu.memory_space<vmem>>, vector<16xf32>,
        %get3A_1301 = arith.index_cast %add3A_1290 : i32 to index
        %get3A_1302 = arith.constant 32 : index
        %get3A_1303 = tpu.vector_load %arg7[%get3A_1301, %get3A_1302] {strides = array<i32>} : memref<128x64xf32, #tpu.memory_space<vmem>>, vector<16xf32>,
        %get3A_1304 = arith.index_cast %add3A_1290 : i32 to index
        %get3A_1305 = arith.constant 48 : index
        %get3A_1306 = tpu.vector_load %arg7[%get3A_1304, %get3A_1305] {strides = array<i32>} : memref<128x64xf32, #tpu.memory_space<vmem>>, vector<16xf32>,
        tpu.vector_store_idx %arg11[%add3A_5, %add3A_1294], %get3A_1297 : memref<64x136xf32, #tpu.memory_space<vmem>>[vector<16xi32>, vector<16xi32>], vector<16xf32>,
        tpu.vector_store_idx %arg11[%add3A_8, %add3A_1294], %get3A_1300 : memref<64x136xf32, #tpu.memory_space<vmem>>[vector<16xi32>, vector<16xi32>], vector<16xf32>,
        tpu.vector_store_idx %arg11[%add3A_11, %add3A_1294], %get3A_1303 : memref<64x136xf32, #tpu.memory_space<vmem>>[vector<16xi32>, vector<16xi32>], vector<16xf32>,
        tpu.vector_store_idx %arg11[%add3A_14, %add3A_1294], %get3A_1306 : memref<64x136xf32, #tpu.memory_space<vmem>>[vector<16xi32>, vector<16xi32>], vector<16xf32>,
        %mul3A_1307 = arith.constant 8 : i32
        %mul3A_1308 = arith.muli %scan3A_1208, %mul3A_1307 : i32
        %add3A_1309 = arith.constant 5 : i32
        %add3A_1310 = arith.addi %mul3A_1308, %add3A_1309 : i32
        %broadcast_in_dim3A_1311 = arith.constant 0 : i32
        %broadcast_in_dim3A_1312 = vector.broadcast %broadcast_in_dim3A_1311 : i32 to vector<16xi32>
        %add3A_1313 = vector.broadcast %add3A_1310 : i32 to vector<16xi32>
        %add3A_1314 = arith.addi %broadcast_in_dim3A_1312, %add3A_1313 : vector<16xi32>
        %get3A_1315 = arith.index_cast %add3A_1310 : i32 to index
        %get3A_1316 = arith.constant 0 : index
        %get3A_1317 = tpu.vector_load %arg7[%get3A_1315, %get3A_1316] {strides = array<i32>} : memref<128x64xf32, #tpu.memory_space<vmem>>, vector<16xf32>,
        %get3A_1318 = arith.index_cast %add3A_1310 : i32 to index
        %get3A_1319 = arith.constant 16 : index
        %get3A_1320 = tpu.vector_load %arg7[%get3A_1318, %get3A_1319] {strides = array<i32>} : memref<128x64xf32, #tpu.memory_space<vmem>>, vector<16xf32>,
        %get3A_1321 = arith.index_cast %add3A_1310 : i32 to index
        %get3A_1322 = arith.constant 32 : index
        %get3A_1323 = tpu.vector_load %arg7[%get3A_1321, %get3A_1322] {strides = array<i32>} : memref<128x64xf32, #tpu.memory_space<vmem>>, vector<16xf32>,
        %get3A_1324 = arith.index_cast %add3A_1310 : i32 to index
        %get3A_1325 = arith.constant 48 : index
        %get3A_1326 = tpu.vector_load %arg7[%get3A_1324, %get3A_1325] {strides = array<i32>} : memref<128x64xf32, #tpu.memory_space<vmem>>, vector<16xf32>,
        tpu.vector_store_idx %arg11[%add3A_5, %add3A_1314], %get3A_1317 : memref<64x136xf32, #tpu.memory_space<vmem>>[vector<16xi32>, vector<16xi32>], vector<16xf32>,
        tpu.vector_store_idx %arg11[%add3A_8, %add3A_1314], %get3A_1320 : memref<64x136xf32, #tpu.memory_space<vmem>>[vector<16xi32>, vector<16xi32>], vector<16xf32>,
        tpu.vector_store_idx %arg11[%add3A_11, %add3A_1314], %get3A_1323 : memref<64x136xf32, #tpu.memory_space<vmem>>[vector<16xi32>, vector<16xi32>], vector<16xf32>,
        tpu.vector_store_idx %arg11[%add3A_14, %add3A_1314], %get3A_1326 : memref<64x136xf32, #tpu.memory_space<vmem>>[vector<16xi32>, vector<16xi32>], vector<16xf32>,
        %mul3A_1327 = arith.constant 8 : i32
        %mul3A_1328 = arith.muli %scan3A_1208, %mul3A_1327 : i32
        %add3A_1329 = arith.constant 6 : i32
        %add3A_1330 = arith.addi %mul3A_1328, %add3A_1329 : i32
        %broadcast_in_dim3A_1331 = arith.constant 0 : i32
        %broadcast_in_dim3A_1332 = vector.broadcast %broadcast_in_dim3A_1331 : i32 to vector<16xi32>
        %add3A_1333 = vector.broadcast %add3A_1330 : i32 to vector<16xi32>
        %add3A_1334 = arith.addi %broadcast_in_dim3A_1332, %add3A_1333 : vector<16xi32>
        %get3A_1335 = arith.index_cast %add3A_1330 : i32 to index
        %get3A_1336 = arith.constant 0 : index
        %get3A_1337 = tpu.vector_load %arg7[%get3A_1335, %get3A_1336] {strides = array<i32>} : memref<128x64xf32, #tpu.memory_space<vmem>>, vector<16xf32>,
        %get3A_1338 = arith.index_cast %add3A_1330 : i32 to index
        %get3A_1339 = arith.constant 16 : index
        %get3A_1340 = tpu.vector_load %arg7[%get3A_1338, %get3A_1339] {strides = array<i32>} : memref<128x64xf32, #tpu.memory_space<vmem>>, vector<16xf32>,
        %get3A_1341 = arith.index_cast %add3A_1330 : i32 to index
        %get3A_1342 = arith.constant 32 : index
        %get3A_1343 = tpu.vector_load %arg7[%get3A_1341, %get3A_1342] {strides = array<i32>} : memref<128x64xf32, #tpu.memory_space<vmem>>, vector<16xf32>,
        %get3A_1344 = arith.index_cast %add3A_1330 : i32 to index
        %get3A_1345 = arith.constant 48 : index
        %get3A_1346 = tpu.vector_load %arg7[%get3A_1344, %get3A_1345] {strides = array<i32>} : memref<128x64xf32, #tpu.memory_space<vmem>>, vector<16xf32>,
        tpu.vector_store_idx %arg11[%add3A_5, %add3A_1334], %get3A_1337 : memref<64x136xf32, #tpu.memory_space<vmem>>[vector<16xi32>, vector<16xi32>], vector<16xf32>,
        tpu.vector_store_idx %arg11[%add3A_8, %add3A_1334], %get3A_1340 : memref<64x136xf32, #tpu.memory_space<vmem>>[vector<16xi32>, vector<16xi32>], vector<16xf32>,
        tpu.vector_store_idx %arg11[%add3A_11, %add3A_1334], %get3A_1343 : memref<64x136xf32, #tpu.memory_space<vmem>>[vector<16xi32>, vector<16xi32>], vector<16xf32>,
        tpu.vector_store_idx %arg11[%add3A_14, %add3A_1334], %get3A_1346 : memref<64x136xf32, #tpu.memory_space<vmem>>[vector<16xi32>, vector<16xi32>], vector<16xf32>,
        %mul3A_1347 = arith.constant 8 : i32
        %mul3A_1348 = arith.muli %scan3A_1208, %mul3A_1347 : i32
        %add3A_1349 = arith.constant 7 : i32
        %add3A_1350 = arith.addi %mul3A_1348, %add3A_1349 : i32
        %broadcast_in_dim3A_1351 = arith.constant 0 : i32
        %broadcast_in_dim3A_1352 = vector.broadcast %broadcast_in_dim3A_1351 : i32 to vector<16xi32>
        %add3A_1353 = vector.broadcast %add3A_1350 : i32 to vector<16xi32>
        %add3A_1354 = arith.addi %broadcast_in_dim3A_1352, %add3A_1353 : vector<16xi32>
        %get3A_1355 = arith.index_cast %add3A_1350 : i32 to index
        %get3A_1356 = arith.constant 0 : index
        %get3A_1357 = tpu.vector_load %arg7[%get3A_1355, %get3A_1356] {strides = array<i32>} : memref<128x64xf32, #tpu.memory_space<vmem>>, vector<16xf32>,
        %get3A_1358 = arith.index_cast %add3A_1350 : i32 to index
        %get3A_1359 = arith.constant 16 : index
        %get3A_1360 = tpu.vector_load %arg7[%get3A_1358, %get3A_1359] {strides = array<i32>} : memref<128x64xf32, #tpu.memory_space<vmem>>, vector<16xf32>,
        %get3A_1361 = arith.index_cast %add3A_1350 : i32 to index
        %get3A_1362 = arith.constant 32 : index
        %get3A_1363 = tpu.vector_load %arg7[%get3A_1361, %get3A_1362] {strides = array<i32>} : memref<128x64xf32, #tpu.memory_space<vmem>>, vector<16xf32>,
        %get3A_1364 = arith.index_cast %add3A_1350 : i32 to index
        %get3A_1365 = arith.constant 48 : index
        %get3A_1366 = tpu.vector_load %arg7[%get3A_1364, %get3A_1365] {strides = array<i32>} : memref<128x64xf32, #tpu.memory_space<vmem>>, vector<16xf32>,
        tpu.vector_store_idx %arg11[%add3A_5, %add3A_1354], %get3A_1357 : memref<64x136xf32, #tpu.memory_space<vmem>>[vector<16xi32>, vector<16xi32>], vector<16xf32>,
        tpu.vector_store_idx %arg11[%add3A_8, %add3A_1354], %get3A_1360 : memref<64x136xf32, #tpu.memory_space<vmem>>[vector<16xi32>, vector<16xi32>], vector<16xf32>,
        tpu.vector_store_idx %arg11[%add3A_11, %add3A_1354], %get3A_1363 : memref<64x136xf32, #tpu.memory_space<vmem>>[vector<16xi32>, vector<16xi32>], vector<16xf32>,
        tpu.vector_store_idx %arg11[%add3A_14, %add3A_1354], %get3A_1366 : memref<64x136xf32, #tpu.memory_space<vmem>>[vector<16xi32>, vector<16xi32>], vector<16xf32>,
      }
      %scan3A_607 = arith.constant 16 : i32
      %mul3A_608 = arith.constant 8 : i32
      %mul3A_609 = arith.muli %select_n3A_551, %mul3A_608 : i32
      %add3A_610 = arith.constant 0 : i32
      %add3A_611 = arith.addi %mul3A_609, %add3A_610 : i32
      %dma_start3A_612 = arith.constant 0 : i32
      %dma_start3A_613 = arith.constant 0 : i32
      %dma_start3A_614 = tpu.memref_slice %arg11[%dma_start3A_612, %dma_start3A_613] : memref<64x136xf32, #tpu.memory_space<vmem>> -> memref<8x128xf32, #tpu.memory_space<vmem>>
      %dma_start3A_615 = arith.constant 0 : i32
      %dma_start3A_616 = arith.constant 0 : i32
      %dma_start3A_617 = tpu.memref_slice %arg4[%add3A_611, %add3A_556, %dma_start3A_615, %dma_start3A_616] : memref<400x128x8x128xf32, #tpu.memory_space<hbm>> -> memref<1x1x8x128xf32, #tpu.memory_space<hbm>>
      %dma_start3A_618 = tpu.memref_squeeze %dma_start3A_617 : memref<1x1x8x128xf32, #tpu.memory_space<hbm>> -> memref<8x128xf32, #tpu.memory_space<hbm>>
      %dma_start3A_619 = arith.constant 0 : i32
      %dma_start3A_620 = arith.constant 0 : i32
      %dma_start3A_621 = tpu.memref_slice %arg4[%add3A_611, %add3A_556, %dma_start3A_619, %dma_start3A_620] : memref<400x128x8x128xf32, #tpu.memory_space<hbm>> -> memref<1x1x8x128xf32, #tpu.memory_space<hbm>>
      %dma_start3A_622 = tpu.memref_squeeze %dma_start3A_621 : memref<1x1x8x128xf32, #tpu.memory_space<hbm>> -> memref<8x128xf32, #tpu.memory_space<hbm>>
      %dma_start3A_623 = arith.constant 0 : i32
      %dma_start3A_624 = arith.constant 0 : i32
      %dma_start3A_625 = tpu.memref_slice %arg11[%dma_start3A_623, %dma_start3A_624] : memref<64x136xf32, #tpu.memory_space<vmem>> -> memref<8x128xf32, #tpu.memory_space<vmem>>
      tpu.enqueue_dma source(%dma_start3A_625 : memref<8x128xf32, #tpu.memory_space<vmem>>) target(%dma_start3A_622 : memref<8x128xf32, #tpu.memory_space<hbm>>) target_semaphore(%arg13 : memref<!tpu.dma_semaphore, #tpu.memory_space<semaphore_mem>>)
      %mul3A_626 = arith.constant 8 : i32
      %mul3A_627 = arith.muli %select_n3A_551, %mul3A_626 : i32
      %add3A_628 = arith.constant 1 : i32
      %add3A_629 = arith.addi %mul3A_627, %add3A_628 : i32
      %dma_start3A_630 = arith.constant 8 : i32
      %dma_start3A_631 = arith.constant 0 : i32
      %dma_start3A_632 = tpu.memref_slice %arg11[%dma_start3A_630, %dma_start3A_631] : memref<64x136xf32, #tpu.memory_space<vmem>> -> memref<8x128xf32, #tpu.memory_space<vmem>>
      %dma_start3A_633 = arith.constant 0 : i32
      %dma_start3A_634 = arith.constant 0 : i32
      %dma_start3A_635 = tpu.memref_slice %arg4[%add3A_629, %add3A_556, %dma_start3A_633, %dma_start3A_634] : memref<400x128x8x128xf32, #tpu.memory_space<hbm>> -> memref<1x1x8x128xf32, #tpu.memory_space<hbm>>
      %dma_start3A_636 = tpu.memref_squeeze %dma_start3A_635 : memref<1x1x8x128xf32, #tpu.memory_space<hbm>> -> memref<8x128xf32, #tpu.memory_space<hbm>>
      %dma_start3A_637 = arith.constant 0 : i32
      %dma_start3A_638 = arith.constant 0 : i32
      %dma_start3A_639 = tpu.memref_slice %arg4[%add3A_629, %add3A_556, %dma_start3A_637, %dma_start3A_638] : memref<400x128x8x128xf32, #tpu.memory_space<hbm>> -> memref<1x1x8x128xf32, #tpu.memory_space<hbm>>
      %dma_start3A_640 = tpu.memref_squeeze %dma_start3A_639 : memref<1x1x8x128xf32, #tpu.memory_space<hbm>> -> memref<8x128xf32, #tpu.memory_space<hbm>>
      %dma_start3A_641 = arith.constant 8 : i32
      %dma_start3A_642 = arith.constant 0 : i32
      %dma_start3A_643 = tpu.memref_slice %arg11[%dma_start3A_641, %dma_start3A_642] : memref<64x136xf32, #tpu.memory_space<vmem>> -> memref<8x128xf32, #tpu.memory_space<vmem>>
      tpu.enqueue_dma source(%dma_start3A_643 : memref<8x128xf32, #tpu.memory_space<vmem>>) target(%dma_start3A_640 : memref<8x128xf32, #tpu.memory_space<hbm>>) target_semaphore(%arg13 : memref<!tpu.dma_semaphore, #tpu.memory_space<semaphore_mem>>)
      %mul3A_644 = arith.constant 8 : i32
      %mul3A_645 = arith.muli %select_n3A_551, %mul3A_644 : i32
      %add3A_646 = arith.constant 2 : i32
      %add3A_647 = arith.addi %mul3A_645, %add3A_646 : i32
      %dma_start3A_648 = arith.constant 16 : i32
      %dma_start3A_649 = arith.constant 0 : i32
      %dma_start3A_650 = tpu.memref_slice %arg11[%dma_start3A_648, %dma_start3A_649] : memref<64x136xf32, #tpu.memory_space<vmem>> -> memref<8x128xf32, #tpu.memory_space<vmem>>
      %dma_start3A_651 = arith.constant 0 : i32
      %dma_start3A_652 = arith.constant 0 : i32
      %dma_start3A_653 = tpu.memref_slice %arg4[%add3A_647, %add3A_556, %dma_start3A_651, %dma_start3A_652] : memref<400x128x8x128xf32, #tpu.memory_space<hbm>> -> memref<1x1x8x128xf32, #tpu.memory_space<hbm>>
      %dma_start3A_654 = tpu.memref_squeeze %dma_start3A_653 : memref<1x1x8x128xf32, #tpu.memory_space<hbm>> -> memref<8x128xf32, #tpu.memory_space<hbm>>
      %dma_start3A_655 = arith.constant 0 : i32
      %dma_start3A_656 = arith.constant 0 : i32
      %dma_start3A_657 = tpu.memref_slice %arg4[%add3A_647, %add3A_556, %dma_start3A_655, %dma_start3A_656] : memref<400x128x8x128xf32, #tpu.memory_space<hbm>> -> memref<1x1x8x128xf32, #tpu.memory_space<hbm>>
      %dma_start3A_658 = tpu.memref_squeeze %dma_start3A_657 : memref<1x1x8x128xf32, #tpu.memory_space<hbm>> -> memref<8x128xf32, #tpu.memory_space<hbm>>
      %dma_start3A_659 = arith.constant 16 : i32
      %dma_start3A_660 = arith.constant 0 : i32
      %dma_start3A_661 = tpu.memref_slice %arg11[%dma_start3A_659, %dma_start3A_660] : memref<64x136xf32, #tpu.memory_space<vmem>> -> memref<8x128xf32, #tpu.memory_space<vmem>>
      tpu.enqueue_dma source(%dma_start3A_661 : memref<8x128xf32, #tpu.memory_space<vmem>>) target(%dma_start3A_658 : memref<8x128xf32, #tpu.memory_space<hbm>>) target_semaphore(%arg13 : memref<!tpu.dma_semaphore, #tpu.memory_space<semaphore_mem>>)
      %mul3A_662 = arith.constant 8 : i32
      %mul3A_663 = arith.muli %select_n3A_551, %mul3A_662 : i32
      %add3A_664 = arith.constant 3 : i32
      %add3A_665 = arith.addi %mul3A_663, %add3A_664 : i32
      %dma_start3A_666 = arith.constant 24 : i32
      %dma_start3A_667 = arith.constant 0 : i32
      %dma_start3A_668 = tpu.memref_slice %arg11[%dma_start3A_666, %dma_start3A_667] : memref<64x136xf32, #tpu.memory_space<vmem>> -> memref<8x128xf32, #tpu.memory_space<vmem>>
      %dma_start3A_669 = arith.constant 0 : i32
      %dma_start3A_670 = arith.constant 0 : i32
      %dma_start3A_671 = tpu.memref_slice %arg4[%add3A_665, %add3A_556, %dma_start3A_669, %dma_start3A_670] : memref<400x128x8x128xf32, #tpu.memory_space<hbm>> -> memref<1x1x8x128xf32, #tpu.memory_space<hbm>>
      %dma_start3A_672 = tpu.memref_squeeze %dma_start3A_671 : memref<1x1x8x128xf32, #tpu.memory_space<hbm>> -> memref<8x128xf32, #tpu.memory_space<hbm>>
      %dma_start3A_673 = arith.constant 0 : i32
      %dma_start3A_674 = arith.constant 0 : i32
      %dma_start3A_675 = tpu.memref_slice %arg4[%add3A_665, %add3A_556, %dma_start3A_673, %dma_start3A_674] : memref<400x128x8x128xf32, #tpu.memory_space<hbm>> -> memref<1x1x8x128xf32, #tpu.memory_space<hbm>>
      %dma_start3A_676 = tpu.memref_squeeze %dma_start3A_675 : memref<1x1x8x128xf32, #tpu.memory_space<hbm>> -> memref<8x128xf32, #tpu.memory_space<hbm>>
      %dma_start3A_677 = arith.constant 24 : i32
      %dma_start3A_678 = arith.constant 0 : i32
      %dma_start3A_679 = tpu.memref_slice %arg11[%dma_start3A_677, %dma_start3A_678] : memref<64x136xf32, #tpu.memory_space<vmem>> -> memref<8x128xf32, #tpu.memory_space<vmem>>
      tpu.enqueue_dma source(%dma_start3A_679 : memref<8x128xf32, #tpu.memory_space<vmem>>) target(%dma_start3A_676 : memref<8x128xf32, #tpu.memory_space<hbm>>) target_semaphore(%arg13 : memref<!tpu.dma_semaphore, #tpu.memory_space<semaphore_mem>>)
      %mul3A_680 = arith.constant 8 : i32
      %mul3A_681 = arith.muli %select_n3A_551, %mul3A_680 : i32
      %add3A_682 = arith.constant 4 : i32
      %add3A_683 = arith.addi %mul3A_681, %add3A_682 : i32
      %dma_start3A_684 = arith.constant 32 : i32
      %dma_start3A_685 = arith.constant 0 : i32
      %dma_start3A_686 = tpu.memref_slice %arg11[%dma_start3A_684, %dma_start3A_685] : memref<64x136xf32, #tpu.memory_space<vmem>> -> memref<8x128xf32, #tpu.memory_space<vmem>>
      %dma_start3A_687 = arith.constant 0 : i32
      %dma_start3A_688 = arith.constant 0 : i32
      %dma_start3A_689 = tpu.memref_slice %arg4[%add3A_683, %add3A_556, %dma_start3A_687, %dma_start3A_688] : memref<400x128x8x128xf32, #tpu.memory_space<hbm>> -> memref<1x1x8x128xf32, #tpu.memory_space<hbm>>
      %dma_start3A_690 = tpu.memref_squeeze %dma_start3A_689 : memref<1x1x8x128xf32, #tpu.memory_space<hbm>> -> memref<8x128xf32, #tpu.memory_space<hbm>>
      %dma_start3A_691 = arith.constant 0 : i32
      %dma_start3A_692 = arith.constant 0 : i32
      %dma_start3A_693 = tpu.memref_slice %arg4[%add3A_683, %add3A_556, %dma_start3A_691, %dma_start3A_692] : memref<400x128x8x128xf32, #tpu.memory_space<hbm>> -> memref<1x1x8x128xf32, #tpu.memory_space<hbm>>
      %dma_start3A_694 = tpu.memref_squeeze %dma_start3A_693 : memref<1x1x8x128xf32, #tpu.memory_space<hbm>> -> memref<8x128xf32, #tpu.memory_space<hbm>>
      %dma_start3A_695 = arith.constant 32 : i32
      %dma_start3A_696 = arith.constant 0 : i32
      %dma_start3A_697 = tpu.memref_slice %arg11[%dma_start3A_695, %dma_start3A_696] : memref<64x136xf32, #tpu.memory_space<vmem>> -> memref<8x128xf32, #tpu.memory_space<vmem>>
      tpu.enqueue_dma source(%dma_start3A_697 : memref<8x128xf32, #tpu.memory_space<vmem>>) target(%dma_start3A_694 : memref<8x128xf32, #tpu.memory_space<hbm>>) target_semaphore(%arg13 : memref<!tpu.dma_semaphore, #tpu.memory_space<semaphore_mem>>)
      %mul3A_698 = arith.constant 8 : i32
      %mul3A_699 = arith.muli %select_n3A_551, %mul3A_698 : i32
      %add3A_700 = arith.constant 5 : i32
      %add3A_701 = arith.addi %mul3A_699, %add3A_700 : i32
      %dma_start3A_702 = arith.constant 40 : i32
      %dma_start3A_703 = arith.constant 0 : i32
      %dma_start3A_704 = tpu.memref_slice %arg11[%dma_start3A_702, %dma_start3A_703] : memref<64x136xf32, #tpu.memory_space<vmem>> -> memref<8x128xf32, #tpu.memory_space<vmem>>
      %dma_start3A_705 = arith.constant 0 : i32
      %dma_start3A_706 = arith.constant 0 : i32
      %dma_start3A_707 = tpu.memref_slice %arg4[%add3A_701, %add3A_556, %dma_start3A_705, %dma_start3A_706] : memref<400x128x8x128xf32, #tpu.memory_space<hbm>> -> memref<1x1x8x128xf32, #tpu.memory_space<hbm>>
      %dma_start3A_708 = tpu.memref_squeeze %dma_start3A_707 : memref<1x1x8x128xf32, #tpu.memory_space<hbm>> -> memref<8x128xf32, #tpu.memory_space<hbm>>
      %dma_start3A_709 = arith.constant 0 : i32
      %dma_start3A_710 = arith.constant 0 : i32
      %dma_start3A_711 = tpu.memref_slice %arg4[%add3A_701, %add3A_556, %dma_start3A_709, %dma_start3A_710] : memref<400x128x8x128xf32, #tpu.memory_space<hbm>> -> memref<1x1x8x128xf32, #tpu.memory_space<hbm>>
      %dma_start3A_712 = tpu.memref_squeeze %dma_start3A_711 : memref<1x1x8x128xf32, #tpu.memory_space<hbm>> -> memref<8x128xf32, #tpu.memory_space<hbm>>
      %dma_start3A_713 = arith.constant 40 : i32
      %dma_start3A_714 = arith.constant 0 : i32
      %dma_start3A_715 = tpu.memref_slice %arg11[%dma_start3A_713, %dma_start3A_714] : memref<64x136xf32, #tpu.memory_space<vmem>> -> memref<8x128xf32, #tpu.memory_space<vmem>>
      tpu.enqueue_dma source(%dma_start3A_715 : memref<8x128xf32, #tpu.memory_space<vmem>>) target(%dma_start3A_712 : memref<8x128xf32, #tpu.memory_space<hbm>>) target_semaphore(%arg13 : memref<!tpu.dma_semaphore, #tpu.memory_space<semaphore_mem>>)
      %mul3A_716 = arith.constant 8 : i32
      %mul3A_717 = arith.muli %select_n3A_551, %mul3A_716 : i32
      %add3A_718 = arith.constant 6 : i32
      %add3A_719 = arith.addi %mul3A_717, %add3A_718 : i32
      %dma_start3A_720 = arith.constant 48 : i32
      %dma_start3A_721 = arith.constant 0 : i32
      %dma_start3A_722 = tpu.memref_slice %arg11[%dma_start3A_720, %dma_start3A_721] : memref<64x136xf32, #tpu.memory_space<vmem>> -> memref<8x128xf32, #tpu.memory_space<vmem>>
      %dma_start3A_723 = arith.constant 0 : i32
      %dma_start3A_724 = arith.constant 0 : i32
      %dma_start3A_725 = tpu.memref_slice %arg4[%add3A_719, %add3A_556, %dma_start3A_723, %dma_start3A_724] : memref<400x128x8x128xf32, #tpu.memory_space<hbm>> -> memref<1x1x8x128xf32, #tpu.memory_space<hbm>>
      %dma_start3A_726 = tpu.memref_squeeze %dma_start3A_725 : memref<1x1x8x128xf32, #tpu.memory_space<hbm>> -> memref<8x128xf32, #tpu.memory_space<hbm>>
      %dma_start3A_727 = arith.constant 0 : i32
      %dma_start3A_728 = arith.constant 0 : i32
      %dma_start3A_729 = tpu.memref_slice %arg4[%add3A_719, %add3A_556, %dma_start3A_727, %dma_start3A_728] : memref<400x128x8x128xf32, #tpu.memory_space<hbm>> -> memref<1x1x8x128xf32, #tpu.memory_space<hbm>>
      %dma_start3A_730 = tpu.memref_squeeze %dma_start3A_729 : memref<1x1x8x128xf32, #tpu.memory_space<hbm>> -> memref<8x128xf32, #tpu.memory_space<hbm>>
      %dma_start3A_731 = arith.constant 48 : i32
      %dma_start3A_732 = arith.constant 0 : i32
      %dma_start3A_733 = tpu.memref_slice %arg11[%dma_start3A_731, %dma_start3A_732] : memref<64x136xf32, #tpu.memory_space<vmem>> -> memref<8x128xf32, #tpu.memory_space<vmem>>
      tpu.enqueue_dma source(%dma_start3A_733 : memref<8x128xf32, #tpu.memory_space<vmem>>) target(%dma_start3A_730 : memref<8x128xf32, #tpu.memory_space<hbm>>) target_semaphore(%arg13 : memref<!tpu.dma_semaphore, #tpu.memory_space<semaphore_mem>>)
      %mul3A_734 = arith.constant 8 : i32
      %mul3A_735 = arith.muli %select_n3A_551, %mul3A_734 : i32
      %add3A_736 = arith.constant 7 : i32
      %add3A_737 = arith.addi %mul3A_735, %add3A_736 : i32
      %dma_start3A_738 = arith.constant 56 : i32
      %dma_start3A_739 = arith.constant 0 : i32
      %dma_start3A_740 = tpu.memref_slice %arg11[%dma_start3A_738, %dma_start3A_739] : memref<64x136xf32, #tpu.memory_space<vmem>> -> memref<8x128xf32, #tpu.memory_space<vmem>>
      %dma_start3A_741 = arith.constant 0 : i32
      %dma_start3A_742 = arith.constant 0 : i32
      %dma_start3A_743 = tpu.memref_slice %arg4[%add3A_737, %add3A_556, %dma_start3A_741, %dma_start3A_742] : memref<400x128x8x128xf32, #tpu.memory_space<hbm>> -> memref<1x1x8x128xf32, #tpu.memory_space<hbm>>
      %dma_start3A_744 = tpu.memref_squeeze %dma_start3A_743 : memref<1x1x8x128xf32, #tpu.memory_space<hbm>> -> memref<8x128xf32, #tpu.memory_space<hbm>>
      %dma_start3A_745 = arith.constant 0 : i32
      %dma_start3A_746 = arith.constant 0 : i32
      %dma_start3A_747 = tpu.memref_slice %arg4[%add3A_737, %add3A_556, %dma_start3A_745, %dma_start3A_746] : memref<400x128x8x128xf32, #tpu.memory_space<hbm>> -> memref<1x1x8x128xf32, #tpu.memory_space<hbm>>
      %dma_start3A_748 = tpu.memref_squeeze %dma_start3A_747 : memref<1x1x8x128xf32, #tpu.memory_space<hbm>> -> memref<8x128xf32, #tpu.memory_space<hbm>>
      %dma_start3A_749 = arith.constant 56 : i32
      %dma_start3A_750 = arith.constant 0 : i32
      %dma_start3A_751 = tpu.memref_slice %arg11[%dma_start3A_749, %dma_start3A_750] : memref<64x136xf32, #tpu.memory_space<vmem>> -> memref<8x128xf32, #tpu.memory_space<vmem>>
      tpu.enqueue_dma source(%dma_start3A_751 : memref<8x128xf32, #tpu.memory_space<vmem>>) target(%dma_start3A_748 : memref<8x128xf32, #tpu.memory_space<hbm>>) target_semaphore(%arg13 : memref<!tpu.dma_semaphore, #tpu.memory_space<semaphore_mem>>)
      %mul3A_752 = arith.constant 4 : i32
      %mul3A_753 = arith.muli %scan3A_306, %mul3A_752 : i32
      %add3A_754 = arith.constant 2 : i32
      %add3A_755 = arith.addi %mul3A_753, %add3A_754 : i32
      %jit3A_756 = arith.constant 4 : i32
      %div3A_757 = arith.divsi %add3A_755, %jit3A_756 : i32
      %sign3A_758 = arith.constant 0 : i32
      %sign3A_759 = arith.cmpi sgt, %add3A_755, %sign3A_758 : i32
      %sign3A_760 = arith.extui %sign3A_759 : i1 to i32
      %sign3A_761 = arith.constant 0 : i32
      %sign3A_762 = arith.cmpi slt, %add3A_755, %sign3A_761 : i32
      %sign3A_763 = arith.extui %sign3A_762 : i1 to i32
      %sign3A_764 = arith.subi %sign3A_760, %sign3A_763 : i32
      %sign3A_765 = arith.constant 0 : i32
      %sign3A_766 = arith.cmpi sgt, %jit3A_756, %sign3A_765 : i32
      %sign3A_767 = arith.extui %sign3A_766 : i1 to i32
      %sign3A_768 = arith.constant 0 : i32
      %sign3A_769 = arith.cmpi slt, %jit3A_756, %sign3A_768 : i32
      %sign3A_770 = arith.extui %sign3A_769 : i1 to i32
      %sign3A_771 = arith.subi %sign3A_767, %sign3A_770 : i32
      %ne3A_772 = arith.cmpi ne, %sign3A_764, %sign3A_771 : i32
      %rem3A_773 = arith.remsi %add3A_755, %jit3A_756 : i32
      %ne3A_774 = arith.constant 0 : i32
      %ne3A_775 = arith.cmpi ne, %rem3A_773, %ne3A_774 : i32
      %and3A_776 = arith.andi %ne3A_772, %ne3A_775 : i1
      %sub3A_777 = arith.constant 1 : i32
      %sub3A_778 = arith.subi %div3A_757, %sub3A_777 : i32
      %select_n3A_779 = arith.select %and3A_776, %sub3A_778, %div3A_757 : i32
      %rem3A_780 = arith.constant 4 : i32
      %rem3A_781 = arith.remsi %add3A_755, %rem3A_780 : i32
      %mul3A_782 = arith.constant 4 : i32
      %mul3A_783 = arith.muli %add3A, %mul3A_782 : i32
      %add3A_784 = arith.addi %mul3A_783, %rem3A_781 : i32
      %jit3A_785 = arith.constant 4 : i32
      %div3A_786 = arith.divsi %add3A_755, %jit3A_785 : i32
      %sign3A_787 = arith.constant 0 : i32
      %sign3A_788 = arith.cmpi sgt, %add3A_755, %sign3A_787 : i32
      %sign3A_789 = arith.extui %sign3A_788 : i1 to i32
      %sign3A_790 = arith.constant 0 : i32
      %sign3A_791 = arith.cmpi slt, %add3A_755, %sign3A_790 : i32
      %sign3A_792 = arith.extui %sign3A_791 : i1 to i32
      %sign3A_793 = arith.subi %sign3A_789, %sign3A_792 : i32
      %sign3A_794 = arith.constant 0 : i32
      %sign3A_795 = arith.cmpi sgt, %jit3A_785, %sign3A_794 : i32
      %sign3A_796 = arith.extui %sign3A_795 : i1 to i32
      %sign3A_797 = arith.constant 0 : i32
      %sign3A_798 = arith.cmpi slt, %jit3A_785, %sign3A_797 : i32
      %sign3A_799 = arith.extui %sign3A_798 : i1 to i32
      %sign3A_800 = arith.subi %sign3A_796, %sign3A_799 : i32
      %ne3A_801 = arith.cmpi ne, %sign3A_793, %sign3A_800 : i32
      %rem3A_802 = arith.remsi %add3A_755, %jit3A_785 : i32
      %ne3A_803 = arith.constant 0 : i32
      %ne3A_804 = arith.cmpi ne, %rem3A_802, %ne3A_803 : i32
      %and3A_805 = arith.andi %ne3A_801, %ne3A_804 : i1
      %sub3A_806 = arith.constant 1 : i32
      %sub3A_807 = arith.subi %div3A_786, %sub3A_806 : i32
      %select_n3A_808 = arith.select %and3A_805, %sub3A_807, %div3A_786 : i32
      %rem3A_809 = arith.constant 4 : i32
      %rem3A_810 = arith.remsi %add3A_755, %rem3A_809 : i32
      %mul3A_811 = arith.constant 128 : i32
      %mul3A_812 = arith.muli %rem3A_810, %mul3A_811 : i32
      %dma_wait3A_813 = tpu.memref_slice %arg5[%select_n3A_808, %mul3A_812] : memref<50x512xi32, #tpu.memory_space<vmem>> -> memref<1x128xi32, #tpu.memory_space<vmem>>
      %dma_wait3A_814 = tpu.memref_squeeze %dma_wait3A_813 : memref<1x128xi32, #tpu.memory_space<vmem>> -> memref<128xi32, #tpu.memory_space<vmem>>
      %dma_wait3A_815 = arith.constant 0 : i32
      %dma_wait3A_816 = arith.constant 0 : i32
      %dma_wait3A_817 = tpu.memref_slice %arg2[%dma_wait3A_815, %dma_wait3A_816] : memref<100000x64xf32, #tpu.memory_space<hbm>> -> memref<100000x64xf32, #tpu.memory_space<hbm>>
      tpu.wait_indirect_dma semaphore(%arg12 : memref<!tpu.dma_semaphore, #tpu.memory_space<semaphore_mem>>) src(%dma_wait3A_817 : memref<100000x64xf32, #tpu.memory_space<hbm>>) dst(%arg8 : memref<128x64xf32, #tpu.memory_space<vmem>>)
      %add3A_818 = arith.constant 3 : i32
      %add3A_819 = arith.addi %add3A_755, %add3A_818 : i32
      %lt3A_820 = arith.constant 200 : i32
      %lt3A_821 = arith.cmpi slt, %add3A_819, %lt3A_820 : i32
      %convert_element_type3A_822 = arith.extui %lt3A_821 : i1 to i32
      %cond3A_823 = arith.constant 0 : i32
      %cond3A_824 = arith.cmpi ne, %convert_element_type3A_822, %cond3A_823 : i32
      scf.if %cond3A_824 {
        %add3A_1208 = arith.constant 3 : i32
        %add3A_1209 = arith.addi %add3A_755, %add3A_1208 : i32
        %jit3A_1210 = arith.constant 4 : i32
        %div3A_1211 = arith.divsi %add3A_1209, %jit3A_1210 : i32
        %sign3A_1212 = arith.constant 0 : i32
        %sign3A_1213 = arith.cmpi sgt, %add3A_1209, %sign3A_1212 : i32
        %sign3A_1214 = arith.extui %sign3A_1213 : i1 to i32
        %sign3A_1215 = arith.constant 0 : i32
        %sign3A_1216 = arith.cmpi slt, %add3A_1209, %sign3A_1215 : i32
        %sign3A_1217 = arith.extui %sign3A_1216 : i1 to i32
        %sign3A_1218 = arith.subi %sign3A_1214, %sign3A_1217 : i32
        %sign3A_1219 = arith.constant 0 : i32
        %sign3A_1220 = arith.cmpi sgt, %jit3A_1210, %sign3A_1219 : i32
        %sign3A_1221 = arith.extui %sign3A_1220 : i1 to i32
        %sign3A_1222 = arith.constant 0 : i32
        %sign3A_1223 = arith.cmpi slt, %jit3A_1210, %sign3A_1222 : i32
        %sign3A_1224 = arith.extui %sign3A_1223 : i1 to i32
        %sign3A_1225 = arith.subi %sign3A_1221, %sign3A_1224 : i32
        %ne3A_1226 = arith.cmpi ne, %sign3A_1218, %sign3A_1225 : i32
        %rem3A_1227 = arith.remsi %add3A_1209, %jit3A_1210 : i32
        %ne3A_1228 = arith.constant 0 : i32
        %ne3A_1229 = arith.cmpi ne, %rem3A_1227, %ne3A_1228 : i32
        %and3A_1230 = arith.andi %ne3A_1226, %ne3A_1229 : i1
        %sub3A_1231 = arith.constant 1 : i32
        %sub3A_1232 = arith.subi %div3A_1211, %sub3A_1231 : i32
        %select_n3A_1233 = arith.select %and3A_1230, %sub3A_1232, %div3A_1211 : i32
        %rem3A_1234 = arith.constant 4 : i32
        %rem3A_1235 = arith.remsi %add3A_1209, %rem3A_1234 : i32
        %mul3A_1236 = arith.constant 128 : i32
        %mul3A_1237 = arith.muli %rem3A_1235, %mul3A_1236 : i32
        %dma_start3A_1238 = tpu.memref_slice %arg5[%select_n3A_1233, %mul3A_1237] : memref<50x512xi32, #tpu.memory_space<vmem>> -> memref<1x128xi32, #tpu.memory_space<vmem>>
        %dma_start3A_1239 = tpu.memref_squeeze %dma_start3A_1238 : memref<1x128xi32, #tpu.memory_space<vmem>> -> memref<128xi32, #tpu.memory_space<vmem>>
        %dma_start3A_1240 = arith.constant 0 : i32
        %dma_start3A_1241 = arith.constant 0 : i32
        %dma_start3A_1242 = tpu.memref_slice %arg2[%dma_start3A_1240, %dma_start3A_1241] : memref<100000x64xf32, #tpu.memory_space<hbm>> -> memref<100000x64xf32, #tpu.memory_space<hbm>>
        tpu.enqueue_indirect_dma source(%dma_start3A_1242 : memref<100000x64xf32, #tpu.memory_space<hbm>>) target(%arg7 : memref<128x64xf32, #tpu.memory_space<vmem>>) offsets(%dma_start3A_1239 : memref<128xi32, #tpu.memory_space<vmem>>) semaphore(%arg12 : memref<!tpu.dma_semaphore, #tpu.memory_space<semaphore_mem>>)
      } else {
      }
      %ge3A_825 = arith.constant 2 : i32
      %ge3A_826 = arith.cmpi sge, %add3A_755, %ge3A_825 : i32
      %convert_element_type3A_827 = arith.extui %ge3A_826 : i1 to i32
      %cond3A_828 = arith.constant 0 : i32
      %cond3A_829 = arith.cmpi ne, %convert_element_type3A_827, %cond3A_828 : i32
      scf.if %cond3A_829 {
        %dma_wait3A_1208 = arith.constant 0 : i32
        %dma_wait3A_1209 = arith.constant 0 : i32
        %dma_wait3A_1210 = arith.constant 0 : i32
        %dma_wait3A_1211 = arith.constant 0 : i32
        %dma_wait3A_1212 = tpu.memref_slice %arg10[%dma_wait3A_1210, %dma_wait3A_1211] : memref<64x136xf32, #tpu.memory_space<vmem>> -> memref<8x128xf32, #tpu.memory_space<vmem>>
        %dma_wait3A_1213 = arith.constant 0 : i32
        %dma_wait3A_1214 = arith.constant 0 : i32
        %dma_wait3A_1215 = tpu.memref_slice %arg4[%dma_wait3A_1208, %dma_wait3A_1209, %dma_wait3A_1213, %dma_wait3A_1214] : memref<400x128x8x128xf32, #tpu.memory_space<hbm>> -> memref<1x1x8x128xf32, #tpu.memory_space<hbm>>
        %dma_wait3A_1216 = tpu.memref_squeeze %dma_wait3A_1215 : memref<1x1x8x128xf32, #tpu.memory_space<hbm>> -> memref<8x128xf32, #tpu.memory_space<hbm>>
        %dma_wait3A_1217 = arith.constant 0 : i32
        %dma_wait3A_1218 = arith.constant 0 : i32
        %dma_wait3A_1219 = tpu.memref_slice %arg4[%dma_wait3A_1208, %dma_wait3A_1209, %dma_wait3A_1217, %dma_wait3A_1218] : memref<400x128x8x128xf32, #tpu.memory_space<hbm>> -> memref<1x1x8x128xf32, #tpu.memory_space<hbm>>
        %dma_wait3A_1220 = tpu.memref_squeeze %dma_wait3A_1219 : memref<1x1x8x128xf32, #tpu.memory_space<hbm>> -> memref<8x128xf32, #tpu.memory_space<hbm>>
        %dma_wait3A_1221 = arith.constant 0 : i32
        %dma_wait3A_1222 = arith.constant 0 : i32
        %dma_wait3A_1223 = tpu.memref_slice %arg10[%dma_wait3A_1221, %dma_wait3A_1222] : memref<64x136xf32, #tpu.memory_space<vmem>> -> memref<8x128xf32, #tpu.memory_space<vmem>>
        tpu.wait_dma2 semaphore(%arg13 : memref<!tpu.dma_semaphore, #tpu.memory_space<semaphore_mem>>) src(%dma_wait3A_1223 : memref<8x128xf32, #tpu.memory_space<vmem>>) dst(%dma_wait3A_1220 : memref<8x128xf32, #tpu.memory_space<hbm>>)
        %dma_wait3A_1224 = arith.constant 0 : i32
        %dma_wait3A_1225 = arith.constant 0 : i32
        %dma_wait3A_1226 = arith.constant 0 : i32
        %dma_wait3A_1227 = arith.constant 0 : i32
        %dma_wait3A_1228 = tpu.memref_slice %arg10[%dma_wait3A_1226, %dma_wait3A_1227] : memref<64x136xf32, #tpu.memory_space<vmem>> -> memref<8x128xf32, #tpu.memory_space<vmem>>
        %dma_wait3A_1229 = arith.constant 0 : i32
        %dma_wait3A_1230 = arith.constant 0 : i32
        %dma_wait3A_1231 = tpu.memref_slice %arg4[%dma_wait3A_1224, %dma_wait3A_1225, %dma_wait3A_1229, %dma_wait3A_1230] : memref<400x128x8x128xf32, #tpu.memory_space<hbm>> -> memref<1x1x8x128xf32, #tpu.memory_space<hbm>>
        %dma_wait3A_1232 = tpu.memref_squeeze %dma_wait3A_1231 : memref<1x1x8x128xf32, #tpu.memory_space<hbm>> -> memref<8x128xf32, #tpu.memory_space<hbm>>
        %dma_wait3A_1233 = arith.constant 0 : i32
        %dma_wait3A_1234 = arith.constant 0 : i32
        %dma_wait3A_1235 = tpu.memref_slice %arg4[%dma_wait3A_1224, %dma_wait3A_1225, %dma_wait3A_1233, %dma_wait3A_1234] : memref<400x128x8x128xf32, #tpu.memory_space<hbm>> -> memref<1x1x8x128xf32, #tpu.memory_space<hbm>>
        %dma_wait3A_1236 = tpu.memref_squeeze %dma_wait3A_1235 : memref<1x1x8x128xf32, #tpu.memory_space<hbm>> -> memref<8x128xf32, #tpu.memory_space<hbm>>
        %dma_wait3A_1237 = arith.constant 0 : i32
        %dma_wait3A_1238 = arith.constant 0 : i32
        %dma_wait3A_1239 = tpu.memref_slice %arg10[%dma_wait3A_1237, %dma_wait3A_1238] : memref<64x136xf32, #tpu.memory_space<vmem>> -> memref<8x128xf32, #tpu.memory_space<vmem>>
        tpu.wait_dma2 semaphore(%arg13 : memref<!tpu.dma_semaphore, #tpu.memory_space<semaphore_mem>>) src(%dma_wait3A_1239 : memref<8x128xf32, #tpu.memory_space<vmem>>) dst(%dma_wait3A_1236 : memref<8x128xf32, #tpu.memory_space<hbm>>)
        %dma_wait3A_1240 = arith.constant 0 : i32
        %dma_wait3A_1241 = arith.constant 0 : i32
        %dma_wait3A_1242 = arith.constant 0 : i32
        %dma_wait3A_1243 = arith.constant 0 : i32
        %dma_wait3A_1244 = tpu.memref_slice %arg10[%dma_wait3A_1242, %dma_wait3A_1243] : memref<64x136xf32, #tpu.memory_space<vmem>> -> memref<8x128xf32, #tpu.memory_space<vmem>>
        %dma_wait3A_1245 = arith.constant 0 : i32
        %dma_wait3A_1246 = arith.constant 0 : i32
        %dma_wait3A_1247 = tpu.memref_slice %arg4[%dma_wait3A_1240, %dma_wait3A_1241, %dma_wait3A_1245, %dma_wait3A_1246] : memref<400x128x8x128xf32, #tpu.memory_space<hbm>> -> memref<1x1x8x128xf32, #tpu.memory_space<hbm>>
        %dma_wait3A_1248 = tpu.memref_squeeze %dma_wait3A_1247 : memref<1x1x8x128xf32, #tpu.memory_space<hbm>> -> memref<8x128xf32, #tpu.memory_space<hbm>>
        %dma_wait3A_1249 = arith.constant 0 : i32
        %dma_wait3A_1250 = arith.constant 0 : i32
        %dma_wait3A_1251 = tpu.memref_slice %arg4[%dma_wait3A_1240, %dma_wait3A_1241, %dma_wait3A_1249, %dma_wait3A_1250] : memref<400x128x8x128xf32, #tpu.memory_space<hbm>> -> memref<1x1x8x128xf32, #tpu.memory_space<hbm>>
        %dma_wait3A_1252 = tpu.memref_squeeze %dma_wait3A_1251 : memref<1x1x8x128xf32, #tpu.memory_space<hbm>> -> memref<8x128xf32, #tpu.memory_space<hbm>>
        %dma_wait3A_1253 = arith.constant 0 : i32
        %dma_wait3A_1254 = arith.constant 0 : i32
        %dma_wait3A_1255 = tpu.memref_slice %arg10[%dma_wait3A_1253, %dma_wait3A_1254] : memref<64x136xf32, #tpu.memory_space<vmem>> -> memref<8x128xf32, #tpu.memory_space<vmem>>
        tpu.wait_dma2 semaphore(%arg13 : memref<!tpu.dma_semaphore, #tpu.memory_space<semaphore_mem>>) src(%dma_wait3A_1255 : memref<8x128xf32, #tpu.memory_space<vmem>>) dst(%dma_wait3A_1252 : memref<8x128xf32, #tpu.memory_space<hbm>>)
        %dma_wait3A_1256 = arith.constant 0 : i32
        %dma_wait3A_1257 = arith.constant 0 : i32
        %dma_wait3A_1258 = arith.constant 0 : i32
        %dma_wait3A_1259 = arith.constant 0 : i32
        %dma_wait3A_1260 = tpu.memref_slice %arg10[%dma_wait3A_1258, %dma_wait3A_1259] : memref<64x136xf32, #tpu.memory_space<vmem>> -> memref<8x128xf32, #tpu.memory_space<vmem>>
        %dma_wait3A_1261 = arith.constant 0 : i32
        %dma_wait3A_1262 = arith.constant 0 : i32
        %dma_wait3A_1263 = tpu.memref_slice %arg4[%dma_wait3A_1256, %dma_wait3A_1257, %dma_wait3A_1261, %dma_wait3A_1262] : memref<400x128x8x128xf32, #tpu.memory_space<hbm>> -> memref<1x1x8x128xf32, #tpu.memory_space<hbm>>
        %dma_wait3A_1264 = tpu.memref_squeeze %dma_wait3A_1263 : memref<1x1x8x128xf32, #tpu.memory_space<hbm>> -> memref<8x128xf32, #tpu.memory_space<hbm>>
        %dma_wait3A_1265 = arith.constant 0 : i32
        %dma_wait3A_1266 = arith.constant 0 : i32
        %dma_wait3A_1267 = tpu.memref_slice %arg4[%dma_wait3A_1256, %dma_wait3A_1257, %dma_wait3A_1265, %dma_wait3A_1266] : memref<400x128x8x128xf32, #tpu.memory_space<hbm>> -> memref<1x1x8x128xf32, #tpu.memory_space<hbm>>
        %dma_wait3A_1268 = tpu.memref_squeeze %dma_wait3A_1267 : memref<1x1x8x128xf32, #tpu.memory_space<hbm>> -> memref<8x128xf32, #tpu.memory_space<hbm>>
        %dma_wait3A_1269 = arith.constant 0 : i32
        %dma_wait3A_1270 = arith.constant 0 : i32
        %dma_wait3A_1271 = tpu.memref_slice %arg10[%dma_wait3A_1269, %dma_wait3A_1270] : memref<64x136xf32, #tpu.memory_space<vmem>> -> memref<8x128xf32, #tpu.memory_space<vmem>>
        tpu.wait_dma2 semaphore(%arg13 : memref<!tpu.dma_semaphore, #tpu.memory_space<semaphore_mem>>) src(%dma_wait3A_1271 : memref<8x128xf32, #tpu.memory_space<vmem>>) dst(%dma_wait3A_1268 : memref<8x128xf32, #tpu.memory_space<hbm>>)
        %dma_wait3A_1272 = arith.constant 0 : i32
        %dma_wait3A_1273 = arith.constant 0 : i32
        %dma_wait3A_1274 = arith.constant 0 : i32
        %dma_wait3A_1275 = arith.constant 0 : i32
        %dma_wait3A_1276 = tpu.memref_slice %arg10[%dma_wait3A_1274, %dma_wait3A_1275] : memref<64x136xf32, #tpu.memory_space<vmem>> -> memref<8x128xf32, #tpu.memory_space<vmem>>
        %dma_wait3A_1277 = arith.constant 0 : i32
        %dma_wait3A_1278 = arith.constant 0 : i32
        %dma_wait3A_1279 = tpu.memref_slice %arg4[%dma_wait3A_1272, %dma_wait3A_1273, %dma_wait3A_1277, %dma_wait3A_1278] : memref<400x128x8x128xf32, #tpu.memory_space<hbm>> -> memref<1x1x8x128xf32, #tpu.memory_space<hbm>>
        %dma_wait3A_1280 = tpu.memref_squeeze %dma_wait3A_1279 : memref<1x1x8x128xf32, #tpu.memory_space<hbm>> -> memref<8x128xf32, #tpu.memory_space<hbm>>
        %dma_wait3A_1281 = arith.constant 0 : i32
        %dma_wait3A_1282 = arith.constant 0 : i32
        %dma_wait3A_1283 = tpu.memref_slice %arg4[%dma_wait3A_1272, %dma_wait3A_1273, %dma_wait3A_1281, %dma_wait3A_1282] : memref<400x128x8x128xf32, #tpu.memory_space<hbm>> -> memref<1x1x8x128xf32, #tpu.memory_space<hbm>>
        %dma_wait3A_1284 = tpu.memref_squeeze %dma_wait3A_1283 : memref<1x1x8x128xf32, #tpu.memory_space<hbm>> -> memref<8x128xf32, #tpu.memory_space<hbm>>
        %dma_wait3A_1285 = arith.constant 0 : i32
        %dma_wait3A_1286 = arith.constant 0 : i32
        %dma_wait3A_1287 = tpu.memref_slice %arg10[%dma_wait3A_1285, %dma_wait3A_1286] : memref<64x136xf32, #tpu.memory_space<vmem>> -> memref<8x128xf32, #tpu.memory_space<vmem>>
        tpu.wait_dma2 semaphore(%arg13 : memref<!tpu.dma_semaphore, #tpu.memory_space<semaphore_mem>>) src(%dma_wait3A_1287 : memref<8x128xf32, #tpu.memory_space<vmem>>) dst(%dma_wait3A_1284 : memref<8x128xf32, #tpu.memory_space<hbm>>)
        %dma_wait3A_1288 = arith.constant 0 : i32
        %dma_wait3A_1289 = arith.constant 0 : i32
        %dma_wait3A_1290 = arith.constant 0 : i32
        %dma_wait3A_1291 = arith.constant 0 : i32
        %dma_wait3A_1292 = tpu.memref_slice %arg10[%dma_wait3A_1290, %dma_wait3A_1291] : memref<64x136xf32, #tpu.memory_space<vmem>> -> memref<8x128xf32, #tpu.memory_space<vmem>>
        %dma_wait3A_1293 = arith.constant 0 : i32
        %dma_wait3A_1294 = arith.constant 0 : i32
        %dma_wait3A_1295 = tpu.memref_slice %arg4[%dma_wait3A_1288, %dma_wait3A_1289, %dma_wait3A_1293, %dma_wait3A_1294] : memref<400x128x8x128xf32, #tpu.memory_space<hbm>> -> memref<1x1x8x128xf32, #tpu.memory_space<hbm>>
        %dma_wait3A_1296 = tpu.memref_squeeze %dma_wait3A_1295 : memref<1x1x8x128xf32, #tpu.memory_space<hbm>> -> memref<8x128xf32, #tpu.memory_space<hbm>>
        %dma_wait3A_1297 = arith.constant 0 : i32
        %dma_wait3A_1298 = arith.constant 0 : i32
        %dma_wait3A_1299 = tpu.memref_slice %arg4[%dma_wait3A_1288, %dma_wait3A_1289, %dma_wait3A_1297, %dma_wait3A_1298] : memref<400x128x8x128xf32, #tpu.memory_space<hbm>> -> memref<1x1x8x128xf32, #tpu.memory_space<hbm>>
        %dma_wait3A_1300 = tpu.memref_squeeze %dma_wait3A_1299 : memref<1x1x8x128xf32, #tpu.memory_space<hbm>> -> memref<8x128xf32, #tpu.memory_space<hbm>>
        %dma_wait3A_1301 = arith.constant 0 : i32
        %dma_wait3A_1302 = arith.constant 0 : i32
        %dma_wait3A_1303 = tpu.memref_slice %arg10[%dma_wait3A_1301, %dma_wait3A_1302] : memref<64x136xf32, #tpu.memory_space<vmem>> -> memref<8x128xf32, #tpu.memory_space<vmem>>
        tpu.wait_dma2 semaphore(%arg13 : memref<!tpu.dma_semaphore, #tpu.memory_space<semaphore_mem>>) src(%dma_wait3A_1303 : memref<8x128xf32, #tpu.memory_space<vmem>>) dst(%dma_wait3A_1300 : memref<8x128xf32, #tpu.memory_space<hbm>>)
        %dma_wait3A_1304 = arith.constant 0 : i32
        %dma_wait3A_1305 = arith.constant 0 : i32
        %dma_wait3A_1306 = arith.constant 0 : i32
        %dma_wait3A_1307 = arith.constant 0 : i32
        %dma_wait3A_1308 = tpu.memref_slice %arg10[%dma_wait3A_1306, %dma_wait3A_1307] : memref<64x136xf32, #tpu.memory_space<vmem>> -> memref<8x128xf32, #tpu.memory_space<vmem>>
        %dma_wait3A_1309 = arith.constant 0 : i32
        %dma_wait3A_1310 = arith.constant 0 : i32
        %dma_wait3A_1311 = tpu.memref_slice %arg4[%dma_wait3A_1304, %dma_wait3A_1305, %dma_wait3A_1309, %dma_wait3A_1310] : memref<400x128x8x128xf32, #tpu.memory_space<hbm>> -> memref<1x1x8x128xf32, #tpu.memory_space<hbm>>
        %dma_wait3A_1312 = tpu.memref_squeeze %dma_wait3A_1311 : memref<1x1x8x128xf32, #tpu.memory_space<hbm>> -> memref<8x128xf32, #tpu.memory_space<hbm>>
        %dma_wait3A_1313 = arith.constant 0 : i32
        %dma_wait3A_1314 = arith.constant 0 : i32
        %dma_wait3A_1315 = tpu.memref_slice %arg4[%dma_wait3A_1304, %dma_wait3A_1305, %dma_wait3A_1313, %dma_wait3A_1314] : memref<400x128x8x128xf32, #tpu.memory_space<hbm>> -> memref<1x1x8x128xf32, #tpu.memory_space<hbm>>
        %dma_wait3A_1316 = tpu.memref_squeeze %dma_wait3A_1315 : memref<1x1x8x128xf32, #tpu.memory_space<hbm>> -> memref<8x128xf32, #tpu.memory_space<hbm>>
        %dma_wait3A_1317 = arith.constant 0 : i32
        %dma_wait3A_1318 = arith.constant 0 : i32
        %dma_wait3A_1319 = tpu.memref_slice %arg10[%dma_wait3A_1317, %dma_wait3A_1318] : memref<64x136xf32, #tpu.memory_space<vmem>> -> memref<8x128xf32, #tpu.memory_space<vmem>>
        tpu.wait_dma2 semaphore(%arg13 : memref<!tpu.dma_semaphore, #tpu.memory_space<semaphore_mem>>) src(%dma_wait3A_1319 : memref<8x128xf32, #tpu.memory_space<vmem>>) dst(%dma_wait3A_1316 : memref<8x128xf32, #tpu.memory_space<hbm>>)
        %dma_wait3A_1320 = arith.constant 0 : i32
        %dma_wait3A_1321 = arith.constant 0 : i32
        %dma_wait3A_1322 = arith.constant 0 : i32
        %dma_wait3A_1323 = arith.constant 0 : i32
        %dma_wait3A_1324 = tpu.memref_slice %arg10[%dma_wait3A_1322, %dma_wait3A_1323] : memref<64x136xf32, #tpu.memory_space<vmem>> -> memref<8x128xf32, #tpu.memory_space<vmem>>
        %dma_wait3A_1325 = arith.constant 0 : i32
        %dma_wait3A_1326 = arith.constant 0 : i32
        %dma_wait3A_1327 = tpu.memref_slice %arg4[%dma_wait3A_1320, %dma_wait3A_1321, %dma_wait3A_1325, %dma_wait3A_1326] : memref<400x128x8x128xf32, #tpu.memory_space<hbm>> -> memref<1x1x8x128xf32, #tpu.memory_space<hbm>>
        %dma_wait3A_1328 = tpu.memref_squeeze %dma_wait3A_1327 : memref<1x1x8x128xf32, #tpu.memory_space<hbm>> -> memref<8x128xf32, #tpu.memory_space<hbm>>
        %dma_wait3A_1329 = arith.constant 0 : i32
        %dma_wait3A_1330 = arith.constant 0 : i32
        %dma_wait3A_1331 = tpu.memref_slice %arg4[%dma_wait3A_1320, %dma_wait3A_1321, %dma_wait3A_1329, %dma_wait3A_1330] : memref<400x128x8x128xf32, #tpu.memory_space<hbm>> -> memref<1x1x8x128xf32, #tpu.memory_space<hbm>>
        %dma_wait3A_1332 = tpu.memref_squeeze %dma_wait3A_1331 : memref<1x1x8x128xf32, #tpu.memory_space<hbm>> -> memref<8x128xf32, #tpu.memory_space<hbm>>
        %dma_wait3A_1333 = arith.constant 0 : i32
        %dma_wait3A_1334 = arith.constant 0 : i32
        %dma_wait3A_1335 = tpu.memref_slice %arg10[%dma_wait3A_1333, %dma_wait3A_1334] : memref<64x136xf32, #tpu.memory_space<vmem>> -> memref<8x128xf32, #tpu.memory_space<vmem>>
        tpu.wait_dma2 semaphore(%arg13 : memref<!tpu.dma_semaphore, #tpu.memory_space<semaphore_mem>>) src(%dma_wait3A_1335 : memref<8x128xf32, #tpu.memory_space<vmem>>) dst(%dma_wait3A_1332 : memref<8x128xf32, #tpu.memory_space<hbm>>)
      } else {
      }
      %scan3A_830 = arith.constant 0 : i32
      %scan3A_831 = arith.constant 0 : i32
      %scan3A_832 = arith.constant 16 : i32
      %scan3A_833 = arith.addi %scan3A_831, %scan3A_832 : i32
      %scan3A_834 = arith.constant 1 : i32
      scf.for %scan3A_1208 = %scan3A_831 to %scan3A_833 step %scan3A_834  : i32 {
        %mul3A_1209 = arith.constant 8 : i32
        %mul3A_1210 = arith.muli %scan3A_1208, %mul3A_1209 : i32
        %add3A_1211 = arith.constant 0 : i32
        %add3A_1212 = arith.addi %mul3A_1210, %add3A_1211 : i32
        %broadcast_in_dim3A = arith.constant 0 : i32
        %broadcast_in_dim3A_1213 = vector.broadcast %broadcast_in_dim3A : i32 to vector<16xi32>
        %add3A_1214 = vector.broadcast %add3A_1212 : i32 to vector<16xi32>
        %add3A_1215 = arith.addi %broadcast_in_dim3A_1213, %add3A_1214 : vector<16xi32>
        %get3A = arith.index_cast %add3A_1212 : i32 to index
        %get3A_1216 = arith.constant 0 : index
        %get3A_1217 = tpu.vector_load %arg8[%get3A, %get3A_1216] {strides = array<i32>} : memref<128x64xf32, #tpu.memory_space<vmem>>, vector<16xf32>,
        %get3A_1218 = arith.index_cast %add3A_1212 : i32 to index
        %get3A_1219 = arith.constant 16 : index
        %get3A_1220 = tpu.vector_load %arg8[%get3A_1218, %get3A_1219] {strides = array<i32>} : memref<128x64xf32, #tpu.memory_space<vmem>>, vector<16xf32>,
        %get3A_1221 = arith.index_cast %add3A_1212 : i32 to index
        %get3A_1222 = arith.constant 32 : index
        %get3A_1223 = tpu.vector_load %arg8[%get3A_1221, %get3A_1222] {strides = array<i32>} : memref<128x64xf32, #tpu.memory_space<vmem>>, vector<16xf32>,
        %get3A_1224 = arith.index_cast %add3A_1212 : i32 to index
        %get3A_1225 = arith.constant 48 : index
        %get3A_1226 = tpu.vector_load %arg8[%get3A_1224, %get3A_1225] {strides = array<i32>} : memref<128x64xf32, #tpu.memory_space<vmem>>, vector<16xf32>,
        tpu.vector_store_idx %arg10[%add3A_5, %add3A_1215], %get3A_1217 : memref<64x136xf32, #tpu.memory_space<vmem>>[vector<16xi32>, vector<16xi32>], vector<16xf32>,
        tpu.vector_store_idx %arg10[%add3A_8, %add3A_1215], %get3A_1220 : memref<64x136xf32, #tpu.memory_space<vmem>>[vector<16xi32>, vector<16xi32>], vector<16xf32>,
        tpu.vector_store_idx %arg10[%add3A_11, %add3A_1215], %get3A_1223 : memref<64x136xf32, #tpu.memory_space<vmem>>[vector<16xi32>, vector<16xi32>], vector<16xf32>,
        tpu.vector_store_idx %arg10[%add3A_14, %add3A_1215], %get3A_1226 : memref<64x136xf32, #tpu.memory_space<vmem>>[vector<16xi32>, vector<16xi32>], vector<16xf32>,
        %mul3A_1227 = arith.constant 8 : i32
        %mul3A_1228 = arith.muli %scan3A_1208, %mul3A_1227 : i32
        %add3A_1229 = arith.constant 1 : i32
        %add3A_1230 = arith.addi %mul3A_1228, %add3A_1229 : i32
        %broadcast_in_dim3A_1231 = arith.constant 0 : i32
        %broadcast_in_dim3A_1232 = vector.broadcast %broadcast_in_dim3A_1231 : i32 to vector<16xi32>
        %add3A_1233 = vector.broadcast %add3A_1230 : i32 to vector<16xi32>
        %add3A_1234 = arith.addi %broadcast_in_dim3A_1232, %add3A_1233 : vector<16xi32>
        %get3A_1235 = arith.index_cast %add3A_1230 : i32 to index
        %get3A_1236 = arith.constant 0 : index
        %get3A_1237 = tpu.vector_load %arg8[%get3A_1235, %get3A_1236] {strides = array<i32>} : memref<128x64xf32, #tpu.memory_space<vmem>>, vector<16xf32>,
        %get3A_1238 = arith.index_cast %add3A_1230 : i32 to index
        %get3A_1239 = arith.constant 16 : index
        %get3A_1240 = tpu.vector_load %arg8[%get3A_1238, %get3A_1239] {strides = array<i32>} : memref<128x64xf32, #tpu.memory_space<vmem>>, vector<16xf32>,
        %get3A_1241 = arith.index_cast %add3A_1230 : i32 to index
        %get3A_1242 = arith.constant 32 : index
        %get3A_1243 = tpu.vector_load %arg8[%get3A_1241, %get3A_1242] {strides = array<i32>} : memref<128x64xf32, #tpu.memory_space<vmem>>, vector<16xf32>,
        %get3A_1244 = arith.index_cast %add3A_1230 : i32 to index
        %get3A_1245 = arith.constant 48 : index
        %get3A_1246 = tpu.vector_load %arg8[%get3A_1244, %get3A_1245] {strides = array<i32>} : memref<128x64xf32, #tpu.memory_space<vmem>>, vector<16xf32>,
        tpu.vector_store_idx %arg10[%add3A_5, %add3A_1234], %get3A_1237 : memref<64x136xf32, #tpu.memory_space<vmem>>[vector<16xi32>, vector<16xi32>], vector<16xf32>,
        tpu.vector_store_idx %arg10[%add3A_8, %add3A_1234], %get3A_1240 : memref<64x136xf32, #tpu.memory_space<vmem>>[vector<16xi32>, vector<16xi32>], vector<16xf32>,
        tpu.vector_store_idx %arg10[%add3A_11, %add3A_1234], %get3A_1243 : memref<64x136xf32, #tpu.memory_space<vmem>>[vector<16xi32>, vector<16xi32>], vector<16xf32>,
        tpu.vector_store_idx %arg10[%add3A_14, %add3A_1234], %get3A_1246 : memref<64x136xf32, #tpu.memory_space<vmem>>[vector<16xi32>, vector<16xi32>], vector<16xf32>,
        %mul3A_1247 = arith.constant 8 : i32
        %mul3A_1248 = arith.muli %scan3A_1208, %mul3A_1247 : i32
        %add3A_1249 = arith.constant 2 : i32
        %add3A_1250 = arith.addi %mul3A_1248, %add3A_1249 : i32
        %broadcast_in_dim3A_1251 = arith.constant 0 : i32
        %broadcast_in_dim3A_1252 = vector.broadcast %broadcast_in_dim3A_1251 : i32 to vector<16xi32>
        %add3A_1253 = vector.broadcast %add3A_1250 : i32 to vector<16xi32>
        %add3A_1254 = arith.addi %broadcast_in_dim3A_1252, %add3A_1253 : vector<16xi32>
        %get3A_1255 = arith.index_cast %add3A_1250 : i32 to index
        %get3A_1256 = arith.constant 0 : index
        %get3A_1257 = tpu.vector_load %arg8[%get3A_1255, %get3A_1256] {strides = array<i32>} : memref<128x64xf32, #tpu.memory_space<vmem>>, vector<16xf32>,
        %get3A_1258 = arith.index_cast %add3A_1250 : i32 to index
        %get3A_1259 = arith.constant 16 : index
        %get3A_1260 = tpu.vector_load %arg8[%get3A_1258, %get3A_1259] {strides = array<i32>} : memref<128x64xf32, #tpu.memory_space<vmem>>, vector<16xf32>,
        %get3A_1261 = arith.index_cast %add3A_1250 : i32 to index
        %get3A_1262 = arith.constant 32 : index
        %get3A_1263 = tpu.vector_load %arg8[%get3A_1261, %get3A_1262] {strides = array<i32>} : memref<128x64xf32, #tpu.memory_space<vmem>>, vector<16xf32>,
        %get3A_1264 = arith.index_cast %add3A_1250 : i32 to index
        %get3A_1265 = arith.constant 48 : index
        %get3A_1266 = tpu.vector_load %arg8[%get3A_1264, %get3A_1265] {strides = array<i32>} : memref<128x64xf32, #tpu.memory_space<vmem>>, vector<16xf32>,
        tpu.vector_store_idx %arg10[%add3A_5, %add3A_1254], %get3A_1257 : memref<64x136xf32, #tpu.memory_space<vmem>>[vector<16xi32>, vector<16xi32>], vector<16xf32>,
        tpu.vector_store_idx %arg10[%add3A_8, %add3A_1254], %get3A_1260 : memref<64x136xf32, #tpu.memory_space<vmem>>[vector<16xi32>, vector<16xi32>], vector<16xf32>,
        tpu.vector_store_idx %arg10[%add3A_11, %add3A_1254], %get3A_1263 : memref<64x136xf32, #tpu.memory_space<vmem>>[vector<16xi32>, vector<16xi32>], vector<16xf32>,
        tpu.vector_store_idx %arg10[%add3A_14, %add3A_1254], %get3A_1266 : memref<64x136xf32, #tpu.memory_space<vmem>>[vector<16xi32>, vector<16xi32>], vector<16xf32>,
        %mul3A_1267 = arith.constant 8 : i32
        %mul3A_1268 = arith.muli %scan3A_1208, %mul3A_1267 : i32
        %add3A_1269 = arith.constant 3 : i32
        %add3A_1270 = arith.addi %mul3A_1268, %add3A_1269 : i32
        %broadcast_in_dim3A_1271 = arith.constant 0 : i32
        %broadcast_in_dim3A_1272 = vector.broadcast %broadcast_in_dim3A_1271 : i32 to vector<16xi32>
        %add3A_1273 = vector.broadcast %add3A_1270 : i32 to vector<16xi32>
        %add3A_1274 = arith.addi %broadcast_in_dim3A_1272, %add3A_1273 : vector<16xi32>
        %get3A_1275 = arith.index_cast %add3A_1270 : i32 to index
        %get3A_1276 = arith.constant 0 : index
        %get3A_1277 = tpu.vector_load %arg8[%get3A_1275, %get3A_1276] {strides = array<i32>} : memref<128x64xf32, #tpu.memory_space<vmem>>, vector<16xf32>,
        %get3A_1278 = arith.index_cast %add3A_1270 : i32 to index
        %get3A_1279 = arith.constant 16 : index
        %get3A_1280 = tpu.vector_load %arg8[%get3A_1278, %get3A_1279] {strides = array<i32>} : memref<128x64xf32, #tpu.memory_space<vmem>>, vector<16xf32>,
        %get3A_1281 = arith.index_cast %add3A_1270 : i32 to index
        %get3A_1282 = arith.constant 32 : index
        %get3A_1283 = tpu.vector_load %arg8[%get3A_1281, %get3A_1282] {strides = array<i32>} : memref<128x64xf32, #tpu.memory_space<vmem>>, vector<16xf32>,
        %get3A_1284 = arith.index_cast %add3A_1270 : i32 to index
        %get3A_1285 = arith.constant 48 : index
        %get3A_1286 = tpu.vector_load %arg8[%get3A_1284, %get3A_1285] {strides = array<i32>} : memref<128x64xf32, #tpu.memory_space<vmem>>, vector<16xf32>,
        tpu.vector_store_idx %arg10[%add3A_5, %add3A_1274], %get3A_1277 : memref<64x136xf32, #tpu.memory_space<vmem>>[vector<16xi32>, vector<16xi32>], vector<16xf32>,
        tpu.vector_store_idx %arg10[%add3A_8, %add3A_1274], %get3A_1280 : memref<64x136xf32, #tpu.memory_space<vmem>>[vector<16xi32>, vector<16xi32>], vector<16xf32>,
        tpu.vector_store_idx %arg10[%add3A_11, %add3A_1274], %get3A_1283 : memref<64x136xf32, #tpu.memory_space<vmem>>[vector<16xi32>, vector<16xi32>], vector<16xf32>,
        tpu.vector_store_idx %arg10[%add3A_14, %add3A_1274], %get3A_1286 : memref<64x136xf32, #tpu.memory_space<vmem>>[vector<16xi32>, vector<16xi32>], vector<16xf32>,
        %mul3A_1287 = arith.constant 8 : i32
        %mul3A_1288 = arith.muli %scan3A_1208, %mul3A_1287 : i32
        %add3A_1289 = arith.constant 4 : i32
        %add3A_1290 = arith.addi %mul3A_1288, %add3A_1289 : i32
        %broadcast_in_dim3A_1291 = arith.constant 0 : i32
        %broadcast_in_dim3A_1292 = vector.broadcast %broadcast_in_dim3A_1291 : i32 to vector<16xi32>
        %add3A_1293 = vector.broadcast %add3A_1290 : i32 to vector<16xi32>
        %add3A_1294 = arith.addi %broadcast_in_dim3A_1292, %add3A_1293 : vector<16xi32>
        %get3A_1295 = arith.index_cast %add3A_1290 : i32 to index
        %get3A_1296 = arith.constant 0 : index
        %get3A_1297 = tpu.vector_load %arg8[%get3A_1295, %get3A_1296] {strides = array<i32>} : memref<128x64xf32, #tpu.memory_space<vmem>>, vector<16xf32>,
        %get3A_1298 = arith.index_cast %add3A_1290 : i32 to index
        %get3A_1299 = arith.constant 16 : index
        %get3A_1300 = tpu.vector_load %arg8[%get3A_1298, %get3A_1299] {strides = array<i32>} : memref<128x64xf32, #tpu.memory_space<vmem>>, vector<16xf32>,
        %get3A_1301 = arith.index_cast %add3A_1290 : i32 to index
        %get3A_1302 = arith.constant 32 : index
        %get3A_1303 = tpu.vector_load %arg8[%get3A_1301, %get3A_1302] {strides = array<i32>} : memref<128x64xf32, #tpu.memory_space<vmem>>, vector<16xf32>,
        %get3A_1304 = arith.index_cast %add3A_1290 : i32 to index
        %get3A_1305 = arith.constant 48 : index
        %get3A_1306 = tpu.vector_load %arg8[%get3A_1304, %get3A_1305] {strides = array<i32>} : memref<128x64xf32, #tpu.memory_space<vmem>>, vector<16xf32>,
        tpu.vector_store_idx %arg10[%add3A_5, %add3A_1294], %get3A_1297 : memref<64x136xf32, #tpu.memory_space<vmem>>[vector<16xi32>, vector<16xi32>], vector<16xf32>,
        tpu.vector_store_idx %arg10[%add3A_8, %add3A_1294], %get3A_1300 : memref<64x136xf32, #tpu.memory_space<vmem>>[vector<16xi32>, vector<16xi32>], vector<16xf32>,
        tpu.vector_store_idx %arg10[%add3A_11, %add3A_1294], %get3A_1303 : memref<64x136xf32, #tpu.memory_space<vmem>>[vector<16xi32>, vector<16xi32>], vector<16xf32>,
        tpu.vector_store_idx %arg10[%add3A_14, %add3A_1294], %get3A_1306 : memref<64x136xf32, #tpu.memory_space<vmem>>[vector<16xi32>, vector<16xi32>], vector<16xf32>,
        %mul3A_1307 = arith.constant 8 : i32
        %mul3A_1308 = arith.muli %scan3A_1208, %mul3A_1307 : i32
        %add3A_1309 = arith.constant 5 : i32
        %add3A_1310 = arith.addi %mul3A_1308, %add3A_1309 : i32
        %broadcast_in_dim3A_1311 = arith.constant 0 : i32
        %broadcast_in_dim3A_1312 = vector.broadcast %broadcast_in_dim3A_1311 : i32 to vector<16xi32>
        %add3A_1313 = vector.broadcast %add3A_1310 : i32 to vector<16xi32>
        %add3A_1314 = arith.addi %broadcast_in_dim3A_1312, %add3A_1313 : vector<16xi32>
        %get3A_1315 = arith.index_cast %add3A_1310 : i32 to index
        %get3A_1316 = arith.constant 0 : index
        %get3A_1317 = tpu.vector_load %arg8[%get3A_1315, %get3A_1316] {strides = array<i32>} : memref<128x64xf32, #tpu.memory_space<vmem>>, vector<16xf32>,
        %get3A_1318 = arith.index_cast %add3A_1310 : i32 to index
        %get3A_1319 = arith.constant 16 : index
        %get3A_1320 = tpu.vector_load %arg8[%get3A_1318, %get3A_1319] {strides = array<i32>} : memref<128x64xf32, #tpu.memory_space<vmem>>, vector<16xf32>,
        %get3A_1321 = arith.index_cast %add3A_1310 : i32 to index
        %get3A_1322 = arith.constant 32 : index
        %get3A_1323 = tpu.vector_load %arg8[%get3A_1321, %get3A_1322] {strides = array<i32>} : memref<128x64xf32, #tpu.memory_space<vmem>>, vector<16xf32>,
        %get3A_1324 = arith.index_cast %add3A_1310 : i32 to index
        %get3A_1325 = arith.constant 48 : index
        %get3A_1326 = tpu.vector_load %arg8[%get3A_1324, %get3A_1325] {strides = array<i32>} : memref<128x64xf32, #tpu.memory_space<vmem>>, vector<16xf32>,
        tpu.vector_store_idx %arg10[%add3A_5, %add3A_1314], %get3A_1317 : memref<64x136xf32, #tpu.memory_space<vmem>>[vector<16xi32>, vector<16xi32>], vector<16xf32>,
        tpu.vector_store_idx %arg10[%add3A_8, %add3A_1314], %get3A_1320 : memref<64x136xf32, #tpu.memory_space<vmem>>[vector<16xi32>, vector<16xi32>], vector<16xf32>,
        tpu.vector_store_idx %arg10[%add3A_11, %add3A_1314], %get3A_1323 : memref<64x136xf32, #tpu.memory_space<vmem>>[vector<16xi32>, vector<16xi32>], vector<16xf32>,
        tpu.vector_store_idx %arg10[%add3A_14, %add3A_1314], %get3A_1326 : memref<64x136xf32, #tpu.memory_space<vmem>>[vector<16xi32>, vector<16xi32>], vector<16xf32>,
        %mul3A_1327 = arith.constant 8 : i32
        %mul3A_1328 = arith.muli %scan3A_1208, %mul3A_1327 : i32
        %add3A_1329 = arith.constant 6 : i32
        %add3A_1330 = arith.addi %mul3A_1328, %add3A_1329 : i32
        %broadcast_in_dim3A_1331 = arith.constant 0 : i32
        %broadcast_in_dim3A_1332 = vector.broadcast %broadcast_in_dim3A_1331 : i32 to vector<16xi32>
        %add3A_1333 = vector.broadcast %add3A_1330 : i32 to vector<16xi32>
        %add3A_1334 = arith.addi %broadcast_in_dim3A_1332, %add3A_1333 : vector<16xi32>
        %get3A_1335 = arith.index_cast %add3A_1330 : i32 to index
        %get3A_1336 = arith.constant 0 : index
        %get3A_1337 = tpu.vector_load %arg8[%get3A_1335, %get3A_1336] {strides = array<i32>} : memref<128x64xf32, #tpu.memory_space<vmem>>, vector<16xf32>,
        %get3A_1338 = arith.index_cast %add3A_1330 : i32 to index
        %get3A_1339 = arith.constant 16 : index
        %get3A_1340 = tpu.vector_load %arg8[%get3A_1338, %get3A_1339] {strides = array<i32>} : memref<128x64xf32, #tpu.memory_space<vmem>>, vector<16xf32>,
        %get3A_1341 = arith.index_cast %add3A_1330 : i32 to index
        %get3A_1342 = arith.constant 32 : index
        %get3A_1343 = tpu.vector_load %arg8[%get3A_1341, %get3A_1342] {strides = array<i32>} : memref<128x64xf32, #tpu.memory_space<vmem>>, vector<16xf32>,
        %get3A_1344 = arith.index_cast %add3A_1330 : i32 to index
        %get3A_1345 = arith.constant 48 : index
        %get3A_1346 = tpu.vector_load %arg8[%get3A_1344, %get3A_1345] {strides = array<i32>} : memref<128x64xf32, #tpu.memory_space<vmem>>, vector<16xf32>,
        tpu.vector_store_idx %arg10[%add3A_5, %add3A_1334], %get3A_1337 : memref<64x136xf32, #tpu.memory_space<vmem>>[vector<16xi32>, vector<16xi32>], vector<16xf32>,
        tpu.vector_store_idx %arg10[%add3A_8, %add3A_1334], %get3A_1340 : memref<64x136xf32, #tpu.memory_space<vmem>>[vector<16xi32>, vector<16xi32>], vector<16xf32>,
        tpu.vector_store_idx %arg10[%add3A_11, %add3A_1334], %get3A_1343 : memref<64x136xf32, #tpu.memory_space<vmem>>[vector<16xi32>, vector<16xi32>], vector<16xf32>,
        tpu.vector_store_idx %arg10[%add3A_14, %add3A_1334], %get3A_1346 : memref<64x136xf32, #tpu.memory_space<vmem>>[vector<16xi32>, vector<16xi32>], vector<16xf32>,
        %mul3A_1347 = arith.constant 8 : i32
        %mul3A_1348 = arith.muli %scan3A_1208, %mul3A_1347 : i32
        %add3A_1349 = arith.constant 7 : i32
        %add3A_1350 = arith.addi %mul3A_1348, %add3A_1349 : i32
        %broadcast_in_dim3A_1351 = arith.constant 0 : i32
        %broadcast_in_dim3A_1352 = vector.broadcast %broadcast_in_dim3A_1351 : i32 to vector<16xi32>
        %add3A_1353 = vector.broadcast %add3A_1350 : i32 to vector<16xi32>
        %add3A_1354 = arith.addi %broadcast_in_dim3A_1352, %add3A_1353 : vector<16xi32>
        %get3A_1355 = arith.index_cast %add3A_1350 : i32 to index
        %get3A_1356 = arith.constant 0 : index
        %get3A_1357 = tpu.vector_load %arg8[%get3A_1355, %get3A_1356] {strides = array<i32>} : memref<128x64xf32, #tpu.memory_space<vmem>>, vector<16xf32>,
        %get3A_1358 = arith.index_cast %add3A_1350 : i32 to index
        %get3A_1359 = arith.constant 16 : index
        %get3A_1360 = tpu.vector_load %arg8[%get3A_1358, %get3A_1359] {strides = array<i32>} : memref<128x64xf32, #tpu.memory_space<vmem>>, vector<16xf32>,
        %get3A_1361 = arith.index_cast %add3A_1350 : i32 to index
        %get3A_1362 = arith.constant 32 : index
        %get3A_1363 = tpu.vector_load %arg8[%get3A_1361, %get3A_1362] {strides = array<i32>} : memref<128x64xf32, #tpu.memory_space<vmem>>, vector<16xf32>,
        %get3A_1364 = arith.index_cast %add3A_1350 : i32 to index
        %get3A_1365 = arith.constant 48 : index
        %get3A_1366 = tpu.vector_load %arg8[%get3A_1364, %get3A_1365] {strides = array<i32>} : memref<128x64xf32, #tpu.memory_space<vmem>>, vector<16xf32>,
        tpu.vector_store_idx %arg10[%add3A_5, %add3A_1354], %get3A_1357 : memref<64x136xf32, #tpu.memory_space<vmem>>[vector<16xi32>, vector<16xi32>], vector<16xf32>,
        tpu.vector_store_idx %arg10[%add3A_8, %add3A_1354], %get3A_1360 : memref<64x136xf32, #tpu.memory_space<vmem>>[vector<16xi32>, vector<16xi32>], vector<16xf32>,
        tpu.vector_store_idx %arg10[%add3A_11, %add3A_1354], %get3A_1363 : memref<64x136xf32, #tpu.memory_space<vmem>>[vector<16xi32>, vector<16xi32>], vector<16xf32>,
        tpu.vector_store_idx %arg10[%add3A_14, %add3A_1354], %get3A_1366 : memref<64x136xf32, #tpu.memory_space<vmem>>[vector<16xi32>, vector<16xi32>], vector<16xf32>,
      }
      %scan3A_835 = arith.constant 16 : i32
      %mul3A_836 = arith.constant 8 : i32
      %mul3A_837 = arith.muli %select_n3A_779, %mul3A_836 : i32
      %add3A_838 = arith.constant 0 : i32
      %add3A_839 = arith.addi %mul3A_837, %add3A_838 : i32
      %dma_start3A_840 = arith.constant 0 : i32
      %dma_start3A_841 = arith.constant 0 : i32
      %dma_start3A_842 = tpu.memref_slice %arg10[%dma_start3A_840, %dma_start3A_841] : memref<64x136xf32, #tpu.memory_space<vmem>> -> memref<8x128xf32, #tpu.memory_space<vmem>>
      %dma_start3A_843 = arith.constant 0 : i32
      %dma_start3A_844 = arith.constant 0 : i32
      %dma_start3A_845 = tpu.memref_slice %arg4[%add3A_839, %add3A_784, %dma_start3A_843, %dma_start3A_844] : memref<400x128x8x128xf32, #tpu.memory_space<hbm>> -> memref<1x1x8x128xf32, #tpu.memory_space<hbm>>
      %dma_start3A_846 = tpu.memref_squeeze %dma_start3A_845 : memref<1x1x8x128xf32, #tpu.memory_space<hbm>> -> memref<8x128xf32, #tpu.memory_space<hbm>>
      %dma_start3A_847 = arith.constant 0 : i32
      %dma_start3A_848 = arith.constant 0 : i32
      %dma_start3A_849 = tpu.memref_slice %arg4[%add3A_839, %add3A_784, %dma_start3A_847, %dma_start3A_848] : memref<400x128x8x128xf32, #tpu.memory_space<hbm>> -> memref<1x1x8x128xf32, #tpu.memory_space<hbm>>
      %dma_start3A_850 = tpu.memref_squeeze %dma_start3A_849 : memref<1x1x8x128xf32, #tpu.memory_space<hbm>> -> memref<8x128xf32, #tpu.memory_space<hbm>>
      %dma_start3A_851 = arith.constant 0 : i32
      %dma_start3A_852 = arith.constant 0 : i32
      %dma_start3A_853 = tpu.memref_slice %arg10[%dma_start3A_851, %dma_start3A_852] : memref<64x136xf32, #tpu.memory_space<vmem>> -> memref<8x128xf32, #tpu.memory_space<vmem>>
      tpu.enqueue_dma source(%dma_start3A_853 : memref<8x128xf32, #tpu.memory_space<vmem>>) target(%dma_start3A_850 : memref<8x128xf32, #tpu.memory_space<hbm>>) target_semaphore(%arg13 : memref<!tpu.dma_semaphore, #tpu.memory_space<semaphore_mem>>)
      %mul3A_854 = arith.constant 8 : i32
      %mul3A_855 = arith.muli %select_n3A_779, %mul3A_854 : i32
      %add3A_856 = arith.constant 1 : i32
      %add3A_857 = arith.addi %mul3A_855, %add3A_856 : i32
      %dma_start3A_858 = arith.constant 8 : i32
      %dma_start3A_859 = arith.constant 0 : i32
      %dma_start3A_860 = tpu.memref_slice %arg10[%dma_start3A_858, %dma_start3A_859] : memref<64x136xf32, #tpu.memory_space<vmem>> -> memref<8x128xf32, #tpu.memory_space<vmem>>
      %dma_start3A_861 = arith.constant 0 : i32
      %dma_start3A_862 = arith.constant 0 : i32
      %dma_start3A_863 = tpu.memref_slice %arg4[%add3A_857, %add3A_784, %dma_start3A_861, %dma_start3A_862] : memref<400x128x8x128xf32, #tpu.memory_space<hbm>> -> memref<1x1x8x128xf32, #tpu.memory_space<hbm>>
      %dma_start3A_864 = tpu.memref_squeeze %dma_start3A_863 : memref<1x1x8x128xf32, #tpu.memory_space<hbm>> -> memref<8x128xf32, #tpu.memory_space<hbm>>
      %dma_start3A_865 = arith.constant 0 : i32
      %dma_start3A_866 = arith.constant 0 : i32
      %dma_start3A_867 = tpu.memref_slice %arg4[%add3A_857, %add3A_784, %dma_start3A_865, %dma_start3A_866] : memref<400x128x8x128xf32, #tpu.memory_space<hbm>> -> memref<1x1x8x128xf32, #tpu.memory_space<hbm>>
      %dma_start3A_868 = tpu.memref_squeeze %dma_start3A_867 : memref<1x1x8x128xf32, #tpu.memory_space<hbm>> -> memref<8x128xf32, #tpu.memory_space<hbm>>
      %dma_start3A_869 = arith.constant 8 : i32
      %dma_start3A_870 = arith.constant 0 : i32
      %dma_start3A_871 = tpu.memref_slice %arg10[%dma_start3A_869, %dma_start3A_870] : memref<64x136xf32, #tpu.memory_space<vmem>> -> memref<8x128xf32, #tpu.memory_space<vmem>>
      tpu.enqueue_dma source(%dma_start3A_871 : memref<8x128xf32, #tpu.memory_space<vmem>>) target(%dma_start3A_868 : memref<8x128xf32, #tpu.memory_space<hbm>>) target_semaphore(%arg13 : memref<!tpu.dma_semaphore, #tpu.memory_space<semaphore_mem>>)
      %mul3A_872 = arith.constant 8 : i32
      %mul3A_873 = arith.muli %select_n3A_779, %mul3A_872 : i32
      %add3A_874 = arith.constant 2 : i32
      %add3A_875 = arith.addi %mul3A_873, %add3A_874 : i32
      %dma_start3A_876 = arith.constant 16 : i32
      %dma_start3A_877 = arith.constant 0 : i32
      %dma_start3A_878 = tpu.memref_slice %arg10[%dma_start3A_876, %dma_start3A_877] : memref<64x136xf32, #tpu.memory_space<vmem>> -> memref<8x128xf32, #tpu.memory_space<vmem>>
      %dma_start3A_879 = arith.constant 0 : i32
      %dma_start3A_880 = arith.constant 0 : i32
      %dma_start3A_881 = tpu.memref_slice %arg4[%add3A_875, %add3A_784, %dma_start3A_879, %dma_start3A_880] : memref<400x128x8x128xf32, #tpu.memory_space<hbm>> -> memref<1x1x8x128xf32, #tpu.memory_space<hbm>>
      %dma_start3A_882 = tpu.memref_squeeze %dma_start3A_881 : memref<1x1x8x128xf32, #tpu.memory_space<hbm>> -> memref<8x128xf32, #tpu.memory_space<hbm>>
      %dma_start3A_883 = arith.constant 0 : i32
      %dma_start3A_884 = arith.constant 0 : i32
      %dma_start3A_885 = tpu.memref_slice %arg4[%add3A_875, %add3A_784, %dma_start3A_883, %dma_start3A_884] : memref<400x128x8x128xf32, #tpu.memory_space<hbm>> -> memref<1x1x8x128xf32, #tpu.memory_space<hbm>>
      %dma_start3A_886 = tpu.memref_squeeze %dma_start3A_885 : memref<1x1x8x128xf32, #tpu.memory_space<hbm>> -> memref<8x128xf32, #tpu.memory_space<hbm>>
      %dma_start3A_887 = arith.constant 16 : i32
      %dma_start3A_888 = arith.constant 0 : i32
      %dma_start3A_889 = tpu.memref_slice %arg10[%dma_start3A_887, %dma_start3A_888] : memref<64x136xf32, #tpu.memory_space<vmem>> -> memref<8x128xf32, #tpu.memory_space<vmem>>
      tpu.enqueue_dma source(%dma_start3A_889 : memref<8x128xf32, #tpu.memory_space<vmem>>) target(%dma_start3A_886 : memref<8x128xf32, #tpu.memory_space<hbm>>) target_semaphore(%arg13 : memref<!tpu.dma_semaphore, #tpu.memory_space<semaphore_mem>>)
      %mul3A_890 = arith.constant 8 : i32
      %mul3A_891 = arith.muli %select_n3A_779, %mul3A_890 : i32
      %add3A_892 = arith.constant 3 : i32
      %add3A_893 = arith.addi %mul3A_891, %add3A_892 : i32
      %dma_start3A_894 = arith.constant 24 : i32
      %dma_start3A_895 = arith.constant 0 : i32
      %dma_start3A_896 = tpu.memref_slice %arg10[%dma_start3A_894, %dma_start3A_895] : memref<64x136xf32, #tpu.memory_space<vmem>> -> memref<8x128xf32, #tpu.memory_space<vmem>>
      %dma_start3A_897 = arith.constant 0 : i32
      %dma_start3A_898 = arith.constant 0 : i32
      %dma_start3A_899 = tpu.memref_slice %arg4[%add3A_893, %add3A_784, %dma_start3A_897, %dma_start3A_898] : memref<400x128x8x128xf32, #tpu.memory_space<hbm>> -> memref<1x1x8x128xf32, #tpu.memory_space<hbm>>
      %dma_start3A_900 = tpu.memref_squeeze %dma_start3A_899 : memref<1x1x8x128xf32, #tpu.memory_space<hbm>> -> memref<8x128xf32, #tpu.memory_space<hbm>>
      %dma_start3A_901 = arith.constant 0 : i32
      %dma_start3A_902 = arith.constant 0 : i32
      %dma_start3A_903 = tpu.memref_slice %arg4[%add3A_893, %add3A_784, %dma_start3A_901, %dma_start3A_902] : memref<400x128x8x128xf32, #tpu.memory_space<hbm>> -> memref<1x1x8x128xf32, #tpu.memory_space<hbm>>
      %dma_start3A_904 = tpu.memref_squeeze %dma_start3A_903 : memref<1x1x8x128xf32, #tpu.memory_space<hbm>> -> memref<8x128xf32, #tpu.memory_space<hbm>>
      %dma_start3A_905 = arith.constant 24 : i32
      %dma_start3A_906 = arith.constant 0 : i32
      %dma_start3A_907 = tpu.memref_slice %arg10[%dma_start3A_905, %dma_start3A_906] : memref<64x136xf32, #tpu.memory_space<vmem>> -> memref<8x128xf32, #tpu.memory_space<vmem>>
      tpu.enqueue_dma source(%dma_start3A_907 : memref<8x128xf32, #tpu.memory_space<vmem>>) target(%dma_start3A_904 : memref<8x128xf32, #tpu.memory_space<hbm>>) target_semaphore(%arg13 : memref<!tpu.dma_semaphore, #tpu.memory_space<semaphore_mem>>)
      %mul3A_908 = arith.constant 8 : i32
      %mul3A_909 = arith.muli %select_n3A_779, %mul3A_908 : i32
      %add3A_910 = arith.constant 4 : i32
      %add3A_911 = arith.addi %mul3A_909, %add3A_910 : i32
      %dma_start3A_912 = arith.constant 32 : i32
      %dma_start3A_913 = arith.constant 0 : i32
      %dma_start3A_914 = tpu.memref_slice %arg10[%dma_start3A_912, %dma_start3A_913] : memref<64x136xf32, #tpu.memory_space<vmem>> -> memref<8x128xf32, #tpu.memory_space<vmem>>
      %dma_start3A_915 = arith.constant 0 : i32
      %dma_start3A_916 = arith.constant 0 : i32
      %dma_start3A_917 = tpu.memref_slice %arg4[%add3A_911, %add3A_784, %dma_start3A_915, %dma_start3A_916] : memref<400x128x8x128xf32, #tpu.memory_space<hbm>> -> memref<1x1x8x128xf32, #tpu.memory_space<hbm>>
      %dma_start3A_918 = tpu.memref_squeeze %dma_start3A_917 : memref<1x1x8x128xf32, #tpu.memory_space<hbm>> -> memref<8x128xf32, #tpu.memory_space<hbm>>
      %dma_start3A_919 = arith.constant 0 : i32
      %dma_start3A_920 = arith.constant 0 : i32
      %dma_start3A_921 = tpu.memref_slice %arg4[%add3A_911, %add3A_784, %dma_start3A_919, %dma_start3A_920] : memref<400x128x8x128xf32, #tpu.memory_space<hbm>> -> memref<1x1x8x128xf32, #tpu.memory_space<hbm>>
      %dma_start3A_922 = tpu.memref_squeeze %dma_start3A_921 : memref<1x1x8x128xf32, #tpu.memory_space<hbm>> -> memref<8x128xf32, #tpu.memory_space<hbm>>
      %dma_start3A_923 = arith.constant 32 : i32
      %dma_start3A_924 = arith.constant 0 : i32
      %dma_start3A_925 = tpu.memref_slice %arg10[%dma_start3A_923, %dma_start3A_924] : memref<64x136xf32, #tpu.memory_space<vmem>> -> memref<8x128xf32, #tpu.memory_space<vmem>>
      tpu.enqueue_dma source(%dma_start3A_925 : memref<8x128xf32, #tpu.memory_space<vmem>>) target(%dma_start3A_922 : memref<8x128xf32, #tpu.memory_space<hbm>>) target_semaphore(%arg13 : memref<!tpu.dma_semaphore, #tpu.memory_space<semaphore_mem>>)
      %mul3A_926 = arith.constant 8 : i32
      %mul3A_927 = arith.muli %select_n3A_779, %mul3A_926 : i32
      %add3A_928 = arith.constant 5 : i32
      %add3A_929 = arith.addi %mul3A_927, %add3A_928 : i32
      %dma_start3A_930 = arith.constant 40 : i32
      %dma_start3A_931 = arith.constant 0 : i32
      %dma_start3A_932 = tpu.memref_slice %arg10[%dma_start3A_930, %dma_start3A_931] : memref<64x136xf32, #tpu.memory_space<vmem>> -> memref<8x128xf32, #tpu.memory_space<vmem>>
      %dma_start3A_933 = arith.constant 0 : i32
      %dma_start3A_934 = arith.constant 0 : i32
      %dma_start3A_935 = tpu.memref_slice %arg4[%add3A_929, %add3A_784, %dma_start3A_933, %dma_start3A_934] : memref<400x128x8x128xf32, #tpu.memory_space<hbm>> -> memref<1x1x8x128xf32, #tpu.memory_space<hbm>>
      %dma_start3A_936 = tpu.memref_squeeze %dma_start3A_935 : memref<1x1x8x128xf32, #tpu.memory_space<hbm>> -> memref<8x128xf32, #tpu.memory_space<hbm>>
      %dma_start3A_937 = arith.constant 0 : i32
      %dma_start3A_938 = arith.constant 0 : i32
      %dma_start3A_939 = tpu.memref_slice %arg4[%add3A_929, %add3A_784, %dma_start3A_937, %dma_start3A_938] : memref<400x128x8x128xf32, #tpu.memory_space<hbm>> -> memref<1x1x8x128xf32, #tpu.memory_space<hbm>>
      %dma_start3A_940 = tpu.memref_squeeze %dma_start3A_939 : memref<1x1x8x128xf32, #tpu.memory_space<hbm>> -> memref<8x128xf32, #tpu.memory_space<hbm>>
      %dma_start3A_941 = arith.constant 40 : i32
      %dma_start3A_942 = arith.constant 0 : i32
      %dma_start3A_943 = tpu.memref_slice %arg10[%dma_start3A_941, %dma_start3A_942] : memref<64x136xf32, #tpu.memory_space<vmem>> -> memref<8x128xf32, #tpu.memory_space<vmem>>
      tpu.enqueue_dma source(%dma_start3A_943 : memref<8x128xf32, #tpu.memory_space<vmem>>) target(%dma_start3A_940 : memref<8x128xf32, #tpu.memory_space<hbm>>) target_semaphore(%arg13 : memref<!tpu.dma_semaphore, #tpu.memory_space<semaphore_mem>>)
      %mul3A_944 = arith.constant 8 : i32
      %mul3A_945 = arith.muli %select_n3A_779, %mul3A_944 : i32
      %add3A_946 = arith.constant 6 : i32
      %add3A_947 = arith.addi %mul3A_945, %add3A_946 : i32
      %dma_start3A_948 = arith.constant 48 : i32
      %dma_start3A_949 = arith.constant 0 : i32
      %dma_start3A_950 = tpu.memref_slice %arg10[%dma_start3A_948, %dma_start3A_949] : memref<64x136xf32, #tpu.memory_space<vmem>> -> memref<8x128xf32, #tpu.memory_space<vmem>>
      %dma_start3A_951 = arith.constant 0 : i32
      %dma_start3A_952 = arith.constant 0 : i32
      %dma_start3A_953 = tpu.memref_slice %arg4[%add3A_947, %add3A_784, %dma_start3A_951, %dma_start3A_952] : memref<400x128x8x128xf32, #tpu.memory_space<hbm>> -> memref<1x1x8x128xf32, #tpu.memory_space<hbm>>
      %dma_start3A_954 = tpu.memref_squeeze %dma_start3A_953 : memref<1x1x8x128xf32, #tpu.memory_space<hbm>> -> memref<8x128xf32, #tpu.memory_space<hbm>>
      %dma_start3A_955 = arith.constant 0 : i32
      %dma_start3A_956 = arith.constant 0 : i32
      %dma_start3A_957 = tpu.memref_slice %arg4[%add3A_947, %add3A_784, %dma_start3A_955, %dma_start3A_956] : memref<400x128x8x128xf32, #tpu.memory_space<hbm>> -> memref<1x1x8x128xf32, #tpu.memory_space<hbm>>
      %dma_start3A_958 = tpu.memref_squeeze %dma_start3A_957 : memref<1x1x8x128xf32, #tpu.memory_space<hbm>> -> memref<8x128xf32, #tpu.memory_space<hbm>>
      %dma_start3A_959 = arith.constant 48 : i32
      %dma_start3A_960 = arith.constant 0 : i32
      %dma_start3A_961 = tpu.memref_slice %arg10[%dma_start3A_959, %dma_start3A_960] : memref<64x136xf32, #tpu.memory_space<vmem>> -> memref<8x128xf32, #tpu.memory_space<vmem>>
      tpu.enqueue_dma source(%dma_start3A_961 : memref<8x128xf32, #tpu.memory_space<vmem>>) target(%dma_start3A_958 : memref<8x128xf32, #tpu.memory_space<hbm>>) target_semaphore(%arg13 : memref<!tpu.dma_semaphore, #tpu.memory_space<semaphore_mem>>)
      %mul3A_962 = arith.constant 8 : i32
      %mul3A_963 = arith.muli %select_n3A_779, %mul3A_962 : i32
      %add3A_964 = arith.constant 7 : i32
      %add3A_965 = arith.addi %mul3A_963, %add3A_964 : i32
      %dma_start3A_966 = arith.constant 56 : i32
      %dma_start3A_967 = arith.constant 0 : i32
      %dma_start3A_968 = tpu.memref_slice %arg10[%dma_start3A_966, %dma_start3A_967] : memref<64x136xf32, #tpu.memory_space<vmem>> -> memref<8x128xf32, #tpu.memory_space<vmem>>
      %dma_start3A_969 = arith.constant 0 : i32
      %dma_start3A_970 = arith.constant 0 : i32
      %dma_start3A_971 = tpu.memref_slice %arg4[%add3A_965, %add3A_784, %dma_start3A_969, %dma_start3A_970] : memref<400x128x8x128xf32, #tpu.memory_space<hbm>> -> memref<1x1x8x128xf32, #tpu.memory_space<hbm>>
      %dma_start3A_972 = tpu.memref_squeeze %dma_start3A_971 : memref<1x1x8x128xf32, #tpu.memory_space<hbm>> -> memref<8x128xf32, #tpu.memory_space<hbm>>
      %dma_start3A_973 = arith.constant 0 : i32
      %dma_start3A_974 = arith.constant 0 : i32
      %dma_start3A_975 = tpu.memref_slice %arg4[%add3A_965, %add3A_784, %dma_start3A_973, %dma_start3A_974] : memref<400x128x8x128xf32, #tpu.memory_space<hbm>> -> memref<1x1x8x128xf32, #tpu.memory_space<hbm>>
      %dma_start3A_976 = tpu.memref_squeeze %dma_start3A_975 : memref<1x1x8x128xf32, #tpu.memory_space<hbm>> -> memref<8x128xf32, #tpu.memory_space<hbm>>
      %dma_start3A_977 = arith.constant 56 : i32
      %dma_start3A_978 = arith.constant 0 : i32
      %dma_start3A_979 = tpu.memref_slice %arg10[%dma_start3A_977, %dma_start3A_978] : memref<64x136xf32, #tpu.memory_space<vmem>> -> memref<8x128xf32, #tpu.memory_space<vmem>>
      tpu.enqueue_dma source(%dma_start3A_979 : memref<8x128xf32, #tpu.memory_space<vmem>>) target(%dma_start3A_976 : memref<8x128xf32, #tpu.memory_space<hbm>>) target_semaphore(%arg13 : memref<!tpu.dma_semaphore, #tpu.memory_space<semaphore_mem>>)
      %mul3A_980 = arith.constant 4 : i32
      %mul3A_981 = arith.muli %scan3A_306, %mul3A_980 : i32
      %add3A_982 = arith.constant 3 : i32
      %add3A_983 = arith.addi %mul3A_981, %add3A_982 : i32
      %jit3A_984 = arith.constant 4 : i32
      %div3A_985 = arith.divsi %add3A_983, %jit3A_984 : i32
      %sign3A_986 = arith.constant 0 : i32
      %sign3A_987 = arith.cmpi sgt, %add3A_983, %sign3A_986 : i32
      %sign3A_988 = arith.extui %sign3A_987 : i1 to i32
      %sign3A_989 = arith.constant 0 : i32
      %sign3A_990 = arith.cmpi slt, %add3A_983, %sign3A_989 : i32
      %sign3A_991 = arith.extui %sign3A_990 : i1 to i32
      %sign3A_992 = arith.subi %sign3A_988, %sign3A_991 : i32
      %sign3A_993 = arith.constant 0 : i32
      %sign3A_994 = arith.cmpi sgt, %jit3A_984, %sign3A_993 : i32
      %sign3A_995 = arith.extui %sign3A_994 : i1 to i32
      %sign3A_996 = arith.constant 0 : i32
      %sign3A_997 = arith.cmpi slt, %jit3A_984, %sign3A_996 : i32
      %sign3A_998 = arith.extui %sign3A_997 : i1 to i32
      %sign3A_999 = arith.subi %sign3A_995, %sign3A_998 : i32
      %ne3A_1000 = arith.cmpi ne, %sign3A_992, %sign3A_999 : i32
      %rem3A_1001 = arith.remsi %add3A_983, %jit3A_984 : i32
      %ne3A_1002 = arith.constant 0 : i32
      %ne3A_1003 = arith.cmpi ne, %rem3A_1001, %ne3A_1002 : i32
      %and3A_1004 = arith.andi %ne3A_1000, %ne3A_1003 : i1
      %sub3A_1005 = arith.constant 1 : i32
      %sub3A_1006 = arith.subi %div3A_985, %sub3A_1005 : i32
      %select_n3A_1007 = arith.select %and3A_1004, %sub3A_1006, %div3A_985 : i32
      %rem3A_1008 = arith.constant 4 : i32
      %rem3A_1009 = arith.remsi %add3A_983, %rem3A_1008 : i32
      %mul3A_1010 = arith.constant 4 : i32
      %mul3A_1011 = arith.muli %add3A, %mul3A_1010 : i32
      %add3A_1012 = arith.addi %mul3A_1011, %rem3A_1009 : i32
      %jit3A_1013 = arith.constant 4 : i32
      %div3A_1014 = arith.divsi %add3A_983, %jit3A_1013 : i32
      %sign3A_1015 = arith.constant 0 : i32
      %sign3A_1016 = arith.cmpi sgt, %add3A_983, %sign3A_1015 : i32
      %sign3A_1017 = arith.extui %sign3A_1016 : i1 to i32
      %sign3A_1018 = arith.constant 0 : i32
      %sign3A_1019 = arith.cmpi slt, %add3A_983, %sign3A_1018 : i32
      %sign3A_1020 = arith.extui %sign3A_1019 : i1 to i32
      %sign3A_1021 = arith.subi %sign3A_1017, %sign3A_1020 : i32
      %sign3A_1022 = arith.constant 0 : i32
      %sign3A_1023 = arith.cmpi sgt, %jit3A_1013, %sign3A_1022 : i32
      %sign3A_1024 = arith.extui %sign3A_1023 : i1 to i32
      %sign3A_1025 = arith.constant 0 : i32
      %sign3A_1026 = arith.cmpi slt, %jit3A_1013, %sign3A_1025 : i32
      %sign3A_1027 = arith.extui %sign3A_1026 : i1 to i32
      %sign3A_1028 = arith.subi %sign3A_1024, %sign3A_1027 : i32
      %ne3A_1029 = arith.cmpi ne, %sign3A_1021, %sign3A_1028 : i32
      %rem3A_1030 = arith.remsi %add3A_983, %jit3A_1013 : i32
      %ne3A_1031 = arith.constant 0 : i32
      %ne3A_1032 = arith.cmpi ne, %rem3A_1030, %ne3A_1031 : i32
      %and3A_1033 = arith.andi %ne3A_1029, %ne3A_1032 : i1
      %sub3A_1034 = arith.constant 1 : i32
      %sub3A_1035 = arith.subi %div3A_1014, %sub3A_1034 : i32
      %select_n3A_1036 = arith.select %and3A_1033, %sub3A_1035, %div3A_1014 : i32
      %rem3A_1037 = arith.constant 4 : i32
      %rem3A_1038 = arith.remsi %add3A_983, %rem3A_1037 : i32
      %mul3A_1039 = arith.constant 128 : i32
      %mul3A_1040 = arith.muli %rem3A_1038, %mul3A_1039 : i32
      %dma_wait3A_1041 = tpu.memref_slice %arg5[%select_n3A_1036, %mul3A_1040] : memref<50x512xi32, #tpu.memory_space<vmem>> -> memref<1x128xi32, #tpu.memory_space<vmem>>
      %dma_wait3A_1042 = tpu.memref_squeeze %dma_wait3A_1041 : memref<1x128xi32, #tpu.memory_space<vmem>> -> memref<128xi32, #tpu.memory_space<vmem>>
      %dma_wait3A_1043 = arith.constant 0 : i32
      %dma_wait3A_1044 = arith.constant 0 : i32
      %dma_wait3A_1045 = tpu.memref_slice %arg2[%dma_wait3A_1043, %dma_wait3A_1044] : memref<100000x64xf32, #tpu.memory_space<hbm>> -> memref<100000x64xf32, #tpu.memory_space<hbm>>
      tpu.wait_indirect_dma semaphore(%arg12 : memref<!tpu.dma_semaphore, #tpu.memory_space<semaphore_mem>>) src(%dma_wait3A_1045 : memref<100000x64xf32, #tpu.memory_space<hbm>>) dst(%arg9 : memref<128x64xf32, #tpu.memory_space<vmem>>)
      %add3A_1046 = arith.constant 3 : i32
      %add3A_1047 = arith.addi %add3A_983, %add3A_1046 : i32
      %lt3A_1048 = arith.constant 200 : i32
      %lt3A_1049 = arith.cmpi slt, %add3A_1047, %lt3A_1048 : i32
      %convert_element_type3A_1050 = arith.extui %lt3A_1049 : i1 to i32
      %cond3A_1051 = arith.constant 0 : i32
      %cond3A_1052 = arith.cmpi ne, %convert_element_type3A_1050, %cond3A_1051 : i32
      scf.if %cond3A_1052 {
        %add3A_1208 = arith.constant 3 : i32
        %add3A_1209 = arith.addi %add3A_983, %add3A_1208 : i32
        %jit3A_1210 = arith.constant 4 : i32
        %div3A_1211 = arith.divsi %add3A_1209, %jit3A_1210 : i32
        %sign3A_1212 = arith.constant 0 : i32
        %sign3A_1213 = arith.cmpi sgt, %add3A_1209, %sign3A_1212 : i32
        %sign3A_1214 = arith.extui %sign3A_1213 : i1 to i32
        %sign3A_1215 = arith.constant 0 : i32
        %sign3A_1216 = arith.cmpi slt, %add3A_1209, %sign3A_1215 : i32
        %sign3A_1217 = arith.extui %sign3A_1216 : i1 to i32
        %sign3A_1218 = arith.subi %sign3A_1214, %sign3A_1217 : i32
        %sign3A_1219 = arith.constant 0 : i32
        %sign3A_1220 = arith.cmpi sgt, %jit3A_1210, %sign3A_1219 : i32
        %sign3A_1221 = arith.extui %sign3A_1220 : i1 to i32
        %sign3A_1222 = arith.constant 0 : i32
        %sign3A_1223 = arith.cmpi slt, %jit3A_1210, %sign3A_1222 : i32
        %sign3A_1224 = arith.extui %sign3A_1223 : i1 to i32
        %sign3A_1225 = arith.subi %sign3A_1221, %sign3A_1224 : i32
        %ne3A_1226 = arith.cmpi ne, %sign3A_1218, %sign3A_1225 : i32
        %rem3A_1227 = arith.remsi %add3A_1209, %jit3A_1210 : i32
        %ne3A_1228 = arith.constant 0 : i32
        %ne3A_1229 = arith.cmpi ne, %rem3A_1227, %ne3A_1228 : i32
        %and3A_1230 = arith.andi %ne3A_1226, %ne3A_1229 : i1
        %sub3A_1231 = arith.constant 1 : i32
        %sub3A_1232 = arith.subi %div3A_1211, %sub3A_1231 : i32
        %select_n3A_1233 = arith.select %and3A_1230, %sub3A_1232, %div3A_1211 : i32
        %rem3A_1234 = arith.constant 4 : i32
        %rem3A_1235 = arith.remsi %add3A_1209, %rem3A_1234 : i32
        %mul3A_1236 = arith.constant 128 : i32
        %mul3A_1237 = arith.muli %rem3A_1235, %mul3A_1236 : i32
        %dma_start3A_1238 = tpu.memref_slice %arg5[%select_n3A_1233, %mul3A_1237] : memref<50x512xi32, #tpu.memory_space<vmem>> -> memref<1x128xi32, #tpu.memory_space<vmem>>
        %dma_start3A_1239 = tpu.memref_squeeze %dma_start3A_1238 : memref<1x128xi32, #tpu.memory_space<vmem>> -> memref<128xi32, #tpu.memory_space<vmem>>
        %dma_start3A_1240 = arith.constant 0 : i32
        %dma_start3A_1241 = arith.constant 0 : i32
        %dma_start3A_1242 = tpu.memref_slice %arg2[%dma_start3A_1240, %dma_start3A_1241] : memref<100000x64xf32, #tpu.memory_space<hbm>> -> memref<100000x64xf32, #tpu.memory_space<hbm>>
        tpu.enqueue_indirect_dma source(%dma_start3A_1242 : memref<100000x64xf32, #tpu.memory_space<hbm>>) target(%arg8 : memref<128x64xf32, #tpu.memory_space<vmem>>) offsets(%dma_start3A_1239 : memref<128xi32, #tpu.memory_space<vmem>>) semaphore(%arg12 : memref<!tpu.dma_semaphore, #tpu.memory_space<semaphore_mem>>)
      } else {
      }
      %ge3A_1053 = arith.constant 2 : i32
      %ge3A_1054 = arith.cmpi sge, %add3A_983, %ge3A_1053 : i32
      %convert_element_type3A_1055 = arith.extui %ge3A_1054 : i1 to i32
      %cond3A_1056 = arith.constant 0 : i32
      %cond3A_1057 = arith.cmpi ne, %convert_element_type3A_1055, %cond3A_1056 : i32
      scf.if %cond3A_1057 {
        %dma_wait3A_1208 = arith.constant 0 : i32
        %dma_wait3A_1209 = arith.constant 0 : i32
        %dma_wait3A_1210 = arith.constant 0 : i32
        %dma_wait3A_1211 = arith.constant 0 : i32
        %dma_wait3A_1212 = tpu.memref_slice %arg11[%dma_wait3A_1210, %dma_wait3A_1211] : memref<64x136xf32, #tpu.memory_space<vmem>> -> memref<8x128xf32, #tpu.memory_space<vmem>>
        %dma_wait3A_1213 = arith.constant 0 : i32
        %dma_wait3A_1214 = arith.constant 0 : i32
        %dma_wait3A_1215 = tpu.memref_slice %arg4[%dma_wait3A_1208, %dma_wait3A_1209, %dma_wait3A_1213, %dma_wait3A_1214] : memref<400x128x8x128xf32, #tpu.memory_space<hbm>> -> memref<1x1x8x128xf32, #tpu.memory_space<hbm>>
        %dma_wait3A_1216 = tpu.memref_squeeze %dma_wait3A_1215 : memref<1x1x8x128xf32, #tpu.memory_space<hbm>> -> memref<8x128xf32, #tpu.memory_space<hbm>>
        %dma_wait3A_1217 = arith.constant 0 : i32
        %dma_wait3A_1218 = arith.constant 0 : i32
        %dma_wait3A_1219 = tpu.memref_slice %arg4[%dma_wait3A_1208, %dma_wait3A_1209, %dma_wait3A_1217, %dma_wait3A_1218] : memref<400x128x8x128xf32, #tpu.memory_space<hbm>> -> memref<1x1x8x128xf32, #tpu.memory_space<hbm>>
        %dma_wait3A_1220 = tpu.memref_squeeze %dma_wait3A_1219 : memref<1x1x8x128xf32, #tpu.memory_space<hbm>> -> memref<8x128xf32, #tpu.memory_space<hbm>>
        %dma_wait3A_1221 = arith.constant 0 : i32
        %dma_wait3A_1222 = arith.constant 0 : i32
        %dma_wait3A_1223 = tpu.memref_slice %arg11[%dma_wait3A_1221, %dma_wait3A_1222] : memref<64x136xf32, #tpu.memory_space<vmem>> -> memref<8x128xf32, #tpu.memory_space<vmem>>
        tpu.wait_dma2 semaphore(%arg13 : memref<!tpu.dma_semaphore, #tpu.memory_space<semaphore_mem>>) src(%dma_wait3A_1223 : memref<8x128xf32, #tpu.memory_space<vmem>>) dst(%dma_wait3A_1220 : memref<8x128xf32, #tpu.memory_space<hbm>>)
        %dma_wait3A_1224 = arith.constant 0 : i32
        %dma_wait3A_1225 = arith.constant 0 : i32
        %dma_wait3A_1226 = arith.constant 0 : i32
        %dma_wait3A_1227 = arith.constant 0 : i32
        %dma_wait3A_1228 = tpu.memref_slice %arg11[%dma_wait3A_1226, %dma_wait3A_1227] : memref<64x136xf32, #tpu.memory_space<vmem>> -> memref<8x128xf32, #tpu.memory_space<vmem>>
        %dma_wait3A_1229 = arith.constant 0 : i32
        %dma_wait3A_1230 = arith.constant 0 : i32
        %dma_wait3A_1231 = tpu.memref_slice %arg4[%dma_wait3A_1224, %dma_wait3A_1225, %dma_wait3A_1229, %dma_wait3A_1230] : memref<400x128x8x128xf32, #tpu.memory_space<hbm>> -> memref<1x1x8x128xf32, #tpu.memory_space<hbm>>
        %dma_wait3A_1232 = tpu.memref_squeeze %dma_wait3A_1231 : memref<1x1x8x128xf32, #tpu.memory_space<hbm>> -> memref<8x128xf32, #tpu.memory_space<hbm>>
        %dma_wait3A_1233 = arith.constant 0 : i32
        %dma_wait3A_1234 = arith.constant 0 : i32
        %dma_wait3A_1235 = tpu.memref_slice %arg4[%dma_wait3A_1224, %dma_wait3A_1225, %dma_wait3A_1233, %dma_wait3A_1234] : memref<400x128x8x128xf32, #tpu.memory_space<hbm>> -> memref<1x1x8x128xf32, #tpu.memory_space<hbm>>
        %dma_wait3A_1236 = tpu.memref_squeeze %dma_wait3A_1235 : memref<1x1x8x128xf32, #tpu.memory_space<hbm>> -> memref<8x128xf32, #tpu.memory_space<hbm>>
        %dma_wait3A_1237 = arith.constant 0 : i32
        %dma_wait3A_1238 = arith.constant 0 : i32
        %dma_wait3A_1239 = tpu.memref_slice %arg11[%dma_wait3A_1237, %dma_wait3A_1238] : memref<64x136xf32, #tpu.memory_space<vmem>> -> memref<8x128xf32, #tpu.memory_space<vmem>>
        tpu.wait_dma2 semaphore(%arg13 : memref<!tpu.dma_semaphore, #tpu.memory_space<semaphore_mem>>) src(%dma_wait3A_1239 : memref<8x128xf32, #tpu.memory_space<vmem>>) dst(%dma_wait3A_1236 : memref<8x128xf32, #tpu.memory_space<hbm>>)
        %dma_wait3A_1240 = arith.constant 0 : i32
        %dma_wait3A_1241 = arith.constant 0 : i32
        %dma_wait3A_1242 = arith.constant 0 : i32
        %dma_wait3A_1243 = arith.constant 0 : i32
        %dma_wait3A_1244 = tpu.memref_slice %arg11[%dma_wait3A_1242, %dma_wait3A_1243] : memref<64x136xf32, #tpu.memory_space<vmem>> -> memref<8x128xf32, #tpu.memory_space<vmem>>
        %dma_wait3A_1245 = arith.constant 0 : i32
        %dma_wait3A_1246 = arith.constant 0 : i32
        %dma_wait3A_1247 = tpu.memref_slice %arg4[%dma_wait3A_1240, %dma_wait3A_1241, %dma_wait3A_1245, %dma_wait3A_1246] : memref<400x128x8x128xf32, #tpu.memory_space<hbm>> -> memref<1x1x8x128xf32, #tpu.memory_space<hbm>>
        %dma_wait3A_1248 = tpu.memref_squeeze %dma_wait3A_1247 : memref<1x1x8x128xf32, #tpu.memory_space<hbm>> -> memref<8x128xf32, #tpu.memory_space<hbm>>
        %dma_wait3A_1249 = arith.constant 0 : i32
        %dma_wait3A_1250 = arith.constant 0 : i32
        %dma_wait3A_1251 = tpu.memref_slice %arg4[%dma_wait3A_1240, %dma_wait3A_1241, %dma_wait3A_1249, %dma_wait3A_1250] : memref<400x128x8x128xf32, #tpu.memory_space<hbm>> -> memref<1x1x8x128xf32, #tpu.memory_space<hbm>>
        %dma_wait3A_1252 = tpu.memref_squeeze %dma_wait3A_1251 : memref<1x1x8x128xf32, #tpu.memory_space<hbm>> -> memref<8x128xf32, #tpu.memory_space<hbm>>
        %dma_wait3A_1253 = arith.constant 0 : i32
        %dma_wait3A_1254 = arith.constant 0 : i32
        %dma_wait3A_1255 = tpu.memref_slice %arg11[%dma_wait3A_1253, %dma_wait3A_1254] : memref<64x136xf32, #tpu.memory_space<vmem>> -> memref<8x128xf32, #tpu.memory_space<vmem>>
        tpu.wait_dma2 semaphore(%arg13 : memref<!tpu.dma_semaphore, #tpu.memory_space<semaphore_mem>>) src(%dma_wait3A_1255 : memref<8x128xf32, #tpu.memory_space<vmem>>) dst(%dma_wait3A_1252 : memref<8x128xf32, #tpu.memory_space<hbm>>)
        %dma_wait3A_1256 = arith.constant 0 : i32
        %dma_wait3A_1257 = arith.constant 0 : i32
        %dma_wait3A_1258 = arith.constant 0 : i32
        %dma_wait3A_1259 = arith.constant 0 : i32
        %dma_wait3A_1260 = tpu.memref_slice %arg11[%dma_wait3A_1258, %dma_wait3A_1259] : memref<64x136xf32, #tpu.memory_space<vmem>> -> memref<8x128xf32, #tpu.memory_space<vmem>>
        %dma_wait3A_1261 = arith.constant 0 : i32
        %dma_wait3A_1262 = arith.constant 0 : i32
        %dma_wait3A_1263 = tpu.memref_slice %arg4[%dma_wait3A_1256, %dma_wait3A_1257, %dma_wait3A_1261, %dma_wait3A_1262] : memref<400x128x8x128xf32, #tpu.memory_space<hbm>> -> memref<1x1x8x128xf32, #tpu.memory_space<hbm>>
        %dma_wait3A_1264 = tpu.memref_squeeze %dma_wait3A_1263 : memref<1x1x8x128xf32, #tpu.memory_space<hbm>> -> memref<8x128xf32, #tpu.memory_space<hbm>>
        %dma_wait3A_1265 = arith.constant 0 : i32
        %dma_wait3A_1266 = arith.constant 0 : i32
        %dma_wait3A_1267 = tpu.memref_slice %arg4[%dma_wait3A_1256, %dma_wait3A_1257, %dma_wait3A_1265, %dma_wait3A_1266] : memref<400x128x8x128xf32, #tpu.memory_space<hbm>> -> memref<1x1x8x128xf32, #tpu.memory_space<hbm>>
        %dma_wait3A_1268 = tpu.memref_squeeze %dma_wait3A_1267 : memref<1x1x8x128xf32, #tpu.memory_space<hbm>> -> memref<8x128xf32, #tpu.memory_space<hbm>>
        %dma_wait3A_1269 = arith.constant 0 : i32
        %dma_wait3A_1270 = arith.constant 0 : i32
        %dma_wait3A_1271 = tpu.memref_slice %arg11[%dma_wait3A_1269, %dma_wait3A_1270] : memref<64x136xf32, #tpu.memory_space<vmem>> -> memref<8x128xf32, #tpu.memory_space<vmem>>
        tpu.wait_dma2 semaphore(%arg13 : memref<!tpu.dma_semaphore, #tpu.memory_space<semaphore_mem>>) src(%dma_wait3A_1271 : memref<8x128xf32, #tpu.memory_space<vmem>>) dst(%dma_wait3A_1268 : memref<8x128xf32, #tpu.memory_space<hbm>>)
        %dma_wait3A_1272 = arith.constant 0 : i32
        %dma_wait3A_1273 = arith.constant 0 : i32
        %dma_wait3A_1274 = arith.constant 0 : i32
        %dma_wait3A_1275 = arith.constant 0 : i32
        %dma_wait3A_1276 = tpu.memref_slice %arg11[%dma_wait3A_1274, %dma_wait3A_1275] : memref<64x136xf32, #tpu.memory_space<vmem>> -> memref<8x128xf32, #tpu.memory_space<vmem>>
        %dma_wait3A_1277 = arith.constant 0 : i32
        %dma_wait3A_1278 = arith.constant 0 : i32
        %dma_wait3A_1279 = tpu.memref_slice %arg4[%dma_wait3A_1272, %dma_wait3A_1273, %dma_wait3A_1277, %dma_wait3A_1278] : memref<400x128x8x128xf32, #tpu.memory_space<hbm>> -> memref<1x1x8x128xf32, #tpu.memory_space<hbm>>
        %dma_wait3A_1280 = tpu.memref_squeeze %dma_wait3A_1279 : memref<1x1x8x128xf32, #tpu.memory_space<hbm>> -> memref<8x128xf32, #tpu.memory_space<hbm>>
        %dma_wait3A_1281 = arith.constant 0 : i32
        %dma_wait3A_1282 = arith.constant 0 : i32
        %dma_wait3A_1283 = tpu.memref_slice %arg4[%dma_wait3A_1272, %dma_wait3A_1273, %dma_wait3A_1281, %dma_wait3A_1282] : memref<400x128x8x128xf32, #tpu.memory_space<hbm>> -> memref<1x1x8x128xf32, #tpu.memory_space<hbm>>
        %dma_wait3A_1284 = tpu.memref_squeeze %dma_wait3A_1283 : memref<1x1x8x128xf32, #tpu.memory_space<hbm>> -> memref<8x128xf32, #tpu.memory_space<hbm>>
        %dma_wait3A_1285 = arith.constant 0 : i32
        %dma_wait3A_1286 = arith.constant 0 : i32
        %dma_wait3A_1287 = tpu.memref_slice %arg11[%dma_wait3A_1285, %dma_wait3A_1286] : memref<64x136xf32, #tpu.memory_space<vmem>> -> memref<8x128xf32, #tpu.memory_space<vmem>>
        tpu.wait_dma2 semaphore(%arg13 : memref<!tpu.dma_semaphore, #tpu.memory_space<semaphore_mem>>) src(%dma_wait3A_1287 : memref<8x128xf32, #tpu.memory_space<vmem>>) dst(%dma_wait3A_1284 : memref<8x128xf32, #tpu.memory_space<hbm>>)
        %dma_wait3A_1288 = arith.constant 0 : i32
        %dma_wait3A_1289 = arith.constant 0 : i32
        %dma_wait3A_1290 = arith.constant 0 : i32
        %dma_wait3A_1291 = arith.constant 0 : i32
        %dma_wait3A_1292 = tpu.memref_slice %arg11[%dma_wait3A_1290, %dma_wait3A_1291] : memref<64x136xf32, #tpu.memory_space<vmem>> -> memref<8x128xf32, #tpu.memory_space<vmem>>
        %dma_wait3A_1293 = arith.constant 0 : i32
        %dma_wait3A_1294 = arith.constant 0 : i32
        %dma_wait3A_1295 = tpu.memref_slice %arg4[%dma_wait3A_1288, %dma_wait3A_1289, %dma_wait3A_1293, %dma_wait3A_1294] : memref<400x128x8x128xf32, #tpu.memory_space<hbm>> -> memref<1x1x8x128xf32, #tpu.memory_space<hbm>>
        %dma_wait3A_1296 = tpu.memref_squeeze %dma_wait3A_1295 : memref<1x1x8x128xf32, #tpu.memory_space<hbm>> -> memref<8x128xf32, #tpu.memory_space<hbm>>
        %dma_wait3A_1297 = arith.constant 0 : i32
        %dma_wait3A_1298 = arith.constant 0 : i32
        %dma_wait3A_1299 = tpu.memref_slice %arg4[%dma_wait3A_1288, %dma_wait3A_1289, %dma_wait3A_1297, %dma_wait3A_1298] : memref<400x128x8x128xf32, #tpu.memory_space<hbm>> -> memref<1x1x8x128xf32, #tpu.memory_space<hbm>>
        %dma_wait3A_1300 = tpu.memref_squeeze %dma_wait3A_1299 : memref<1x1x8x128xf32, #tpu.memory_space<hbm>> -> memref<8x128xf32, #tpu.memory_space<hbm>>
        %dma_wait3A_1301 = arith.constant 0 : i32
        %dma_wait3A_1302 = arith.constant 0 : i32
        %dma_wait3A_1303 = tpu.memref_slice %arg11[%dma_wait3A_1301, %dma_wait3A_1302] : memref<64x136xf32, #tpu.memory_space<vmem>> -> memref<8x128xf32, #tpu.memory_space<vmem>>
        tpu.wait_dma2 semaphore(%arg13 : memref<!tpu.dma_semaphore, #tpu.memory_space<semaphore_mem>>) src(%dma_wait3A_1303 : memref<8x128xf32, #tpu.memory_space<vmem>>) dst(%dma_wait3A_1300 : memref<8x128xf32, #tpu.memory_space<hbm>>)
        %dma_wait3A_1304 = arith.constant 0 : i32
        %dma_wait3A_1305 = arith.constant 0 : i32
        %dma_wait3A_1306 = arith.constant 0 : i32
        %dma_wait3A_1307 = arith.constant 0 : i32
        %dma_wait3A_1308 = tpu.memref_slice %arg11[%dma_wait3A_1306, %dma_wait3A_1307] : memref<64x136xf32, #tpu.memory_space<vmem>> -> memref<8x128xf32, #tpu.memory_space<vmem>>
        %dma_wait3A_1309 = arith.constant 0 : i32
        %dma_wait3A_1310 = arith.constant 0 : i32
        %dma_wait3A_1311 = tpu.memref_slice %arg4[%dma_wait3A_1304, %dma_wait3A_1305, %dma_wait3A_1309, %dma_wait3A_1310] : memref<400x128x8x128xf32, #tpu.memory_space<hbm>> -> memref<1x1x8x128xf32, #tpu.memory_space<hbm>>
        %dma_wait3A_1312 = tpu.memref_squeeze %dma_wait3A_1311 : memref<1x1x8x128xf32, #tpu.memory_space<hbm>> -> memref<8x128xf32, #tpu.memory_space<hbm>>
        %dma_wait3A_1313 = arith.constant 0 : i32
        %dma_wait3A_1314 = arith.constant 0 : i32
        %dma_wait3A_1315 = tpu.memref_slice %arg4[%dma_wait3A_1304, %dma_wait3A_1305, %dma_wait3A_1313, %dma_wait3A_1314] : memref<400x128x8x128xf32, #tpu.memory_space<hbm>> -> memref<1x1x8x128xf32, #tpu.memory_space<hbm>>
        %dma_wait3A_1316 = tpu.memref_squeeze %dma_wait3A_1315 : memref<1x1x8x128xf32, #tpu.memory_space<hbm>> -> memref<8x128xf32, #tpu.memory_space<hbm>>
        %dma_wait3A_1317 = arith.constant 0 : i32
        %dma_wait3A_1318 = arith.constant 0 : i32
        %dma_wait3A_1319 = tpu.memref_slice %arg11[%dma_wait3A_1317, %dma_wait3A_1318] : memref<64x136xf32, #tpu.memory_space<vmem>> -> memref<8x128xf32, #tpu.memory_space<vmem>>
        tpu.wait_dma2 semaphore(%arg13 : memref<!tpu.dma_semaphore, #tpu.memory_space<semaphore_mem>>) src(%dma_wait3A_1319 : memref<8x128xf32, #tpu.memory_space<vmem>>) dst(%dma_wait3A_1316 : memref<8x128xf32, #tpu.memory_space<hbm>>)
        %dma_wait3A_1320 = arith.constant 0 : i32
        %dma_wait3A_1321 = arith.constant 0 : i32
        %dma_wait3A_1322 = arith.constant 0 : i32
        %dma_wait3A_1323 = arith.constant 0 : i32
        %dma_wait3A_1324 = tpu.memref_slice %arg11[%dma_wait3A_1322, %dma_wait3A_1323] : memref<64x136xf32, #tpu.memory_space<vmem>> -> memref<8x128xf32, #tpu.memory_space<vmem>>
        %dma_wait3A_1325 = arith.constant 0 : i32
        %dma_wait3A_1326 = arith.constant 0 : i32
        %dma_wait3A_1327 = tpu.memref_slice %arg4[%dma_wait3A_1320, %dma_wait3A_1321, %dma_wait3A_1325, %dma_wait3A_1326] : memref<400x128x8x128xf32, #tpu.memory_space<hbm>> -> memref<1x1x8x128xf32, #tpu.memory_space<hbm>>
        %dma_wait3A_1328 = tpu.memref_squeeze %dma_wait3A_1327 : memref<1x1x8x128xf32, #tpu.memory_space<hbm>> -> memref<8x128xf32, #tpu.memory_space<hbm>>
        %dma_wait3A_1329 = arith.constant 0 : i32
        %dma_wait3A_1330 = arith.constant 0 : i32
        %dma_wait3A_1331 = tpu.memref_slice %arg4[%dma_wait3A_1320, %dma_wait3A_1321, %dma_wait3A_1329, %dma_wait3A_1330] : memref<400x128x8x128xf32, #tpu.memory_space<hbm>> -> memref<1x1x8x128xf32, #tpu.memory_space<hbm>>
        %dma_wait3A_1332 = tpu.memref_squeeze %dma_wait3A_1331 : memref<1x1x8x128xf32, #tpu.memory_space<hbm>> -> memref<8x128xf32, #tpu.memory_space<hbm>>
        %dma_wait3A_1333 = arith.constant 0 : i32
        %dma_wait3A_1334 = arith.constant 0 : i32
        %dma_wait3A_1335 = tpu.memref_slice %arg11[%dma_wait3A_1333, %dma_wait3A_1334] : memref<64x136xf32, #tpu.memory_space<vmem>> -> memref<8x128xf32, #tpu.memory_space<vmem>>
        tpu.wait_dma2 semaphore(%arg13 : memref<!tpu.dma_semaphore, #tpu.memory_space<semaphore_mem>>) src(%dma_wait3A_1335 : memref<8x128xf32, #tpu.memory_space<vmem>>) dst(%dma_wait3A_1332 : memref<8x128xf32, #tpu.memory_space<hbm>>)
      } else {
      }
      %scan3A_1058 = arith.constant 0 : i32
      %scan3A_1059 = arith.constant 0 : i32
      %scan3A_1060 = arith.constant 16 : i32
      %scan3A_1061 = arith.addi %scan3A_1059, %scan3A_1060 : i32
      %scan3A_1062 = arith.constant 1 : i32
      scf.for %scan3A_1208 = %scan3A_1059 to %scan3A_1061 step %scan3A_1062  : i32 {
        %mul3A_1209 = arith.constant 8 : i32
        %mul3A_1210 = arith.muli %scan3A_1208, %mul3A_1209 : i32
        %add3A_1211 = arith.constant 0 : i32
        %add3A_1212 = arith.addi %mul3A_1210, %add3A_1211 : i32
        %broadcast_in_dim3A = arith.constant 0 : i32
        %broadcast_in_dim3A_1213 = vector.broadcast %broadcast_in_dim3A : i32 to vector<16xi32>
        %add3A_1214 = vector.broadcast %add3A_1212 : i32 to vector<16xi32>
        %add3A_1215 = arith.addi %broadcast_in_dim3A_1213, %add3A_1214 : vector<16xi32>
        %get3A = arith.index_cast %add3A_1212 : i32 to index
        %get3A_1216 = arith.constant 0 : index
        %get3A_1217 = tpu.vector_load %arg9[%get3A, %get3A_1216] {strides = array<i32>} : memref<128x64xf32, #tpu.memory_space<vmem>>, vector<16xf32>,
        %get3A_1218 = arith.index_cast %add3A_1212 : i32 to index
        %get3A_1219 = arith.constant 16 : index
        %get3A_1220 = tpu.vector_load %arg9[%get3A_1218, %get3A_1219] {strides = array<i32>} : memref<128x64xf32, #tpu.memory_space<vmem>>, vector<16xf32>,
        %get3A_1221 = arith.index_cast %add3A_1212 : i32 to index
        %get3A_1222 = arith.constant 32 : index
        %get3A_1223 = tpu.vector_load %arg9[%get3A_1221, %get3A_1222] {strides = array<i32>} : memref<128x64xf32, #tpu.memory_space<vmem>>, vector<16xf32>,
        %get3A_1224 = arith.index_cast %add3A_1212 : i32 to index
        %get3A_1225 = arith.constant 48 : index
        %get3A_1226 = tpu.vector_load %arg9[%get3A_1224, %get3A_1225] {strides = array<i32>} : memref<128x64xf32, #tpu.memory_space<vmem>>, vector<16xf32>,
        tpu.vector_store_idx %arg11[%add3A_5, %add3A_1215], %get3A_1217 : memref<64x136xf32, #tpu.memory_space<vmem>>[vector<16xi32>, vector<16xi32>], vector<16xf32>,
        tpu.vector_store_idx %arg11[%add3A_8, %add3A_1215], %get3A_1220 : memref<64x136xf32, #tpu.memory_space<vmem>>[vector<16xi32>, vector<16xi32>], vector<16xf32>,
        tpu.vector_store_idx %arg11[%add3A_11, %add3A_1215], %get3A_1223 : memref<64x136xf32, #tpu.memory_space<vmem>>[vector<16xi32>, vector<16xi32>], vector<16xf32>,
        tpu.vector_store_idx %arg11[%add3A_14, %add3A_1215], %get3A_1226 : memref<64x136xf32, #tpu.memory_space<vmem>>[vector<16xi32>, vector<16xi32>], vector<16xf32>,
        %mul3A_1227 = arith.constant 8 : i32
        %mul3A_1228 = arith.muli %scan3A_1208, %mul3A_1227 : i32
        %add3A_1229 = arith.constant 1 : i32
        %add3A_1230 = arith.addi %mul3A_1228, %add3A_1229 : i32
        %broadcast_in_dim3A_1231 = arith.constant 0 : i32
        %broadcast_in_dim3A_1232 = vector.broadcast %broadcast_in_dim3A_1231 : i32 to vector<16xi32>
        %add3A_1233 = vector.broadcast %add3A_1230 : i32 to vector<16xi32>
        %add3A_1234 = arith.addi %broadcast_in_dim3A_1232, %add3A_1233 : vector<16xi32>
        %get3A_1235 = arith.index_cast %add3A_1230 : i32 to index
        %get3A_1236 = arith.constant 0 : index
        %get3A_1237 = tpu.vector_load %arg9[%get3A_1235, %get3A_1236] {strides = array<i32>} : memref<128x64xf32, #tpu.memory_space<vmem>>, vector<16xf32>,
        %get3A_1238 = arith.index_cast %add3A_1230 : i32 to index
        %get3A_1239 = arith.constant 16 : index
        %get3A_1240 = tpu.vector_load %arg9[%get3A_1238, %get3A_1239] {strides = array<i32>} : memref<128x64xf32, #tpu.memory_space<vmem>>, vector<16xf32>,
        %get3A_1241 = arith.index_cast %add3A_1230 : i32 to index
        %get3A_1242 = arith.constant 32 : index
        %get3A_1243 = tpu.vector_load %arg9[%get3A_1241, %get3A_1242] {strides = array<i32>} : memref<128x64xf32, #tpu.memory_space<vmem>>, vector<16xf32>,
        %get3A_1244 = arith.index_cast %add3A_1230 : i32 to index
        %get3A_1245 = arith.constant 48 : index
        %get3A_1246 = tpu.vector_load %arg9[%get3A_1244, %get3A_1245] {strides = array<i32>} : memref<128x64xf32, #tpu.memory_space<vmem>>, vector<16xf32>,
        tpu.vector_store_idx %arg11[%add3A_5, %add3A_1234], %get3A_1237 : memref<64x136xf32, #tpu.memory_space<vmem>>[vector<16xi32>, vector<16xi32>], vector<16xf32>,
        tpu.vector_store_idx %arg11[%add3A_8, %add3A_1234], %get3A_1240 : memref<64x136xf32, #tpu.memory_space<vmem>>[vector<16xi32>, vector<16xi32>], vector<16xf32>,
        tpu.vector_store_idx %arg11[%add3A_11, %add3A_1234], %get3A_1243 : memref<64x136xf32, #tpu.memory_space<vmem>>[vector<16xi32>, vector<16xi32>], vector<16xf32>,
        tpu.vector_store_idx %arg11[%add3A_14, %add3A_1234], %get3A_1246 : memref<64x136xf32, #tpu.memory_space<vmem>>[vector<16xi32>, vector<16xi32>], vector<16xf32>,
        %mul3A_1247 = arith.constant 8 : i32
        %mul3A_1248 = arith.muli %scan3A_1208, %mul3A_1247 : i32
        %add3A_1249 = arith.constant 2 : i32
        %add3A_1250 = arith.addi %mul3A_1248, %add3A_1249 : i32
        %broadcast_in_dim3A_1251 = arith.constant 0 : i32
        %broadcast_in_dim3A_1252 = vector.broadcast %broadcast_in_dim3A_1251 : i32 to vector<16xi32>
        %add3A_1253 = vector.broadcast %add3A_1250 : i32 to vector<16xi32>
        %add3A_1254 = arith.addi %broadcast_in_dim3A_1252, %add3A_1253 : vector<16xi32>
        %get3A_1255 = arith.index_cast %add3A_1250 : i32 to index
        %get3A_1256 = arith.constant 0 : index
        %get3A_1257 = tpu.vector_load %arg9[%get3A_1255, %get3A_1256] {strides = array<i32>} : memref<128x64xf32, #tpu.memory_space<vmem>>, vector<16xf32>,
        %get3A_1258 = arith.index_cast %add3A_1250 : i32 to index
        %get3A_1259 = arith.constant 16 : index
        %get3A_1260 = tpu.vector_load %arg9[%get3A_1258, %get3A_1259] {strides = array<i32>} : memref<128x64xf32, #tpu.memory_space<vmem>>, vector<16xf32>,
        %get3A_1261 = arith.index_cast %add3A_1250 : i32 to index
        %get3A_1262 = arith.constant 32 : index
        %get3A_1263 = tpu.vector_load %arg9[%get3A_1261, %get3A_1262] {strides = array<i32>} : memref<128x64xf32, #tpu.memory_space<vmem>>, vector<16xf32>,
        %get3A_1264 = arith.index_cast %add3A_1250 : i32 to index
        %get3A_1265 = arith.constant 48 : index
        %get3A_1266 = tpu.vector_load %arg9[%get3A_1264, %get3A_1265] {strides = array<i32>} : memref<128x64xf32, #tpu.memory_space<vmem>>, vector<16xf32>,
        tpu.vector_store_idx %arg11[%add3A_5, %add3A_1254], %get3A_1257 : memref<64x136xf32, #tpu.memory_space<vmem>>[vector<16xi32>, vector<16xi32>], vector<16xf32>,
        tpu.vector_store_idx %arg11[%add3A_8, %add3A_1254], %get3A_1260 : memref<64x136xf32, #tpu.memory_space<vmem>>[vector<16xi32>, vector<16xi32>], vector<16xf32>,
        tpu.vector_store_idx %arg11[%add3A_11, %add3A_1254], %get3A_1263 : memref<64x136xf32, #tpu.memory_space<vmem>>[vector<16xi32>, vector<16xi32>], vector<16xf32>,
        tpu.vector_store_idx %arg11[%add3A_14, %add3A_1254], %get3A_1266 : memref<64x136xf32, #tpu.memory_space<vmem>>[vector<16xi32>, vector<16xi32>], vector<16xf32>,
        %mul3A_1267 = arith.constant 8 : i32
        %mul3A_1268 = arith.muli %scan3A_1208, %mul3A_1267 : i32
        %add3A_1269 = arith.constant 3 : i32
        %add3A_1270 = arith.addi %mul3A_1268, %add3A_1269 : i32
        %broadcast_in_dim3A_1271 = arith.constant 0 : i32
        %broadcast_in_dim3A_1272 = vector.broadcast %broadcast_in_dim3A_1271 : i32 to vector<16xi32>
        %add3A_1273 = vector.broadcast %add3A_1270 : i32 to vector<16xi32>
        %add3A_1274 = arith.addi %broadcast_in_dim3A_1272, %add3A_1273 : vector<16xi32>
        %get3A_1275 = arith.index_cast %add3A_1270 : i32 to index
        %get3A_1276 = arith.constant 0 : index
        %get3A_1277 = tpu.vector_load %arg9[%get3A_1275, %get3A_1276] {strides = array<i32>} : memref<128x64xf32, #tpu.memory_space<vmem>>, vector<16xf32>,
        %get3A_1278 = arith.index_cast %add3A_1270 : i32 to index
        %get3A_1279 = arith.constant 16 : index
        %get3A_1280 = tpu.vector_load %arg9[%get3A_1278, %get3A_1279] {strides = array<i32>} : memref<128x64xf32, #tpu.memory_space<vmem>>, vector<16xf32>,
        %get3A_1281 = arith.index_cast %add3A_1270 : i32 to index
        %get3A_1282 = arith.constant 32 : index
        %get3A_1283 = tpu.vector_load %arg9[%get3A_1281, %get3A_1282] {strides = array<i32>} : memref<128x64xf32, #tpu.memory_space<vmem>>, vector<16xf32>,
        %get3A_1284 = arith.index_cast %add3A_1270 : i32 to index
        %get3A_1285 = arith.constant 48 : index
        %get3A_1286 = tpu.vector_load %arg9[%get3A_1284, %get3A_1285] {strides = array<i32>} : memref<128x64xf32, #tpu.memory_space<vmem>>, vector<16xf32>,
        tpu.vector_store_idx %arg11[%add3A_5, %add3A_1274], %get3A_1277 : memref<64x136xf32, #tpu.memory_space<vmem>>[vector<16xi32>, vector<16xi32>], vector<16xf32>,
        tpu.vector_store_idx %arg11[%add3A_8, %add3A_1274], %get3A_1280 : memref<64x136xf32, #tpu.memory_space<vmem>>[vector<16xi32>, vector<16xi32>], vector<16xf32>,
        tpu.vector_store_idx %arg11[%add3A_11, %add3A_1274], %get3A_1283 : memref<64x136xf32, #tpu.memory_space<vmem>>[vector<16xi32>, vector<16xi32>], vector<16xf32>,
        tpu.vector_store_idx %arg11[%add3A_14, %add3A_1274], %get3A_1286 : memref<64x136xf32, #tpu.memory_space<vmem>>[vector<16xi32>, vector<16xi32>], vector<16xf32>,
        %mul3A_1287 = arith.constant 8 : i32
        %mul3A_1288 = arith.muli %scan3A_1208, %mul3A_1287 : i32
        %add3A_1289 = arith.constant 4 : i32
        %add3A_1290 = arith.addi %mul3A_1288, %add3A_1289 : i32
        %broadcast_in_dim3A_1291 = arith.constant 0 : i32
        %broadcast_in_dim3A_1292 = vector.broadcast %broadcast_in_dim3A_1291 : i32 to vector<16xi32>
        %add3A_1293 = vector.broadcast %add3A_1290 : i32 to vector<16xi32>
        %add3A_1294 = arith.addi %broadcast_in_dim3A_1292, %add3A_1293 : vector<16xi32>
        %get3A_1295 = arith.index_cast %add3A_1290 : i32 to index
        %get3A_1296 = arith.constant 0 : index
        %get3A_1297 = tpu.vector_load %arg9[%get3A_1295, %get3A_1296] {strides = array<i32>} : memref<128x64xf32, #tpu.memory_space<vmem>>, vector<16xf32>,
        %get3A_1298 = arith.index_cast %add3A_1290 : i32 to index
        %get3A_1299 = arith.constant 16 : index
        %get3A_1300 = tpu.vector_load %arg9[%get3A_1298, %get3A_1299] {strides = array<i32>} : memref<128x64xf32, #tpu.memory_space<vmem>>, vector<16xf32>,
        %get3A_1301 = arith.index_cast %add3A_1290 : i32 to index
        %get3A_1302 = arith.constant 32 : index
        %get3A_1303 = tpu.vector_load %arg9[%get3A_1301, %get3A_1302] {strides = array<i32>} : memref<128x64xf32, #tpu.memory_space<vmem>>, vector<16xf32>,
        %get3A_1304 = arith.index_cast %add3A_1290 : i32 to index
        %get3A_1305 = arith.constant 48 : index
        %get3A_1306 = tpu.vector_load %arg9[%get3A_1304, %get3A_1305] {strides = array<i32>} : memref<128x64xf32, #tpu.memory_space<vmem>>, vector<16xf32>,
        tpu.vector_store_idx %arg11[%add3A_5, %add3A_1294], %get3A_1297 : memref<64x136xf32, #tpu.memory_space<vmem>>[vector<16xi32>, vector<16xi32>], vector<16xf32>,
        tpu.vector_store_idx %arg11[%add3A_8, %add3A_1294], %get3A_1300 : memref<64x136xf32, #tpu.memory_space<vmem>>[vector<16xi32>, vector<16xi32>], vector<16xf32>,
        tpu.vector_store_idx %arg11[%add3A_11, %add3A_1294], %get3A_1303 : memref<64x136xf32, #tpu.memory_space<vmem>>[vector<16xi32>, vector<16xi32>], vector<16xf32>,
        tpu.vector_store_idx %arg11[%add3A_14, %add3A_1294], %get3A_1306 : memref<64x136xf32, #tpu.memory_space<vmem>>[vector<16xi32>, vector<16xi32>], vector<16xf32>,
        %mul3A_1307 = arith.constant 8 : i32
        %mul3A_1308 = arith.muli %scan3A_1208, %mul3A_1307 : i32
        %add3A_1309 = arith.constant 5 : i32
        %add3A_1310 = arith.addi %mul3A_1308, %add3A_1309 : i32
        %broadcast_in_dim3A_1311 = arith.constant 0 : i32
        %broadcast_in_dim3A_1312 = vector.broadcast %broadcast_in_dim3A_1311 : i32 to vector<16xi32>
        %add3A_1313 = vector.broadcast %add3A_1310 : i32 to vector<16xi32>
        %add3A_1314 = arith.addi %broadcast_in_dim3A_1312, %add3A_1313 : vector<16xi32>
        %get3A_1315 = arith.index_cast %add3A_1310 : i32 to index
        %get3A_1316 = arith.constant 0 : index
        %get3A_1317 = tpu.vector_load %arg9[%get3A_1315, %get3A_1316] {strides = array<i32>} : memref<128x64xf32, #tpu.memory_space<vmem>>, vector<16xf32>,
        %get3A_1318 = arith.index_cast %add3A_1310 : i32 to index
        %get3A_1319 = arith.constant 16 : index
        %get3A_1320 = tpu.vector_load %arg9[%get3A_1318, %get3A_1319] {strides = array<i32>} : memref<128x64xf32, #tpu.memory_space<vmem>>, vector<16xf32>,
        %get3A_1321 = arith.index_cast %add3A_1310 : i32 to index
        %get3A_1322 = arith.constant 32 : index
        %get3A_1323 = tpu.vector_load %arg9[%get3A_1321, %get3A_1322] {strides = array<i32>} : memref<128x64xf32, #tpu.memory_space<vmem>>, vector<16xf32>,
        %get3A_1324 = arith.index_cast %add3A_1310 : i32 to index
        %get3A_1325 = arith.constant 48 : index
        %get3A_1326 = tpu.vector_load %arg9[%get3A_1324, %get3A_1325] {strides = array<i32>} : memref<128x64xf32, #tpu.memory_space<vmem>>, vector<16xf32>,
        tpu.vector_store_idx %arg11[%add3A_5, %add3A_1314], %get3A_1317 : memref<64x136xf32, #tpu.memory_space<vmem>>[vector<16xi32>, vector<16xi32>], vector<16xf32>,
        tpu.vector_store_idx %arg11[%add3A_8, %add3A_1314], %get3A_1320 : memref<64x136xf32, #tpu.memory_space<vmem>>[vector<16xi32>, vector<16xi32>], vector<16xf32>,
        tpu.vector_store_idx %arg11[%add3A_11, %add3A_1314], %get3A_1323 : memref<64x136xf32, #tpu.memory_space<vmem>>[vector<16xi32>, vector<16xi32>], vector<16xf32>,
        tpu.vector_store_idx %arg11[%add3A_14, %add3A_1314], %get3A_1326 : memref<64x136xf32, #tpu.memory_space<vmem>>[vector<16xi32>, vector<16xi32>], vector<16xf32>,
        %mul3A_1327 = arith.constant 8 : i32
        %mul3A_1328 = arith.muli %scan3A_1208, %mul3A_1327 : i32
        %add3A_1329 = arith.constant 6 : i32
        %add3A_1330 = arith.addi %mul3A_1328, %add3A_1329 : i32
        %broadcast_in_dim3A_1331 = arith.constant 0 : i32
        %broadcast_in_dim3A_1332 = vector.broadcast %broadcast_in_dim3A_1331 : i32 to vector<16xi32>
        %add3A_1333 = vector.broadcast %add3A_1330 : i32 to vector<16xi32>
        %add3A_1334 = arith.addi %broadcast_in_dim3A_1332, %add3A_1333 : vector<16xi32>
        %get3A_1335 = arith.index_cast %add3A_1330 : i32 to index
        %get3A_1336 = arith.constant 0 : index
        %get3A_1337 = tpu.vector_load %arg9[%get3A_1335, %get3A_1336] {strides = array<i32>} : memref<128x64xf32, #tpu.memory_space<vmem>>, vector<16xf32>,
        %get3A_1338 = arith.index_cast %add3A_1330 : i32 to index
        %get3A_1339 = arith.constant 16 : index
        %get3A_1340 = tpu.vector_load %arg9[%get3A_1338, %get3A_1339] {strides = array<i32>} : memref<128x64xf32, #tpu.memory_space<vmem>>, vector<16xf32>,
        %get3A_1341 = arith.index_cast %add3A_1330 : i32 to index
        %get3A_1342 = arith.constant 32 : index
        %get3A_1343 = tpu.vector_load %arg9[%get3A_1341, %get3A_1342] {strides = array<i32>} : memref<128x64xf32, #tpu.memory_space<vmem>>, vector<16xf32>,
        %get3A_1344 = arith.index_cast %add3A_1330 : i32 to index
        %get3A_1345 = arith.constant 48 : index
        %get3A_1346 = tpu.vector_load %arg9[%get3A_1344, %get3A_1345] {strides = array<i32>} : memref<128x64xf32, #tpu.memory_space<vmem>>, vector<16xf32>,
        tpu.vector_store_idx %arg11[%add3A_5, %add3A_1334], %get3A_1337 : memref<64x136xf32, #tpu.memory_space<vmem>>[vector<16xi32>, vector<16xi32>], vector<16xf32>,
        tpu.vector_store_idx %arg11[%add3A_8, %add3A_1334], %get3A_1340 : memref<64x136xf32, #tpu.memory_space<vmem>>[vector<16xi32>, vector<16xi32>], vector<16xf32>,
        tpu.vector_store_idx %arg11[%add3A_11, %add3A_1334], %get3A_1343 : memref<64x136xf32, #tpu.memory_space<vmem>>[vector<16xi32>, vector<16xi32>], vector<16xf32>,
        tpu.vector_store_idx %arg11[%add3A_14, %add3A_1334], %get3A_1346 : memref<64x136xf32, #tpu.memory_space<vmem>>[vector<16xi32>, vector<16xi32>], vector<16xf32>,
        %mul3A_1347 = arith.constant 8 : i32
        %mul3A_1348 = arith.muli %scan3A_1208, %mul3A_1347 : i32
        %add3A_1349 = arith.constant 7 : i32
        %add3A_1350 = arith.addi %mul3A_1348, %add3A_1349 : i32
        %broadcast_in_dim3A_1351 = arith.constant 0 : i32
        %broadcast_in_dim3A_1352 = vector.broadcast %broadcast_in_dim3A_1351 : i32 to vector<16xi32>
        %add3A_1353 = vector.broadcast %add3A_1350 : i32 to vector<16xi32>
        %add3A_1354 = arith.addi %broadcast_in_dim3A_1352, %add3A_1353 : vector<16xi32>
        %get3A_1355 = arith.index_cast %add3A_1350 : i32 to index
        %get3A_1356 = arith.constant 0 : index
        %get3A_1357 = tpu.vector_load %arg9[%get3A_1355, %get3A_1356] {strides = array<i32>} : memref<128x64xf32, #tpu.memory_space<vmem>>, vector<16xf32>,
        %get3A_1358 = arith.index_cast %add3A_1350 : i32 to index
        %get3A_1359 = arith.constant 16 : index
        %get3A_1360 = tpu.vector_load %arg9[%get3A_1358, %get3A_1359] {strides = array<i32>} : memref<128x64xf32, #tpu.memory_space<vmem>>, vector<16xf32>,
        %get3A_1361 = arith.index_cast %add3A_1350 : i32 to index
        %get3A_1362 = arith.constant 32 : index
        %get3A_1363 = tpu.vector_load %arg9[%get3A_1361, %get3A_1362] {strides = array<i32>} : memref<128x64xf32, #tpu.memory_space<vmem>>, vector<16xf32>,
        %get3A_1364 = arith.index_cast %add3A_1350 : i32 to index
        %get3A_1365 = arith.constant 48 : index
        %get3A_1366 = tpu.vector_load %arg9[%get3A_1364, %get3A_1365] {strides = array<i32>} : memref<128x64xf32, #tpu.memory_space<vmem>>, vector<16xf32>,
        tpu.vector_store_idx %arg11[%add3A_5, %add3A_1354], %get3A_1357 : memref<64x136xf32, #tpu.memory_space<vmem>>[vector<16xi32>, vector<16xi32>], vector<16xf32>,
        tpu.vector_store_idx %arg11[%add3A_8, %add3A_1354], %get3A_1360 : memref<64x136xf32, #tpu.memory_space<vmem>>[vector<16xi32>, vector<16xi32>], vector<16xf32>,
        tpu.vector_store_idx %arg11[%add3A_11, %add3A_1354], %get3A_1363 : memref<64x136xf32, #tpu.memory_space<vmem>>[vector<16xi32>, vector<16xi32>], vector<16xf32>,
        tpu.vector_store_idx %arg11[%add3A_14, %add3A_1354], %get3A_1366 : memref<64x136xf32, #tpu.memory_space<vmem>>[vector<16xi32>, vector<16xi32>], vector<16xf32>,
      }
      %scan3A_1063 = arith.constant 16 : i32
      %mul3A_1064 = arith.constant 8 : i32
      %mul3A_1065 = arith.muli %select_n3A_1007, %mul3A_1064 : i32
      %add3A_1066 = arith.constant 0 : i32
      %add3A_1067 = arith.addi %mul3A_1065, %add3A_1066 : i32
      %dma_start3A_1068 = arith.constant 0 : i32
      %dma_start3A_1069 = arith.constant 0 : i32
      %dma_start3A_1070 = tpu.memref_slice %arg11[%dma_start3A_1068, %dma_start3A_1069] : memref<64x136xf32, #tpu.memory_space<vmem>> -> memref<8x128xf32, #tpu.memory_space<vmem>>
      %dma_start3A_1071 = arith.constant 0 : i32
      %dma_start3A_1072 = arith.constant 0 : i32
      %dma_start3A_1073 = tpu.memref_slice %arg4[%add3A_1067, %add3A_1012, %dma_start3A_1071, %dma_start3A_1072] : memref<400x128x8x128xf32, #tpu.memory_space<hbm>> -> memref<1x1x8x128xf32, #tpu.memory_space<hbm>>
      %dma_start3A_1074 = tpu.memref_squeeze %dma_start3A_1073 : memref<1x1x8x128xf32, #tpu.memory_space<hbm>> -> memref<8x128xf32, #tpu.memory_space<hbm>>
      %dma_start3A_1075 = arith.constant 0 : i32
      %dma_start3A_1076 = arith.constant 0 : i32
      %dma_start3A_1077 = tpu.memref_slice %arg4[%add3A_1067, %add3A_1012, %dma_start3A_1075, %dma_start3A_1076] : memref<400x128x8x128xf32, #tpu.memory_space<hbm>> -> memref<1x1x8x128xf32, #tpu.memory_space<hbm>>
      %dma_start3A_1078 = tpu.memref_squeeze %dma_start3A_1077 : memref<1x1x8x128xf32, #tpu.memory_space<hbm>> -> memref<8x128xf32, #tpu.memory_space<hbm>>
      %dma_start3A_1079 = arith.constant 0 : i32
      %dma_start3A_1080 = arith.constant 0 : i32
      %dma_start3A_1081 = tpu.memref_slice %arg11[%dma_start3A_1079, %dma_start3A_1080] : memref<64x136xf32, #tpu.memory_space<vmem>> -> memref<8x128xf32, #tpu.memory_space<vmem>>
      tpu.enqueue_dma source(%dma_start3A_1081 : memref<8x128xf32, #tpu.memory_space<vmem>>) target(%dma_start3A_1078 : memref<8x128xf32, #tpu.memory_space<hbm>>) target_semaphore(%arg13 : memref<!tpu.dma_semaphore, #tpu.memory_space<semaphore_mem>>)
      %mul3A_1082 = arith.constant 8 : i32
      %mul3A_1083 = arith.muli %select_n3A_1007, %mul3A_1082 : i32
      %add3A_1084 = arith.constant 1 : i32
      %add3A_1085 = arith.addi %mul3A_1083, %add3A_1084 : i32
      %dma_start3A_1086 = arith.constant 8 : i32
      %dma_start3A_1087 = arith.constant 0 : i32
      %dma_start3A_1088 = tpu.memref_slice %arg11[%dma_start3A_1086, %dma_start3A_1087] : memref<64x136xf32, #tpu.memory_space<vmem>> -> memref<8x128xf32, #tpu.memory_space<vmem>>
      %dma_start3A_1089 = arith.constant 0 : i32
      %dma_start3A_1090 = arith.constant 0 : i32
      %dma_start3A_1091 = tpu.memref_slice %arg4[%add3A_1085, %add3A_1012, %dma_start3A_1089, %dma_start3A_1090] : memref<400x128x8x128xf32, #tpu.memory_space<hbm>> -> memref<1x1x8x128xf32, #tpu.memory_space<hbm>>
      %dma_start3A_1092 = tpu.memref_squeeze %dma_start3A_1091 : memref<1x1x8x128xf32, #tpu.memory_space<hbm>> -> memref<8x128xf32, #tpu.memory_space<hbm>>
      %dma_start3A_1093 = arith.constant 0 : i32
      %dma_start3A_1094 = arith.constant 0 : i32
      %dma_start3A_1095 = tpu.memref_slice %arg4[%add3A_1085, %add3A_1012, %dma_start3A_1093, %dma_start3A_1094] : memref<400x128x8x128xf32, #tpu.memory_space<hbm>> -> memref<1x1x8x128xf32, #tpu.memory_space<hbm>>
      %dma_start3A_1096 = tpu.memref_squeeze %dma_start3A_1095 : memref<1x1x8x128xf32, #tpu.memory_space<hbm>> -> memref<8x128xf32, #tpu.memory_space<hbm>>
      %dma_start3A_1097 = arith.constant 8 : i32
      %dma_start3A_1098 = arith.constant 0 : i32
      %dma_start3A_1099 = tpu.memref_slice %arg11[%dma_start3A_1097, %dma_start3A_1098] : memref<64x136xf32, #tpu.memory_space<vmem>> -> memref<8x128xf32, #tpu.memory_space<vmem>>
      tpu.enqueue_dma source(%dma_start3A_1099 : memref<8x128xf32, #tpu.memory_space<vmem>>) target(%dma_start3A_1096 : memref<8x128xf32, #tpu.memory_space<hbm>>) target_semaphore(%arg13 : memref<!tpu.dma_semaphore, #tpu.memory_space<semaphore_mem>>)
      %mul3A_1100 = arith.constant 8 : i32
      %mul3A_1101 = arith.muli %select_n3A_1007, %mul3A_1100 : i32
      %add3A_1102 = arith.constant 2 : i32
      %add3A_1103 = arith.addi %mul3A_1101, %add3A_1102 : i32
      %dma_start3A_1104 = arith.constant 16 : i32
      %dma_start3A_1105 = arith.constant 0 : i32
      %dma_start3A_1106 = tpu.memref_slice %arg11[%dma_start3A_1104, %dma_start3A_1105] : memref<64x136xf32, #tpu.memory_space<vmem>> -> memref<8x128xf32, #tpu.memory_space<vmem>>
      %dma_start3A_1107 = arith.constant 0 : i32
      %dma_start3A_1108 = arith.constant 0 : i32
      %dma_start3A_1109 = tpu.memref_slice %arg4[%add3A_1103, %add3A_1012, %dma_start3A_1107, %dma_start3A_1108] : memref<400x128x8x128xf32, #tpu.memory_space<hbm>> -> memref<1x1x8x128xf32, #tpu.memory_space<hbm>>
      %dma_start3A_1110 = tpu.memref_squeeze %dma_start3A_1109 : memref<1x1x8x128xf32, #tpu.memory_space<hbm>> -> memref<8x128xf32, #tpu.memory_space<hbm>>
      %dma_start3A_1111 = arith.constant 0 : i32
      %dma_start3A_1112 = arith.constant 0 : i32
      %dma_start3A_1113 = tpu.memref_slice %arg4[%add3A_1103, %add3A_1012, %dma_start3A_1111, %dma_start3A_1112] : memref<400x128x8x128xf32, #tpu.memory_space<hbm>> -> memref<1x1x8x128xf32, #tpu.memory_space<hbm>>
      %dma_start3A_1114 = tpu.memref_squeeze %dma_start3A_1113 : memref<1x1x8x128xf32, #tpu.memory_space<hbm>> -> memref<8x128xf32, #tpu.memory_space<hbm>>
      %dma_start3A_1115 = arith.constant 16 : i32
      %dma_start3A_1116 = arith.constant 0 : i32
      %dma_start3A_1117 = tpu.memref_slice %arg11[%dma_start3A_1115, %dma_start3A_1116] : memref<64x136xf32, #tpu.memory_space<vmem>> -> memref<8x128xf32, #tpu.memory_space<vmem>>
      tpu.enqueue_dma source(%dma_start3A_1117 : memref<8x128xf32, #tpu.memory_space<vmem>>) target(%dma_start3A_1114 : memref<8x128xf32, #tpu.memory_space<hbm>>) target_semaphore(%arg13 : memref<!tpu.dma_semaphore, #tpu.memory_space<semaphore_mem>>)
      %mul3A_1118 = arith.constant 8 : i32
      %mul3A_1119 = arith.muli %select_n3A_1007, %mul3A_1118 : i32
      %add3A_1120 = arith.constant 3 : i32
      %add3A_1121 = arith.addi %mul3A_1119, %add3A_1120 : i32
      %dma_start3A_1122 = arith.constant 24 : i32
      %dma_start3A_1123 = arith.constant 0 : i32
      %dma_start3A_1124 = tpu.memref_slice %arg11[%dma_start3A_1122, %dma_start3A_1123] : memref<64x136xf32, #tpu.memory_space<vmem>> -> memref<8x128xf32, #tpu.memory_space<vmem>>
      %dma_start3A_1125 = arith.constant 0 : i32
      %dma_start3A_1126 = arith.constant 0 : i32
      %dma_start3A_1127 = tpu.memref_slice %arg4[%add3A_1121, %add3A_1012, %dma_start3A_1125, %dma_start3A_1126] : memref<400x128x8x128xf32, #tpu.memory_space<hbm>> -> memref<1x1x8x128xf32, #tpu.memory_space<hbm>>
      %dma_start3A_1128 = tpu.memref_squeeze %dma_start3A_1127 : memref<1x1x8x128xf32, #tpu.memory_space<hbm>> -> memref<8x128xf32, #tpu.memory_space<hbm>>
      %dma_start3A_1129 = arith.constant 0 : i32
      %dma_start3A_1130 = arith.constant 0 : i32
      %dma_start3A_1131 = tpu.memref_slice %arg4[%add3A_1121, %add3A_1012, %dma_start3A_1129, %dma_start3A_1130] : memref<400x128x8x128xf32, #tpu.memory_space<hbm>> -> memref<1x1x8x128xf32, #tpu.memory_space<hbm>>
      %dma_start3A_1132 = tpu.memref_squeeze %dma_start3A_1131 : memref<1x1x8x128xf32, #tpu.memory_space<hbm>> -> memref<8x128xf32, #tpu.memory_space<hbm>>
      %dma_start3A_1133 = arith.constant 24 : i32
      %dma_start3A_1134 = arith.constant 0 : i32
      %dma_start3A_1135 = tpu.memref_slice %arg11[%dma_start3A_1133, %dma_start3A_1134] : memref<64x136xf32, #tpu.memory_space<vmem>> -> memref<8x128xf32, #tpu.memory_space<vmem>>
      tpu.enqueue_dma source(%dma_start3A_1135 : memref<8x128xf32, #tpu.memory_space<vmem>>) target(%dma_start3A_1132 : memref<8x128xf32, #tpu.memory_space<hbm>>) target_semaphore(%arg13 : memref<!tpu.dma_semaphore, #tpu.memory_space<semaphore_mem>>)
      %mul3A_1136 = arith.constant 8 : i32
      %mul3A_1137 = arith.muli %select_n3A_1007, %mul3A_1136 : i32
      %add3A_1138 = arith.constant 4 : i32
      %add3A_1139 = arith.addi %mul3A_1137, %add3A_1138 : i32
      %dma_start3A_1140 = arith.constant 32 : i32
      %dma_start3A_1141 = arith.constant 0 : i32
      %dma_start3A_1142 = tpu.memref_slice %arg11[%dma_start3A_1140, %dma_start3A_1141] : memref<64x136xf32, #tpu.memory_space<vmem>> -> memref<8x128xf32, #tpu.memory_space<vmem>>
      %dma_start3A_1143 = arith.constant 0 : i32
      %dma_start3A_1144 = arith.constant 0 : i32
      %dma_start3A_1145 = tpu.memref_slice %arg4[%add3A_1139, %add3A_1012, %dma_start3A_1143, %dma_start3A_1144] : memref<400x128x8x128xf32, #tpu.memory_space<hbm>> -> memref<1x1x8x128xf32, #tpu.memory_space<hbm>>
      %dma_start3A_1146 = tpu.memref_squeeze %dma_start3A_1145 : memref<1x1x8x128xf32, #tpu.memory_space<hbm>> -> memref<8x128xf32, #tpu.memory_space<hbm>>
      %dma_start3A_1147 = arith.constant 0 : i32
      %dma_start3A_1148 = arith.constant 0 : i32
      %dma_start3A_1149 = tpu.memref_slice %arg4[%add3A_1139, %add3A_1012, %dma_start3A_1147, %dma_start3A_1148] : memref<400x128x8x128xf32, #tpu.memory_space<hbm>> -> memref<1x1x8x128xf32, #tpu.memory_space<hbm>>
      %dma_start3A_1150 = tpu.memref_squeeze %dma_start3A_1149 : memref<1x1x8x128xf32, #tpu.memory_space<hbm>> -> memref<8x128xf32, #tpu.memory_space<hbm>>
      %dma_start3A_1151 = arith.constant 32 : i32
      %dma_start3A_1152 = arith.constant 0 : i32
      %dma_start3A_1153 = tpu.memref_slice %arg11[%dma_start3A_1151, %dma_start3A_1152] : memref<64x136xf32, #tpu.memory_space<vmem>> -> memref<8x128xf32, #tpu.memory_space<vmem>>
      tpu.enqueue_dma source(%dma_start3A_1153 : memref<8x128xf32, #tpu.memory_space<vmem>>) target(%dma_start3A_1150 : memref<8x128xf32, #tpu.memory_space<hbm>>) target_semaphore(%arg13 : memref<!tpu.dma_semaphore, #tpu.memory_space<semaphore_mem>>)
      %mul3A_1154 = arith.constant 8 : i32
      %mul3A_1155 = arith.muli %select_n3A_1007, %mul3A_1154 : i32
      %add3A_1156 = arith.constant 5 : i32
      %add3A_1157 = arith.addi %mul3A_1155, %add3A_1156 : i32
      %dma_start3A_1158 = arith.constant 40 : i32
      %dma_start3A_1159 = arith.constant 0 : i32
      %dma_start3A_1160 = tpu.memref_slice %arg11[%dma_start3A_1158, %dma_start3A_1159] : memref<64x136xf32, #tpu.memory_space<vmem>> -> memref<8x128xf32, #tpu.memory_space<vmem>>
      %dma_start3A_1161 = arith.constant 0 : i32
      %dma_start3A_1162 = arith.constant 0 : i32
      %dma_start3A_1163 = tpu.memref_slice %arg4[%add3A_1157, %add3A_1012, %dma_start3A_1161, %dma_start3A_1162] : memref<400x128x8x128xf32, #tpu.memory_space<hbm>> -> memref<1x1x8x128xf32, #tpu.memory_space<hbm>>
      %dma_start3A_1164 = tpu.memref_squeeze %dma_start3A_1163 : memref<1x1x8x128xf32, #tpu.memory_space<hbm>> -> memref<8x128xf32, #tpu.memory_space<hbm>>
      %dma_start3A_1165 = arith.constant 0 : i32
      %dma_start3A_1166 = arith.constant 0 : i32
      %dma_start3A_1167 = tpu.memref_slice %arg4[%add3A_1157, %add3A_1012, %dma_start3A_1165, %dma_start3A_1166] : memref<400x128x8x128xf32, #tpu.memory_space<hbm>> -> memref<1x1x8x128xf32, #tpu.memory_space<hbm>>
      %dma_start3A_1168 = tpu.memref_squeeze %dma_start3A_1167 : memref<1x1x8x128xf32, #tpu.memory_space<hbm>> -> memref<8x128xf32, #tpu.memory_space<hbm>>
      %dma_start3A_1169 = arith.constant 40 : i32
      %dma_start3A_1170 = arith.constant 0 : i32
      %dma_start3A_1171 = tpu.memref_slice %arg11[%dma_start3A_1169, %dma_start3A_1170] : memref<64x136xf32, #tpu.memory_space<vmem>> -> memref<8x128xf32, #tpu.memory_space<vmem>>
      tpu.enqueue_dma source(%dma_start3A_1171 : memref<8x128xf32, #tpu.memory_space<vmem>>) target(%dma_start3A_1168 : memref<8x128xf32, #tpu.memory_space<hbm>>) target_semaphore(%arg13 : memref<!tpu.dma_semaphore, #tpu.memory_space<semaphore_mem>>)
      %mul3A_1172 = arith.constant 8 : i32
      %mul3A_1173 = arith.muli %select_n3A_1007, %mul3A_1172 : i32
      %add3A_1174 = arith.constant 6 : i32
      %add3A_1175 = arith.addi %mul3A_1173, %add3A_1174 : i32
      %dma_start3A_1176 = arith.constant 48 : i32
      %dma_start3A_1177 = arith.constant 0 : i32
      %dma_start3A_1178 = tpu.memref_slice %arg11[%dma_start3A_1176, %dma_start3A_1177] : memref<64x136xf32, #tpu.memory_space<vmem>> -> memref<8x128xf32, #tpu.memory_space<vmem>>
      %dma_start3A_1179 = arith.constant 0 : i32
      %dma_start3A_1180 = arith.constant 0 : i32
      %dma_start3A_1181 = tpu.memref_slice %arg4[%add3A_1175, %add3A_1012, %dma_start3A_1179, %dma_start3A_1180] : memref<400x128x8x128xf32, #tpu.memory_space<hbm>> -> memref<1x1x8x128xf32, #tpu.memory_space<hbm>>
      %dma_start3A_1182 = tpu.memref_squeeze %dma_start3A_1181 : memref<1x1x8x128xf32, #tpu.memory_space<hbm>> -> memref<8x128xf32, #tpu.memory_space<hbm>>
      %dma_start3A_1183 = arith.constant 0 : i32
      %dma_start3A_1184 = arith.constant 0 : i32
      %dma_start3A_1185 = tpu.memref_slice %arg4[%add3A_1175, %add3A_1012, %dma_start3A_1183, %dma_start3A_1184] : memref<400x128x8x128xf32, #tpu.memory_space<hbm>> -> memref<1x1x8x128xf32, #tpu.memory_space<hbm>>
      %dma_start3A_1186 = tpu.memref_squeeze %dma_start3A_1185 : memref<1x1x8x128xf32, #tpu.memory_space<hbm>> -> memref<8x128xf32, #tpu.memory_space<hbm>>
      %dma_start3A_1187 = arith.constant 48 : i32
      %dma_start3A_1188 = arith.constant 0 : i32
      %dma_start3A_1189 = tpu.memref_slice %arg11[%dma_start3A_1187, %dma_start3A_1188] : memref<64x136xf32, #tpu.memory_space<vmem>> -> memref<8x128xf32, #tpu.memory_space<vmem>>
      tpu.enqueue_dma source(%dma_start3A_1189 : memref<8x128xf32, #tpu.memory_space<vmem>>) target(%dma_start3A_1186 : memref<8x128xf32, #tpu.memory_space<hbm>>) target_semaphore(%arg13 : memref<!tpu.dma_semaphore, #tpu.memory_space<semaphore_mem>>)
      %mul3A_1190 = arith.constant 8 : i32
      %mul3A_1191 = arith.muli %select_n3A_1007, %mul3A_1190 : i32
      %add3A_1192 = arith.constant 7 : i32
      %add3A_1193 = arith.addi %mul3A_1191, %add3A_1192 : i32
      %dma_start3A_1194 = arith.constant 56 : i32
      %dma_start3A_1195 = arith.constant 0 : i32
      %dma_start3A_1196 = tpu.memref_slice %arg11[%dma_start3A_1194, %dma_start3A_1195] : memref<64x136xf32, #tpu.memory_space<vmem>> -> memref<8x128xf32, #tpu.memory_space<vmem>>
      %dma_start3A_1197 = arith.constant 0 : i32
      %dma_start3A_1198 = arith.constant 0 : i32
      %dma_start3A_1199 = tpu.memref_slice %arg4[%add3A_1193, %add3A_1012, %dma_start3A_1197, %dma_start3A_1198] : memref<400x128x8x128xf32, #tpu.memory_space<hbm>> -> memref<1x1x8x128xf32, #tpu.memory_space<hbm>>
      %dma_start3A_1200 = tpu.memref_squeeze %dma_start3A_1199 : memref<1x1x8x128xf32, #tpu.memory_space<hbm>> -> memref<8x128xf32, #tpu.memory_space<hbm>>
      %dma_start3A_1201 = arith.constant 0 : i32
      %dma_start3A_1202 = arith.constant 0 : i32
      %dma_start3A_1203 = tpu.memref_slice %arg4[%add3A_1193, %add3A_1012, %dma_start3A_1201, %dma_start3A_1202] : memref<400x128x8x128xf32, #tpu.memory_space<hbm>> -> memref<1x1x8x128xf32, #tpu.memory_space<hbm>>
      %dma_start3A_1204 = tpu.memref_squeeze %dma_start3A_1203 : memref<1x1x8x128xf32, #tpu.memory_space<hbm>> -> memref<8x128xf32, #tpu.memory_space<hbm>>
      %dma_start3A_1205 = arith.constant 56 : i32
      %dma_start3A_1206 = arith.constant 0 : i32
      %dma_start3A_1207 = tpu.memref_slice %arg11[%dma_start3A_1205, %dma_start3A_1206] : memref<64x136xf32, #tpu.memory_space<vmem>> -> memref<8x128xf32, #tpu.memory_space<vmem>>
      tpu.enqueue_dma source(%dma_start3A_1207 : memref<8x128xf32, #tpu.memory_space<vmem>>) target(%dma_start3A_1204 : memref<8x128xf32, #tpu.memory_space<hbm>>) target_semaphore(%arg13 : memref<!tpu.dma_semaphore, #tpu.memory_space<semaphore_mem>>)
    }
    %scan3A_50 = arith.constant 50 : i32
    %dma_wait3A = arith.constant 0 : i32
    %dma_wait3A_51 = arith.constant 0 : i32
    %dma_wait3A_52 = arith.constant 0 : i32
    %dma_wait3A_53 = arith.constant 0 : i32
    %dma_wait3A_54 = tpu.memref_slice %arg10[%dma_wait3A_52, %dma_wait3A_53] : memref<64x136xf32, #tpu.memory_space<vmem>> -> memref<8x128xf32, #tpu.memory_space<vmem>>
    %dma_wait3A_55 = arith.constant 0 : i32
    %dma_wait3A_56 = arith.constant 0 : i32
    %dma_wait3A_57 = tpu.memref_slice %arg4[%dma_wait3A, %dma_wait3A_51, %dma_wait3A_55, %dma_wait3A_56] : memref<400x128x8x128xf32, #tpu.memory_space<hbm>> -> memref<1x1x8x128xf32, #tpu.memory_space<hbm>>
    %dma_wait3A_58 = tpu.memref_squeeze %dma_wait3A_57 : memref<1x1x8x128xf32, #tpu.memory_space<hbm>> -> memref<8x128xf32, #tpu.memory_space<hbm>>
    %dma_wait3A_59 = arith.constant 0 : i32
    %dma_wait3A_60 = arith.constant 0 : i32
    %dma_wait3A_61 = tpu.memref_slice %arg4[%dma_wait3A, %dma_wait3A_51, %dma_wait3A_59, %dma_wait3A_60] : memref<400x128x8x128xf32, #tpu.memory_space<hbm>> -> memref<1x1x8x128xf32, #tpu.memory_space<hbm>>
    %dma_wait3A_62 = tpu.memref_squeeze %dma_wait3A_61 : memref<1x1x8x128xf32, #tpu.memory_space<hbm>> -> memref<8x128xf32, #tpu.memory_space<hbm>>
    %dma_wait3A_63 = arith.constant 0 : i32
    %dma_wait3A_64 = arith.constant 0 : i32
    %dma_wait3A_65 = tpu.memref_slice %arg10[%dma_wait3A_63, %dma_wait3A_64] : memref<64x136xf32, #tpu.memory_space<vmem>> -> memref<8x128xf32, #tpu.memory_space<vmem>>
    tpu.wait_dma2 semaphore(%arg13 : memref<!tpu.dma_semaphore, #tpu.memory_space<semaphore_mem>>) src(%dma_wait3A_65 : memref<8x128xf32, #tpu.memory_space<vmem>>) dst(%dma_wait3A_62 : memref<8x128xf32, #tpu.memory_space<hbm>>)
    %dma_wait3A_66 = arith.constant 0 : i32
    %dma_wait3A_67 = arith.constant 0 : i32
    %dma_wait3A_68 = arith.constant 0 : i32
    %dma_wait3A_69 = arith.constant 0 : i32
    %dma_wait3A_70 = tpu.memref_slice %arg10[%dma_wait3A_68, %dma_wait3A_69] : memref<64x136xf32, #tpu.memory_space<vmem>> -> memref<8x128xf32, #tpu.memory_space<vmem>>
    %dma_wait3A_71 = arith.constant 0 : i32
    %dma_wait3A_72 = arith.constant 0 : i32
    %dma_wait3A_73 = tpu.memref_slice %arg4[%dma_wait3A_66, %dma_wait3A_67, %dma_wait3A_71, %dma_wait3A_72] : memref<400x128x8x128xf32, #tpu.memory_space<hbm>> -> memref<1x1x8x128xf32, #tpu.memory_space<hbm>>
    %dma_wait3A_74 = tpu.memref_squeeze %dma_wait3A_73 : memref<1x1x8x128xf32, #tpu.memory_space<hbm>> -> memref<8x128xf32, #tpu.memory_space<hbm>>
    %dma_wait3A_75 = arith.constant 0 : i32
    %dma_wait3A_76 = arith.constant 0 : i32
    %dma_wait3A_77 = tpu.memref_slice %arg4[%dma_wait3A_66, %dma_wait3A_67, %dma_wait3A_75, %dma_wait3A_76] : memref<400x128x8x128xf32, #tpu.memory_space<hbm>> -> memref<1x1x8x128xf32, #tpu.memory_space<hbm>>
    %dma_wait3A_78 = tpu.memref_squeeze %dma_wait3A_77 : memref<1x1x8x128xf32, #tpu.memory_space<hbm>> -> memref<8x128xf32, #tpu.memory_space<hbm>>
    %dma_wait3A_79 = arith.constant 0 : i32
    %dma_wait3A_80 = arith.constant 0 : i32
    %dma_wait3A_81 = tpu.memref_slice %arg10[%dma_wait3A_79, %dma_wait3A_80] : memref<64x136xf32, #tpu.memory_space<vmem>> -> memref<8x128xf32, #tpu.memory_space<vmem>>
    tpu.wait_dma2 semaphore(%arg13 : memref<!tpu.dma_semaphore, #tpu.memory_space<semaphore_mem>>) src(%dma_wait3A_81 : memref<8x128xf32, #tpu.memory_space<vmem>>) dst(%dma_wait3A_78 : memref<8x128xf32, #tpu.memory_space<hbm>>)
    %dma_wait3A_82 = arith.constant 0 : i32
    %dma_wait3A_83 = arith.constant 0 : i32
    %dma_wait3A_84 = arith.constant 0 : i32
    %dma_wait3A_85 = arith.constant 0 : i32
    %dma_wait3A_86 = tpu.memref_slice %arg10[%dma_wait3A_84, %dma_wait3A_85] : memref<64x136xf32, #tpu.memory_space<vmem>> -> memref<8x128xf32, #tpu.memory_space<vmem>>
    %dma_wait3A_87 = arith.constant 0 : i32
    %dma_wait3A_88 = arith.constant 0 : i32
    %dma_wait3A_89 = tpu.memref_slice %arg4[%dma_wait3A_82, %dma_wait3A_83, %dma_wait3A_87, %dma_wait3A_88] : memref<400x128x8x128xf32, #tpu.memory_space<hbm>> -> memref<1x1x8x128xf32, #tpu.memory_space<hbm>>
    %dma_wait3A_90 = tpu.memref_squeeze %dma_wait3A_89 : memref<1x1x8x128xf32, #tpu.memory_space<hbm>> -> memref<8x128xf32, #tpu.memory_space<hbm>>
    %dma_wait3A_91 = arith.constant 0 : i32
    %dma_wait3A_92 = arith.constant 0 : i32
    %dma_wait3A_93 = tpu.memref_slice %arg4[%dma_wait3A_82, %dma_wait3A_83, %dma_wait3A_91, %dma_wait3A_92] : memref<400x128x8x128xf32, #tpu.memory_space<hbm>> -> memref<1x1x8x128xf32, #tpu.memory_space<hbm>>
    %dma_wait3A_94 = tpu.memref_squeeze %dma_wait3A_93 : memref<1x1x8x128xf32, #tpu.memory_space<hbm>> -> memref<8x128xf32, #tpu.memory_space<hbm>>
    %dma_wait3A_95 = arith.constant 0 : i32
    %dma_wait3A_96 = arith.constant 0 : i32
    %dma_wait3A_97 = tpu.memref_slice %arg10[%dma_wait3A_95, %dma_wait3A_96] : memref<64x136xf32, #tpu.memory_space<vmem>> -> memref<8x128xf32, #tpu.memory_space<vmem>>
    tpu.wait_dma2 semaphore(%arg13 : memref<!tpu.dma_semaphore, #tpu.memory_space<semaphore_mem>>) src(%dma_wait3A_97 : memref<8x128xf32, #tpu.memory_space<vmem>>) dst(%dma_wait3A_94 : memref<8x128xf32, #tpu.memory_space<hbm>>)
    %dma_wait3A_98 = arith.constant 0 : i32
    %dma_wait3A_99 = arith.constant 0 : i32
    %dma_wait3A_100 = arith.constant 0 : i32
    %dma_wait3A_101 = arith.constant 0 : i32
    %dma_wait3A_102 = tpu.memref_slice %arg10[%dma_wait3A_100, %dma_wait3A_101] : memref<64x136xf32, #tpu.memory_space<vmem>> -> memref<8x128xf32, #tpu.memory_space<vmem>>
    %dma_wait3A_103 = arith.constant 0 : i32
    %dma_wait3A_104 = arith.constant 0 : i32
    %dma_wait3A_105 = tpu.memref_slice %arg4[%dma_wait3A_98, %dma_wait3A_99, %dma_wait3A_103, %dma_wait3A_104] : memref<400x128x8x128xf32, #tpu.memory_space<hbm>> -> memref<1x1x8x128xf32, #tpu.memory_space<hbm>>
    %dma_wait3A_106 = tpu.memref_squeeze %dma_wait3A_105 : memref<1x1x8x128xf32, #tpu.memory_space<hbm>> -> memref<8x128xf32, #tpu.memory_space<hbm>>
    %dma_wait3A_107 = arith.constant 0 : i32
    %dma_wait3A_108 = arith.constant 0 : i32
    %dma_wait3A_109 = tpu.memref_slice %arg4[%dma_wait3A_98, %dma_wait3A_99, %dma_wait3A_107, %dma_wait3A_108] : memref<400x128x8x128xf32, #tpu.memory_space<hbm>> -> memref<1x1x8x128xf32, #tpu.memory_space<hbm>>
    %dma_wait3A_110 = tpu.memref_squeeze %dma_wait3A_109 : memref<1x1x8x128xf32, #tpu.memory_space<hbm>> -> memref<8x128xf32, #tpu.memory_space<hbm>>
    %dma_wait3A_111 = arith.constant 0 : i32
    %dma_wait3A_112 = arith.constant 0 : i32
    %dma_wait3A_113 = tpu.memref_slice %arg10[%dma_wait3A_111, %dma_wait3A_112] : memref<64x136xf32, #tpu.memory_space<vmem>> -> memref<8x128xf32, #tpu.memory_space<vmem>>
    tpu.wait_dma2 semaphore(%arg13 : memref<!tpu.dma_semaphore, #tpu.memory_space<semaphore_mem>>) src(%dma_wait3A_113 : memref<8x128xf32, #tpu.memory_space<vmem>>) dst(%dma_wait3A_110 : memref<8x128xf32, #tpu.memory_space<hbm>>)
    %dma_wait3A_114 = arith.constant 0 : i32
    %dma_wait3A_115 = arith.constant 0 : i32
    %dma_wait3A_116 = arith.constant 0 : i32
    %dma_wait3A_117 = arith.constant 0 : i32
    %dma_wait3A_118 = tpu.memref_slice %arg10[%dma_wait3A_116, %dma_wait3A_117] : memref<64x136xf32, #tpu.memory_space<vmem>> -> memref<8x128xf32, #tpu.memory_space<vmem>>
    %dma_wait3A_119 = arith.constant 0 : i32
    %dma_wait3A_120 = arith.constant 0 : i32
    %dma_wait3A_121 = tpu.memref_slice %arg4[%dma_wait3A_114, %dma_wait3A_115, %dma_wait3A_119, %dma_wait3A_120] : memref<400x128x8x128xf32, #tpu.memory_space<hbm>> -> memref<1x1x8x128xf32, #tpu.memory_space<hbm>>
    %dma_wait3A_122 = tpu.memref_squeeze %dma_wait3A_121 : memref<1x1x8x128xf32, #tpu.memory_space<hbm>> -> memref<8x128xf32, #tpu.memory_space<hbm>>
    %dma_wait3A_123 = arith.constant 0 : i32
    %dma_wait3A_124 = arith.constant 0 : i32
    %dma_wait3A_125 = tpu.memref_slice %arg4[%dma_wait3A_114, %dma_wait3A_115, %dma_wait3A_123, %dma_wait3A_124] : memref<400x128x8x128xf32, #tpu.memory_space<hbm>> -> memref<1x1x8x128xf32, #tpu.memory_space<hbm>>
    %dma_wait3A_126 = tpu.memref_squeeze %dma_wait3A_125 : memref<1x1x8x128xf32, #tpu.memory_space<hbm>> -> memref<8x128xf32, #tpu.memory_space<hbm>>
    %dma_wait3A_127 = arith.constant 0 : i32
    %dma_wait3A_128 = arith.constant 0 : i32
    %dma_wait3A_129 = tpu.memref_slice %arg10[%dma_wait3A_127, %dma_wait3A_128] : memref<64x136xf32, #tpu.memory_space<vmem>> -> memref<8x128xf32, #tpu.memory_space<vmem>>
    tpu.wait_dma2 semaphore(%arg13 : memref<!tpu.dma_semaphore, #tpu.memory_space<semaphore_mem>>) src(%dma_wait3A_129 : memref<8x128xf32, #tpu.memory_space<vmem>>) dst(%dma_wait3A_126 : memref<8x128xf32, #tpu.memory_space<hbm>>)
    %dma_wait3A_130 = arith.constant 0 : i32
    %dma_wait3A_131 = arith.constant 0 : i32
    %dma_wait3A_132 = arith.constant 0 : i32
    %dma_wait3A_133 = arith.constant 0 : i32
    %dma_wait3A_134 = tpu.memref_slice %arg10[%dma_wait3A_132, %dma_wait3A_133] : memref<64x136xf32, #tpu.memory_space<vmem>> -> memref<8x128xf32, #tpu.memory_space<vmem>>
    %dma_wait3A_135 = arith.constant 0 : i32
    %dma_wait3A_136 = arith.constant 0 : i32
    %dma_wait3A_137 = tpu.memref_slice %arg4[%dma_wait3A_130, %dma_wait3A_131, %dma_wait3A_135, %dma_wait3A_136] : memref<400x128x8x128xf32, #tpu.memory_space<hbm>> -> memref<1x1x8x128xf32, #tpu.memory_space<hbm>>
    %dma_wait3A_138 = tpu.memref_squeeze %dma_wait3A_137 : memref<1x1x8x128xf32, #tpu.memory_space<hbm>> -> memref<8x128xf32, #tpu.memory_space<hbm>>
    %dma_wait3A_139 = arith.constant 0 : i32
    %dma_wait3A_140 = arith.constant 0 : i32
    %dma_wait3A_141 = tpu.memref_slice %arg4[%dma_wait3A_130, %dma_wait3A_131, %dma_wait3A_139, %dma_wait3A_140] : memref<400x128x8x128xf32, #tpu.memory_space<hbm>> -> memref<1x1x8x128xf32, #tpu.memory_space<hbm>>
    %dma_wait3A_142 = tpu.memref_squeeze %dma_wait3A_141 : memref<1x1x8x128xf32, #tpu.memory_space<hbm>> -> memref<8x128xf32, #tpu.memory_space<hbm>>
    %dma_wait3A_143 = arith.constant 0 : i32
    %dma_wait3A_144 = arith.constant 0 : i32
    %dma_wait3A_145 = tpu.memref_slice %arg10[%dma_wait3A_143, %dma_wait3A_144] : memref<64x136xf32, #tpu.memory_space<vmem>> -> memref<8x128xf32, #tpu.memory_space<vmem>>
    tpu.wait_dma2 semaphore(%arg13 : memref<!tpu.dma_semaphore, #tpu.memory_space<semaphore_mem>>) src(%dma_wait3A_145 : memref<8x128xf32, #tpu.memory_space<vmem>>) dst(%dma_wait3A_142 : memref<8x128xf32, #tpu.memory_space<hbm>>)
    %dma_wait3A_146 = arith.constant 0 : i32
    %dma_wait3A_147 = arith.constant 0 : i32
    %dma_wait3A_148 = arith.constant 0 : i32
    %dma_wait3A_149 = arith.constant 0 : i32
    %dma_wait3A_150 = tpu.memref_slice %arg10[%dma_wait3A_148, %dma_wait3A_149] : memref<64x136xf32, #tpu.memory_space<vmem>> -> memref<8x128xf32, #tpu.memory_space<vmem>>
    %dma_wait3A_151 = arith.constant 0 : i32
    %dma_wait3A_152 = arith.constant 0 : i32
    %dma_wait3A_153 = tpu.memref_slice %arg4[%dma_wait3A_146, %dma_wait3A_147, %dma_wait3A_151, %dma_wait3A_152] : memref<400x128x8x128xf32, #tpu.memory_space<hbm>> -> memref<1x1x8x128xf32, #tpu.memory_space<hbm>>
    %dma_wait3A_154 = tpu.memref_squeeze %dma_wait3A_153 : memref<1x1x8x128xf32, #tpu.memory_space<hbm>> -> memref<8x128xf32, #tpu.memory_space<hbm>>
    %dma_wait3A_155 = arith.constant 0 : i32
    %dma_wait3A_156 = arith.constant 0 : i32
    %dma_wait3A_157 = tpu.memref_slice %arg4[%dma_wait3A_146, %dma_wait3A_147, %dma_wait3A_155, %dma_wait3A_156] : memref<400x128x8x128xf32, #tpu.memory_space<hbm>> -> memref<1x1x8x128xf32, #tpu.memory_space<hbm>>
    %dma_wait3A_158 = tpu.memref_squeeze %dma_wait3A_157 : memref<1x1x8x128xf32, #tpu.memory_space<hbm>> -> memref<8x128xf32, #tpu.memory_space<hbm>>
    %dma_wait3A_159 = arith.constant 0 : i32
    %dma_wait3A_160 = arith.constant 0 : i32
    %dma_wait3A_161 = tpu.memref_slice %arg10[%dma_wait3A_159, %dma_wait3A_160] : memref<64x136xf32, #tpu.memory_space<vmem>> -> memref<8x128xf32, #tpu.memory_space<vmem>>
    tpu.wait_dma2 semaphore(%arg13 : memref<!tpu.dma_semaphore, #tpu.memory_space<semaphore_mem>>) src(%dma_wait3A_161 : memref<8x128xf32, #tpu.memory_space<vmem>>) dst(%dma_wait3A_158 : memref<8x128xf32, #tpu.memory_space<hbm>>)
    %dma_wait3A_162 = arith.constant 0 : i32
    %dma_wait3A_163 = arith.constant 0 : i32
    %dma_wait3A_164 = arith.constant 0 : i32
    %dma_wait3A_165 = arith.constant 0 : i32
    %dma_wait3A_166 = tpu.memref_slice %arg10[%dma_wait3A_164, %dma_wait3A_165] : memref<64x136xf32, #tpu.memory_space<vmem>> -> memref<8x128xf32, #tpu.memory_space<vmem>>
    %dma_wait3A_167 = arith.constant 0 : i32
    %dma_wait3A_168 = arith.constant 0 : i32
    %dma_wait3A_169 = tpu.memref_slice %arg4[%dma_wait3A_162, %dma_wait3A_163, %dma_wait3A_167, %dma_wait3A_168] : memref<400x128x8x128xf32, #tpu.memory_space<hbm>> -> memref<1x1x8x128xf32, #tpu.memory_space<hbm>>
    %dma_wait3A_170 = tpu.memref_squeeze %dma_wait3A_169 : memref<1x1x8x128xf32, #tpu.memory_space<hbm>> -> memref<8x128xf32, #tpu.memory_space<hbm>>
    %dma_wait3A_171 = arith.constant 0 : i32
    %dma_wait3A_172 = arith.constant 0 : i32
    %dma_wait3A_173 = tpu.memref_slice %arg4[%dma_wait3A_162, %dma_wait3A_163, %dma_wait3A_171, %dma_wait3A_172] : memref<400x128x8x128xf32, #tpu.memory_space<hbm>> -> memref<1x1x8x128xf32, #tpu.memory_space<hbm>>
    %dma_wait3A_174 = tpu.memref_squeeze %dma_wait3A_173 : memref<1x1x8x128xf32, #tpu.memory_space<hbm>> -> memref<8x128xf32, #tpu.memory_space<hbm>>
    %dma_wait3A_175 = arith.constant 0 : i32
    %dma_wait3A_176 = arith.constant 0 : i32
    %dma_wait3A_177 = tpu.memref_slice %arg10[%dma_wait3A_175, %dma_wait3A_176] : memref<64x136xf32, #tpu.memory_space<vmem>> -> memref<8x128xf32, #tpu.memory_space<vmem>>
    tpu.wait_dma2 semaphore(%arg13 : memref<!tpu.dma_semaphore, #tpu.memory_space<semaphore_mem>>) src(%dma_wait3A_177 : memref<8x128xf32, #tpu.memory_space<vmem>>) dst(%dma_wait3A_174 : memref<8x128xf32, #tpu.memory_space<hbm>>)
    %dma_wait3A_178 = arith.constant 0 : i32
    %dma_wait3A_179 = arith.constant 0 : i32
    %dma_wait3A_180 = arith.constant 0 : i32
    %dma_wait3A_181 = arith.constant 0 : i32
    %dma_wait3A_182 = tpu.memref_slice %arg11[%dma_wait3A_180, %dma_wait3A_181] : memref<64x136xf32, #tpu.memory_space<vmem>> -> memref<8x128xf32, #tpu.memory_space<vmem>>
    %dma_wait3A_183 = arith.constant 0 : i32
    %dma_wait3A_184 = arith.constant 0 : i32
    %dma_wait3A_185 = tpu.memref_slice %arg4[%dma_wait3A_178, %dma_wait3A_179, %dma_wait3A_183, %dma_wait3A_184] : memref<400x128x8x128xf32, #tpu.memory_space<hbm>> -> memref<1x1x8x128xf32, #tpu.memory_space<hbm>>
    %dma_wait3A_186 = tpu.memref_squeeze %dma_wait3A_185 : memref<1x1x8x128xf32, #tpu.memory_space<hbm>> -> memref<8x128xf32, #tpu.memory_space<hbm>>
    %dma_wait3A_187 = arith.constant 0 : i32
    %dma_wait3A_188 = arith.constant 0 : i32
    %dma_wait3A_189 = tpu.memref_slice %arg4[%dma_wait3A_178, %dma_wait3A_179, %dma_wait3A_187, %dma_wait3A_188] : memref<400x128x8x128xf32, #tpu.memory_space<hbm>> -> memref<1x1x8x128xf32, #tpu.memory_space<hbm>>
    %dma_wait3A_190 = tpu.memref_squeeze %dma_wait3A_189 : memref<1x1x8x128xf32, #tpu.memory_space<hbm>> -> memref<8x128xf32, #tpu.memory_space<hbm>>
    %dma_wait3A_191 = arith.constant 0 : i32
    %dma_wait3A_192 = arith.constant 0 : i32
    %dma_wait3A_193 = tpu.memref_slice %arg11[%dma_wait3A_191, %dma_wait3A_192] : memref<64x136xf32, #tpu.memory_space<vmem>> -> memref<8x128xf32, #tpu.memory_space<vmem>>
    tpu.wait_dma2 semaphore(%arg13 : memref<!tpu.dma_semaphore, #tpu.memory_space<semaphore_mem>>) src(%dma_wait3A_193 : memref<8x128xf32, #tpu.memory_space<vmem>>) dst(%dma_wait3A_190 : memref<8x128xf32, #tpu.memory_space<hbm>>)
    %dma_wait3A_194 = arith.constant 0 : i32
    %dma_wait3A_195 = arith.constant 0 : i32
    %dma_wait3A_196 = arith.constant 0 : i32
    %dma_wait3A_197 = arith.constant 0 : i32
    %dma_wait3A_198 = tpu.memref_slice %arg11[%dma_wait3A_196, %dma_wait3A_197] : memref<64x136xf32, #tpu.memory_space<vmem>> -> memref<8x128xf32, #tpu.memory_space<vmem>>
    %dma_wait3A_199 = arith.constant 0 : i32
    %dma_wait3A_200 = arith.constant 0 : i32
    %dma_wait3A_201 = tpu.memref_slice %arg4[%dma_wait3A_194, %dma_wait3A_195, %dma_wait3A_199, %dma_wait3A_200] : memref<400x128x8x128xf32, #tpu.memory_space<hbm>> -> memref<1x1x8x128xf32, #tpu.memory_space<hbm>>
    %dma_wait3A_202 = tpu.memref_squeeze %dma_wait3A_201 : memref<1x1x8x128xf32, #tpu.memory_space<hbm>> -> memref<8x128xf32, #tpu.memory_space<hbm>>
    %dma_wait3A_203 = arith.constant 0 : i32
    %dma_wait3A_204 = arith.constant 0 : i32
    %dma_wait3A_205 = tpu.memref_slice %arg4[%dma_wait3A_194, %dma_wait3A_195, %dma_wait3A_203, %dma_wait3A_204] : memref<400x128x8x128xf32, #tpu.memory_space<hbm>> -> memref<1x1x8x128xf32, #tpu.memory_space<hbm>>
    %dma_wait3A_206 = tpu.memref_squeeze %dma_wait3A_205 : memref<1x1x8x128xf32, #tpu.memory_space<hbm>> -> memref<8x128xf32, #tpu.memory_space<hbm>>
    %dma_wait3A_207 = arith.constant 0 : i32
    %dma_wait3A_208 = arith.constant 0 : i32
    %dma_wait3A_209 = tpu.memref_slice %arg11[%dma_wait3A_207, %dma_wait3A_208] : memref<64x136xf32, #tpu.memory_space<vmem>> -> memref<8x128xf32, #tpu.memory_space<vmem>>
    tpu.wait_dma2 semaphore(%arg13 : memref<!tpu.dma_semaphore, #tpu.memory_space<semaphore_mem>>) src(%dma_wait3A_209 : memref<8x128xf32, #tpu.memory_space<vmem>>) dst(%dma_wait3A_206 : memref<8x128xf32, #tpu.memory_space<hbm>>)
    %dma_wait3A_210 = arith.constant 0 : i32
    %dma_wait3A_211 = arith.constant 0 : i32
    %dma_wait3A_212 = arith.constant 0 : i32
    %dma_wait3A_213 = arith.constant 0 : i32
    %dma_wait3A_214 = tpu.memref_slice %arg11[%dma_wait3A_212, %dma_wait3A_213] : memref<64x136xf32, #tpu.memory_space<vmem>> -> memref<8x128xf32, #tpu.memory_space<vmem>>
    %dma_wait3A_215 = arith.constant 0 : i32
    %dma_wait3A_216 = arith.constant 0 : i32
    %dma_wait3A_217 = tpu.memref_slice %arg4[%dma_wait3A_210, %dma_wait3A_211, %dma_wait3A_215, %dma_wait3A_216] : memref<400x128x8x128xf32, #tpu.memory_space<hbm>> -> memref<1x1x8x128xf32, #tpu.memory_space<hbm>>
    %dma_wait3A_218 = tpu.memref_squeeze %dma_wait3A_217 : memref<1x1x8x128xf32, #tpu.memory_space<hbm>> -> memref<8x128xf32, #tpu.memory_space<hbm>>
    %dma_wait3A_219 = arith.constant 0 : i32
    %dma_wait3A_220 = arith.constant 0 : i32
    %dma_wait3A_221 = tpu.memref_slice %arg4[%dma_wait3A_210, %dma_wait3A_211, %dma_wait3A_219, %dma_wait3A_220] : memref<400x128x8x128xf32, #tpu.memory_space<hbm>> -> memref<1x1x8x128xf32, #tpu.memory_space<hbm>>
    %dma_wait3A_222 = tpu.memref_squeeze %dma_wait3A_221 : memref<1x1x8x128xf32, #tpu.memory_space<hbm>> -> memref<8x128xf32, #tpu.memory_space<hbm>>
    %dma_wait3A_223 = arith.constant 0 : i32
    %dma_wait3A_224 = arith.constant 0 : i32
    %dma_wait3A_225 = tpu.memref_slice %arg11[%dma_wait3A_223, %dma_wait3A_224] : memref<64x136xf32, #tpu.memory_space<vmem>> -> memref<8x128xf32, #tpu.memory_space<vmem>>
    tpu.wait_dma2 semaphore(%arg13 : memref<!tpu.dma_semaphore, #tpu.memory_space<semaphore_mem>>) src(%dma_wait3A_225 : memref<8x128xf32, #tpu.memory_space<vmem>>) dst(%dma_wait3A_222 : memref<8x128xf32, #tpu.memory_space<hbm>>)
    %dma_wait3A_226 = arith.constant 0 : i32
    %dma_wait3A_227 = arith.constant 0 : i32
    %dma_wait3A_228 = arith.constant 0 : i32
    %dma_wait3A_229 = arith.constant 0 : i32
    %dma_wait3A_230 = tpu.memref_slice %arg11[%dma_wait3A_228, %dma_wait3A_229] : memref<64x136xf32, #tpu.memory_space<vmem>> -> memref<8x128xf32, #tpu.memory_space<vmem>>
    %dma_wait3A_231 = arith.constant 0 : i32
    %dma_wait3A_232 = arith.constant 0 : i32
    %dma_wait3A_233 = tpu.memref_slice %arg4[%dma_wait3A_226, %dma_wait3A_227, %dma_wait3A_231, %dma_wait3A_232] : memref<400x128x8x128xf32, #tpu.memory_space<hbm>> -> memref<1x1x8x128xf32, #tpu.memory_space<hbm>>
    %dma_wait3A_234 = tpu.memref_squeeze %dma_wait3A_233 : memref<1x1x8x128xf32, #tpu.memory_space<hbm>> -> memref<8x128xf32, #tpu.memory_space<hbm>>
    %dma_wait3A_235 = arith.constant 0 : i32
    %dma_wait3A_236 = arith.constant 0 : i32
    %dma_wait3A_237 = tpu.memref_slice %arg4[%dma_wait3A_226, %dma_wait3A_227, %dma_wait3A_235, %dma_wait3A_236] : memref<400x128x8x128xf32, #tpu.memory_space<hbm>> -> memref<1x1x8x128xf32, #tpu.memory_space<hbm>>
    %dma_wait3A_238 = tpu.memref_squeeze %dma_wait3A_237 : memref<1x1x8x128xf32, #tpu.memory_space<hbm>> -> memref<8x128xf32, #tpu.memory_space<hbm>>
    %dma_wait3A_239 = arith.constant 0 : i32
    %dma_wait3A_240 = arith.constant 0 : i32
    %dma_wait3A_241 = tpu.memref_slice %arg11[%dma_wait3A_239, %dma_wait3A_240] : memref<64x136xf32, #tpu.memory_space<vmem>> -> memref<8x128xf32, #tpu.memory_space<vmem>>
    tpu.wait_dma2 semaphore(%arg13 : memref<!tpu.dma_semaphore, #tpu.memory_space<semaphore_mem>>) src(%dma_wait3A_241 : memref<8x128xf32, #tpu.memory_space<vmem>>) dst(%dma_wait3A_238 : memref<8x128xf32, #tpu.memory_space<hbm>>)
    %dma_wait3A_242 = arith.constant 0 : i32
    %dma_wait3A_243 = arith.constant 0 : i32
    %dma_wait3A_244 = arith.constant 0 : i32
    %dma_wait3A_245 = arith.constant 0 : i32
    %dma_wait3A_246 = tpu.memref_slice %arg11[%dma_wait3A_244, %dma_wait3A_245] : memref<64x136xf32, #tpu.memory_space<vmem>> -> memref<8x128xf32, #tpu.memory_space<vmem>>
    %dma_wait3A_247 = arith.constant 0 : i32
    %dma_wait3A_248 = arith.constant 0 : i32
    %dma_wait3A_249 = tpu.memref_slice %arg4[%dma_wait3A_242, %dma_wait3A_243, %dma_wait3A_247, %dma_wait3A_248] : memref<400x128x8x128xf32, #tpu.memory_space<hbm>> -> memref<1x1x8x128xf32, #tpu.memory_space<hbm>>
    %dma_wait3A_250 = tpu.memref_squeeze %dma_wait3A_249 : memref<1x1x8x128xf32, #tpu.memory_space<hbm>> -> memref<8x128xf32, #tpu.memory_space<hbm>>
    %dma_wait3A_251 = arith.constant 0 : i32
    %dma_wait3A_252 = arith.constant 0 : i32
    %dma_wait3A_253 = tpu.memref_slice %arg4[%dma_wait3A_242, %dma_wait3A_243, %dma_wait3A_251, %dma_wait3A_252] : memref<400x128x8x128xf32, #tpu.memory_space<hbm>> -> memref<1x1x8x128xf32, #tpu.memory_space<hbm>>
    %dma_wait3A_254 = tpu.memref_squeeze %dma_wait3A_253 : memref<1x1x8x128xf32, #tpu.memory_space<hbm>> -> memref<8x128xf32, #tpu.memory_space<hbm>>
    %dma_wait3A_255 = arith.constant 0 : i32
    %dma_wait3A_256 = arith.constant 0 : i32
    %dma_wait3A_257 = tpu.memref_slice %arg11[%dma_wait3A_255, %dma_wait3A_256] : memref<64x136xf32, #tpu.memory_space<vmem>> -> memref<8x128xf32, #tpu.memory_space<vmem>>
    tpu.wait_dma2 semaphore(%arg13 : memref<!tpu.dma_semaphore, #tpu.memory_space<semaphore_mem>>) src(%dma_wait3A_257 : memref<8x128xf32, #tpu.memory_space<vmem>>) dst(%dma_wait3A_254 : memref<8x128xf32, #tpu.memory_space<hbm>>)
    %dma_wait3A_258 = arith.constant 0 : i32
    %dma_wait3A_259 = arith.constant 0 : i32
    %dma_wait3A_260 = arith.constant 0 : i32
    %dma_wait3A_261 = arith.constant 0 : i32
    %dma_wait3A_262 = tpu.memref_slice %arg11[%dma_wait3A_260, %dma_wait3A_261] : memref<64x136xf32, #tpu.memory_space<vmem>> -> memref<8x128xf32, #tpu.memory_space<vmem>>
    %dma_wait3A_263 = arith.constant 0 : i32
    %dma_wait3A_264 = arith.constant 0 : i32
    %dma_wait3A_265 = tpu.memref_slice %arg4[%dma_wait3A_258, %dma_wait3A_259, %dma_wait3A_263, %dma_wait3A_264] : memref<400x128x8x128xf32, #tpu.memory_space<hbm>> -> memref<1x1x8x128xf32, #tpu.memory_space<hbm>>
    %dma_wait3A_266 = tpu.memref_squeeze %dma_wait3A_265 : memref<1x1x8x128xf32, #tpu.memory_space<hbm>> -> memref<8x128xf32, #tpu.memory_space<hbm>>
    %dma_wait3A_267 = arith.constant 0 : i32
    %dma_wait3A_268 = arith.constant 0 : i32
    %dma_wait3A_269 = tpu.memref_slice %arg4[%dma_wait3A_258, %dma_wait3A_259, %dma_wait3A_267, %dma_wait3A_268] : memref<400x128x8x128xf32, #tpu.memory_space<hbm>> -> memref<1x1x8x128xf32, #tpu.memory_space<hbm>>
    %dma_wait3A_270 = tpu.memref_squeeze %dma_wait3A_269 : memref<1x1x8x128xf32, #tpu.memory_space<hbm>> -> memref<8x128xf32, #tpu.memory_space<hbm>>
    %dma_wait3A_271 = arith.constant 0 : i32
    %dma_wait3A_272 = arith.constant 0 : i32
    %dma_wait3A_273 = tpu.memref_slice %arg11[%dma_wait3A_271, %dma_wait3A_272] : memref<64x136xf32, #tpu.memory_space<vmem>> -> memref<8x128xf32, #tpu.memory_space<vmem>>
    tpu.wait_dma2 semaphore(%arg13 : memref<!tpu.dma_semaphore, #tpu.memory_space<semaphore_mem>>) src(%dma_wait3A_273 : memref<8x128xf32, #tpu.memory_space<vmem>>) dst(%dma_wait3A_270 : memref<8x128xf32, #tpu.memory_space<hbm>>)
    %dma_wait3A_274 = arith.constant 0 : i32
    %dma_wait3A_275 = arith.constant 0 : i32
    %dma_wait3A_276 = arith.constant 0 : i32
    %dma_wait3A_277 = arith.constant 0 : i32
    %dma_wait3A_278 = tpu.memref_slice %arg11[%dma_wait3A_276, %dma_wait3A_277] : memref<64x136xf32, #tpu.memory_space<vmem>> -> memref<8x128xf32, #tpu.memory_space<vmem>>
    %dma_wait3A_279 = arith.constant 0 : i32
    %dma_wait3A_280 = arith.constant 0 : i32
    %dma_wait3A_281 = tpu.memref_slice %arg4[%dma_wait3A_274, %dma_wait3A_275, %dma_wait3A_279, %dma_wait3A_280] : memref<400x128x8x128xf32, #tpu.memory_space<hbm>> -> memref<1x1x8x128xf32, #tpu.memory_space<hbm>>
    %dma_wait3A_282 = tpu.memref_squeeze %dma_wait3A_281 : memref<1x1x8x128xf32, #tpu.memory_space<hbm>> -> memref<8x128xf32, #tpu.memory_space<hbm>>
    %dma_wait3A_283 = arith.constant 0 : i32
    %dma_wait3A_284 = arith.constant 0 : i32
    %dma_wait3A_285 = tpu.memref_slice %arg4[%dma_wait3A_274, %dma_wait3A_275, %dma_wait3A_283, %dma_wait3A_284] : memref<400x128x8x128xf32, #tpu.memory_space<hbm>> -> memref<1x1x8x128xf32, #tpu.memory_space<hbm>>
    %dma_wait3A_286 = tpu.memref_squeeze %dma_wait3A_285 : memref<1x1x8x128xf32, #tpu.memory_space<hbm>> -> memref<8x128xf32, #tpu.memory_space<hbm>>
    %dma_wait3A_287 = arith.constant 0 : i32
    %dma_wait3A_288 = arith.constant 0 : i32
    %dma_wait3A_289 = tpu.memref_slice %arg11[%dma_wait3A_287, %dma_wait3A_288] : memref<64x136xf32, #tpu.memory_space<vmem>> -> memref<8x128xf32, #tpu.memory_space<vmem>>
    tpu.wait_dma2 semaphore(%arg13 : memref<!tpu.dma_semaphore, #tpu.memory_space<semaphore_mem>>) src(%dma_wait3A_289 : memref<8x128xf32, #tpu.memory_space<vmem>>) dst(%dma_wait3A_286 : memref<8x128xf32, #tpu.memory_space<hbm>>)
    %dma_wait3A_290 = arith.constant 0 : i32
    %dma_wait3A_291 = arith.constant 0 : i32
    %dma_wait3A_292 = arith.constant 0 : i32
    %dma_wait3A_293 = arith.constant 0 : i32
    %dma_wait3A_294 = tpu.memref_slice %arg11[%dma_wait3A_292, %dma_wait3A_293] : memref<64x136xf32, #tpu.memory_space<vmem>> -> memref<8x128xf32, #tpu.memory_space<vmem>>
    %dma_wait3A_295 = arith.constant 0 : i32
    %dma_wait3A_296 = arith.constant 0 : i32
    %dma_wait3A_297 = tpu.memref_slice %arg4[%dma_wait3A_290, %dma_wait3A_291, %dma_wait3A_295, %dma_wait3A_296] : memref<400x128x8x128xf32, #tpu.memory_space<hbm>> -> memref<1x1x8x128xf32, #tpu.memory_space<hbm>>
    %dma_wait3A_298 = tpu.memref_squeeze %dma_wait3A_297 : memref<1x1x8x128xf32, #tpu.memory_space<hbm>> -> memref<8x128xf32, #tpu.memory_space<hbm>>
    %dma_wait3A_299 = arith.constant 0 : i32
    %dma_wait3A_300 = arith.constant 0 : i32
    %dma_wait3A_301 = tpu.memref_slice %arg4[%dma_wait3A_290, %dma_wait3A_291, %dma_wait3A_299, %dma_wait3A_300] : memref<400x128x8x128xf32, #tpu.memory_space<hbm>> -> memref<1x1x8x128xf32, #tpu.memory_space<hbm>>
    %dma_wait3A_302 = tpu.memref_squeeze %dma_wait3A_301 : memref<1x1x8x128xf32, #tpu.memory_space<hbm>> -> memref<8x128xf32, #tpu.memory_space<hbm>>
    %dma_wait3A_303 = arith.constant 0 : i32
    %dma_wait3A_304 = arith.constant 0 : i32
    %dma_wait3A_305 = tpu.memref_slice %arg11[%dma_wait3A_303, %dma_wait3A_304] : memref<64x136xf32, #tpu.memory_space<vmem>> -> memref<8x128xf32, #tpu.memory_space<vmem>>
    tpu.wait_dma2 semaphore(%arg13 : memref<!tpu.dma_semaphore, #tpu.memory_space<semaphore_mem>>) src(%dma_wait3A_305 : memref<8x128xf32, #tpu.memory_space<vmem>>) dst(%dma_wait3A_302 : memref<8x128xf32, #tpu.memory_space<hbm>>)
    return
  }
}

</mosaic_0001>

<sc_bundles>
// kernel: kernel.3.cloned.1.call-start
scs
__scs_entry_jumppad:
0x0: {  	(pc) =	sbr.rel $0x88, $3  }
0x1: {  	(tag) =	ssettag $0x0;
	lr =	simm.s32 $0x1  }
0x2: {  	[smem:$0x3F9F] =	sst lr;
	_ =	strace $0xD0000000  }
0x3: {  	_ = 	snop  }
0x4: {  	_ = 	snop  }
0x5: {  	_ = 	snop  }
0x6: {  	_ = 	snop  }
0x7: {  	_ = 	snop  }
__scs_overlays_trampoline_lowered:
0x8: {  	[smem:$0x3FAE] =	sst s0  }
0x9: {  	[smem:$0x3FAF] =	sst s1  }
0xa: {  	[smem:$0x3FB0] =	sst s2  }
0xb: {  	[smem:$0x3FB1] =	sst s3  }
0xc: {  	[smem:$0x3FB2] =	sst s4  }
0xd: {  	[smem:$0x3FB3] =	sst s5  }
0xe: {  	[smem:$0x3FB4] =	sst s6  }
0xf: {  	[smem:$0x3FB5] =	sst s7  }
0x10: {  	[smem:$0x3FB6] =	sst s8  }
0x11: {  	[smem:$0x3FB7] =	sst s9;
	s0 =	simm.s32 @!p0 $0x0  }
0x12: {  	s1 =	sld [smem:$0x3F9D];
	s0 =	simm.s32 @p0 $0x1  }
0x13: {  	[smem:$0x3FB8] =	sst s0;
	s0 =	simm.s32 @!p1 $0x0  }
0x14: {  	s2 =	sld [smem:$0x3F9C];
	s0 =	simm.s32 @p1 $0x1  }
0x15: {  	[smem:$0x3FB9] =	sst s0;
	s0 =	simm.s32 @!p2 $0x0  }
0x16: {  	s3 =	sld [smem:$0x3FDB];
	s0 =	simm.s32 @p2 $0x1  }
0x17: {  	s4 =	simm.s32 $0x1BF5;
	[smem:$0x3FBB] =	sst s0  }
0x18: {  	s0 =	sld [smem:$0x3F9E];
	_ =	swait.ge [sflag:s4], $0x0  }
0x19: {  	s7 =	sld [smem:$0x3F9F]  }
0x1a: {  	s8 =	sadd.s32 $0xFFFFE003, lr  }
0x1b: {  	s9 =	sadd.s32 $0xFFFFFEF7, lr;
	s5 =	simm.s32 $0xFFFFFFFF;
	p2 =	slt.u32 s8, $0xFFFFF086  }
0x1c: {  	p1 =	slt.u32 s9, $0xF7A;
	s5 =	simm.s32 @!p2 $0x0  }
0x1d: {  	s5 =	simm.s32 @p1 $0x1;
	p0 =	seq.s32 s7, s2  }
0x1e: {  	s7 =	smul.u32 @!p0 $0xF7A, s2;
	p2 =	seq.s32 @!p0 s5, $0x0  }
0x1f: {  	s9 =	smul.u32 $0xF7A, s1;
	s8 =	simm.s32 @!p0 $0x1BF5;
	p2 =	por !p2, p0  }
0x20: {  	[sflag:s8] =	ssyncset.s32 @!p0 $0xFFFFF086;
	s6 =	sadd.s32 @!p0 s3, s7;
	s7 =	simm.s32 @!p0 $0x108  }
0x21: {  	s3 =	sadd.s32 s3, s9;
	s6 =	sadd.s32 @!p0 $0x88, s6;
	s7 =	simm.s32 @p2 $0x1082  }
0x22: {  	[simem:s7], [sflag:s8] =	dma.local @!p0 [hbm:s6], $0xF7A  }
0x23: {  	s9 =	sor.u32 $0xD0000000, s2;
	s6 =	simm.s32 $0x108;
	_ =	swait.ge @!p0 [sflag:s8], $0x0  }
0x24: {  	s3 =	sadd.s32 $0x88, s3;
	s6 =	simm.s32 @!p1 $0x1082;
	[sflag:s4] =	ssyncset.s32 $0xFFFFF086  }
0x25: {  	[simem:s6], [sflag:s4] =	dma.local [hbm:s3], $0xF7A  }
0x26: {  	[smem:$0x3F9F] =	sst s1;
	(tag) =	ssettag s2;
	_ =	strace s9  }
0x27: {  	s1 =	sld [smem:$0x3FAF]  }
0x28: {  	s2 =	sld [smem:$0x3FB0]  }
0x29: {  	s4 =	sld [smem:$0x3FB2]  }
0x2a: {  	p0 =	seq.s32 s5, $0x0;
	s5 =	sld [smem:$0x3FB3]  }
0x2b: {  	s6 =	sld [smem:$0x3FB4]  }
0x2c: {  	s7 =	sld [smem:$0x3FB5]  }
0x2d: {  	s3 =	simm.s32 $0x108;
	s8 =	sld [smem:$0x3FB6]  }
0x2e: {  	s3 =	simm.s32 @!p0 $0x1082;
	s9 =	sld [smem:$0x3FB7]  }
0x2f: {  	lr =	sadd.s32 s0, s3;
	s0 =	sld [smem:$0x3FAE]  }
0x30: {  	s3 =	sld [smem:$0x3FB1]  }
0x31: {  	[smem:$0x3FBA] =	sst s10  }
0x32: {  	s10 =	sld [smem:$0x3FB8];
	_ =	sdelay $0x3  }
0x33: {  	p0 =	seq.s32 s10, $0x1;
	s10 =	sld [smem:$0x3FBA];
	_ =	sdelay $0x3  }
0x34: {  	[smem:$0x3FBA] =	sst s10  }
0x35: {  	s10 =	sld [smem:$0x3FB9];
	_ =	sdelay $0x3  }
0x36: {  	p1 =	seq.s32 s10, $0x1;
	s10 =	sld [smem:$0x3FBA];
	_ =	sdelay $0x3  }
0x37: {  	[smem:$0x3FBA] =	sst s10  }
0x38: {  	s10 =	sld [smem:$0x3FBB]  }
0x39: {  	_ = 	snop;
	(pc) =	sbr.ind lr, $3  }
0x3a: {  	_ = 	snop  }
0x3b: {  	_ = 	snop  }
0x3c: {  	p2 =	seq.s32 s10, $0x1;
	s10 =	sld [smem:$0x3FBA]  }
0x3d: {  	_ =	shalt  }
0x3e: {  	_ =	shalt  }
0x3f: {  	_ =	shalt  }
0x40: {  	_ =	shalt  }
0x41: {  	_ =	shalt  }
0x42: {  	_ =	shalt  }
0x43: {  	_ =	shalt  }
0x44: {  	_ =	shalt  }
0x45: {  	_ =	shalt  }
0x46: {  	_ =	shalt  }
0x47: {  	_ =	shalt  }
0x48: {  	_ =	shalt  }
0x49: {  	_ =	shalt  }
0x4a: {  	_ =	shalt  }
0x4b: {  	_ =	shalt  }
0x4c: {  	_ =	shalt  }
0x4d: {  	_ =	shalt  }
0x4e: {  	_ =	shalt  }
0x4f: {  	_ =	shalt  }
0x50: {  	_ =	shalt  }
0x51: {  	_ =	shalt  }
0x52: {  	_ =	shalt  }
0x53: {  	_ =	shalt  }
0x54: {  	_ =	shalt  }
0x55: {  	_ =	shalt  }
0x56: {  	_ =	shalt  }
0x57: {  	_ =	shalt  }
0x58: {  	_ =	shalt  }
0x59: {  	_ =	shalt  }
0x5a: {  	_ =	shalt  }
0x5b: {  	_ =	shalt  }
0x5c: {  	_ =	shalt  }
0x5d: {  	_ =	shalt  }
0x5e: {  	_ =	shalt  }
0x5f: {  	_ =	shalt  }
0x60: {  	_ =	shalt  }
0x61: {  	_ =	shalt  }
0x62: {  	_ =	shalt  }
0x63: {  	_ =	shalt  }
0x64: {  	_ =	shalt  }
0x65: {  	_ =	shalt  }
0x66: {  	_ =	shalt  }
0x67: {  	_ =	shalt  }
0x68: {  	_ =	shalt  }
0x69: {  	_ =	shalt  }
0x6a: {  	_ =	shalt  }
0x6b: {  	_ =	shalt  }
0x6c: {  	_ =	shalt  }
0x6d: {  	_ =	shalt  }
0x6e: {  	_ =	shalt  }
0x6f: {  	_ =	shalt  }
0x70: {  	_ =	shalt  }
0x71: {  	_ =	shalt  }
0x72: {  	_ =	shalt  }
0x73: {  	_ =	shalt  }
0x74: {  	_ =	shalt  }
0x75: {  	_ =	shalt  }
0x76: {  	_ =	shalt  }
0x77: {  	_ =	shalt  }
0x78: {  	_ =	shalt  }
0x79: {  	_ =	shalt  }
0x7a: {  	_ =	shalt  }
0x7b: {  	_ =	shalt  }
0x7c: {  	_ =	shalt  }
0x7d: {  	_ =	shalt  }
0x7e: {  	_ =	shalt  }
0x7f: {  	_ =	shalt  }
0x80: {  	_ =	shalt  }
0x81: {  	_ =	shalt  }
0x82: {  	_ =	shalt  }
0x83: {  	_ =	shalt  }
0x84: {  	_ =	shalt  }
0x85: {  	_ =	shalt  }
0x86: {  	_ =	shalt  }
0x87: {  	_ =	shalt  }
.Lfunc_end0:
.L_simem_size_0:
called_computation_lowered:
.L_overlay_start_0:
0x88: {  	s2 =	sld [smem:$0x3FD9]  }
0x89: {  	s3 =	sld [smem:$0x3FFE];
	_ =	sdelay $0x1  }
0x8a: {  	s1 =	srdreg.scid  }
0x8b: {  	s0 =	sand.u32 $0x1, s1  }
0x8c: {  	s17 =	sshll.u32 s0, $0xA;
	s2 =	sadd.s32 s3, s2  }
0x8d: {  	s2 =	sadd.s32 s2, s17  }
0x8e: {  	[smem:$0x3FC6] =	sst s2  }
0x8f: {  	_ = 	snop  }
0x90: {  	s2 =	sld [smem:$0x3FD0];
	(tm) =	ssettm $0x1  }
0x91: {  	s18 =	sld [smem:$0x3FFB];
	_ =	sdelay $0x3  }
0x92: {  	_ =	strace s18  }
0x93: {  	s3 =	sld [smem:$0x3FFC];
	_ =	sdelay $0x3  }
0x94: {  	_ =	strace s3  }
0x95: {  	s3 =	sld [smem:$0x3FFD];
	_ =	sdelay $0x3  }
0x96: {  	_ =	strace s3  }
0x97: {  	_ =	strace $0x8FFFFFFF  }
0x98: {  	s19 =	sld [smem:$0x3FDB];
	_ =	sdelay $0x1  }
0x99: {  	s4 =	simm.s32 $_scs_section_size  }
0x9a: {  	s5 =	simm.s32 $_size__tile_overlayer_lowered;
	s6 =	simm.s32 $_tile_overlayer_lowered  }
0x9b: {  	s22 =	simm.s32 $0x1BFF;
	s21 =	sshll.u32 s6, $0x1;
	s3 =	sadd.s32 s4, s19  }
0x9c: {  	s7 =	simm.s32 $0x0;
	s20 =	sshll.u32 s5, $0x1;
	s5 =	sadd.s32 s21, s3  }
0x9d: {  	[timem:s7], [sflag:s22] =	dma.local [hbm:s5], s20  }
0x9e: {  	_ =	swait.ge [sflag:s22], s20  }
0x9f: {  	s4 =	ssub.s32 $0x0, s20;
	[sflag:s22] =	ssyncset.done $0x0  }
0xa0: {  	[sflag:s22] =	ssyncadd.s32 s4;
	_ =	sdelay $0x1  }
0xa1: {  	s23 =	simm.s32 $0x1B8B  }
0xa2: {  	_ =	swait.ge [sflag:s23], $0x1  }
0xa3: {  	[sflag:s23] =	ssyncset.done $0x0  }
0xa4: {  	s25 =	simm.s32 $0x1B8E;
	s24 =	sld [smem:$0x3FFE];
	[sflag:s23] =	ssyncadd.s32 $0xFFFFFFFF  }
0xa5: {  	s26 =	simm.s32 $execute0_lowered;
	[smem:$0x3FD2] =	sst s25  }
0xa6: {  	s5 =	sshll.u32 s26, $0x1;
	_ =	strace $0x80000046;
	[dreg:$0x1] =	wrdreg $0xFFFFFFFF  }
0xa7: {  	s28 =	simm.s32 $_size_execute0_lowered;
	s3 =	sadd.s32 s3, s5;
	[dreg:$0x0] =	wrdreg $0x0  }
0xa8: {  	s5 =	sshll.u32 s28, $0x1;
	[dreg:$0x2] =	wrdreg s3  }
0xa9: {  	[dreg:$0x3] =	wrdreg s5  }
0xaa: {  	[dreg:$0x4] =	wrdreg $0xC0  }
0xab: {  	_ =	task [dreg:s7], $0x5FFFF  }
0xac: {  	[dreg:$0x1] =	wrdreg $0xFFFFFFFF  }
0xad: {  	[dreg:$0x0] =	wrdreg $0x60  }
0xae: {  	[dreg:$0x2] =	wrdreg s24  }
0xaf: {  	[dreg:$0x3] =	wrdreg s2  }
0xb0: {  	[dreg:$0x4] =	wrdreg $0x9  }
0xb1: {  	_ =	task.clear_ibuf [dreg:s7], $0x5FFFF;
	_ =	strace $0x90000046  }
0xb2: {  	s29 =	simm.s32 $0x9;
	_ =	strace $0x80000048  }
0xb3: {  	_ =	swait.ge [sflag:s29], $0x1  }
0xb4: {  	[sflag:s29] =	ssyncadd.s32 $0xFFFFFFFF  }
0xb5: {  	_ =	strace $0x90000048  }
0xb6: {  	_ =	sfence  }
0xb7: {  	s30 =	sld [smem:$0x0];
	_ =	sdelay $0x2  }
0xb8: {  	s31 =	sshll.u32 s1, $0xD;
	s1 =	sshrl.u32 s1, $0x2  }
0xb9: {  	s3 =	sand.u32 $0x4000, s31;
	s1 =	sadd.s32 s1, s30  }
0xba: {  	s0 =	sor.u32 s3, s0;
	s1 =	sshll.u32 s1, $0x11  }
0xbb: {  	s0 =	sor.u32 s1, s0  }
0xbc: {  	s0 =	sadd.s32 $0x8F2B, s0  }
0xbd: {  	[sflag:s0] =	ssyncadd.remote.s32 $0x1  }
0xbe: {  	_ =	sfence.sel $0xFFFF  }
0xbf: {  	[dreg:$0x0] =	wrdreg $0xFFFFFFFF;
	(pc) =	sbr.abs _section_cstart, $3  }
0xc0: {  	[dreg:$0x1] =	wrdreg $0xFFFFFFFF  }
0xc1: {  	_ =	task.clear_ibuf [dreg:s7], $0x2FFFF;
	_ =	strace $0x9FFFFFFF  }
0xc2: {  	(tm) =	ssettm $0x7FFFFFFF  }
0xc3: {  	_ =	shalt  }
tec
execute0_lowered:
.L_overlay_start_1:
0x0: {  	(tag) =	ssettag $0x1  }
0x1: {  	s0 =	rddreg [dreg:$0x0]  }
0x2: {  	s2 =	rddreg [dreg:$0x1]  }
0x3: {  	s1 =	srdreg.scid;
	s4 =	stileid.u32  }
0x4: {  	s3 =	simm.s32 $0x0;
	s31 =	simm.s32 $0xE488;
	s16 =	simm.s32 $0x10688  }
0x5: {  	s19 =	simm.s32 $0x12008;
	s20 =	simm.s32 $0x12090;
	s14 =	simm.s32 $0x12228  }
0x6: {  	s17 =	simm.s32 $0x122B0;
	s18 =	simm.s32 $0x123C0;
	s8 =	simm.s32 $0x12558  }
0x7: {  	s9 =	simm.s32 $0x125E0;
	s10 =	simm.s32 $0x12668;
	s11 =	simm.s32 $0x126F0  }
0x8: {  	v0 =	vlaneseq.u32;
	s12 =	simm.s32 $0x12778;
	[smem:$0x7FF] =	sst s3;
	s22 =	sadd.s32 $0x4000, s2  }
0x9: {  	s23 =	sadd.s32 $0x8000, s2;
	v0 =	vmul.u32 $0x88, v0;
	_ =	strace $0x80000047;
	[dreg:$0x5] =	wrdreg s22  }
0xa: {  	v1 =	vimm.s32 $0x0;
	vm0 =	vcmask $0x300;
	s13 =	simm.s32 $0x2;
	s24 =	sadd.s32 $0xC000, s2;
	[dreg:$0x6] =	wrdreg s23  }
0xb: {  	s1 =	sand.u32 $0x1, s1;
	s25 =	sadd.s32 $0x10000, s2;
	v1 =	vsel vm0, $0x3, v1;
	[dreg:$0x7] =	wrdreg s24;
	v2 =	vadd.s32 $0x880, v0  }
0xc: {  	s4 =	sshll.u32 s4, $0x1;
	s26 =	sadd.s32 $0x14000, s2;
	[dreg:$0x8] =	wrdreg s25;
	v3 =	vadd.s32 $0x1100, v0;
	v4 =	vadd.s32 $0x1980, v0;
	v5 =	vor.u32 $0x1, v0  }
0xd: {  	s28 =	sadd.s32 $0x18000, s2;
	s29 =	sadd.s32 $0x1C000, s2;
	[dreg:$0x9] =	wrdreg s26;
	v6 =	vadd.s32 $0x881, v0;
	v7 =	vadd.s32 $0x1101, v0;
	v8 =	vadd.s32 $0x1981, v0  }
0xe: {  	s5 =	sor.u32 s1, s4;
	s1 =	ssub.s32 $0x2, s1;
	[dreg:$0xa] =	wrdreg s28;
	v9 =	vor.u32 $0x2, v0;
	v10 =	vadd.s32 $0x882, v0;
	v11 =	vadd.s32 $0x1102, v0  }
0xf: {  	s4 =	sadd.s32 $0x19400, s0;
	[dreg:$0xb] =	wrdreg s29;
	s23 =	simm.s32 $0x1;
	v12 =	vadd.s32 $0x1982, v0;
	v13 =	vor.u32 $0x3, v0;
	v14 =	vadd.s32 $0x883, v0  }
0x10: {  	s25 =	simm.s32 $0xE400;
	s22 =	simm.s32 $0x12118;
	s24 =	simm.s32 $0x12338;
	v15 =	vadd.s32 $0x1103, v0;
	v16 =	vadd.s32 $0x1983, v0;
	v17 =	vor.u32 $0x4, v0  }
0x11: {  	s6 =	sshll.u32 s5, $0x6;
	s7 =	sshrl.u32 s1, $0x1;
	s21 =	sshll.u32 s5, $0xC;
	v18 =	vadd.s32 $0x884, v0;
	v19 =	vadd.s32 $0x1104, v0;
	v20 =	vadd.s32 $0x1984, v0  }
0x12: {  	s5 =	simm.s32 $0x121A0;
	v21 =	vor.u32 $0x5, v0;
	v22 =	vadd.s32 $0x885, v0;
	v23 =	vadd.s32 $0x1105, v0;
	s0 =	sadd.s32 s6, s0;
	s1 =	ssub.s32 s1, s7  }
0x13: {  	v24 =	vadd.s32 $0x1985, v0;
	v25 =	vor.u32 $0x6, v0;
	v26 =	vadd.s32 $0x886, v0;
	[dreg:$0x4] =	wrdreg s21;
	s21 =	simm.s32 $0x10600;
	s0 =	sadd.s32 $0x400, s0  }
0x14: {  	v27 =	vadd.s32 $0x1106, v0;
	v28 =	vadd.s32 $0x1986, v0;
	v29 =	vor.u32 $0x7, v0;
	s6 =	simm.s32 $0x12448;
	s30 =	smax.u32 s1, $0x1;
	[dreg:$0x3] =	wrdreg s0  }
0x15: {  	v30 =	vadd.s32 $0x887, v0;
	v31 =	vadd.s32 $0x1107, v0;
	v32 =	vadd.s32 $0x1987, v0;
	s7 =	simm.s32 $0x124D0;
	s1 =	simm.s32 $0x0;
	[dreg:$0xc] =	wrdreg s30  }
.LBB2_1:
0x16: {  	[dreg:$0xd] =	wrdreg s1  }
0x17: {  	s0 =	rddreg [dreg:$0x3]  }
0x18: {  	s30 =	simm.s32 $0x200;
	s15 =	simm.s32 $0x4000;
	s1 =	simm.s32 $0x3  }
0x19: {  	[tilespmem:s3], [sflag:$0x3] =	stream.strided.gather [hbm4b:s0+s30], $0x6400, s15, s30, $0x38;
	[tilespmem:$0x12800] =	vst v63  }
0x1a: {  	_ =	swait.ge [sflag:s1], $0x6400  }
0x1b: {  	[sflag:s1] =	ssyncset.done $0x0  }
0x1c: {  	s26 =	simm.s32 $0x6400;
	s15 =	simm.s32 $0x80;
	[sflag:s1] =	ssyncadd.s32 $0xFFFF9C00  }
0x1d: {  	[tilespmem:s26], [sflag:$0x1] =	stream.indirect.gather [hbm4b:s4+s15], $0x40, s3, s15, $0xb8;
	[tilespmem:$0x12800] =	vst v63  }
0x1e: {  	s28 =	simm.s32 $0x8400  }
0x1f: {  	[tilespmem:s28], [sflag:$0x1] =	stream.indirect.gather [hbm4b:s4+s15], $0x40, s15, s15, $0xb8;
	[tilespmem:$0x12800] =	vst v63  }
0x20: {  	s29 =	simm.s32 $0x100;
	s30 =	simm.s32 $0xA400;
	s26 =	simm.s32 $0x0  }
0x21: {  	[tilespmem:s30], [sflag:$0x1] =	stream.indirect.gather [hbm4b:s4+s15], $0x40, s29, s15, $0xb8;
	[tilespmem:$0x12800] =	vst v63  }
.LBB2_2:
0x22: {  	_ =	swait.ge [sflag:s23], $0x2000;
	s0 =	sshll.u32 s26, $0x9;
	s1 =	simm.s32 $0x80  }
0x23: {  	s15 =	simm.s32 $0xC400;
	[sflag:s23] =	ssyncset.done $0x0;
	s29 =	sand.u32 $0x3FFFFE00, s0  }
0x24: {  	p0 =	seq.s32 s26, $0x0;
	[sflag:s23] =	ssyncadd.s32 $0xFFFFE000;
	s0 =	sor.u32 $0x180, s29  }
0x25: {  	[tilespmem:s15], [sflag:$0x1] =	stream.indirect.gather [hbm4b:s4+s1], $0x40, s0, s1, $0xb8;
	[tilespmem:$0x12800] =	vst v63  }
0x26: {  	s0 =	simm.s32 @!p0 $0x2  }
0x27: {  	_ =	swait.ge @!p0 [sflag:s0], $0x400  }
0x28: {  	[sflag:s0] =	ssyncset.done @!p0 $0x0  }
0x29: {  	[sflag:s0] =	ssyncadd.s32 @!p0 $0xFFFFFC00  }
0x2a: {  	_ =	swait.ge @!p0 [sflag:s0], $0x400  }
0x2b: {  	[sflag:s0] =	ssyncset.done @!p0 $0x0  }
0x2c: {  	[sflag:s0] =	ssyncadd.s32 @!p0 $0xFFFFFC00  }
0x2d: {  	_ =	swait.ge @!p0 [sflag:s0], $0x400  }
0x2e: {  	[sflag:s0] =	ssyncset.done @!p0 $0x0  }
0x2f: {  	[sflag:s0] =	ssyncadd.s32 @!p0 $0xFFFFFC00  }
0x30: {  	_ =	swait.ge @!p0 [sflag:s0], $0x400  }
0x31: {  	[sflag:s0] =	ssyncset.done @!p0 $0x0  }
0x32: {  	[sflag:s0] =	ssyncadd.s32 @!p0 $0xFFFFFC00  }
0x33: {  	_ =	swait.ge @!p0 [sflag:s0], $0x400  }
0x34: {  	[sflag:s0] =	ssyncset.done @!p0 $0x0  }
0x35: {  	[sflag:s0] =	ssyncadd.s32 @!p0 $0xFFFFFC00  }
0x36: {  	_ =	swait.ge @!p0 [sflag:s0], $0x400  }
0x37: {  	[sflag:s0] =	ssyncset.done @!p0 $0x0  }
0x38: {  	[sflag:s0] =	ssyncadd.s32 @!p0 $0xFFFFFC00  }
0x39: {  	s15 =	simm.s32 $0x0;
	_ =	swait.ge @!p0 [sflag:s0], $0x400  }
0x3a: {  	v33 =	vmov s15;
	[sflag:s0] =	ssyncset.done @!p0 $0x0  }
0x3b: {  	v33 =	vshrl.u32 v33, $0x3;
	[sflag:s0] =	ssyncadd.s32 @!p0 $0xFFFFFC00  }
0x3c: {  	v33 =	vshll.u32 v33, v1;
	_ =	swait.ge @!p0 [sflag:s0], $0x400  }
0x3d: {  	v33 =	vbroadcast v33, $0x0;
	[sflag:s0] =	ssyncset.done @!p0 $0x0  }
0x3e: {  	s28 =	simm.s32 $0x6500;
	[sflag:s0] =	ssyncadd.s32 @!p0 $0xFFFFFC00  }
0x3f: {  	v35 =	vadd.s32 v0, v33;
	v34 =	vld [tilespmem:s28+$0xFFFFFF00]  }
0x40: {  	v37 =	vadd.s32 v2, v33;
	v36 =	vld [tilespmem:s28+$0xFFFFFF10]  }
0x41: {  	v39 =	vadd.s32 v3, v33;
	v38 =	vld [tilespmem:s28+$0xFFFFFF20]  }
0x42: {  	s1 =	simm.s32 $0x1;
	v33 =	vadd.s32 v4, v33;
	v40 =	vld [tilespmem:s28+$0xFFFFFF30]  }
0x43: {  	v41 =	vmov s1  }
0x44: {  	v47 =	vshrl.u32 v41, $0x3;
	[tilespmem:v35+s25+$0x0] =	vst.idx.msk $0xffff, v34  }
0x45: {  	v34 =	vshll.u32 v47, v1;
	[tilespmem:v37+s25+$0x0] =	vst.idx.msk $0xffff, v36  }
0x46: {  	v34 =	vbroadcast v34, $0x0;
	[tilespmem:v39+s25+$0x0] =	vst.idx.msk $0xffff, v38  }
0x47: {  	[tilespmem:v33+s25+$0x0] =	vst.idx.msk $0xffff, v40  }
0x48: {  	v48 =	vadd.s32 v5, v34;
	v33 =	vld [tilespmem:s28+$0xFFFFFF40]  }
0x49: {  	v49 =	vadd.s32 v6, v34;
	v36 =	vld [tilespmem:s28+$0xFFFFFF50]  }
0x4a: {  	v50 =	vadd.s32 v7, v34;
	v38 =	vld [tilespmem:s28+$0xFFFFFF60]  }
0x4b: {  	s15 =	simm.s32 $0x2;
	v34 =	vadd.s32 v8, v34;
	v40 =	vld [tilespmem:s28+$0xFFFFFF70]  }
0x4c: {  	v51 =	vmov s15  }
0x4d: {  	v52 =	vshrl.u32 v51, $0x3;
	[tilespmem:v48+s25+$0x0] =	vst.idx.msk $0xffff, v33  }
0x4e: {  	v33 =	vshll.u32 v52, v1;
	[tilespmem:v49+s25+$0x0] =	vst.idx.msk $0xffff, v36  }
0x4f: {  	v33 =	vbroadcast v33, $0x0;
	[tilespmem:v50+s25+$0x0] =	vst.idx.msk $0xffff, v38  }
0x50: {  	[tilespmem:v34+s25+$0x0] =	vst.idx.msk $0xffff, v40  }
0x51: {  	v53 =	vadd.s32 v9, v33;
	v34 =	vld [tilespmem:s28+$0xFFFFFF80]  }
0x52: {  	v54 =	vadd.s32 v10, v33;
	v36 =	vld [tilespmem:s28+$0xFFFFFF90]  }
0x53: {  	v55 =	vadd.s32 v11, v33;
	v38 =	vld [tilespmem:s28+$0xFFFFFFA0]  }
0x54: {  	s1 =	simm.s32 $0x3;
	v33 =	vadd.s32 v12, v33;
	v40 =	vld [tilespmem:s28+$0xFFFFFFB0]  }
0x55: {  	v56 =	vmov s1  }
0x56: {  	v57 =	vshrl.u32 v56, $0x3;
	[tilespmem:v53+s25+$0x0] =	vst.idx.msk $0xffff, v34  }
0x57: {  	v34 =	vshll.u32 v57, v1;
	[tilespmem:v54+s25+$0x0] =	vst.idx.msk $0xffff, v36  }
0x58: {  	v34 =	vbroadcast v34, $0x0;
	[tilespmem:v55+s25+$0x0] =	vst.idx.msk $0xffff, v38  }
0x59: {  	[tilespmem:v33+s25+$0x0] =	vst.idx.msk $0xffff, v40  }
0x5a: {  	v58 =	vadd.s32 v13, v34;
	v33 =	vld [tilespmem:s28+$0xFFFFFFC0]  }
0x5b: {  	v59 =	vadd.s32 v14, v34;
	v36 =	vld [tilespmem:s28+$0xFFFFFFD0]  }
0x5c: {  	v60 =	vadd.s32 v15, v34;
	v38 =	vld [tilespmem:s28+$0xFFFFFFE0]  }
0x5d: {  	s15 =	simm.s32 $0x4;
	v34 =	vadd.s32 v16, v34;
	v40 =	vld [tilespmem:s28+$0xFFFFFFF0]  }
0x5e: {  	v61 =	vmov s15  }
0x5f: {  	v62 =	vshrl.u32 v61, $0x3;
	[tilespmem:v58+s25+$0x0] =	vst.idx.msk $0xffff, v33  }
0x60: {  	v33 =	vshll.u32 v62, v1;
	[tilespmem:v59+s25+$0x0] =	vst.idx.msk $0xffff, v36  }
0x61: {  	v33 =	vbroadcast v33, $0x0;
	[tilespmem:v60+s25+$0x0] =	vst.idx.msk $0xffff, v38  }
0x62: {  	[tilespmem:v34+s25+$0x0] =	vst.idx.msk $0xffff, v40  }
0x63: {  	v63 =	vadd.s32 v17, v33;
	v34 =	vld [tilespmem:s28+$0x0]  }
0x64: {  	v44 =	vadd.s32 v18, v33;
	v36 =	vld [tilespmem:s28+$0x10]  }
0x65: {  	v45 =	vadd.s32 v19, v33;
	v38 =	vld [tilespmem:s28+$0x20]  }
0x66: {  	s1 =	simm.s32 $0x5;
	v33 =	vadd.s32 v20, v33;
	v40 =	vld [tilespmem:s28+$0x30]  }
0x67: {  	v46 =	vmov s1  }
0x68: {  	v47 =	vshrl.u32 v46, $0x3;
	[tilespmem:v63+s25+$0x0] =	vst.idx.msk $0xffff, v34  }
0x69: {  	v34 =	vshll.u32 v47, v1;
	[tilespmem:v44+s25+$0x0] =	vst.idx.msk $0xffff, v36  }
0x6a: {  	v34 =	vbroadcast v34, $0x0;
	[tilespmem:v45+s25+$0x0] =	vst.idx.msk $0xffff, v38  }
0x6b: {  	[tilespmem:v33+s25+$0x0] =	vst.idx.msk $0xffff, v40  }
0x6c: {  	v48 =	vadd.s32 v21, v34;
	v33 =	vld [tilespmem:s28+$0x40]  }
0x6d: {  	v49 =	vadd.s32 v22, v34;
	v36 =	vld [tilespmem:s28+$0x50]  }
0x6e: {  	v50 =	vadd.s32 v23, v34;
	v38 =	vld [tilespmem:s28+$0x60]  }
0x6f: {  	s15 =	simm.s32 $0x6;
	v34 =	vadd.s32 v24, v34;
	v40 =	vld [tilespmem:s28+$0x70]  }
0x70: {  	v51 =	vmov s15  }
0x71: {  	v52 =	vshrl.u32 v51, $0x3;
	[tilespmem:v48+s25+$0x0] =	vst.idx.msk $0xffff, v33  }
0x72: {  	v33 =	vshll.u32 v52, v1;
	[tilespmem:v49+s25+$0x0] =	vst.idx.msk $0xffff, v36  }
0x73: {  	v33 =	vbroadcast v33, $0x0;
	[tilespmem:v50+s25+$0x0] =	vst.idx.msk $0xffff, v38  }
0x74: {  	[tilespmem:v34+s25+$0x0] =	vst.idx.msk $0xffff, v40  }
0x75: {  	v53 =	vadd.s32 v25, v33;
	v34 =	vld [tilespmem:s28+$0x80]  }
0x76: {  	v54 =	vadd.s32 v26, v33;
	v36 =	vld [tilespmem:s28+$0x90]  }
0x77: {  	v55 =	vadd.s32 v27, v33;
	v38 =	vld [tilespmem:s28+$0xA0]  }
0x78: {  	s1 =	simm.s32 $0x7;
	v33 =	vadd.s32 v28, v33;
	v40 =	vld [tilespmem:s28+$0xB0]  }
0x79: {  	v56 =	vmov s1  }
0x7a: {  	v57 =	vshrl.u32 v56, $0x3;
	[tilespmem:v53+s25+$0x0] =	vst.idx.msk $0xffff, v34  }
0x7b: {  	v34 =	vshll.u32 v57, v1;
	[tilespmem:v54+s25+$0x0] =	vst.idx.msk $0xffff, v36  }
0x7c: {  	v58 =	vbroadcast v34, $0x0;
	[tilespmem:v55+s25+$0x0] =	vst.idx.msk $0xffff, v38  }
0x7d: {  	[tilespmem:v33+s25+$0x0] =	vst.idx.msk $0xffff, v40  }
0x7e: {  	v59 =	vadd.s32 v29, v58;
	v33 =	vld [tilespmem:s28+$0xC0]  }
0x7f: {  	v60 =	vadd.s32 v30, v58;
	v37 =	vld [tilespmem:s28+$0xD0]  }
0x80: {  	v61 =	vadd.s32 v31, v58;
	v39 =	vld [tilespmem:s28+$0xE0]  }
0x81: {  	s15 =	simm.s32 $0x8  }
0x82: {  	v62 =	vmov s15;
	v35 =	vadd.s32 v32, v58;
	v34 =	vld [tilespmem:s28+$0xF0]  }
0x83: {  	v41 =	vshrl.u32 v62, $0x3;
	[tilespmem:v59+s25+$0x0] =	vst.idx.msk $0xffff, v33  }
0x84: {  	v63 =	vshll.u32 v41, v1;
	[tilespmem:v60+s25+$0x0] =	vst.idx.msk $0xffff, v37  }
0x85: {  	s30 =	simm.s32 $0xF;
	s0 =	simm.s32 $0x17;
	v33 =	vbroadcast v63, $0x0;
	[tilespmem:v61+s25+$0x0] =	vst.idx.msk $0xffff, v39  }
.LBB2_3:
0x86: {  	p0 =	sne.s32 s0, $0x7F  }
0x87: {  	[tilespmem:v35+s25+$0x0] =	vst.idx.msk $0xffff, v34;
	s28 =	sadd.s32 $0x200, s28;
	s1 =	smov.u32 s0;
	s0 =	sadd.s32 $0x8, s0  }
0x88: {  	v34 =	vld [tilespmem:s28+$0xFFFFFF00];
	v35 =	vadd.s32 v0, v33  }
0x89: {  	v37 =	vadd.s32 v2, v33;
	v36 =	vld [tilespmem:s28+$0xFFFFFF10]  }
0x8a: {  	v39 =	vadd.s32 v3, v33;
	v38 =	vld [tilespmem:s28+$0xFFFFFF20]  }
0x8b: {  	s15 =	sadd.s32 $0xFFFFFFFA, s30;
	v33 =	vadd.s32 v4, v33;
	v40 =	vld [tilespmem:s28+$0xFFFFFF30]  }
0x8c: {  	v41 =	vmov s15  }
0x8d: {  	[tilespmem:v35+s25+$0x0] =	vst.idx.msk $0xffff, v34;
	v34 =	vshrl.u32 v41, $0x3  }
0x8e: {  	[tilespmem:v37+s25+$0x0] =	vst.idx.msk $0xffff, v36;
	v34 =	vshll.u32 v34, v1  }
0x8f: {  	[tilespmem:v39+s25+$0x0] =	vst.idx.msk $0xffff, v38;
	v34 =	vbroadcast v34, $0x0  }
0x90: {  	[tilespmem:v33+s25+$0x0] =	vst.idx.msk $0xffff, v40  }
0x91: {  	v33 =	vld [tilespmem:s28+$0xFFFFFF40];
	v35 =	vadd.s32 v5, v34  }
0x92: {  	v37 =	vadd.s32 v6, v34;
	v36 =	vld [tilespmem:s28+$0xFFFFFF50]  }
0x93: {  	v39 =	vadd.s32 v7, v34;
	v38 =	vld [tilespmem:s28+$0xFFFFFF60]  }
0x94: {  	s15 =	sadd.s32 $0xFFFFFFFB, s30;
	v34 =	vadd.s32 v8, v34;
	v40 =	vld [tilespmem:s28+$0xFFFFFF70]  }
0x95: {  	v41 =	vmov s15  }
0x96: {  	[tilespmem:v35+s25+$0x0] =	vst.idx.msk $0xffff, v33;
	v33 =	vshrl.u32 v41, $0x3  }
0x97: {  	[tilespmem:v37+s25+$0x0] =	vst.idx.msk $0xffff, v36;
	v33 =	vshll.u32 v33, v1  }
0x98: {  	[tilespmem:v39+s25+$0x0] =	vst.idx.msk $0xffff, v38;
	v33 =	vbroadcast v33, $0x0  }
0x99: {  	[tilespmem:v34+s25+$0x0] =	vst.idx.msk $0xffff, v40  }
0x9a: {  	v34 =	vld [tilespmem:s28+$0xFFFFFF80];
	v35 =	vadd.s32 v9, v33  }
0x9b: {  	v37 =	vadd.s32 v10, v33;
	v36 =	vld [tilespmem:s28+$0xFFFFFF90]  }
0x9c: {  	v39 =	vadd.s32 v11, v33;
	v38 =	vld [tilespmem:s28+$0xFFFFFFA0]  }
0x9d: {  	s15 =	sadd.s32 $0xFFFFFFFC, s30;
	v33 =	vadd.s32 v12, v33;
	v40 =	vld [tilespmem:s28+$0xFFFFFFB0]  }
0x9e: {  	v41 =	vmov s15  }
0x9f: {  	[tilespmem:v35+s25+$0x0] =	vst.idx.msk $0xffff, v34;
	v34 =	vshrl.u32 v41, $0x3  }
0xa0: {  	[tilespmem:v37+s25+$0x0] =	vst.idx.msk $0xffff, v36;
	v34 =	vshll.u32 v34, v1  }
0xa1: {  	[tilespmem:v39+s25+$0x0] =	vst.idx.msk $0xffff, v38;
	v34 =	vbroadcast v34, $0x0  }
0xa2: {  	[tilespmem:v33+s25+$0x0] =	vst.idx.msk $0xffff, v40  }
0xa3: {  	v33 =	vld [tilespmem:s28+$0xFFFFFFC0];
	v35 =	vadd.s32 v13, v34  }
0xa4: {  	v37 =	vadd.s32 v14, v34;
	v36 =	vld [tilespmem:s28+$0xFFFFFFD0]  }
0xa5: {  	v39 =	vadd.s32 v15, v34;
	v38 =	vld [tilespmem:s28+$0xFFFFFFE0]  }
0xa6: {  	s15 =	sadd.s32 $0xFFFFFFFD, s30;
	v34 =	vadd.s32 v16, v34;
	v40 =	vld [tilespmem:s28+$0xFFFFFFF0]  }
0xa7: {  	v41 =	vmov s15  }
0xa8: {  	[tilespmem:v35+s25+$0x0] =	vst.idx.msk $0xffff, v33;
	v33 =	vshrl.u32 v41, $0x3  }
0xa9: {  	[tilespmem:v37+s25+$0x0] =	vst.idx.msk $0xffff, v36;
	v33 =	vshll.u32 v33, v1  }
0xaa: {  	[tilespmem:v39+s25+$0x0] =	vst.idx.msk $0xffff, v38;
	v33 =	vbroadcast v33, $0x0  }
0xab: {  	[tilespmem:v34+s25+$0x0] =	vst.idx.msk $0xffff, v40  }
0xac: {  	v34 =	vld [tilespmem:s28+$0x0];
	v35 =	vadd.s32 v17, v33  }
0xad: {  	v37 =	vadd.s32 v18, v33;
	v36 =	vld [tilespmem:s28+$0x10]  }
0xae: {  	v39 =	vadd.s32 v19, v33;
	v38 =	vld [tilespmem:s28+$0x20]  }
0xaf: {  	s15 =	sadd.s32 $0xFFFFFFFE, s30;
	v33 =	vadd.s32 v20, v33;
	v40 =	vld [tilespmem:s28+$0x30]  }
0xb0: {  	v41 =	vmov s15  }
0xb1: {  	[tilespmem:v35+s25+$0x0] =	vst.idx.msk $0xffff, v34;
	v34 =	vshrl.u32 v41, $0x3  }
0xb2: {  	[tilespmem:v37+s25+$0x0] =	vst.idx.msk $0xffff, v36;
	v34 =	vshll.u32 v34, v1  }
0xb3: {  	[tilespmem:v39+s25+$0x0] =	vst.idx.msk $0xffff, v38;
	v34 =	vbroadcast v34, $0x0  }
0xb4: {  	[tilespmem:v33+s25+$0x0] =	vst.idx.msk $0xffff, v40  }
0xb5: {  	v33 =	vld [tilespmem:s28+$0x40];
	v35 =	vadd.s32 v21, v34  }
0xb6: {  	v37 =	vadd.s32 v22, v34;
	v36 =	vld [tilespmem:s28+$0x50]  }
0xb7: {  	v39 =	vadd.s32 v23, v34;
	v38 =	vld [tilespmem:s28+$0x60]  }
0xb8: {  	s15 =	sadd.s32 $0xFFFFFFFF, s30;
	v34 =	vadd.s32 v24, v34;
	v40 =	vld [tilespmem:s28+$0x70]  }
0xb9: {  	v41 =	vmov s15  }
0xba: {  	[tilespmem:v35+s25+$0x0] =	vst.idx.msk $0xffff, v33;
	v33 =	vshrl.u32 v41, $0x3  }
0xbb: {  	[tilespmem:v37+s25+$0x0] =	vst.idx.msk $0xffff, v36;
	v33 =	vshll.u32 v33, v1  }
0xbc: {  	[tilespmem:v39+s25+$0x0] =	vst.idx.msk $0xffff, v38;
	v33 =	vbroadcast v33, $0x0  }
0xbd: {  	[tilespmem:v34+s25+$0x0] =	vst.idx.msk $0xffff, v40  }
0xbe: {  	v34 =	vld [tilespmem:s28+$0x80];
	v35 =	vadd.s32 v25, v33  }
0xbf: {  	v37 =	vadd.s32 v26, v33;
	v36 =	vld [tilespmem:s28+$0x90]  }
0xc0: {  	v39 =	vadd.s32 v27, v33;
	v38 =	vld [tilespmem:s28+$0xA0]  }
0xc1: {  	v33 =	vadd.s32 v28, v33;
	v40 =	vld [tilespmem:s28+$0xB0]  }
0xc2: {  	v41 =	vmov s30;
	s30 =	smov.u32 s1  }
0xc3: {  	[tilespmem:v35+s25+$0x0] =	vst.idx.msk $0xffff, v34;
	v34 =	vshrl.u32 v41, $0x3  }
0xc4: {  	[tilespmem:v37+s25+$0x0] =	vst.idx.msk $0xffff, v36;
	v34 =	vshll.u32 v34, v1  }
0xc5: {  	[tilespmem:v39+s25+$0x0] =	vst.idx.msk $0xffff, v38;
	v35 =	vbroadcast v34, $0x0  }
0xc6: {  	[tilespmem:v33+s25+$0x0] =	vst.idx.msk $0xffff, v40  }
0xc7: {  	v33 =	vld [tilespmem:s28+$0xC0];
	v36 =	vadd.s32 v29, v35  }
0xc8: {  	v38 =	vadd.s32 v30, v35;
	v37 =	vld [tilespmem:s28+$0xD0]  }
0xc9: {  	v40 =	vadd.s32 v31, v35;
	v39 =	vld [tilespmem:s28+$0xE0]  }
.Ltmp0:
0xca: {  	s1 =	sadd.s32 $0xFFFFFFF9, s30;
	v35 =	vadd.s32 v32, v35;
	v34 =	vld [tilespmem:s28+$0xF0];
	(pc) =	sbr.rel @p0 .LBB2_3-.Ltmp0, $4  }
0xcb: {  	v41 =	vmov s1  }
0xcc: {  	v41 =	vshrl.u32 v41, $0x3;
	[tilespmem:v36+s25+$0x0] =	vst.idx.msk $0xffff, v33  }
0xcd: {  	v33 =	vshll.u32 v41, v1;
	[tilespmem:v38+s25+$0x0] =	vst.idx.msk $0xffff, v37  }
0xce: {  	v33 =	vbroadcast v33, $0x0;
	[tilespmem:v40+s25+$0x0] =	vst.idx.msk $0xffff, v39  }
0xcf: {  	_ =	sdelay $0x3  }
0xd0: {  	[tilespmem:v35+s25+$0x0] =	vst.idx.msk $0xffff, v34;
	s0 =	sadd.s32 $0x200, s28  }
0xd1: {  	v34 =	vld [tilespmem:s0+$0xFFFFFF00];
	v62 =	vadd.s32 v0, v33  }
0xd2: {  	v36 =	vld [tilespmem:s0+$0xFFFFFF10];
	v37 =	vadd.s32 v2, v33  }
0xd3: {  	v38 =	vld [tilespmem:s0+$0xFFFFFF20];
	v39 =	vadd.s32 v3, v33  }
0xd4: {  	s1 =	sadd.s32 $0xFFFFFFFA, s30;
	v40 =	vld [tilespmem:s0+$0xFFFFFF30];
	v63 =	vadd.s32 v4, v33  }
0xd5: {  	v41 =	vmov s1  }
0xd6: {  	v44 =	vshrl.u32 v41, $0x3;
	[tilespmem:v62+s25+$0x0] =	vst.idx.msk $0xffff, v34  }
0xd7: {  	v34 =	vshll.u32 v44, v1;
	[tilespmem:v37+s25+$0x0] =	vst.idx.msk $0xffff, v36  }
0xd8: {  	v34 =	vbroadcast v34, $0x0;
	[tilespmem:v39+s25+$0x0] =	vst.idx.msk $0xffff, v38  }
0xd9: {  	[tilespmem:v63+s25+$0x0] =	vst.idx.msk $0xffff, v40  }
0xda: {  	v45 =	vadd.s32 v5, v34;
	v33 =	vld [tilespmem:s0+$0xFFFFFF40]  }
0xdb: {  	v46 =	vadd.s32 v6, v34;
	v36 =	vld [tilespmem:s0+$0xFFFFFF50]  }
0xdc: {  	v47 =	vadd.s32 v7, v34;
	v38 =	vld [tilespmem:s0+$0xFFFFFF60]  }
0xdd: {  	s15 =	sadd.s32 $0xFFFFFFFB, s30;
	v34 =	vadd.s32 v8, v34;
	v40 =	vld [tilespmem:s0+$0xFFFFFF70]  }
0xde: {  	v48 =	vmov s15  }
0xdf: {  	v49 =	vshrl.u32 v48, $0x3;
	[tilespmem:v45+s25+$0x0] =	vst.idx.msk $0xffff, v33  }
0xe0: {  	v33 =	vshll.u32 v49, v1;
	[tilespmem:v46+s25+$0x0] =	vst.idx.msk $0xffff, v36  }
0xe1: {  	v33 =	vbroadcast v33, $0x0;
	[tilespmem:v47+s25+$0x0] =	vst.idx.msk $0xffff, v38  }
0xe2: {  	[tilespmem:v34+s25+$0x0] =	vst.idx.msk $0xffff, v40  }
0xe3: {  	v50 =	vadd.s32 v9, v33;
	v34 =	vld [tilespmem:s0+$0xFFFFFF80]  }
0xe4: {  	v51 =	vadd.s32 v10, v33;
	v36 =	vld [tilespmem:s0+$0xFFFFFF90]  }
0xe5: {  	v52 =	vadd.s32 v11, v33;
	v38 =	vld [tilespmem:s0+$0xFFFFFFA0]  }
0xe6: {  	s15 =	sadd.s32 $0xFFFFFFFC, s30;
	v33 =	vadd.s32 v12, v33;
	v40 =	vld [tilespmem:s0+$0xFFFFFFB0]  }
0xe7: {  	v53 =	vmov s15  }
0xe8: {  	v54 =	vshrl.u32 v53, $0x3;
	[tilespmem:v50+s25+$0x0] =	vst.idx.msk $0xffff, v34  }
0xe9: {  	v34 =	vshll.u32 v54, v1;
	[tilespmem:v51+s25+$0x0] =	vst.idx.msk $0xffff, v36  }
0xea: {  	v34 =	vbroadcast v34, $0x0;
	[tilespmem:v52+s25+$0x0] =	vst.idx.msk $0xffff, v38  }
0xeb: {  	[tilespmem:v33+s25+$0x0] =	vst.idx.msk $0xffff, v40  }
0xec: {  	v55 =	vadd.s32 v13, v34;
	v33 =	vld [tilespmem:s0+$0xFFFFFFC0]  }
0xed: {  	v56 =	vadd.s32 v14, v34;
	v36 =	vld [tilespmem:s0+$0xFFFFFFD0]  }
0xee: {  	v57 =	vadd.s32 v15, v34;
	v38 =	vld [tilespmem:s0+$0xFFFFFFE0]  }
0xef: {  	s15 =	sadd.s32 $0xFFFFFFFD, s30;
	v34 =	vadd.s32 v16, v34;
	v40 =	vld [tilespmem:s0+$0xFFFFFFF0]  }
0xf0: {  	v58 =	vmov s15  }
0xf1: {  	v59 =	vshrl.u32 v58, $0x3;
	[tilespmem:v55+s25+$0x0] =	vst.idx.msk $0xffff, v33  }
0xf2: {  	v33 =	vshll.u32 v59, v1;
	[tilespmem:v56+s25+$0x0] =	vst.idx.msk $0xffff, v36  }
0xf3: {  	v33 =	vbroadcast v33, $0x0;
	[tilespmem:v57+s25+$0x0] =	vst.idx.msk $0xffff, v38  }
0xf4: {  	[tilespmem:v34+s25+$0x0] =	vst.idx.msk $0xffff, v40  }
0xf5: {  	v60 =	vadd.s32 v17, v33;
	v34 =	vld [tilespmem:s0+$0x0]  }
0xf6: {  	v61 =	vadd.s32 v18, v33;
	v36 =	vld [tilespmem:s0+$0x10]  }
0xf7: {  	v62 =	vadd.s32 v19, v33;
	v38 =	vld [tilespmem:s0+$0x20]  }
0xf8: {  	s15 =	sadd.s32 $0xFFFFFFFE, s30;
	v33 =	vadd.s32 v20, v33;
	v40 =	vld [tilespmem:s0+$0x30]  }
0xf9: {  	v63 =	vmov s15  }
0xfa: {  	v44 =	vshrl.u32 v63, $0x3;
	[tilespmem:v60+s25+$0x0] =	vst.idx.msk $0xffff, v34  }
0xfb: {  	v34 =	vshll.u32 v44, v1;
	[tilespmem:v61+s25+$0x0] =	vst.idx.msk $0xffff, v36  }
0xfc: {  	v34 =	vbroadcast v34, $0x0;
	[tilespmem:v62+s25+$0x0] =	vst.idx.msk $0xffff, v38  }
0xfd: {  	[tilespmem:v33+s25+$0x0] =	vst.idx.msk $0xffff, v40  }
0xfe: {  	v45 =	vadd.s32 v21, v34;
	v33 =	vld [tilespmem:s0+$0x40]  }
0xff: {  	v46 =	vadd.s32 v22, v34;
	v36 =	vld [tilespmem:s0+$0x50]  }
0x100: {  	v47 =	vadd.s32 v23, v34;
	v38 =	vld [tilespmem:s0+$0x60]  }
0x101: {  	s15 =	sadd.s32 $0xFFFFFFFF, s30;
	v34 =	vadd.s32 v24, v34;
	v40 =	vld [tilespmem:s0+$0x70]  }
0x102: {  	v48 =	vmov s15  }
0x103: {  	v49 =	vshrl.u32 v48, $0x3;
	[tilespmem:v45+s25+$0x0] =	vst.idx.msk $0xffff, v33  }
0x104: {  	v33 =	vshll.u32 v49, v1;
	[tilespmem:v46+s25+$0x0] =	vst.idx.msk $0xffff, v36  }
0x105: {  	v33 =	vbroadcast v33, $0x0;
	[tilespmem:v47+s25+$0x0] =	vst.idx.msk $0xffff, v38  }
0x106: {  	[tilespmem:v34+s25+$0x0] =	vst.idx.msk $0xffff, v40  }
0x107: {  	v50 =	vadd.s32 v25, v33;
	v34 =	vld [tilespmem:s0+$0x80]  }
0x108: {  	v51 =	vadd.s32 v26, v33;
	v36 =	vld [tilespmem:s0+$0x90]  }
0x109: {  	v52 =	vadd.s32 v27, v33;
	v38 =	vld [tilespmem:s0+$0xA0]  }
0x10a: {  	v33 =	vadd.s32 v28, v33;
	v40 =	vld [tilespmem:s0+$0xB0]  }
0x10b: {  	v53 =	vmov s30  }
0x10c: {  	v54 =	vshrl.u32 v53, $0x3;
	[tilespmem:v50+s25+$0x0] =	vst.idx.msk $0xffff, v34  }
0x10d: {  	v34 =	vshll.u32 v54, v1;
	[tilespmem:v51+s25+$0x0] =	vst.idx.msk $0xffff, v36  }
0x10e: {  	v34 =	vbroadcast v34, $0x0;
	[tilespmem:v52+s25+$0x0] =	vst.idx.msk $0xffff, v38  }
0x10f: {  	[tilespmem:v33+s25+$0x0] =	vst.idx.msk $0xffff, v40  }
0x110: {  	v55 =	vadd.s32 v29, v34;
	v33 =	vld [tilespmem:s0+$0xC0]  }
0x111: {  	v56 =	vadd.s32 v30, v34;
	v36 =	vld [tilespmem:s0+$0xD0]  }
0x112: {  	v57 =	vadd.s32 v31, v34;
	v38 =	vld [tilespmem:s0+$0xE0]  }
0x113: {  	v34 =	vadd.s32 v32, v34;
	v40 =	vld [tilespmem:s0+$0xF0];
	_ =	sdelay $0x1  }
0x114: {  	s1 =	sshll.u32 s26, $0x14;
	s15 =	rddreg [dreg:$0x4];
	[tilespmem:v55+s25+$0x0] =	vst.idx.msk $0xffff, v33  }
0x115: {  	s0 =	sor.u32 s15, s1;
	[tilespmem:v56+s25+$0x0] =	vst.idx.msk $0xffff, v36  }
0x116: {  	s28 =	sshrl.u32 s0, $0x3;
	[tilespmem:v57+s25+$0x0] =	vst.idx.msk $0xffff, v38  }
0x117: {  	s0 =	sadd.s32 s2, s28;
	[tilespmem:v34+s25+$0x0] =	vst.idx.msk $0xffff, v40  }
0x118: {  	[hbm4b:s0+s3] =	stream.linear.scatter [tilespmem:s25], [sflag:$0x2], $0x80, $0x38;
	[tilespmem:$0x12800] =	vst v63  }
0x119: {  	s15 =	sadd.s32 $0x10, s0  }
0x11a: {  	[hbm4b:s15+s3] =	stream.linear.scatter [tilespmem:s31], [sflag:$0x2], $0x80, $0x38;
	[tilespmem:$0x12800] =	vst v63  }
0x11b: {  	s1 =	sadd.s32 $0x20, s0;
	s15 =	simm.s32 $0xE510  }
0x11c: {  	[hbm4b:s1+s3] =	stream.linear.scatter [tilespmem:s15], [sflag:$0x2], $0x80, $0x38;
	[tilespmem:$0x12800] =	vst v63  }
0x11d: {  	s1 =	sadd.s32 $0x30, s0;
	s15 =	simm.s32 $0xE598  }
0x11e: {  	[hbm4b:s1+s3] =	stream.linear.scatter [tilespmem:s15], [sflag:$0x2], $0x80, $0x38;
	[tilespmem:$0x12800] =	vst v63  }
0x11f: {  	s1 =	sadd.s32 $0x40, s0;
	s15 =	simm.s32 $0xE620  }
0x120: {  	[hbm4b:s1+s3] =	stream.linear.scatter [tilespmem:s15], [sflag:$0x2], $0x80, $0x38;
	[tilespmem:$0x12800] =	vst v63  }
0x121: {  	s1 =	sadd.s32 $0x50, s0;
	s15 =	simm.s32 $0xE6A8  }
0x122: {  	[hbm4b:s1+s3] =	stream.linear.scatter [tilespmem:s15], [sflag:$0x2], $0x80, $0x38;
	[tilespmem:$0x12800] =	vst v63  }
0x123: {  	s1 =	sadd.s32 $0x60, s0;
	s15 =	simm.s32 $0xE730  }
0x124: {  	[hbm4b:s1+s3] =	stream.linear.scatter [tilespmem:s15], [sflag:$0x2], $0x80, $0x38;
	[tilespmem:$0x12800] =	vst v63  }
0x125: {  	s0 =	sadd.s32 $0x70, s0;
	s15 =	simm.s32 $0xE7B8;
	s1 =	rddreg [dreg:$0x5]  }
0x126: {  	[hbm4b:s0+s3] =	stream.linear.scatter [tilespmem:s15], [sflag:$0x2], $0x80, $0x38;
	[tilespmem:$0x12800] =	vst v63  }
0x127: {  	s0 =	sadd.s32 s28, s1;
	s15 =	simm.s32 $0xE840  }
0x128: {  	[hbm4b:s0+s3] =	stream.linear.scatter [tilespmem:s15], [sflag:$0x2], $0x80, $0x38;
	[tilespmem:$0x12800] =	vst v63  }
0x129: {  	s1 =	sadd.s32 $0x10, s0;
	s15 =	simm.s32 $0xE8C8  }
0x12a: {  	[hbm4b:s1+s3] =	stream.linear.scatter [tilespmem:s15], [sflag:$0x2], $0x80, $0x38;
	[tilespmem:$0x12800] =	vst v63  }
0x12b: {  	s1 =	sadd.s32 $0x20, s0;
	s15 =	simm.s32 $0xE950  }
0x12c: {  	[hbm4b:s1+s3] =	stream.linear.scatter [tilespmem:s15], [sflag:$0x2], $0x80, $0x38;
	[tilespmem:$0x12800] =	vst v63  }
0x12d: {  	s1 =	sadd.s32 $0x30, s0;
	s15 =	simm.s32 $0xE9D8  }
0x12e: {  	[hbm4b:s1+s3] =	stream.linear.scatter [tilespmem:s15], [sflag:$0x2], $0x80, $0x38;
	[tilespmem:$0x12800] =	vst v63  }
0x12f: {  	s1 =	sadd.s32 $0x40, s0;
	s15 =	simm.s32 $0xEA60  }
0x130: {  	[hbm4b:s1+s3] =	stream.linear.scatter [tilespmem:s15], [sflag:$0x2], $0x80, $0x38;
	[tilespmem:$0x12800] =	vst v63  }
0x131: {  	s1 =	sadd.s32 $0x50, s0;
	s15 =	simm.s32 $0xEAE8  }
0x132: {  	[hbm4b:s1+s3] =	stream.linear.scatter [tilespmem:s15], [sflag:$0x2], $0x80, $0x38;
	[tilespmem:$0x12800] =	vst v63  }
0x133: {  	s1 =	sadd.s32 $0x60, s0;
	s15 =	simm.s32 $0xEB70  }
0x134: {  	[hbm4b:s1+s3] =	stream.linear.scatter [tilespmem:s15], [sflag:$0x2], $0x80, $0x38;
	[tilespmem:$0x12800] =	vst v63  }
0x135: {  	s0 =	sadd.s32 $0x70, s0;
	s15 =	simm.s32 $0xEBF8;
	s1 =	rddreg [dreg:$0x6]  }
0x136: {  	[hbm4b:s0+s3] =	stream.linear.scatter [tilespmem:s15], [sflag:$0x2], $0x80, $0x38;
	[tilespmem:$0x12800] =	vst v63  }
0x137: {  	s0 =	sadd.s32 s28, s1;
	s15 =	simm.s32 $0xEC80  }
0x138: {  	[hbm4b:s0+s3] =	stream.linear.scatter [tilespmem:s15], [sflag:$0x2], $0x80, $0x38;
	[tilespmem:$0x12800] =	vst v63  }
0x139: {  	s1 =	sadd.s32 $0x10, s0;
	s15 =	simm.s32 $0xED08  }
0x13a: {  	[hbm4b:s1+s3] =	stream.linear.scatter [tilespmem:s15], [sflag:$0x2], $0x80, $0x38;
	[tilespmem:$0x12800] =	vst v63  }
0x13b: {  	s1 =	sadd.s32 $0x20, s0;
	s15 =	simm.s32 $0xED90  }
0x13c: {  	[hbm4b:s1+s3] =	stream.linear.scatter [tilespmem:s15], [sflag:$0x2], $0x80, $0x38;
	[tilespmem:$0x12800] =	vst v63  }
0x13d: {  	s1 =	sadd.s32 $0x30, s0;
	s15 =	simm.s32 $0xEE18  }
0x13e: {  	[hbm4b:s1+s3] =	stream.linear.scatter [tilespmem:s15], [sflag:$0x2], $0x80, $0x38;
	[tilespmem:$0x12800] =	vst v63  }
0x13f: {  	s1 =	sadd.s32 $0x40, s0;
	s15 =	simm.s32 $0xEEA0  }
0x140: {  	[hbm4b:s1+s3] =	stream.linear.scatter [tilespmem:s15], [sflag:$0x2], $0x80, $0x38;
	[tilespmem:$0x12800] =	vst v63  }
0x141: {  	s1 =	sadd.s32 $0x50, s0;
	s15 =	simm.s32 $0xEF28  }
0x142: {  	[hbm4b:s1+s3] =	stream.linear.scatter [tilespmem:s15], [sflag:$0x2], $0x80, $0x38;
	[tilespmem:$0x12800] =	vst v63  }
0x143: {  	s1 =	sadd.s32 $0x60, s0;
	s15 =	simm.s32 $0xEFB0  }
0x144: {  	[hbm4b:s1+s3] =	stream.linear.scatter [tilespmem:s15], [sflag:$0x2], $0x80, $0x38;
	[tilespmem:$0x12800] =	vst v63  }
0x145: {  	s0 =	sadd.s32 $0x70, s0;
	s15 =	simm.s32 $0xF038;
	s1 =	rddreg [dreg:$0x7]  }
0x146: {  	[hbm4b:s0+s3] =	stream.linear.scatter [tilespmem:s15], [sflag:$0x2], $0x80, $0x38;
	[tilespmem:$0x12800] =	vst v63  }
0x147: {  	s0 =	sadd.s32 s28, s1;
	s15 =	simm.s32 $0xF0C0  }
0x148: {  	[hbm4b:s0+s3] =	stream.linear.scatter [tilespmem:s15], [sflag:$0x2], $0x80, $0x38;
	[tilespmem:$0x12800] =	vst v63  }
0x149: {  	s1 =	sadd.s32 $0x10, s0;
	s15 =	simm.s32 $0xF148  }
0x14a: {  	[hbm4b:s1+s3] =	stream.linear.scatter [tilespmem:s15], [sflag:$0x2], $0x80, $0x38;
	[tilespmem:$0x12800] =	vst v63  }
0x14b: {  	s1 =	sadd.s32 $0x20, s0;
	s15 =	simm.s32 $0xF1D0  }
0x14c: {  	[hbm4b:s1+s3] =	stream.linear.scatter [tilespmem:s15], [sflag:$0x2], $0x80, $0x38;
	[tilespmem:$0x12800] =	vst v63  }
0x14d: {  	s1 =	sadd.s32 $0x30, s0;
	s15 =	simm.s32 $0xF258  }
0x14e: {  	[hbm4b:s1+s3] =	stream.linear.scatter [tilespmem:s15], [sflag:$0x2], $0x80, $0x38;
	[tilespmem:$0x12800] =	vst v63  }
0x14f: {  	s1 =	sadd.s32 $0x40, s0;
	s15 =	simm.s32 $0xF2E0  }
0x150: {  	[hbm4b:s1+s3] =	stream.linear.scatter [tilespmem:s15], [sflag:$0x2], $0x80, $0x38;
	[tilespmem:$0x12800] =	vst v63  }
0x151: {  	s1 =	sadd.s32 $0x50, s0;
	s15 =	simm.s32 $0xF368  }
0x152: {  	[hbm4b:s1+s3] =	stream.linear.scatter [tilespmem:s15], [sflag:$0x2], $0x80, $0x38;
	[tilespmem:$0x12800] =	vst v63  }
0x153: {  	s1 =	sadd.s32 $0x60, s0;
	s15 =	simm.s32 $0xF3F0  }
0x154: {  	[hbm4b:s1+s3] =	stream.linear.scatter [tilespmem:s15], [sflag:$0x2], $0x80, $0x38;
	[tilespmem:$0x12800] =	vst v63  }
0x155: {  	s0 =	sadd.s32 $0x70, s0;
	s15 =	simm.s32 $0xF478;
	s1 =	rddreg [dreg:$0x8]  }
0x156: {  	[hbm4b:s0+s3] =	stream.linear.scatter [tilespmem:s15], [sflag:$0x2], $0x80, $0x38;
	[tilespmem:$0x12800] =	vst v63  }
0x157: {  	s0 =	sadd.s32 s28, s1;
	s15 =	simm.s32 $0xF500  }
0x158: {  	[hbm4b:s0+s3] =	stream.linear.scatter [tilespmem:s15], [sflag:$0x2], $0x80, $0x38;
	[tilespmem:$0x12800] =	vst v63  }
0x159: {  	s1 =	sadd.s32 $0x10, s0;
	s15 =	simm.s32 $0xF588  }
0x15a: {  	[hbm4b:s1+s3] =	stream.linear.scatter [tilespmem:s15], [sflag:$0x2], $0x80, $0x38;
	[tilespmem:$0x12800] =	vst v63  }
0x15b: {  	s1 =	sadd.s32 $0x20, s0;
	s15 =	simm.s32 $0xF610  }
0x15c: {  	[hbm4b:s1+s3] =	stream.linear.scatter [tilespmem:s15], [sflag:$0x2], $0x80, $0x38;
	[tilespmem:$0x12800] =	vst v63  }
0x15d: {  	s1 =	sadd.s32 $0x30, s0;
	s15 =	simm.s32 $0xF698  }
0x15e: {  	[hbm4b:s1+s3] =	stream.linear.scatter [tilespmem:s15], [sflag:$0x2], $0x80, $0x38;
	[tilespmem:$0x12800] =	vst v63  }
0x15f: {  	s1 =	sadd.s32 $0x40, s0;
	s15 =	simm.s32 $0xF720  }
0x160: {  	[hbm4b:s1+s3] =	stream.linear.scatter [tilespmem:s15], [sflag:$0x2], $0x80, $0x38;
	[tilespmem:$0x12800] =	vst v63  }
0x161: {  	s1 =	sadd.s32 $0x50, s0;
	s15 =	simm.s32 $0xF7A8  }
0x162: {  	[hbm4b:s1+s3] =	stream.linear.scatter [tilespmem:s15], [sflag:$0x2], $0x80, $0x38;
	[tilespmem:$0x12800] =	vst v63  }
0x163: {  	s1 =	sadd.s32 $0x60, s0;
	s15 =	simm.s32 $0xF830  }
0x164: {  	[hbm4b:s1+s3] =	stream.linear.scatter [tilespmem:s15], [sflag:$0x2], $0x80, $0x38;
	[tilespmem:$0x12800] =	vst v63  }
0x165: {  	s0 =	sadd.s32 $0x70, s0;
	s15 =	simm.s32 $0xF8B8;
	s1 =	rddreg [dreg:$0x9]  }
0x166: {  	[hbm4b:s0+s3] =	stream.linear.scatter [tilespmem:s15], [sflag:$0x2], $0x80, $0x38;
	[tilespmem:$0x12800] =	vst v63  }
0x167: {  	s0 =	sadd.s32 s28, s1;
	s15 =	simm.s32 $0xF940  }
0x168: {  	[hbm4b:s0+s3] =	stream.linear.scatter [tilespmem:s15], [sflag:$0x2], $0x80, $0x38;
	[tilespmem:$0x12800] =	vst v63  }
0x169: {  	s1 =	sadd.s32 $0x10, s0;
	s15 =	simm.s32 $0xF9C8  }
0x16a: {  	[hbm4b:s1+s3] =	stream.linear.scatter [tilespmem:s15], [sflag:$0x2], $0x80, $0x38;
	[tilespmem:$0x12800] =	vst v63  }
0x16b: {  	s1 =	sadd.s32 $0x20, s0;
	s15 =	simm.s32 $0xFA50  }
0x16c: {  	[hbm4b:s1+s3] =	stream.linear.scatter [tilespmem:s15], [sflag:$0x2], $0x80, $0x38;
	[tilespmem:$0x12800] =	vst v63  }
0x16d: {  	s1 =	sadd.s32 $0x30, s0;
	s15 =	simm.s32 $0xFAD8  }
0x16e: {  	[hbm4b:s1+s3] =	stream.linear.scatter [tilespmem:s15], [sflag:$0x2], $0x80, $0x38;
	[tilespmem:$0x12800] =	vst v63  }
0x16f: {  	s1 =	sadd.s32 $0x40, s0;
	s15 =	simm.s32 $0xFB60  }
0x170: {  	[hbm4b:s1+s3] =	stream.linear.scatter [tilespmem:s15], [sflag:$0x2], $0x80, $0x38;
	[tilespmem:$0x12800] =	vst v63  }
0x171: {  	s1 =	sadd.s32 $0x50, s0;
	s15 =	simm.s32 $0xFBE8  }
0x172: {  	[hbm4b:s1+s3] =	stream.linear.scatter [tilespmem:s15], [sflag:$0x2], $0x80, $0x38;
	[tilespmem:$0x12800] =	vst v63  }
0x173: {  	s1 =	sadd.s32 $0x60, s0;
	s15 =	simm.s32 $0xFC70  }
0x174: {  	[hbm4b:s1+s3] =	stream.linear.scatter [tilespmem:s15], [sflag:$0x2], $0x80, $0x38;
	[tilespmem:$0x12800] =	vst v63  }
0x175: {  	s0 =	sadd.s32 $0x70, s0;
	s15 =	simm.s32 $0xFCF8;
	s1 =	rddreg [dreg:$0xa]  }
0x176: {  	[hbm4b:s0+s3] =	stream.linear.scatter [tilespmem:s15], [sflag:$0x2], $0x80, $0x38;
	[tilespmem:$0x12800] =	vst v63  }
0x177: {  	s0 =	sadd.s32 s28, s1;
	s15 =	simm.s32 $0xFD80  }
0x178: {  	[hbm4b:s0+s3] =	stream.linear.scatter [tilespmem:s15], [sflag:$0x2], $0x80, $0x38;
	[tilespmem:$0x12800] =	vst v63  }
0x179: {  	s1 =	sadd.s32 $0x10, s0;
	s15 =	simm.s32 $0xFE08  }
0x17a: {  	[hbm4b:s1+s3] =	stream.linear.scatter [tilespmem:s15], [sflag:$0x2], $0x80, $0x38;
	[tilespmem:$0x12800] =	vst v63  }
0x17b: {  	s1 =	sadd.s32 $0x20, s0;
	s15 =	simm.s32 $0xFE90  }
0x17c: {  	[hbm4b:s1+s3] =	stream.linear.scatter [tilespmem:s15], [sflag:$0x2], $0x80, $0x38;
	[tilespmem:$0x12800] =	vst v63  }
0x17d: {  	s1 =	sadd.s32 $0x30, s0;
	s15 =	simm.s32 $0xFF18  }
0x17e: {  	[hbm4b:s1+s3] =	stream.linear.scatter [tilespmem:s15], [sflag:$0x2], $0x80, $0x38;
	[tilespmem:$0x12800] =	vst v63  }
0x17f: {  	s1 =	sadd.s32 $0x40, s0;
	s15 =	simm.s32 $0xFFA0  }
0x180: {  	[hbm4b:s1+s3] =	stream.linear.scatter [tilespmem:s15], [sflag:$0x2], $0x80, $0x38;
	[tilespmem:$0x12800] =	vst v63  }
0x181: {  	s1 =	sadd.s32 $0x50, s0;
	s15 =	simm.s32 $0x10028  }
0x182: {  	[hbm4b:s1+s3] =	stream.linear.scatter [tilespmem:s15], [sflag:$0x2], $0x80, $0x38;
	[tilespmem:$0x12800] =	vst v63  }
0x183: {  	s1 =	sadd.s32 $0x60, s0;
	s15 =	simm.s32 $0x100B0  }
0x184: {  	[hbm4b:s1+s3] =	stream.linear.scatter [tilespmem:s15], [sflag:$0x2], $0x80, $0x38;
	[tilespmem:$0x12800] =	vst v63  }
0x185: {  	s0 =	sadd.s32 $0x70, s0;
	s15 =	simm.s32 $0x10138;
	s1 =	rddreg [dreg:$0xb]  }
0x186: {  	[hbm4b:s0+s3] =	stream.linear.scatter [tilespmem:s15], [sflag:$0x2], $0x80, $0x38;
	[tilespmem:$0x12800] =	vst v63  }
0x187: {  	s0 =	sadd.s32 s28, s1;
	s15 =	simm.s32 $0x101C0  }
0x188: {  	[hbm4b:s0+s3] =	stream.linear.scatter [tilespmem:s15], [sflag:$0x2], $0x80, $0x38;
	[tilespmem:$0x12800] =	vst v63  }
0x189: {  	s1 =	sadd.s32 $0x10, s0;
	s15 =	simm.s32 $0x10248  }
0x18a: {  	[hbm4b:s1+s3] =	stream.linear.scatter [tilespmem:s15], [sflag:$0x2], $0x80, $0x38;
	[tilespmem:$0x12800] =	vst v63  }
0x18b: {  	s1 =	sadd.s32 $0x20, s0;
	s15 =	simm.s32 $0x102D0  }
0x18c: {  	[hbm4b:s1+s3] =	stream.linear.scatter [tilespmem:s15], [sflag:$0x2], $0x80, $0x38;
	[tilespmem:$0x12800] =	vst v63  }
0x18d: {  	s1 =	sadd.s32 $0x30, s0;
	s15 =	simm.s32 $0x10358  }
0x18e: {  	[hbm4b:s1+s3] =	stream.linear.scatter [tilespmem:s15], [sflag:$0x2], $0x80, $0x38;
	[tilespmem:$0x12800] =	vst v63  }
0x18f: {  	s1 =	sadd.s32 $0x40, s0;
	s15 =	simm.s32 $0x103E0  }
0x190: {  	[hbm4b:s1+s3] =	stream.linear.scatter [tilespmem:s15], [sflag:$0x2], $0x80, $0x38;
	[tilespmem:$0x12800] =	vst v63  }
0x191: {  	s1 =	sadd.s32 $0x50, s0;
	s15 =	simm.s32 $0x10468  }
0x192: {  	[hbm4b:s1+s3] =	stream.linear.scatter [tilespmem:s15], [sflag:$0x2], $0x80, $0x38;
	[tilespmem:$0x12800] =	vst v63  }
0x193: {  	s1 =	sadd.s32 $0x60, s0;
	s15 =	simm.s32 $0x104F0  }
0x194: {  	[hbm4b:s1+s3] =	stream.linear.scatter [tilespmem:s15], [sflag:$0x2], $0x80, $0x38;
	[tilespmem:$0x12800] =	vst v63  }
0x195: {  	p0 =	seq.s32 s26, $0x31;
	s0 =	sadd.s32 $0x70, s0;
	s15 =	simm.s32 $0x10578  }
0x196: {  	[hbm4b:s0+s3] =	stream.linear.scatter [tilespmem:s15], [sflag:$0x2], $0x80, $0x38;
	[tilespmem:$0x12800] =	vst v63  }
0x197: {  	p1 =	seq.s32 @!p0 s26, $0x0;
	_ =	swait.ge [sflag:s23], $0x2000  }
0x198: {  	p1 =	por p0, !p1;
	s1 =	simm.s32 @!p0 $0x80;
	[sflag:s23] =	ssyncset.done $0x0  }
0x199: {  	s0 =	sadd.s32 @!p0 $0x200, s29;
	s15 =	simm.s32 @!p0 $0x6400;
	[sflag:s23] =	ssyncadd.s32 $0xFFFFE000  }
0x19a: {  	[tilespmem:s15], [sflag:$0x1] =	stream.indirect.gather @!p0 [hbm4b:s4+s1], $0x40, s0, s1, $0xb8;
	[tilespmem:$0x12800] =	vst v63  }
0x19b: {  	_ =	swait.ge @p1 [sflag:s13], $0x400  }
0x19c: {  	[sflag:s13] =	ssyncset.done @p1 $0x0  }
0x19d: {  	[sflag:s13] =	ssyncadd.s32 @p1 $0xFFFFFC00  }
0x19e: {  	_ =	swait.ge @p1 [sflag:s13], $0x400  }
0x19f: {  	[sflag:s13] =	ssyncset.done @p1 $0x0  }
0x1a0: {  	[sflag:s13] =	ssyncadd.s32 @p1 $0xFFFFFC00  }
0x1a1: {  	_ =	swait.ge @p1 [sflag:s13], $0x400  }
0x1a2: {  	[sflag:s13] =	ssyncset.done @p1 $0x0  }
0x1a3: {  	[sflag:s13] =	ssyncadd.s32 @p1 $0xFFFFFC00  }
0x1a4: {  	_ =	swait.ge @p1 [sflag:s13], $0x400  }
0x1a5: {  	[sflag:s13] =	ssyncset.done @p1 $0x0  }
0x1a6: {  	[sflag:s13] =	ssyncadd.s32 @p1 $0xFFFFFC00  }
0x1a7: {  	_ =	swait.ge @p1 [sflag:s13], $0x400  }
0x1a8: {  	[sflag:s13] =	ssyncset.done @p1 $0x0  }
0x1a9: {  	[sflag:s13] =	ssyncadd.s32 @p1 $0xFFFFFC00  }
0x1aa: {  	_ =	swait.ge @p1 [sflag:s13], $0x400  }
0x1ab: {  	[sflag:s13] =	ssyncset.done @p1 $0x0  }
0x1ac: {  	[sflag:s13] =	ssyncadd.s32 @p1 $0xFFFFFC00  }
0x1ad: {  	s15 =	simm.s32 $0x0;
	_ =	swait.ge @p1 [sflag:s13], $0x400  }
0x1ae: {  	v58 =	vmov s15;
	[sflag:s13] =	ssyncset.done @p1 $0x0  }
0x1af: {  	v33 =	vshrl.u32 v58, $0x3;
	[sflag:s13] =	ssyncadd.s32 @p1 $0xFFFFFC00  }
0x1b0: {  	v33 =	vshll.u32 v33, v1;
	_ =	swait.ge @p1 [sflag:s13], $0x400  }
0x1b1: {  	v33 =	vbroadcast v33, $0x0;
	[sflag:s13] =	ssyncset.done @p1 $0x0  }
0x1b2: {  	s30 =	simm.s32 $0x8500;
	[sflag:s13] =	ssyncadd.s32 @p1 $0xFFFFFC00  }
0x1b3: {  	v60 =	vadd.s32 v0, v33;
	v59 =	vld [tilespmem:s30+$0xFFFFFF00]  }
0x1b4: {  	v62 =	vadd.s32 v2, v33;
	v61 =	vld [tilespmem:s30+$0xFFFFFF10]  }
0x1b5: {  	v44 =	vadd.s32 v3, v33;
	v63 =	vld [tilespmem:s30+$0xFFFFFF20]  }
0x1b6: {  	s1 =	simm.s32 $0x1;
	v33 =	vadd.s32 v4, v33;
	v45 =	vld [tilespmem:s30+$0xFFFFFF30]  }
0x1b7: {  	v46 =	vmov s1  }
0x1b8: {  	v47 =	vshrl.u32 v46, $0x3;
	[tilespmem:v60+s21+$0x0] =	vst.idx.msk $0xffff, v59  }
0x1b9: {  	v34 =	vshll.u32 v47, v1;
	[tilespmem:v62+s21+$0x0] =	vst.idx.msk $0xffff, v61  }
0x1ba: {  	v34 =	vbroadcast v34, $0x0;
	[tilespmem:v44+s21+$0x0] =	vst.idx.msk $0xffff, v63  }
0x1bb: {  	[tilespmem:v33+s21+$0x0] =	vst.idx.msk $0xffff, v45  }
0x1bc: {  	v48 =	vadd.s32 v5, v34;
	v33 =	vld [tilespmem:s30+$0xFFFFFF40]  }
0x1bd: {  	v49 =	vadd.s32 v6, v34;
	v36 =	vld [tilespmem:s30+$0xFFFFFF50]  }
0x1be: {  	v50 =	vadd.s32 v7, v34;
	v38 =	vld [tilespmem:s30+$0xFFFFFF60]  }
0x1bf: {  	s15 =	simm.s32 $0x2;
	v34 =	vadd.s32 v8, v34;
	v40 =	vld [tilespmem:s30+$0xFFFFFF70]  }
0x1c0: {  	v51 =	vmov s15  }
0x1c1: {  	v52 =	vshrl.u32 v51, $0x3;
	[tilespmem:v48+s21+$0x0] =	vst.idx.msk $0xffff, v33  }
0x1c2: {  	v33 =	vshll.u32 v52, v1;
	[tilespmem:v49+s21+$0x0] =	vst.idx.msk $0xffff, v36  }
0x1c3: {  	v33 =	vbroadcast v33, $0x0;
	[tilespmem:v50+s21+$0x0] =	vst.idx.msk $0xffff, v38  }
0x1c4: {  	[tilespmem:v34+s21+$0x0] =	vst.idx.msk $0xffff, v40  }
0x1c5: {  	v53 =	vadd.s32 v9, v33;
	v34 =	vld [tilespmem:s30+$0xFFFFFF80]  }
0x1c6: {  	v54 =	vadd.s32 v10, v33;
	v36 =	vld [tilespmem:s30+$0xFFFFFF90]  }
0x1c7: {  	v55 =	vadd.s32 v11, v33;
	v38 =	vld [tilespmem:s30+$0xFFFFFFA0]  }
0x1c8: {  	s1 =	simm.s32 $0x3;
	v33 =	vadd.s32 v12, v33;
	v40 =	vld [tilespmem:s30+$0xFFFFFFB0]  }
0x1c9: {  	v56 =	vmov s1  }
0x1ca: {  	v57 =	vshrl.u32 v56, $0x3;
	[tilespmem:v53+s21+$0x0] =	vst.idx.msk $0xffff, v34  }
0x1cb: {  	v34 =	vshll.u32 v57, v1;
	[tilespmem:v54+s21+$0x0] =	vst.idx.msk $0xffff, v36  }
0x1cc: {  	v34 =	vbroadcast v34, $0x0;
	[tilespmem:v55+s21+$0x0] =	vst.idx.msk $0xffff, v38  }
0x1cd: {  	[tilespmem:v33+s21+$0x0] =	vst.idx.msk $0xffff, v40  }
0x1ce: {  	v58 =	vadd.s32 v13, v34;
	v33 =	vld [tilespmem:s30+$0xFFFFFFC0]  }
0x1cf: {  	v59 =	vadd.s32 v14, v34;
	v36 =	vld [tilespmem:s30+$0xFFFFFFD0]  }
0x1d0: {  	v60 =	vadd.s32 v15, v34;
	v38 =	vld [tilespmem:s30+$0xFFFFFFE0]  }
0x1d1: {  	s15 =	simm.s32 $0x4;
	v34 =	vadd.s32 v16, v34;
	v40 =	vld [tilespmem:s30+$0xFFFFFFF0]  }
0x1d2: {  	v61 =	vmov s15  }
0x1d3: {  	v62 =	vshrl.u32 v61, $0x3;
	[tilespmem:v58+s21+$0x0] =	vst.idx.msk $0xffff, v33  }
0x1d4: {  	v33 =	vshll.u32 v62, v1;
	[tilespmem:v59+s21+$0x0] =	vst.idx.msk $0xffff, v36  }
0x1d5: {  	v33 =	vbroadcast v33, $0x0;
	[tilespmem:v60+s21+$0x0] =	vst.idx.msk $0xffff, v38  }
0x1d6: {  	[tilespmem:v34+s21+$0x0] =	vst.idx.msk $0xffff, v40  }
0x1d7: {  	v63 =	vadd.s32 v17, v33;
	v34 =	vld [tilespmem:s30+$0x0]  }
0x1d8: {  	v44 =	vadd.s32 v18, v33;
	v36 =	vld [tilespmem:s30+$0x10]  }
0x1d9: {  	v45 =	vadd.s32 v19, v33;
	v38 =	vld [tilespmem:s30+$0x20]  }
0x1da: {  	s1 =	simm.s32 $0x5;
	v33 =	vadd.s32 v20, v33;
	v40 =	vld [tilespmem:s30+$0x30]  }
0x1db: {  	v46 =	vmov s1  }
0x1dc: {  	v47 =	vshrl.u32 v46, $0x3;
	[tilespmem:v63+s21+$0x0] =	vst.idx.msk $0xffff, v34  }
0x1dd: {  	v34 =	vshll.u32 v47, v1;
	[tilespmem:v44+s21+$0x0] =	vst.idx.msk $0xffff, v36  }
0x1de: {  	v34 =	vbroadcast v34, $0x0;
	[tilespmem:v45+s21+$0x0] =	vst.idx.msk $0xffff, v38  }
0x1df: {  	[tilespmem:v33+s21+$0x0] =	vst.idx.msk $0xffff, v40  }
0x1e0: {  	v48 =	vadd.s32 v21, v34;
	v33 =	vld [tilespmem:s30+$0x40]  }
0x1e1: {  	v49 =	vadd.s32 v22, v34;
	v36 =	vld [tilespmem:s30+$0x50]  }
0x1e2: {  	v50 =	vadd.s32 v23, v34;
	v38 =	vld [tilespmem:s30+$0x60]  }
0x1e3: {  	s15 =	simm.s32 $0x6;
	v34 =	vadd.s32 v24, v34;
	v40 =	vld [tilespmem:s30+$0x70]  }
0x1e4: {  	v51 =	vmov s15  }
0x1e5: {  	v52 =	vshrl.u32 v51, $0x3;
	[tilespmem:v48+s21+$0x0] =	vst.idx.msk $0xffff, v33  }
0x1e6: {  	v33 =	vshll.u32 v52, v1;
	[tilespmem:v49+s21+$0x0] =	vst.idx.msk $0xffff, v36  }
0x1e7: {  	v33 =	vbroadcast v33, $0x0;
	[tilespmem:v50+s21+$0x0] =	vst.idx.msk $0xffff, v38  }
0x1e8: {  	[tilespmem:v34+s21+$0x0] =	vst.idx.msk $0xffff, v40  }
0x1e9: {  	v53 =	vadd.s32 v25, v33;
	v34 =	vld [tilespmem:s30+$0x80]  }
0x1ea: {  	v54 =	vadd.s32 v26, v33;
	v36 =	vld [tilespmem:s30+$0x90]  }
0x1eb: {  	v55 =	vadd.s32 v27, v33;
	v38 =	vld [tilespmem:s30+$0xA0]  }
0x1ec: {  	s1 =	simm.s32 $0x7;
	v33 =	vadd.s32 v28, v33;
	v40 =	vld [tilespmem:s30+$0xB0]  }
0x1ed: {  	v56 =	vmov s1  }
0x1ee: {  	v57 =	vshrl.u32 v56, $0x3;
	[tilespmem:v53+s21+$0x0] =	vst.idx.msk $0xffff, v34  }
0x1ef: {  	v34 =	vshll.u32 v57, v1;
	[tilespmem:v54+s21+$0x0] =	vst.idx.msk $0xffff, v36  }
0x1f0: {  	v58 =	vbroadcast v34, $0x0;
	[tilespmem:v55+s21+$0x0] =	vst.idx.msk $0xffff, v38  }
0x1f1: {  	[tilespmem:v33+s21+$0x0] =	vst.idx.msk $0xffff, v40  }
0x1f2: {  	v59 =	vadd.s32 v29, v58;
	v33 =	vld [tilespmem:s30+$0xC0]  }
0x1f3: {  	v60 =	vadd.s32 v30, v58;
	v37 =	vld [tilespmem:s30+$0xD0]  }
0x1f4: {  	v61 =	vadd.s32 v31, v58;
	v39 =	vld [tilespmem:s30+$0xE0]  }
0x1f5: {  	s15 =	simm.s32 $0x8  }
0x1f6: {  	v62 =	vmov s15;
	v35 =	vadd.s32 v32, v58;
	v34 =	vld [tilespmem:s30+$0xF0]  }
0x1f7: {  	v41 =	vshrl.u32 v62, $0x3;
	[tilespmem:v59+s21+$0x0] =	vst.idx.msk $0xffff, v33  }
0x1f8: {  	v63 =	vshll.u32 v41, v1;
	[tilespmem:v60+s21+$0x0] =	vst.idx.msk $0xffff, v37  }
0x1f9: {  	s31 =	simm.s32 $0xF;
	s0 =	simm.s32 $0x17;
	v33 =	vbroadcast v63, $0x0;
	[tilespmem:v61+s21+$0x0] =	vst.idx.msk $0xffff, v39  }
.LBB2_5:
0x1fa: {  	p1 =	sne.s32 s0, $0x7F  }
0x1fb: {  	[tilespmem:v35+s21+$0x0] =	vst.idx.msk $0xffff, v34;
	s30 =	sadd.s32 $0x200, s30;
	s1 =	smov.u32 s0;
	s0 =	sadd.s32 $0x8, s0  }
0x1fc: {  	v34 =	vld [tilespmem:s30+$0xFFFFFF00];
	v35 =	vadd.s32 v0, v33  }
0x1fd: {  	v37 =	vadd.s32 v2, v33;
	v36 =	vld [tilespmem:s30+$0xFFFFFF10]  }
0x1fe: {  	v39 =	vadd.s32 v3, v33;
	v38 =	vld [tilespmem:s30+$0xFFFFFF20]  }
0x1ff: {  	s15 =	sadd.s32 $0xFFFFFFFA, s31;
	v33 =	vadd.s32 v4, v33;
	v40 =	vld [tilespmem:s30+$0xFFFFFF30]  }
0x200: {  	v41 =	vmov s15  }
0x201: {  	[tilespmem:v35+s21+$0x0] =	vst.idx.msk $0xffff, v34;
	v34 =	vshrl.u32 v41, $0x3  }
0x202: {  	[tilespmem:v37+s21+$0x0] =	vst.idx.msk $0xffff, v36;
	v34 =	vshll.u32 v34, v1  }
0x203: {  	[tilespmem:v39+s21+$0x0] =	vst.idx.msk $0xffff, v38;
	v34 =	vbroadcast v34, $0x0  }
0x204: {  	[tilespmem:v33+s21+$0x0] =	vst.idx.msk $0xffff, v40  }
0x205: {  	v33 =	vld [tilespmem:s30+$0xFFFFFF40];
	v35 =	vadd.s32 v5, v34  }
0x206: {  	v37 =	vadd.s32 v6, v34;
	v36 =	vld [tilespmem:s30+$0xFFFFFF50]  }
0x207: {  	v39 =	vadd.s32 v7, v34;
	v38 =	vld [tilespmem:s30+$0xFFFFFF60]  }
0x208: {  	s15 =	sadd.s32 $0xFFFFFFFB, s31;
	v34 =	vadd.s32 v8, v34;
	v40 =	vld [tilespmem:s30+$0xFFFFFF70]  }
0x209: {  	v41 =	vmov s15  }
0x20a: {  	[tilespmem:v35+s21+$0x0] =	vst.idx.msk $0xffff, v33;
	v33 =	vshrl.u32 v41, $0x3  }
0x20b: {  	[tilespmem:v37+s21+$0x0] =	vst.idx.msk $0xffff, v36;
	v33 =	vshll.u32 v33, v1  }
0x20c: {  	[tilespmem:v39+s21+$0x0] =	vst.idx.msk $0xffff, v38;
	v33 =	vbroadcast v33, $0x0  }
0x20d: {  	[tilespmem:v34+s21+$0x0] =	vst.idx.msk $0xffff, v40  }
0x20e: {  	v34 =	vld [tilespmem:s30+$0xFFFFFF80];
	v35 =	vadd.s32 v9, v33  }
0x20f: {  	v37 =	vadd.s32 v10, v33;
	v36 =	vld [tilespmem:s30+$0xFFFFFF90]  }
0x210: {  	v39 =	vadd.s32 v11, v33;
	v38 =	vld [tilespmem:s30+$0xFFFFFFA0]  }
0x211: {  	s15 =	sadd.s32 $0xFFFFFFFC, s31;
	v33 =	vadd.s32 v12, v33;
	v40 =	vld [tilespmem:s30+$0xFFFFFFB0]  }
0x212: {  	v41 =	vmov s15  }
0x213: {  	[tilespmem:v35+s21+$0x0] =	vst.idx.msk $0xffff, v34;
	v34 =	vshrl.u32 v41, $0x3  }
0x214: {  	[tilespmem:v37+s21+$0x0] =	vst.idx.msk $0xffff, v36;
	v34 =	vshll.u32 v34, v1  }
0x215: {  	[tilespmem:v39+s21+$0x0] =	vst.idx.msk $0xffff, v38;
	v34 =	vbroadcast v34, $0x0  }
0x216: {  	[tilespmem:v33+s21+$0x0] =	vst.idx.msk $0xffff, v40  }
0x217: {  	v33 =	vld [tilespmem:s30+$0xFFFFFFC0];
	v35 =	vadd.s32 v13, v34  }
0x218: {  	v37 =	vadd.s32 v14, v34;
	v36 =	vld [tilespmem:s30+$0xFFFFFFD0]  }
0x219: {  	v39 =	vadd.s32 v15, v34;
	v38 =	vld [tilespmem:s30+$0xFFFFFFE0]  }
0x21a: {  	s15 =	sadd.s32 $0xFFFFFFFD, s31;
	v34 =	vadd.s32 v16, v34;
	v40 =	vld [tilespmem:s30+$0xFFFFFFF0]  }
0x21b: {  	v41 =	vmov s15  }
0x21c: {  	[tilespmem:v35+s21+$0x0] =	vst.idx.msk $0xffff, v33;
	v33 =	vshrl.u32 v41, $0x3  }
0x21d: {  	[tilespmem:v37+s21+$0x0] =	vst.idx.msk $0xffff, v36;
	v33 =	vshll.u32 v33, v1  }
0x21e: {  	[tilespmem:v39+s21+$0x0] =	vst.idx.msk $0xffff, v38;
	v33 =	vbroadcast v33, $0x0  }
0x21f: {  	[tilespmem:v34+s21+$0x0] =	vst.idx.msk $0xffff, v40  }
0x220: {  	v34 =	vld [tilespmem:s30+$0x0];
	v35 =	vadd.s32 v17, v33  }
0x221: {  	v37 =	vadd.s32 v18, v33;
	v36 =	vld [tilespmem:s30+$0x10]  }
0x222: {  	v39 =	vadd.s32 v19, v33;
	v38 =	vld [tilespmem:s30+$0x20]  }
0x223: {  	s15 =	sadd.s32 $0xFFFFFFFE, s31;
	v33 =	vadd.s32 v20, v33;
	v40 =	vld [tilespmem:s30+$0x30]  }
0x224: {  	v41 =	vmov s15  }
0x225: {  	[tilespmem:v35+s21+$0x0] =	vst.idx.msk $0xffff, v34;
	v34 =	vshrl.u32 v41, $0x3  }
0x226: {  	[tilespmem:v37+s21+$0x0] =	vst.idx.msk $0xffff, v36;
	v34 =	vshll.u32 v34, v1  }
0x227: {  	[tilespmem:v39+s21+$0x0] =	vst.idx.msk $0xffff, v38;
	v34 =	vbroadcast v34, $0x0  }
0x228: {  	[tilespmem:v33+s21+$0x0] =	vst.idx.msk $0xffff, v40  }
0x229: {  	v33 =	vld [tilespmem:s30+$0x40];
	v35 =	vadd.s32 v21, v34  }
0x22a: {  	v37 =	vadd.s32 v22, v34;
	v36 =	vld [tilespmem:s30+$0x50]  }
0x22b: {  	v39 =	vadd.s32 v23, v34;
	v38 =	vld [tilespmem:s30+$0x60]  }
0x22c: {  	s15 =	sadd.s32 $0xFFFFFFFF, s31;
	v34 =	vadd.s32 v24, v34;
	v40 =	vld [tilespmem:s30+$0x70]  }
0x22d: {  	v41 =	vmov s15  }
0x22e: {  	[tilespmem:v35+s21+$0x0] =	vst.idx.msk $0xffff, v33;
	v33 =	vshrl.u32 v41, $0x3  }
0x22f: {  	[tilespmem:v37+s21+$0x0] =	vst.idx.msk $0xffff, v36;
	v33 =	vshll.u32 v33, v1  }
0x230: {  	[tilespmem:v39+s21+$0x0] =	vst.idx.msk $0xffff, v38;
	v33 =	vbroadcast v33, $0x0  }
0x231: {  	[tilespmem:v34+s21+$0x0] =	vst.idx.msk $0xffff, v40  }
0x232: {  	v34 =	vld [tilespmem:s30+$0x80];
	v35 =	vadd.s32 v25, v33  }
0x233: {  	v37 =	vadd.s32 v26, v33;
	v36 =	vld [tilespmem:s30+$0x90]  }
0x234: {  	v39 =	vadd.s32 v27, v33;
	v38 =	vld [tilespmem:s30+$0xA0]  }
0x235: {  	v33 =	vadd.s32 v28, v33;
	v40 =	vld [tilespmem:s30+$0xB0]  }
0x236: {  	v41 =	vmov s31;
	s31 =	smov.u32 s1  }
0x237: {  	[tilespmem:v35+s21+$0x0] =	vst.idx.msk $0xffff, v34;
	v34 =	vshrl.u32 v41, $0x3  }
0x238: {  	[tilespmem:v37+s21+$0x0] =	vst.idx.msk $0xffff, v36;
	v34 =	vshll.u32 v34, v1  }
0x239: {  	[tilespmem:v39+s21+$0x0] =	vst.idx.msk $0xffff, v38;
	v35 =	vbroadcast v34, $0x0  }
0x23a: {  	[tilespmem:v33+s21+$0x0] =	vst.idx.msk $0xffff, v40  }
0x23b: {  	v33 =	vld [tilespmem:s30+$0xC0];
	v36 =	vadd.s32 v29, v35  }
0x23c: {  	v38 =	vadd.s32 v30, v35;
	v37 =	vld [tilespmem:s30+$0xD0]  }
0x23d: {  	v40 =	vadd.s32 v31, v35;
	v39 =	vld [tilespmem:s30+$0xE0]  }
.Ltmp1:
0x23e: {  	s1 =	sadd.s32 $0xFFFFFFF9, s31;
	v35 =	vadd.s32 v32, v35;
	v34 =	vld [tilespmem:s30+$0xF0];
	(pc) =	sbr.rel @p1 .LBB2_5-.Ltmp1, $4  }
0x23f: {  	v41 =	vmov s1  }
0x240: {  	v41 =	vshrl.u32 v41, $0x3;
	[tilespmem:v36+s21+$0x0] =	vst.idx.msk $0xffff, v33  }
0x241: {  	v33 =	vshll.u32 v41, v1;
	[tilespmem:v38+s21+$0x0] =	vst.idx.msk $0xffff, v37  }
0x242: {  	v33 =	vbroadcast v33, $0x0;
	[tilespmem:v40+s21+$0x0] =	vst.idx.msk $0xffff, v39  }
0x243: {  	_ =	sdelay $0x3  }
0x244: {  	[tilespmem:v35+s21+$0x0] =	vst.idx.msk $0xffff, v34;
	s0 =	sadd.s32 $0x200, s30  }
0x245: {  	v34 =	vld [tilespmem:s0+$0xFFFFFF00];
	v62 =	vadd.s32 v0, v33  }
0x246: {  	v36 =	vld [tilespmem:s0+$0xFFFFFF10];
	v37 =	vadd.s32 v2, v33  }
0x247: {  	v38 =	vld [tilespmem:s0+$0xFFFFFF20];
	v39 =	vadd.s32 v3, v33  }
0x248: {  	s1 =	sadd.s32 $0xFFFFFFFA, s31;
	v40 =	vld [tilespmem:s0+$0xFFFFFF30];
	v63 =	vadd.s32 v4, v33  }
0x249: {  	v41 =	vmov s1  }
0x24a: {  	v44 =	vshrl.u32 v41, $0x3;
	[tilespmem:v62+s21+$0x0] =	vst.idx.msk $0xffff, v34  }
0x24b: {  	v34 =	vshll.u32 v44, v1;
	[tilespmem:v37+s21+$0x0] =	vst.idx.msk $0xffff, v36  }
0x24c: {  	v34 =	vbroadcast v34, $0x0;
	[tilespmem:v39+s21+$0x0] =	vst.idx.msk $0xffff, v38  }
0x24d: {  	[tilespmem:v63+s21+$0x0] =	vst.idx.msk $0xffff, v40  }
0x24e: {  	v45 =	vadd.s32 v5, v34;
	v33 =	vld [tilespmem:s0+$0xFFFFFF40]  }
0x24f: {  	v46 =	vadd.s32 v6, v34;
	v36 =	vld [tilespmem:s0+$0xFFFFFF50]  }
0x250: {  	v47 =	vadd.s32 v7, v34;
	v38 =	vld [tilespmem:s0+$0xFFFFFF60]  }
0x251: {  	s15 =	sadd.s32 $0xFFFFFFFB, s31;
	v34 =	vadd.s32 v8, v34;
	v40 =	vld [tilespmem:s0+$0xFFFFFF70]  }
0x252: {  	v48 =	vmov s15  }
0x253: {  	v49 =	vshrl.u32 v48, $0x3;
	[tilespmem:v45+s21+$0x0] =	vst.idx.msk $0xffff, v33  }
0x254: {  	v33 =	vshll.u32 v49, v1;
	[tilespmem:v46+s21+$0x0] =	vst.idx.msk $0xffff, v36  }
0x255: {  	v33 =	vbroadcast v33, $0x0;
	[tilespmem:v47+s21+$0x0] =	vst.idx.msk $0xffff, v38  }
0x256: {  	[tilespmem:v34+s21+$0x0] =	vst.idx.msk $0xffff, v40  }
0x257: {  	v50 =	vadd.s32 v9, v33;
	v34 =	vld [tilespmem:s0+$0xFFFFFF80]  }
0x258: {  	v51 =	vadd.s32 v10, v33;
	v36 =	vld [tilespmem:s0+$0xFFFFFF90]  }
0x259: {  	v52 =	vadd.s32 v11, v33;
	v38 =	vld [tilespmem:s0+$0xFFFFFFA0]  }
0x25a: {  	s15 =	sadd.s32 $0xFFFFFFFC, s31;
	v33 =	vadd.s32 v12, v33;
	v40 =	vld [tilespmem:s0+$0xFFFFFFB0]  }
0x25b: {  	v53 =	vmov s15  }
0x25c: {  	v54 =	vshrl.u32 v53, $0x3;
	[tilespmem:v50+s21+$0x0] =	vst.idx.msk $0xffff, v34  }
0x25d: {  	v34 =	vshll.u32 v54, v1;
	[tilespmem:v51+s21+$0x0] =	vst.idx.msk $0xffff, v36  }
0x25e: {  	v34 =	vbroadcast v34, $0x0;
	[tilespmem:v52+s21+$0x0] =	vst.idx.msk $0xffff, v38  }
0x25f: {  	[tilespmem:v33+s21+$0x0] =	vst.idx.msk $0xffff, v40  }
0x260: {  	v55 =	vadd.s32 v13, v34;
	v33 =	vld [tilespmem:s0+$0xFFFFFFC0]  }
0x261: {  	v56 =	vadd.s32 v14, v34;
	v36 =	vld [tilespmem:s0+$0xFFFFFFD0]  }
0x262: {  	v57 =	vadd.s32 v15, v34;
	v38 =	vld [tilespmem:s0+$0xFFFFFFE0]  }
0x263: {  	s15 =	sadd.s32 $0xFFFFFFFD, s31;
	v34 =	vadd.s32 v16, v34;
	v40 =	vld [tilespmem:s0+$0xFFFFFFF0]  }
0x264: {  	v58 =	vmov s15  }
0x265: {  	v59 =	vshrl.u32 v58, $0x3;
	[tilespmem:v55+s21+$0x0] =	vst.idx.msk $0xffff, v33  }
0x266: {  	v33 =	vshll.u32 v59, v1;
	[tilespmem:v56+s21+$0x0] =	vst.idx.msk $0xffff, v36  }
0x267: {  	v33 =	vbroadcast v33, $0x0;
	[tilespmem:v57+s21+$0x0] =	vst.idx.msk $0xffff, v38  }
0x268: {  	[tilespmem:v34+s21+$0x0] =	vst.idx.msk $0xffff, v40  }
0x269: {  	v60 =	vadd.s32 v17, v33;
	v34 =	vld [tilespmem:s0+$0x0]  }
0x26a: {  	v61 =	vadd.s32 v18, v33;
	v36 =	vld [tilespmem:s0+$0x10]  }
0x26b: {  	v62 =	vadd.s32 v19, v33;
	v38 =	vld [tilespmem:s0+$0x20]  }
0x26c: {  	s15 =	sadd.s32 $0xFFFFFFFE, s31;
	v33 =	vadd.s32 v20, v33;
	v40 =	vld [tilespmem:s0+$0x30]  }
0x26d: {  	v63 =	vmov s15  }
0x26e: {  	v44 =	vshrl.u32 v63, $0x3;
	[tilespmem:v60+s21+$0x0] =	vst.idx.msk $0xffff, v34  }
0x26f: {  	v34 =	vshll.u32 v44, v1;
	[tilespmem:v61+s21+$0x0] =	vst.idx.msk $0xffff, v36  }
0x270: {  	v34 =	vbroadcast v34, $0x0;
	[tilespmem:v62+s21+$0x0] =	vst.idx.msk $0xffff, v38  }
0x271: {  	[tilespmem:v33+s21+$0x0] =	vst.idx.msk $0xffff, v40  }
0x272: {  	v45 =	vadd.s32 v21, v34;
	v33 =	vld [tilespmem:s0+$0x40]  }
0x273: {  	v46 =	vadd.s32 v22, v34;
	v36 =	vld [tilespmem:s0+$0x50]  }
0x274: {  	v47 =	vadd.s32 v23, v34;
	v38 =	vld [tilespmem:s0+$0x60]  }
0x275: {  	s15 =	sadd.s32 $0xFFFFFFFF, s31;
	v34 =	vadd.s32 v24, v34;
	v40 =	vld [tilespmem:s0+$0x70]  }
0x276: {  	v48 =	vmov s15  }
0x277: {  	v49 =	vshrl.u32 v48, $0x3;
	[tilespmem:v45+s21+$0x0] =	vst.idx.msk $0xffff, v33  }
0x278: {  	v33 =	vshll.u32 v49, v1;
	[tilespmem:v46+s21+$0x0] =	vst.idx.msk $0xffff, v36  }
0x279: {  	v33 =	vbroadcast v33, $0x0;
	[tilespmem:v47+s21+$0x0] =	vst.idx.msk $0xffff, v38  }
0x27a: {  	[tilespmem:v34+s21+$0x0] =	vst.idx.msk $0xffff, v40  }
0x27b: {  	v50 =	vadd.s32 v25, v33;
	v34 =	vld [tilespmem:s0+$0x80]  }
0x27c: {  	v51 =	vadd.s32 v26, v33;
	v36 =	vld [tilespmem:s0+$0x90]  }
0x27d: {  	v52 =	vadd.s32 v27, v33;
	v38 =	vld [tilespmem:s0+$0xA0]  }
0x27e: {  	v33 =	vadd.s32 v28, v33;
	v40 =	vld [tilespmem:s0+$0xB0]  }
0x27f: {  	v53 =	vmov s31  }
0x280: {  	v54 =	vshrl.u32 v53, $0x3;
	[tilespmem:v50+s21+$0x0] =	vst.idx.msk $0xffff, v34  }
0x281: {  	v34 =	vshll.u32 v54, v1;
	[tilespmem:v51+s21+$0x0] =	vst.idx.msk $0xffff, v36  }
0x282: {  	v34 =	vbroadcast v34, $0x0;
	[tilespmem:v52+s21+$0x0] =	vst.idx.msk $0xffff, v38  }
0x283: {  	[tilespmem:v33+s21+$0x0] =	vst.idx.msk $0xffff, v40  }
0x284: {  	v55 =	vadd.s32 v29, v34;
	v33 =	vld [tilespmem:s0+$0xC0]  }
0x285: {  	v56 =	vadd.s32 v30, v34;
	v36 =	vld [tilespmem:s0+$0xD0]  }
0x286: {  	v57 =	vadd.s32 v31, v34;
	v38 =	vld [tilespmem:s0+$0xE0]  }
0x287: {  	v34 =	vadd.s32 v32, v34;
	v40 =	vld [tilespmem:s0+$0xF0];
	_ =	sdelay $0x1  }
0x288: {  	[tilespmem:v55+s21+$0x0] =	vst.idx.msk $0xffff, v33  }
0x289: {  	[tilespmem:v56+s21+$0x0] =	vst.idx.msk $0xffff, v36  }
0x28a: {  	s30 =	sadd.s32 s28, s2;
	[tilespmem:v57+s21+$0x0] =	vst.idx.msk $0xffff, v38  }
0x28b: {  	s15 =	sadd.s32 $0x80, s30;
	[tilespmem:v34+s21+$0x0] =	vst.idx.msk $0xffff, v40  }
0x28c: {  	[hbm4b:s15+s3] =	stream.linear.scatter [tilespmem:s21], [sflag:$0x2], $0x80, $0x38;
	[tilespmem:$0x12800] =	vst v63  }
0x28d: {  	s1 =	sadd.s32 $0x90, s30  }
0x28e: {  	[hbm4b:s1+s3] =	stream.linear.scatter [tilespmem:s16], [sflag:$0x2], $0x80, $0x38;
	[tilespmem:$0x12800] =	vst v63  }
0x28f: {  	s15 =	sadd.s32 $0xA0, s30;
	s16 =	simm.s32 $0x10710  }
0x290: {  	[hbm4b:s15+s3] =	stream.linear.scatter [tilespmem:s16], [sflag:$0x2], $0x80, $0x38;
	[tilespmem:$0x12800] =	vst v63  }
0x291: {  	s15 =	sadd.s32 $0xB0, s30;
	s16 =	simm.s32 $0x10798  }
0x292: {  	[hbm4b:s15+s3] =	stream.linear.scatter [tilespmem:s16], [sflag:$0x2], $0x80, $0x38;
	[tilespmem:$0x12800] =	vst v63  }
0x293: {  	s15 =	sadd.s32 $0xC0, s30;
	s16 =	simm.s32 $0x10820  }
0x294: {  	[hbm4b:s15+s3] =	stream.linear.scatter [tilespmem:s16], [sflag:$0x2], $0x80, $0x38;
	[tilespmem:$0x12800] =	vst v63  }
0x295: {  	s15 =	sadd.s32 $0xD0, s30;
	s16 =	simm.s32 $0x108A8  }
0x296: {  	[hbm4b:s15+s3] =	stream.linear.scatter [tilespmem:s16], [sflag:$0x2], $0x80, $0x38;
	[tilespmem:$0x12800] =	vst v63  }
0x297: {  	s15 =	sadd.s32 $0xE0, s30;
	s16 =	simm.s32 $0x10930  }
0x298: {  	[hbm4b:s15+s3] =	stream.linear.scatter [tilespmem:s16], [sflag:$0x2], $0x80, $0x38;
	[tilespmem:$0x12800] =	vst v63  }
0x299: {  	s1 =	sor.u32 $0x4080, s28;
	s15 =	sadd.s32 $0xF0, s30;
	s16 =	simm.s32 $0x109B8  }
0x29a: {  	[hbm4b:s15+s3] =	stream.linear.scatter [tilespmem:s16], [sflag:$0x2], $0x80, $0x38;
	[tilespmem:$0x12800] =	vst v63  }
0x29b: {  	s0 =	sadd.s32 s2, s1;
	s15 =	simm.s32 $0x10A40  }
0x29c: {  	[hbm4b:s0+s3] =	stream.linear.scatter [tilespmem:s15], [sflag:$0x2], $0x80, $0x38;
	[tilespmem:$0x12800] =	vst v63  }
0x29d: {  	s16 =	sadd.s32 $0x10, s0;
	s15 =	simm.s32 $0x10AC8  }
0x29e: {  	[hbm4b:s16+s3] =	stream.linear.scatter [tilespmem:s15], [sflag:$0x2], $0x80, $0x38;
	[tilespmem:$0x12800] =	vst v63  }
0x29f: {  	s15 =	sadd.s32 $0x20, s0;
	s16 =	simm.s32 $0x10B50  }
0x2a0: {  	[hbm4b:s15+s3] =	stream.linear.scatter [tilespmem:s16], [sflag:$0x2], $0x80, $0x38;
	[tilespmem:$0x12800] =	vst v63  }
0x2a1: {  	s15 =	sadd.s32 $0x30, s0;
	s16 =	simm.s32 $0x10BD8  }
0x2a2: {  	[hbm4b:s15+s3] =	stream.linear.scatter [tilespmem:s16], [sflag:$0x2], $0x80, $0x38;
	[tilespmem:$0x12800] =	vst v63  }
0x2a3: {  	s15 =	sadd.s32 $0x40, s0;
	s16 =	simm.s32 $0x10C60  }
0x2a4: {  	[hbm4b:s15+s3] =	stream.linear.scatter [tilespmem:s16], [sflag:$0x2], $0x80, $0x38;
	[tilespmem:$0x12800] =	vst v63  }
0x2a5: {  	s15 =	sadd.s32 $0x50, s0;
	s16 =	simm.s32 $0x10CE8  }
0x2a6: {  	[hbm4b:s15+s3] =	stream.linear.scatter [tilespmem:s16], [sflag:$0x2], $0x80, $0x38;
	[tilespmem:$0x12800] =	vst v63  }
0x2a7: {  	s15 =	sadd.s32 $0x60, s0;
	s16 =	simm.s32 $0x10D70  }
0x2a8: {  	[hbm4b:s15+s3] =	stream.linear.scatter [tilespmem:s16], [sflag:$0x2], $0x80, $0x38;
	[tilespmem:$0x12800] =	vst v63  }
0x2a9: {  	s0 =	sadd.s32 $0x70, s0;
	s16 =	simm.s32 $0x10DF8;
	s15 =	sor.u32 $0x8080, s28  }
0x2aa: {  	[hbm4b:s0+s3] =	stream.linear.scatter [tilespmem:s16], [sflag:$0x2], $0x80, $0x38;
	[tilespmem:$0x12800] =	vst v63  }
0x2ab: {  	s0 =	sadd.s32 s2, s15;
	s16 =	simm.s32 $0x10E80  }
0x2ac: {  	[hbm4b:s0+s3] =	stream.linear.scatter [tilespmem:s16], [sflag:$0x2], $0x80, $0x38;
	[tilespmem:$0x12800] =	vst v63  }
0x2ad: {  	s15 =	sadd.s32 $0x10, s0;
	s16 =	simm.s32 $0x10F08  }
0x2ae: {  	[hbm4b:s15+s3] =	stream.linear.scatter [tilespmem:s16], [sflag:$0x2], $0x80, $0x38;
	[tilespmem:$0x12800] =	vst v63  }
0x2af: {  	s15 =	sadd.s32 $0x20, s0;
	s16 =	simm.s32 $0x10F90  }
0x2b0: {  	[hbm4b:s15+s3] =	stream.linear.scatter [tilespmem:s16], [sflag:$0x2], $0x80, $0x38;
	[tilespmem:$0x12800] =	vst v63  }
0x2b1: {  	s15 =	sadd.s32 $0x30, s0;
	s16 =	simm.s32 $0x11018  }
0x2b2: {  	[hbm4b:s15+s3] =	stream.linear.scatter [tilespmem:s16], [sflag:$0x2], $0x80, $0x38;
	[tilespmem:$0x12800] =	vst v63  }
0x2b3: {  	s15 =	sadd.s32 $0x40, s0;
	s16 =	simm.s32 $0x110A0  }
0x2b4: {  	[hbm4b:s15+s3] =	stream.linear.scatter [tilespmem:s16], [sflag:$0x2], $0x80, $0x38;
	[tilespmem:$0x12800] =	vst v63  }
0x2b5: {  	s15 =	sadd.s32 $0x50, s0;
	s16 =	simm.s32 $0x11128  }
0x2b6: {  	[hbm4b:s15+s3] =	stream.linear.scatter [tilespmem:s16], [sflag:$0x2], $0x80, $0x38;
	[tilespmem:$0x12800] =	vst v63  }
0x2b7: {  	s15 =	sadd.s32 $0x60, s0;
	s16 =	simm.s32 $0x111B0  }
0x2b8: {  	[hbm4b:s15+s3] =	stream.linear.scatter [tilespmem:s16], [sflag:$0x2], $0x80, $0x38;
	[tilespmem:$0x12800] =	vst v63  }
0x2b9: {  	s0 =	sadd.s32 $0x70, s0;
	s16 =	simm.s32 $0x11238;
	s15 =	sor.u32 $0xC080, s28  }
0x2ba: {  	[hbm4b:s0+s3] =	stream.linear.scatter [tilespmem:s16], [sflag:$0x2], $0x80, $0x38;
	[tilespmem:$0x12800] =	vst v63  }
0x2bb: {  	s0 =	sadd.s32 s2, s15;
	s16 =	simm.s32 $0x112C0  }
0x2bc: {  	[hbm4b:s0+s3] =	stream.linear.scatter [tilespmem:s16], [sflag:$0x2], $0x80, $0x38;
	[tilespmem:$0x12800] =	vst v63  }
0x2bd: {  	s15 =	sadd.s32 $0x10, s0;
	s16 =	simm.s32 $0x11348  }
0x2be: {  	[hbm4b:s15+s3] =	stream.linear.scatter [tilespmem:s16], [sflag:$0x2], $0x80, $0x38;
	[tilespmem:$0x12800] =	vst v63  }
0x2bf: {  	s15 =	sadd.s32 $0x20, s0;
	s16 =	simm.s32 $0x113D0  }
0x2c0: {  	[hbm4b:s15+s3] =	stream.linear.scatter [tilespmem:s16], [sflag:$0x2], $0x80, $0x38;
	[tilespmem:$0x12800] =	vst v63  }
0x2c1: {  	s15 =	sadd.s32 $0x30, s0;
	s16 =	simm.s32 $0x11458  }
0x2c2: {  	[hbm4b:s15+s3] =	stream.linear.scatter [tilespmem:s16], [sflag:$0x2], $0x80, $0x38;
	[tilespmem:$0x12800] =	vst v63  }
0x2c3: {  	s15 =	sadd.s32 $0x40, s0;
	s16 =	simm.s32 $0x114E0  }
0x2c4: {  	[hbm4b:s15+s3] =	stream.linear.scatter [tilespmem:s16], [sflag:$0x2], $0x80, $0x38;
	[tilespmem:$0x12800] =	vst v63  }
0x2c5: {  	s15 =	sadd.s32 $0x50, s0;
	s16 =	simm.s32 $0x11568  }
0x2c6: {  	[hbm4b:s15+s3] =	stream.linear.scatter [tilespmem:s16], [sflag:$0x2], $0x80, $0x38;
	[tilespmem:$0x12800] =	vst v63  }
0x2c7: {  	s15 =	sadd.s32 $0x60, s0;
	s16 =	simm.s32 $0x115F0  }
0x2c8: {  	[hbm4b:s15+s3] =	stream.linear.scatter [tilespmem:s16], [sflag:$0x2], $0x80, $0x38;
	[tilespmem:$0x12800] =	vst v63  }
0x2c9: {  	s0 =	sadd.s32 $0x70, s0;
	s16 =	simm.s32 $0x11678;
	s15 =	sor.u32 $0x10080, s28  }
0x2ca: {  	[hbm4b:s0+s3] =	stream.linear.scatter [tilespmem:s16], [sflag:$0x2], $0x80, $0x38;
	[tilespmem:$0x12800] =	vst v63  }
0x2cb: {  	s0 =	sadd.s32 s2, s15;
	s16 =	simm.s32 $0x11700  }
0x2cc: {  	[hbm4b:s0+s3] =	stream.linear.scatter [tilespmem:s16], [sflag:$0x2], $0x80, $0x38;
	[tilespmem:$0x12800] =	vst v63  }
0x2cd: {  	s15 =	sadd.s32 $0x10, s0;
	s16 =	simm.s32 $0x11788  }
0x2ce: {  	[hbm4b:s15+s3] =	stream.linear.scatter [tilespmem:s16], [sflag:$0x2], $0x80, $0x38;
	[tilespmem:$0x12800] =	vst v63  }
0x2cf: {  	s15 =	sadd.s32 $0x20, s0;
	s16 =	simm.s32 $0x11810  }
0x2d0: {  	[hbm4b:s15+s3] =	stream.linear.scatter [tilespmem:s16], [sflag:$0x2], $0x80, $0x38;
	[tilespmem:$0x12800] =	vst v63  }
0x2d1: {  	s15 =	sadd.s32 $0x30, s0;
	s16 =	simm.s32 $0x11898  }
0x2d2: {  	[hbm4b:s15+s3] =	stream.linear.scatter [tilespmem:s16], [sflag:$0x2], $0x80, $0x38;
	[tilespmem:$0x12800] =	vst v63  }
0x2d3: {  	s15 =	sadd.s32 $0x40, s0;
	s16 =	simm.s32 $0x11920  }
0x2d4: {  	[hbm4b:s15+s3] =	stream.linear.scatter [tilespmem:s16], [sflag:$0x2], $0x80, $0x38;
	[tilespmem:$0x12800] =	vst v63  }
0x2d5: {  	s15 =	sadd.s32 $0x50, s0;
	s16 =	simm.s32 $0x119A8  }
0x2d6: {  	[hbm4b:s15+s3] =	stream.linear.scatter [tilespmem:s16], [sflag:$0x2], $0x80, $0x38;
	[tilespmem:$0x12800] =	vst v63  }
0x2d7: {  	s15 =	sadd.s32 $0x60, s0;
	s16 =	simm.s32 $0x11A30  }
0x2d8: {  	[hbm4b:s15+s3] =	stream.linear.scatter [tilespmem:s16], [sflag:$0x2], $0x80, $0x38;
	[tilespmem:$0x12800] =	vst v63  }
0x2d9: {  	s0 =	sadd.s32 $0x70, s0;
	s16 =	simm.s32 $0x11AB8;
	s15 =	sor.u32 $0x14080, s28  }
0x2da: {  	[hbm4b:s0+s3] =	stream.linear.scatter [tilespmem:s16], [sflag:$0x2], $0x80, $0x38;
	[tilespmem:$0x12800] =	vst v63  }
0x2db: {  	s0 =	sadd.s32 s2, s15;
	s16 =	simm.s32 $0x11B40  }
0x2dc: {  	[hbm4b:s0+s3] =	stream.linear.scatter [tilespmem:s16], [sflag:$0x2], $0x80, $0x38;
	[tilespmem:$0x12800] =	vst v63  }
0x2dd: {  	s15 =	sadd.s32 $0x10, s0;
	s16 =	simm.s32 $0x11BC8  }
0x2de: {  	[hbm4b:s15+s3] =	stream.linear.scatter [tilespmem:s16], [sflag:$0x2], $0x80, $0x38;
	[tilespmem:$0x12800] =	vst v63  }
0x2df: {  	s15 =	sadd.s32 $0x20, s0;
	s16 =	simm.s32 $0x11C50  }
0x2e0: {  	[hbm4b:s15+s3] =	stream.linear.scatter [tilespmem:s16], [sflag:$0x2], $0x80, $0x38;
	[tilespmem:$0x12800] =	vst v63  }
0x2e1: {  	s15 =	sadd.s32 $0x30, s0;
	s16 =	simm.s32 $0x11CD8  }
0x2e2: {  	[hbm4b:s15+s3] =	stream.linear.scatter [tilespmem:s16], [sflag:$0x2], $0x80, $0x38;
	[tilespmem:$0x12800] =	vst v63  }
0x2e3: {  	s15 =	sadd.s32 $0x40, s0;
	s16 =	simm.s32 $0x11D60  }
0x2e4: {  	[hbm4b:s15+s3] =	stream.linear.scatter [tilespmem:s16], [sflag:$0x2], $0x80, $0x38;
	[tilespmem:$0x12800] =	vst v63  }
0x2e5: {  	s15 =	sadd.s32 $0x50, s0;
	s16 =	simm.s32 $0x11DE8  }
0x2e6: {  	[hbm4b:s15+s3] =	stream.linear.scatter [tilespmem:s16], [sflag:$0x2], $0x80, $0x38;
	[tilespmem:$0x12800] =	vst v63  }
0x2e7: {  	s15 =	sadd.s32 $0x60, s0;
	s16 =	simm.s32 $0x11E70  }
0x2e8: {  	[hbm4b:s15+s3] =	stream.linear.scatter [tilespmem:s16], [sflag:$0x2], $0x80, $0x38;
	[tilespmem:$0x12800] =	vst v63  }
0x2e9: {  	s0 =	sadd.s32 $0x70, s0;
	s16 =	simm.s32 $0x11EF8;
	s15 =	sor.u32 $0x18080, s28  }
0x2ea: {  	[hbm4b:s0+s3] =	stream.linear.scatter [tilespmem:s16], [sflag:$0x2], $0x80, $0x38;
	[tilespmem:$0x12800] =	vst v63  }
0x2eb: {  	s0 =	sadd.s32 s2, s15;
	s16 =	simm.s32 $0x11F80  }
0x2ec: {  	[hbm4b:s0+s3] =	stream.linear.scatter [tilespmem:s16], [sflag:$0x2], $0x80, $0x38;
	[tilespmem:$0x12800] =	vst v63  }
0x2ed: {  	s15 =	sadd.s32 $0x10, s0  }
0x2ee: {  	[hbm4b:s15+s3] =	stream.linear.scatter [tilespmem:s19], [sflag:$0x2], $0x80, $0x38;
	[tilespmem:$0x12800] =	vst v63  }
0x2ef: {  	s16 =	sadd.s32 $0x20, s0  }
0x2f0: {  	[hbm4b:s16+s3] =	stream.linear.scatter [tilespmem:s20], [sflag:$0x2], $0x80, $0x38;
	[tilespmem:$0x12800] =	vst v63  }
0x2f1: {  	s15 =	sadd.s32 $0x30, s0  }
0x2f2: {  	[hbm4b:s15+s3] =	stream.linear.scatter [tilespmem:s22], [sflag:$0x2], $0x80, $0x38;
	[tilespmem:$0x12800] =	vst v63  }
0x2f3: {  	s16 =	sadd.s32 $0x40, s0  }
0x2f4: {  	[hbm4b:s16+s3] =	stream.linear.scatter [tilespmem:s5], [sflag:$0x2], $0x80, $0x38;
	[tilespmem:$0x12800] =	vst v63  }
0x2f5: {  	s15 =	sadd.s32 $0x50, s0  }
0x2f6: {  	[hbm4b:s15+s3] =	stream.linear.scatter [tilespmem:s14], [sflag:$0x2], $0x80, $0x38;
	[tilespmem:$0x12800] =	vst v63  }
0x2f7: {  	s16 =	sadd.s32 $0x60, s0  }
0x2f8: {  	[hbm4b:s16+s3] =	stream.linear.scatter [tilespmem:s17], [sflag:$0x2], $0x80, $0x38;
	[tilespmem:$0x12800] =	vst v63  }
0x2f9: {  	s1 =	sor.u32 $0x1C080, s28;
	s0 =	sadd.s32 $0x70, s0  }
0x2fa: {  	[hbm4b:s0+s3] =	stream.linear.scatter [tilespmem:s24], [sflag:$0x2], $0x80, $0x38;
	[tilespmem:$0x12800] =	vst v63  }
0x2fb: {  	s0 =	sadd.s32 s2, s1  }
0x2fc: {  	[hbm4b:s0+s3] =	stream.linear.scatter [tilespmem:s18], [sflag:$0x2], $0x80, $0x38;
	[tilespmem:$0x12800] =	vst v63  }
0x2fd: {  	s15 =	sadd.s32 $0x10, s0  }
0x2fe: {  	[hbm4b:s15+s3] =	stream.linear.scatter [tilespmem:s6], [sflag:$0x2], $0x80, $0x38;
	[tilespmem:$0x12800] =	vst v63  }
0x2ff: {  	s16 =	sadd.s32 $0x20, s0  }
0x300: {  	[hbm4b:s16+s3] =	stream.linear.scatter [tilespmem:s7], [sflag:$0x2], $0x80, $0x38;
	[tilespmem:$0x12800] =	vst v63  }
0x301: {  	s15 =	sadd.s32 $0x30, s0  }
0x302: {  	[hbm4b:s15+s3] =	stream.linear.scatter [tilespmem:s8], [sflag:$0x2], $0x80, $0x38;
	[tilespmem:$0x12800] =	vst v63  }
0x303: {  	s16 =	sadd.s32 $0x40, s0  }
0x304: {  	[hbm4b:s16+s3] =	stream.linear.scatter [tilespmem:s9], [sflag:$0x2], $0x80, $0x38;
	[tilespmem:$0x12800] =	vst v63  }
0x305: {  	s15 =	sadd.s32 $0x50, s0  }
0x306: {  	[hbm4b:s15+s3] =	stream.linear.scatter [tilespmem:s10], [sflag:$0x2], $0x80, $0x38;
	[tilespmem:$0x12800] =	vst v63  }
0x307: {  	s16 =	sadd.s32 $0x60, s0  }
0x308: {  	[hbm4b:s16+s3] =	stream.linear.scatter [tilespmem:s11], [sflag:$0x2], $0x80, $0x38;
	[tilespmem:$0x12800] =	vst v63  }
0x309: {  	s0 =	sadd.s32 $0x70, s0  }
0x30a: {  	[hbm4b:s0+s3] =	stream.linear.scatter [tilespmem:s12], [sflag:$0x2], $0x80, $0x38;
	[tilespmem:$0x12800] =	vst v63  }
0x30b: {  	_ =	swait.ge [sflag:s23], $0x2000  }
0x30c: {  	s1 =	simm.s32 @!p0 $0x80;
	[sflag:s23] =	ssyncset.done $0x0  }
0x30d: {  	s15 =	simm.s32 @!p0 $0x8400;
	s0 =	sadd.s32 @!p0 $0x280, s29;
	[sflag:s23] =	ssyncadd.s32 $0xFFFFE000  }
0x30e: {  	[tilespmem:s15], [sflag:$0x1] =	stream.indirect.gather @!p0 [hbm4b:s4+s1], $0x40, s0, s1, $0xb8;
	[tilespmem:$0x12800] =	vst v63  }
0x30f: {  	_ =	swait.ge [sflag:s13], $0x400  }
0x310: {  	[sflag:s13] =	ssyncset.done $0x0  }
0x311: {  	[sflag:s13] =	ssyncadd.s32 $0xFFFFFC00  }
0x312: {  	_ =	swait.ge [sflag:s13], $0x400  }
0x313: {  	[sflag:s13] =	ssyncset.done $0x0  }
0x314: {  	[sflag:s13] =	ssyncadd.s32 $0xFFFFFC00  }
0x315: {  	_ =	swait.ge [sflag:s13], $0x400  }
0x316: {  	[sflag:s13] =	ssyncset.done $0x0  }
0x317: {  	[sflag:s13] =	ssyncadd.s32 $0xFFFFFC00  }
0x318: {  	_ =	swait.ge [sflag:s13], $0x400  }
0x319: {  	[sflag:s13] =	ssyncset.done $0x0  }
0x31a: {  	[sflag:s13] =	ssyncadd.s32 $0xFFFFFC00  }
0x31b: {  	_ =	swait.ge [sflag:s13], $0x400  }
0x31c: {  	[sflag:s13] =	ssyncset.done $0x0  }
0x31d: {  	[sflag:s13] =	ssyncadd.s32 $0xFFFFFC00  }
0x31e: {  	_ =	swait.ge [sflag:s13], $0x400  }
0x31f: {  	[sflag:s13] =	ssyncset.done $0x0  }
0x320: {  	[sflag:s13] =	ssyncadd.s32 $0xFFFFFC00  }
0x321: {  	s1 =	simm.s32 $0x0;
	_ =	swait.ge [sflag:s13], $0x400  }
0x322: {  	v58 =	vmov s1;
	[sflag:s13] =	ssyncset.done $0x0  }
0x323: {  	v33 =	vshrl.u32 v58, $0x3;
	[sflag:s13] =	ssyncadd.s32 $0xFFFFFC00  }
0x324: {  	v33 =	vshll.u32 v33, v1;
	_ =	swait.ge [sflag:s13], $0x400  }
0x325: {  	v33 =	vbroadcast v33, $0x0;
	[sflag:s13] =	ssyncset.done $0x0  }
0x326: {  	s31 =	simm.s32 $0xA500;
	[sflag:s13] =	ssyncadd.s32 $0xFFFFFC00  }
0x327: {  	v60 =	vadd.s32 v0, v33;
	v59 =	vld [tilespmem:s31+$0xFFFFFF00]  }
0x328: {  	v62 =	vadd.s32 v2, v33;
	v61 =	vld [tilespmem:s31+$0xFFFFFF10]  }
0x329: {  	v44 =	vadd.s32 v3, v33;
	v63 =	vld [tilespmem:s31+$0xFFFFFF20]  }
0x32a: {  	s15 =	simm.s32 $0x1;
	v33 =	vadd.s32 v4, v33;
	v45 =	vld [tilespmem:s31+$0xFFFFFF30]  }
0x32b: {  	v46 =	vmov s15  }
0x32c: {  	v47 =	vshrl.u32 v46, $0x3;
	[tilespmem:v60+s25+$0x0] =	vst.idx.msk $0xffff, v59  }
0x32d: {  	v34 =	vshll.u32 v47, v1;
	[tilespmem:v62+s25+$0x0] =	vst.idx.msk $0xffff, v61  }
0x32e: {  	v34 =	vbroadcast v34, $0x0;
	[tilespmem:v44+s25+$0x0] =	vst.idx.msk $0xffff, v63  }
0x32f: {  	[tilespmem:v33+s25+$0x0] =	vst.idx.msk $0xffff, v45  }
0x330: {  	v48 =	vadd.s32 v5, v34;
	v33 =	vld [tilespmem:s31+$0xFFFFFF40]  }
0x331: {  	v49 =	vadd.s32 v6, v34;
	v36 =	vld [tilespmem:s31+$0xFFFFFF50]  }
0x332: {  	v50 =	vadd.s32 v7, v34;
	v38 =	vld [tilespmem:s31+$0xFFFFFF60]  }
0x333: {  	s16 =	simm.s32 $0x2;
	v34 =	vadd.s32 v8, v34;
	v40 =	vld [tilespmem:s31+$0xFFFFFF70]  }
0x334: {  	v51 =	vmov s16  }
0x335: {  	v52 =	vshrl.u32 v51, $0x3;
	[tilespmem:v48+s25+$0x0] =	vst.idx.msk $0xffff, v33  }
0x336: {  	v33 =	vshll.u32 v52, v1;
	[tilespmem:v49+s25+$0x0] =	vst.idx.msk $0xffff, v36  }
0x337: {  	v33 =	vbroadcast v33, $0x0;
	[tilespmem:v50+s25+$0x0] =	vst.idx.msk $0xffff, v38  }
0x338: {  	[tilespmem:v34+s25+$0x0] =	vst.idx.msk $0xffff, v40  }
0x339: {  	v53 =	vadd.s32 v9, v33;
	v34 =	vld [tilespmem:s31+$0xFFFFFF80]  }
0x33a: {  	v54 =	vadd.s32 v10, v33;
	v36 =	vld [tilespmem:s31+$0xFFFFFF90]  }
0x33b: {  	v55 =	vadd.s32 v11, v33;
	v38 =	vld [tilespmem:s31+$0xFFFFFFA0]  }
0x33c: {  	s1 =	simm.s32 $0x3;
	v33 =	vadd.s32 v12, v33;
	v40 =	vld [tilespmem:s31+$0xFFFFFFB0]  }
0x33d: {  	v56 =	vmov s1  }
0x33e: {  	v57 =	vshrl.u32 v56, $0x3;
	[tilespmem:v53+s25+$0x0] =	vst.idx.msk $0xffff, v34  }
0x33f: {  	v34 =	vshll.u32 v57, v1;
	[tilespmem:v54+s25+$0x0] =	vst.idx.msk $0xffff, v36  }
0x340: {  	v34 =	vbroadcast v34, $0x0;
	[tilespmem:v55+s25+$0x0] =	vst.idx.msk $0xffff, v38  }
0x341: {  	[tilespmem:v33+s25+$0x0] =	vst.idx.msk $0xffff, v40  }
0x342: {  	v58 =	vadd.s32 v13, v34;
	v33 =	vld [tilespmem:s31+$0xFFFFFFC0]  }
0x343: {  	v59 =	vadd.s32 v14, v34;
	v36 =	vld [tilespmem:s31+$0xFFFFFFD0]  }
0x344: {  	v60 =	vadd.s32 v15, v34;
	v38 =	vld [tilespmem:s31+$0xFFFFFFE0]  }
0x345: {  	s15 =	simm.s32 $0x4;
	v34 =	vadd.s32 v16, v34;
	v40 =	vld [tilespmem:s31+$0xFFFFFFF0]  }
0x346: {  	v61 =	vmov s15  }
0x347: {  	v62 =	vshrl.u32 v61, $0x3;
	[tilespmem:v58+s25+$0x0] =	vst.idx.msk $0xffff, v33  }
0x348: {  	v33 =	vshll.u32 v62, v1;
	[tilespmem:v59+s25+$0x0] =	vst.idx.msk $0xffff, v36  }
0x349: {  	v33 =	vbroadcast v33, $0x0;
	[tilespmem:v60+s25+$0x0] =	vst.idx.msk $0xffff, v38  }
0x34a: {  	[tilespmem:v34+s25+$0x0] =	vst.idx.msk $0xffff, v40  }
0x34b: {  	v63 =	vadd.s32 v17, v33;
	v34 =	vld [tilespmem:s31+$0x0]  }
0x34c: {  	v44 =	vadd.s32 v18, v33;
	v36 =	vld [tilespmem:s31+$0x10]  }
0x34d: {  	v45 =	vadd.s32 v19, v33;
	v38 =	vld [tilespmem:s31+$0x20]  }
0x34e: {  	s16 =	simm.s32 $0x5;
	v33 =	vadd.s32 v20, v33;
	v40 =	vld [tilespmem:s31+$0x30]  }
0x34f: {  	v46 =	vmov s16  }
0x350: {  	v47 =	vshrl.u32 v46, $0x3;
	[tilespmem:v63+s25+$0x0] =	vst.idx.msk $0xffff, v34  }
0x351: {  	v34 =	vshll.u32 v47, v1;
	[tilespmem:v44+s25+$0x0] =	vst.idx.msk $0xffff, v36  }
0x352: {  	v34 =	vbroadcast v34, $0x0;
	[tilespmem:v45+s25+$0x0] =	vst.idx.msk $0xffff, v38  }
0x353: {  	[tilespmem:v33+s25+$0x0] =	vst.idx.msk $0xffff, v40  }
0x354: {  	v48 =	vadd.s32 v21, v34;
	v33 =	vld [tilespmem:s31+$0x40]  }
0x355: {  	v49 =	vadd.s32 v22, v34;
	v36 =	vld [tilespmem:s31+$0x50]  }
0x356: {  	v50 =	vadd.s32 v23, v34;
	v38 =	vld [tilespmem:s31+$0x60]  }
0x357: {  	s1 =	simm.s32 $0x6;
	v34 =	vadd.s32 v24, v34;
	v40 =	vld [tilespmem:s31+$0x70]  }
0x358: {  	v51 =	vmov s1  }
0x359: {  	v52 =	vshrl.u32 v51, $0x3;
	[tilespmem:v48+s25+$0x0] =	vst.idx.msk $0xffff, v33  }
0x35a: {  	v33 =	vshll.u32 v52, v1;
	[tilespmem:v49+s25+$0x0] =	vst.idx.msk $0xffff, v36  }
0x35b: {  	v33 =	vbroadcast v33, $0x0;
	[tilespmem:v50+s25+$0x0] =	vst.idx.msk $0xffff, v38  }
0x35c: {  	[tilespmem:v34+s25+$0x0] =	vst.idx.msk $0xffff, v40  }
0x35d: {  	v53 =	vadd.s32 v25, v33;
	v34 =	vld [tilespmem:s31+$0x80]  }
0x35e: {  	v54 =	vadd.s32 v26, v33;
	v36 =	vld [tilespmem:s31+$0x90]  }
0x35f: {  	v55 =	vadd.s32 v27, v33;
	v38 =	vld [tilespmem:s31+$0xA0]  }
0x360: {  	s15 =	simm.s32 $0x7;
	v33 =	vadd.s32 v28, v33;
	v40 =	vld [tilespmem:s31+$0xB0]  }
0x361: {  	v56 =	vmov s15  }
0x362: {  	v57 =	vshrl.u32 v56, $0x3;
	[tilespmem:v53+s25+$0x0] =	vst.idx.msk $0xffff, v34  }
0x363: {  	v34 =	vshll.u32 v57, v1;
	[tilespmem:v54+s25+$0x0] =	vst.idx.msk $0xffff, v36  }
0x364: {  	v58 =	vbroadcast v34, $0x0;
	[tilespmem:v55+s25+$0x0] =	vst.idx.msk $0xffff, v38  }
0x365: {  	[tilespmem:v33+s25+$0x0] =	vst.idx.msk $0xffff, v40  }
0x366: {  	v59 =	vadd.s32 v29, v58;
	v33 =	vld [tilespmem:s31+$0xC0]  }
0x367: {  	v60 =	vadd.s32 v30, v58;
	v37 =	vld [tilespmem:s31+$0xD0]  }
0x368: {  	v61 =	vadd.s32 v31, v58;
	v39 =	vld [tilespmem:s31+$0xE0]  }
0x369: {  	s16 =	simm.s32 $0x8  }
0x36a: {  	v62 =	vmov s16;
	v35 =	vadd.s32 v32, v58;
	v34 =	vld [tilespmem:s31+$0xF0]  }
0x36b: {  	v41 =	vshrl.u32 v62, $0x3;
	[tilespmem:v59+s25+$0x0] =	vst.idx.msk $0xffff, v33  }
0x36c: {  	v63 =	vshll.u32 v41, v1;
	[tilespmem:v60+s25+$0x0] =	vst.idx.msk $0xffff, v37  }
0x36d: {  	s0 =	simm.s32 $0xF;
	s1 =	simm.s32 $0x17;
	v33 =	vbroadcast v63, $0x0;
	[tilespmem:v61+s25+$0x0] =	vst.idx.msk $0xffff, v39  }
.LBB2_7:
0x36e: {  	p1 =	sne.s32 s1, $0x7F  }
0x36f: {  	[tilespmem:v35+s25+$0x0] =	vst.idx.msk $0xffff, v34;
	s31 =	sadd.s32 $0x200, s31;
	s15 =	smov.u32 s1;
	s1 =	sadd.s32 $0x8, s1  }
0x370: {  	v34 =	vld [tilespmem:s31+$0xFFFFFF00];
	v35 =	vadd.s32 v0, v33  }
0x371: {  	v37 =	vadd.s32 v2, v33;
	v36 =	vld [tilespmem:s31+$0xFFFFFF10]  }
0x372: {  	v39 =	vadd.s32 v3, v33;
	v38 =	vld [tilespmem:s31+$0xFFFFFF20]  }
0x373: {  	s16 =	sadd.s32 $0xFFFFFFFA, s0;
	v33 =	vadd.s32 v4, v33;
	v40 =	vld [tilespmem:s31+$0xFFFFFF30]  }
0x374: {  	v41 =	vmov s16  }
0x375: {  	[tilespmem:v35+s25+$0x0] =	vst.idx.msk $0xffff, v34;
	v34 =	vshrl.u32 v41, $0x3  }
0x376: {  	[tilespmem:v37+s25+$0x0] =	vst.idx.msk $0xffff, v36;
	v34 =	vshll.u32 v34, v1  }
0x377: {  	[tilespmem:v39+s25+$0x0] =	vst.idx.msk $0xffff, v38;
	v34 =	vbroadcast v34, $0x0  }
0x378: {  	[tilespmem:v33+s25+$0x0] =	vst.idx.msk $0xffff, v40  }
0x379: {  	v33 =	vld [tilespmem:s31+$0xFFFFFF40];
	v35 =	vadd.s32 v5, v34  }
0x37a: {  	v37 =	vadd.s32 v6, v34;
	v36 =	vld [tilespmem:s31+$0xFFFFFF50]  }
0x37b: {  	v39 =	vadd.s32 v7, v34;
	v38 =	vld [tilespmem:s31+$0xFFFFFF60]  }
0x37c: {  	s16 =	sadd.s32 $0xFFFFFFFB, s0;
	v34 =	vadd.s32 v8, v34;
	v40 =	vld [tilespmem:s31+$0xFFFFFF70]  }
0x37d: {  	v41 =	vmov s16  }
0x37e: {  	[tilespmem:v35+s25+$0x0] =	vst.idx.msk $0xffff, v33;
	v33 =	vshrl.u32 v41, $0x3  }
0x37f: {  	[tilespmem:v37+s25+$0x0] =	vst.idx.msk $0xffff, v36;
	v33 =	vshll.u32 v33, v1  }
0x380: {  	[tilespmem:v39+s25+$0x0] =	vst.idx.msk $0xffff, v38;
	v33 =	vbroadcast v33, $0x0  }
0x381: {  	[tilespmem:v34+s25+$0x0] =	vst.idx.msk $0xffff, v40  }
0x382: {  	v34 =	vld [tilespmem:s31+$0xFFFFFF80];
	v35 =	vadd.s32 v9, v33  }
0x383: {  	v37 =	vadd.s32 v10, v33;
	v36 =	vld [tilespmem:s31+$0xFFFFFF90]  }
0x384: {  	v39 =	vadd.s32 v11, v33;
	v38 =	vld [tilespmem:s31+$0xFFFFFFA0]  }
0x385: {  	s16 =	sadd.s32 $0xFFFFFFFC, s0;
	v33 =	vadd.s32 v12, v33;
	v40 =	vld [tilespmem:s31+$0xFFFFFFB0]  }
0x386: {  	v41 =	vmov s16  }
0x387: {  	[tilespmem:v35+s25+$0x0] =	vst.idx.msk $0xffff, v34;
	v34 =	vshrl.u32 v41, $0x3  }
0x388: {  	[tilespmem:v37+s25+$0x0] =	vst.idx.msk $0xffff, v36;
	v34 =	vshll.u32 v34, v1  }
0x389: {  	[tilespmem:v39+s25+$0x0] =	vst.idx.msk $0xffff, v38;
	v34 =	vbroadcast v34, $0x0  }
0x38a: {  	[tilespmem:v33+s25+$0x0] =	vst.idx.msk $0xffff, v40  }
0x38b: {  	v33 =	vld [tilespmem:s31+$0xFFFFFFC0];
	v35 =	vadd.s32 v13, v34  }
0x38c: {  	v37 =	vadd.s32 v14, v34;
	v36 =	vld [tilespmem:s31+$0xFFFFFFD0]  }
0x38d: {  	v39 =	vadd.s32 v15, v34;
	v38 =	vld [tilespmem:s31+$0xFFFFFFE0]  }
0x38e: {  	s16 =	sadd.s32 $0xFFFFFFFD, s0;
	v34 =	vadd.s32 v16, v34;
	v40 =	vld [tilespmem:s31+$0xFFFFFFF0]  }
0x38f: {  	v41 =	vmov s16  }
0x390: {  	[tilespmem:v35+s25+$0x0] =	vst.idx.msk $0xffff, v33;
	v33 =	vshrl.u32 v41, $0x3  }
0x391: {  	[tilespmem:v37+s25+$0x0] =	vst.idx.msk $0xffff, v36;
	v33 =	vshll.u32 v33, v1  }
0x392: {  	[tilespmem:v39+s25+$0x0] =	vst.idx.msk $0xffff, v38;
	v33 =	vbroadcast v33, $0x0  }
0x393: {  	[tilespmem:v34+s25+$0x0] =	vst.idx.msk $0xffff, v40  }
0x394: {  	v34 =	vld [tilespmem:s31+$0x0];
	v35 =	vadd.s32 v17, v33  }
0x395: {  	v37 =	vadd.s32 v18, v33;
	v36 =	vld [tilespmem:s31+$0x10]  }
0x396: {  	v39 =	vadd.s32 v19, v33;
	v38 =	vld [tilespmem:s31+$0x20]  }
0x397: {  	s16 =	sadd.s32 $0xFFFFFFFE, s0;
	v33 =	vadd.s32 v20, v33;
	v40 =	vld [tilespmem:s31+$0x30]  }
0x398: {  	v41 =	vmov s16  }
0x399: {  	[tilespmem:v35+s25+$0x0] =	vst.idx.msk $0xffff, v34;
	v34 =	vshrl.u32 v41, $0x3  }
0x39a: {  	[tilespmem:v37+s25+$0x0] =	vst.idx.msk $0xffff, v36;
	v34 =	vshll.u32 v34, v1  }
0x39b: {  	[tilespmem:v39+s25+$0x0] =	vst.idx.msk $0xffff, v38;
	v34 =	vbroadcast v34, $0x0  }
0x39c: {  	[tilespmem:v33+s25+$0x0] =	vst.idx.msk $0xffff, v40  }
0x39d: {  	v33 =	vld [tilespmem:s31+$0x40];
	v35 =	vadd.s32 v21, v34  }
0x39e: {  	v37 =	vadd.s32 v22, v34;
	v36 =	vld [tilespmem:s31+$0x50]  }
0x39f: {  	v39 =	vadd.s32 v23, v34;
	v38 =	vld [tilespmem:s31+$0x60]  }
0x3a0: {  	s16 =	sadd.s32 $0xFFFFFFFF, s0;
	v34 =	vadd.s32 v24, v34;
	v40 =	vld [tilespmem:s31+$0x70]  }
0x3a1: {  	v41 =	vmov s16  }
0x3a2: {  	[tilespmem:v35+s25+$0x0] =	vst.idx.msk $0xffff, v33;
	v33 =	vshrl.u32 v41, $0x3  }
0x3a3: {  	[tilespmem:v37+s25+$0x0] =	vst.idx.msk $0xffff, v36;
	v33 =	vshll.u32 v33, v1  }
0x3a4: {  	[tilespmem:v39+s25+$0x0] =	vst.idx.msk $0xffff, v38;
	v33 =	vbroadcast v33, $0x0  }
0x3a5: {  	[tilespmem:v34+s25+$0x0] =	vst.idx.msk $0xffff, v40  }
0x3a6: {  	v34 =	vld [tilespmem:s31+$0x80];
	v35 =	vadd.s32 v25, v33  }
0x3a7: {  	v37 =	vadd.s32 v26, v33;
	v36 =	vld [tilespmem:s31+$0x90]  }
0x3a8: {  	v39 =	vadd.s32 v27, v33;
	v38 =	vld [tilespmem:s31+$0xA0]  }
0x3a9: {  	v33 =	vadd.s32 v28, v33;
	v40 =	vld [tilespmem:s31+$0xB0]  }
0x3aa: {  	v41 =	vmov s0;
	s0 =	smov.u32 s15  }
0x3ab: {  	[tilespmem:v35+s25+$0x0] =	vst.idx.msk $0xffff, v34;
	v34 =	vshrl.u32 v41, $0x3  }
0x3ac: {  	[tilespmem:v37+s25+$0x0] =	vst.idx.msk $0xffff, v36;
	v34 =	vshll.u32 v34, v1  }
0x3ad: {  	[tilespmem:v39+s25+$0x0] =	vst.idx.msk $0xffff, v38;
	v35 =	vbroadcast v34, $0x0  }
0x3ae: {  	[tilespmem:v33+s25+$0x0] =	vst.idx.msk $0xffff, v40  }
0x3af: {  	v33 =	vld [tilespmem:s31+$0xC0];
	v36 =	vadd.s32 v29, v35  }
0x3b0: {  	v38 =	vadd.s32 v30, v35;
	v37 =	vld [tilespmem:s31+$0xD0]  }
0x3b1: {  	v40 =	vadd.s32 v31, v35;
	v39 =	vld [tilespmem:s31+$0xE0]  }
.Ltmp2:
0x3b2: {  	s15 =	sadd.s32 $0xFFFFFFF9, s0;
	v35 =	vadd.s32 v32, v35;
	v34 =	vld [tilespmem:s31+$0xF0];
	(pc) =	sbr.rel @p1 .LBB2_7-.Ltmp2, $4  }
0x3b3: {  	v41 =	vmov s15  }
0x3b4: {  	v41 =	vshrl.u32 v41, $0x3;
	[tilespmem:v36+s25+$0x0] =	vst.idx.msk $0xffff, v33  }
0x3b5: {  	v33 =	vshll.u32 v41, v1;
	[tilespmem:v38+s25+$0x0] =	vst.idx.msk $0xffff, v37  }
0x3b6: {  	v33 =	vbroadcast v33, $0x0;
	[tilespmem:v40+s25+$0x0] =	vst.idx.msk $0xffff, v39  }
0x3b7: {  	_ =	sdelay $0x3  }
0x3b8: {  	[tilespmem:v35+s25+$0x0] =	vst.idx.msk $0xffff, v34;
	s1 =	sadd.s32 $0x200, s31  }
0x3b9: {  	v34 =	vld [tilespmem:s1+$0xFFFFFF00];
	v62 =	vadd.s32 v0, v33  }
0x3ba: {  	v36 =	vld [tilespmem:s1+$0xFFFFFF10];
	v37 =	vadd.s32 v2, v33  }
0x3bb: {  	v38 =	vld [tilespmem:s1+$0xFFFFFF20];
	v39 =	vadd.s32 v3, v33  }
0x3bc: {  	s15 =	sadd.s32 $0xFFFFFFFA, s0;
	v40 =	vld [tilespmem:s1+$0xFFFFFF30];
	v63 =	vadd.s32 v4, v33  }
0x3bd: {  	v41 =	vmov s15  }
0x3be: {  	v44 =	vshrl.u32 v41, $0x3;
	[tilespmem:v62+s25+$0x0] =	vst.idx.msk $0xffff, v34  }
0x3bf: {  	v34 =	vshll.u32 v44, v1;
	[tilespmem:v37+s25+$0x0] =	vst.idx.msk $0xffff, v36  }
0x3c0: {  	v34 =	vbroadcast v34, $0x0;
	[tilespmem:v39+s25+$0x0] =	vst.idx.msk $0xffff, v38  }
0x3c1: {  	[tilespmem:v63+s25+$0x0] =	vst.idx.msk $0xffff, v40  }
0x3c2: {  	v45 =	vadd.s32 v5, v34;
	v33 =	vld [tilespmem:s1+$0xFFFFFF40]  }
0x3c3: {  	v46 =	vadd.s32 v6, v34;
	v36 =	vld [tilespmem:s1+$0xFFFFFF50]  }
0x3c4: {  	v47 =	vadd.s32 v7, v34;
	v38 =	vld [tilespmem:s1+$0xFFFFFF60]  }
0x3c5: {  	s16 =	sadd.s32 $0xFFFFFFFB, s0;
	v34 =	vadd.s32 v8, v34;
	v40 =	vld [tilespmem:s1+$0xFFFFFF70]  }
0x3c6: {  	v48 =	vmov s16  }
0x3c7: {  	v49 =	vshrl.u32 v48, $0x3;
	[tilespmem:v45+s25+$0x0] =	vst.idx.msk $0xffff, v33  }
0x3c8: {  	v33 =	vshll.u32 v49, v1;
	[tilespmem:v46+s25+$0x0] =	vst.idx.msk $0xffff, v36  }
0x3c9: {  	v33 =	vbroadcast v33, $0x0;
	[tilespmem:v47+s25+$0x0] =	vst.idx.msk $0xffff, v38  }
0x3ca: {  	[tilespmem:v34+s25+$0x0] =	vst.idx.msk $0xffff, v40  }
0x3cb: {  	v50 =	vadd.s32 v9, v33;
	v34 =	vld [tilespmem:s1+$0xFFFFFF80]  }
0x3cc: {  	v51 =	vadd.s32 v10, v33;
	v36 =	vld [tilespmem:s1+$0xFFFFFF90]  }
0x3cd: {  	v52 =	vadd.s32 v11, v33;
	v38 =	vld [tilespmem:s1+$0xFFFFFFA0]  }
0x3ce: {  	s16 =	sadd.s32 $0xFFFFFFFC, s0;
	v33 =	vadd.s32 v12, v33;
	v40 =	vld [tilespmem:s1+$0xFFFFFFB0]  }
0x3cf: {  	v53 =	vmov s16  }
0x3d0: {  	v54 =	vshrl.u32 v53, $0x3;
	[tilespmem:v50+s25+$0x0] =	vst.idx.msk $0xffff, v34  }
0x3d1: {  	v34 =	vshll.u32 v54, v1;
	[tilespmem:v51+s25+$0x0] =	vst.idx.msk $0xffff, v36  }
0x3d2: {  	v34 =	vbroadcast v34, $0x0;
	[tilespmem:v52+s25+$0x0] =	vst.idx.msk $0xffff, v38  }
0x3d3: {  	[tilespmem:v33+s25+$0x0] =	vst.idx.msk $0xffff, v40  }
0x3d4: {  	v55 =	vadd.s32 v13, v34;
	v33 =	vld [tilespmem:s1+$0xFFFFFFC0]  }
0x3d5: {  	v56 =	vadd.s32 v14, v34;
	v36 =	vld [tilespmem:s1+$0xFFFFFFD0]  }
0x3d6: {  	v57 =	vadd.s32 v15, v34;
	v38 =	vld [tilespmem:s1+$0xFFFFFFE0]  }
0x3d7: {  	s16 =	sadd.s32 $0xFFFFFFFD, s0;
	v34 =	vadd.s32 v16, v34;
	v40 =	vld [tilespmem:s1+$0xFFFFFFF0]  }
0x3d8: {  	v58 =	vmov s16  }
0x3d9: {  	v59 =	vshrl.u32 v58, $0x3;
	[tilespmem:v55+s25+$0x0] =	vst.idx.msk $0xffff, v33  }
0x3da: {  	v33 =	vshll.u32 v59, v1;
	[tilespmem:v56+s25+$0x0] =	vst.idx.msk $0xffff, v36  }
0x3db: {  	v33 =	vbroadcast v33, $0x0;
	[tilespmem:v57+s25+$0x0] =	vst.idx.msk $0xffff, v38  }
0x3dc: {  	[tilespmem:v34+s25+$0x0] =	vst.idx.msk $0xffff, v40  }
0x3dd: {  	v60 =	vadd.s32 v17, v33;
	v34 =	vld [tilespmem:s1+$0x0]  }
0x3de: {  	v61 =	vadd.s32 v18, v33;
	v36 =	vld [tilespmem:s1+$0x10]  }
0x3df: {  	v62 =	vadd.s32 v19, v33;
	v38 =	vld [tilespmem:s1+$0x20]  }
0x3e0: {  	s16 =	sadd.s32 $0xFFFFFFFE, s0;
	v33 =	vadd.s32 v20, v33;
	v40 =	vld [tilespmem:s1+$0x30]  }
0x3e1: {  	v63 =	vmov s16  }
0x3e2: {  	v44 =	vshrl.u32 v63, $0x3;
	[tilespmem:v60+s25+$0x0] =	vst.idx.msk $0xffff, v34  }
0x3e3: {  	v34 =	vshll.u32 v44, v1;
	[tilespmem:v61+s25+$0x0] =	vst.idx.msk $0xffff, v36  }
0x3e4: {  	v34 =	vbroadcast v34, $0x0;
	[tilespmem:v62+s25+$0x0] =	vst.idx.msk $0xffff, v38  }
0x3e5: {  	[tilespmem:v33+s25+$0x0] =	vst.idx.msk $0xffff, v40  }
0x3e6: {  	v45 =	vadd.s32 v21, v34;
	v33 =	vld [tilespmem:s1+$0x40]  }
0x3e7: {  	v46 =	vadd.s32 v22, v34;
	v36 =	vld [tilespmem:s1+$0x50]  }
0x3e8: {  	v47 =	vadd.s32 v23, v34;
	v38 =	vld [tilespmem:s1+$0x60]  }
0x3e9: {  	s16 =	sadd.s32 $0xFFFFFFFF, s0;
	v34 =	vadd.s32 v24, v34;
	v40 =	vld [tilespmem:s1+$0x70]  }
0x3ea: {  	v48 =	vmov s16  }
0x3eb: {  	v49 =	vshrl.u32 v48, $0x3;
	[tilespmem:v45+s25+$0x0] =	vst.idx.msk $0xffff, v33  }
0x3ec: {  	v33 =	vshll.u32 v49, v1;
	[tilespmem:v46+s25+$0x0] =	vst.idx.msk $0xffff, v36  }
0x3ed: {  	v33 =	vbroadcast v33, $0x0;
	[tilespmem:v47+s25+$0x0] =	vst.idx.msk $0xffff, v38  }
0x3ee: {  	[tilespmem:v34+s25+$0x0] =	vst.idx.msk $0xffff, v40  }
0x3ef: {  	v50 =	vadd.s32 v25, v33;
	v34 =	vld [tilespmem:s1+$0x80]  }
0x3f0: {  	v51 =	vadd.s32 v26, v33;
	v36 =	vld [tilespmem:s1+$0x90]  }
0x3f1: {  	v52 =	vadd.s32 v27, v33;
	v38 =	vld [tilespmem:s1+$0xA0]  }
0x3f2: {  	v33 =	vadd.s32 v28, v33;
	v40 =	vld [tilespmem:s1+$0xB0]  }
0x3f3: {  	v53 =	vmov s0  }
0x3f4: {  	v54 =	vshrl.u32 v53, $0x3;
	[tilespmem:v50+s25+$0x0] =	vst.idx.msk $0xffff, v34  }
0x3f5: {  	v34 =	vshll.u32 v54, v1;
	[tilespmem:v51+s25+$0x0] =	vst.idx.msk $0xffff, v36  }
0x3f6: {  	v34 =	vbroadcast v34, $0x0;
	[tilespmem:v52+s25+$0x0] =	vst.idx.msk $0xffff, v38  }
0x3f7: {  	[tilespmem:v33+s25+$0x0] =	vst.idx.msk $0xffff, v40  }
0x3f8: {  	v55 =	vadd.s32 v29, v34;
	v33 =	vld [tilespmem:s1+$0xC0]  }
0x3f9: {  	v56 =	vadd.s32 v30, v34;
	v36 =	vld [tilespmem:s1+$0xD0]  }
0x3fa: {  	v57 =	vadd.s32 v31, v34;
	v38 =	vld [tilespmem:s1+$0xE0]  }
0x3fb: {  	v34 =	vadd.s32 v32, v34;
	v40 =	vld [tilespmem:s1+$0xF0];
	_ =	sdelay $0x1  }
0x3fc: {  	[tilespmem:v55+s25+$0x0] =	vst.idx.msk $0xffff, v33  }
0x3fd: {  	[tilespmem:v56+s25+$0x0] =	vst.idx.msk $0xffff, v36  }
0x3fe: {  	[tilespmem:v57+s25+$0x0] =	vst.idx.msk $0xffff, v38  }
0x3ff: {  	s16 =	sadd.s32 $0x100, s30;
	[tilespmem:v34+s25+$0x0] =	vst.idx.msk $0xffff, v40  }
0x400: {  	[hbm4b:s16+s3] =	stream.linear.scatter [tilespmem:s25], [sflag:$0x2], $0x80, $0x38;
	[tilespmem:$0x12800] =	vst v63  }
0x401: {  	s31 =	simm.s32 $0xE488;
	s1 =	sadd.s32 $0x110, s30  }
0x402: {  	[hbm4b:s1+s3] =	stream.linear.scatter [tilespmem:s31], [sflag:$0x2], $0x80, $0x38;
	[tilespmem:$0x12800] =	vst v63  }
0x403: {  	s15 =	sadd.s32 $0x120, s30;
	s16 =	simm.s32 $0xE510  }
0x404: {  	[hbm4b:s15+s3] =	stream.linear.scatter [tilespmem:s16], [sflag:$0x2], $0x80, $0x38;
	[tilespmem:$0x12800] =	vst v63  }
0x405: {  	s15 =	sadd.s32 $0x130, s30;
	s16 =	simm.s32 $0xE598  }
0x406: {  	[hbm4b:s15+s3] =	stream.linear.scatter [tilespmem:s16], [sflag:$0x2], $0x80, $0x38;
	[tilespmem:$0x12800] =	vst v63  }
0x407: {  	s15 =	sadd.s32 $0x140, s30;
	s16 =	simm.s32 $0xE620  }
0x408: {  	[hbm4b:s15+s3] =	stream.linear.scatter [tilespmem:s16], [sflag:$0x2], $0x80, $0x38;
	[tilespmem:$0x12800] =	vst v63  }
0x409: {  	s15 =	sadd.s32 $0x150, s30;
	s16 =	simm.s32 $0xE6A8  }
0x40a: {  	[hbm4b:s15+s3] =	stream.linear.scatter [tilespmem:s16], [sflag:$0x2], $0x80, $0x38;
	[tilespmem:$0x12800] =	vst v63  }
0x40b: {  	s15 =	sadd.s32 $0x160, s30;
	s16 =	simm.s32 $0xE730  }
0x40c: {  	[hbm4b:s15+s3] =	stream.linear.scatter [tilespmem:s16], [sflag:$0x2], $0x80, $0x38;
	[tilespmem:$0x12800] =	vst v63  }
0x40d: {  	s15 =	sadd.s32 $0x170, s30;
	s16 =	simm.s32 $0xE7B8  }
0x40e: {  	[hbm4b:s15+s3] =	stream.linear.scatter [tilespmem:s16], [sflag:$0x2], $0x80, $0x38;
	[tilespmem:$0x12800] =	vst v63  }
0x40f: {  	s15 =	sor.u32 $0x4100, s28  }
0x410: {  	s16 =	simm.s32 $0xE840;
	s0 =	sadd.s32 s2, s15  }
0x411: {  	[hbm4b:s0+s3] =	stream.linear.scatter [tilespmem:s16], [sflag:$0x2], $0x80, $0x38;
	[tilespmem:$0x12800] =	vst v63  }
0x412: {  	s15 =	sadd.s32 $0x10, s0;
	s16 =	simm.s32 $0xE8C8  }
0x413: {  	[hbm4b:s15+s3] =	stream.linear.scatter [tilespmem:s16], [sflag:$0x2], $0x80, $0x38;
	[tilespmem:$0x12800] =	vst v63  }
0x414: {  	s15 =	sadd.s32 $0x20, s0;
	s16 =	simm.s32 $0xE950  }
0x415: {  	[hbm4b:s15+s3] =	stream.linear.scatter [tilespmem:s16], [sflag:$0x2], $0x80, $0x38;
	[tilespmem:$0x12800] =	vst v63  }
0x416: {  	s15 =	sadd.s32 $0x30, s0;
	s16 =	simm.s32 $0xE9D8  }
0x417: {  	[hbm4b:s15+s3] =	stream.linear.scatter [tilespmem:s16], [sflag:$0x2], $0x80, $0x38;
	[tilespmem:$0x12800] =	vst v63  }
0x418: {  	s15 =	sadd.s32 $0x40, s0;
	s16 =	simm.s32 $0xEA60  }
0x419: {  	[hbm4b:s15+s3] =	stream.linear.scatter [tilespmem:s16], [sflag:$0x2], $0x80, $0x38;
	[tilespmem:$0x12800] =	vst v63  }
0x41a: {  	s15 =	sadd.s32 $0x50, s0;
	s16 =	simm.s32 $0xEAE8  }
0x41b: {  	[hbm4b:s15+s3] =	stream.linear.scatter [tilespmem:s16], [sflag:$0x2], $0x80, $0x38;
	[tilespmem:$0x12800] =	vst v63  }
0x41c: {  	s15 =	sadd.s32 $0x60, s0;
	s16 =	simm.s32 $0xEB70  }
0x41d: {  	[hbm4b:s15+s3] =	stream.linear.scatter [tilespmem:s16], [sflag:$0x2], $0x80, $0x38;
	[tilespmem:$0x12800] =	vst v63  }
0x41e: {  	s0 =	sadd.s32 $0x70, s0;
	s16 =	simm.s32 $0xEBF8;
	s15 =	sor.u32 $0x8100, s28  }
0x41f: {  	[hbm4b:s0+s3] =	stream.linear.scatter [tilespmem:s16], [sflag:$0x2], $0x80, $0x38;
	[tilespmem:$0x12800] =	vst v63  }
0x420: {  	s0 =	sadd.s32 s2, s15;
	s16 =	simm.s32 $0xEC80  }
0x421: {  	[hbm4b:s0+s3] =	stream.linear.scatter [tilespmem:s16], [sflag:$0x2], $0x80, $0x38;
	[tilespmem:$0x12800] =	vst v63  }
0x422: {  	s15 =	sadd.s32 $0x10, s0;
	s16 =	simm.s32 $0xED08  }
0x423: {  	[hbm4b:s15+s3] =	stream.linear.scatter [tilespmem:s16], [sflag:$0x2], $0x80, $0x38;
	[tilespmem:$0x12800] =	vst v63  }
0x424: {  	s15 =	sadd.s32 $0x20, s0;
	s16 =	simm.s32 $0xED90  }
0x425: {  	[hbm4b:s15+s3] =	stream.linear.scatter [tilespmem:s16], [sflag:$0x2], $0x80, $0x38;
	[tilespmem:$0x12800] =	vst v63  }
0x426: {  	s15 =	sadd.s32 $0x30, s0;
	s16 =	simm.s32 $0xEE18  }
0x427: {  	[hbm4b:s15+s3] =	stream.linear.scatter [tilespmem:s16], [sflag:$0x2], $0x80, $0x38;
	[tilespmem:$0x12800] =	vst v63  }
0x428: {  	s15 =	sadd.s32 $0x40, s0;
	s16 =	simm.s32 $0xEEA0  }
0x429: {  	[hbm4b:s15+s3] =	stream.linear.scatter [tilespmem:s16], [sflag:$0x2], $0x80, $0x38;
	[tilespmem:$0x12800] =	vst v63  }
0x42a: {  	s15 =	sadd.s32 $0x50, s0;
	s16 =	simm.s32 $0xEF28  }
0x42b: {  	[hbm4b:s15+s3] =	stream.linear.scatter [tilespmem:s16], [sflag:$0x2], $0x80, $0x38;
	[tilespmem:$0x12800] =	vst v63  }
0x42c: {  	s15 =	sadd.s32 $0x60, s0;
	s16 =	simm.s32 $0xEFB0  }
0x42d: {  	[hbm4b:s15+s3] =	stream.linear.scatter [tilespmem:s16], [sflag:$0x2], $0x80, $0x38;
	[tilespmem:$0x12800] =	vst v63  }
0x42e: {  	s0 =	sadd.s32 $0x70, s0;
	s16 =	simm.s32 $0xF038;
	s15 =	sor.u32 $0xC100, s28  }
0x42f: {  	[hbm4b:s0+s3] =	stream.linear.scatter [tilespmem:s16], [sflag:$0x2], $0x80, $0x38;
	[tilespmem:$0x12800] =	vst v63  }
0x430: {  	s0 =	sadd.s32 s2, s15;
	s16 =	simm.s32 $0xF0C0  }
0x431: {  	[hbm4b:s0+s3] =	stream.linear.scatter [tilespmem:s16], [sflag:$0x2], $0x80, $0x38;
	[tilespmem:$0x12800] =	vst v63  }
0x432: {  	s15 =	sadd.s32 $0x10, s0;
	s16 =	simm.s32 $0xF148  }
0x433: {  	[hbm4b:s15+s3] =	stream.linear.scatter [tilespmem:s16], [sflag:$0x2], $0x80, $0x38;
	[tilespmem:$0x12800] =	vst v63  }
0x434: {  	s15 =	sadd.s32 $0x20, s0;
	s16 =	simm.s32 $0xF1D0  }
0x435: {  	[hbm4b:s15+s3] =	stream.linear.scatter [tilespmem:s16], [sflag:$0x2], $0x80, $0x38;
	[tilespmem:$0x12800] =	vst v63  }
0x436: {  	s15 =	sadd.s32 $0x30, s0;
	s16 =	simm.s32 $0xF258  }
0x437: {  	[hbm4b:s15+s3] =	stream.linear.scatter [tilespmem:s16], [sflag:$0x2], $0x80, $0x38;
	[tilespmem:$0x12800] =	vst v63  }
0x438: {  	s15 =	sadd.s32 $0x40, s0;
	s16 =	simm.s32 $0xF2E0  }
0x439: {  	[hbm4b:s15+s3] =	stream.linear.scatter [tilespmem:s16], [sflag:$0x2], $0x80, $0x38;
	[tilespmem:$0x12800] =	vst v63  }
0x43a: {  	s15 =	sadd.s32 $0x50, s0;
	s16 =	simm.s32 $0xF368  }
0x43b: {  	[hbm4b:s15+s3] =	stream.linear.scatter [tilespmem:s16], [sflag:$0x2], $0x80, $0x38;
	[tilespmem:$0x12800] =	vst v63  }
0x43c: {  	s15 =	sadd.s32 $0x60, s0;
	s16 =	simm.s32 $0xF3F0  }
0x43d: {  	[hbm4b:s15+s3] =	stream.linear.scatter [tilespmem:s16], [sflag:$0x2], $0x80, $0x38;
	[tilespmem:$0x12800] =	vst v63  }
0x43e: {  	s0 =	sadd.s32 $0x70, s0;
	s16 =	simm.s32 $0xF478;
	s15 =	sor.u32 $0x10100, s28  }
0x43f: {  	[hbm4b:s0+s3] =	stream.linear.scatter [tilespmem:s16], [sflag:$0x2], $0x80, $0x38;
	[tilespmem:$0x12800] =	vst v63  }
0x440: {  	s0 =	sadd.s32 s2, s15;
	s16 =	simm.s32 $0xF500  }
0x441: {  	[hbm4b:s0+s3] =	stream.linear.scatter [tilespmem:s16], [sflag:$0x2], $0x80, $0x38;
	[tilespmem:$0x12800] =	vst v63  }
0x442: {  	s15 =	sadd.s32 $0x10, s0;
	s16 =	simm.s32 $0xF588  }
0x443: {  	[hbm4b:s15+s3] =	stream.linear.scatter [tilespmem:s16], [sflag:$0x2], $0x80, $0x38;
	[tilespmem:$0x12800] =	vst v63  }
0x444: {  	s15 =	sadd.s32 $0x20, s0;
	s16 =	simm.s32 $0xF610  }
0x445: {  	[hbm4b:s15+s3] =	stream.linear.scatter [tilespmem:s16], [sflag:$0x2], $0x80, $0x38;
	[tilespmem:$0x12800] =	vst v63  }
0x446: {  	s15 =	sadd.s32 $0x30, s0;
	s16 =	simm.s32 $0xF698  }
0x447: {  	[hbm4b:s15+s3] =	stream.linear.scatter [tilespmem:s16], [sflag:$0x2], $0x80, $0x38;
	[tilespmem:$0x12800] =	vst v63  }
0x448: {  	s15 =	sadd.s32 $0x40, s0;
	s16 =	simm.s32 $0xF720  }
0x449: {  	[hbm4b:s15+s3] =	stream.linear.scatter [tilespmem:s16], [sflag:$0x2], $0x80, $0x38;
	[tilespmem:$0x12800] =	vst v63  }
0x44a: {  	s15 =	sadd.s32 $0x50, s0;
	s16 =	simm.s32 $0xF7A8  }
0x44b: {  	[hbm4b:s15+s3] =	stream.linear.scatter [tilespmem:s16], [sflag:$0x2], $0x80, $0x38;
	[tilespmem:$0x12800] =	vst v63  }
0x44c: {  	s15 =	sadd.s32 $0x60, s0;
	s16 =	simm.s32 $0xF830  }
0x44d: {  	[hbm4b:s15+s3] =	stream.linear.scatter [tilespmem:s16], [sflag:$0x2], $0x80, $0x38;
	[tilespmem:$0x12800] =	vst v63  }
0x44e: {  	s0 =	sadd.s32 $0x70, s0;
	s16 =	simm.s32 $0xF8B8;
	s15 =	sor.u32 $0x14100, s28  }
0x44f: {  	[hbm4b:s0+s3] =	stream.linear.scatter [tilespmem:s16], [sflag:$0x2], $0x80, $0x38;
	[tilespmem:$0x12800] =	vst v63  }
0x450: {  	s0 =	sadd.s32 s2, s15;
	s16 =	simm.s32 $0xF940  }
0x451: {  	[hbm4b:s0+s3] =	stream.linear.scatter [tilespmem:s16], [sflag:$0x2], $0x80, $0x38;
	[tilespmem:$0x12800] =	vst v63  }
0x452: {  	s15 =	sadd.s32 $0x10, s0;
	s16 =	simm.s32 $0xF9C8  }
0x453: {  	[hbm4b:s15+s3] =	stream.linear.scatter [tilespmem:s16], [sflag:$0x2], $0x80, $0x38;
	[tilespmem:$0x12800] =	vst v63  }
0x454: {  	s15 =	sadd.s32 $0x20, s0;
	s16 =	simm.s32 $0xFA50  }
0x455: {  	[hbm4b:s15+s3] =	stream.linear.scatter [tilespmem:s16], [sflag:$0x2], $0x80, $0x38;
	[tilespmem:$0x12800] =	vst v63  }
0x456: {  	s15 =	sadd.s32 $0x30, s0;
	s16 =	simm.s32 $0xFAD8  }
0x457: {  	[hbm4b:s15+s3] =	stream.linear.scatter [tilespmem:s16], [sflag:$0x2], $0x80, $0x38;
	[tilespmem:$0x12800] =	vst v63  }
0x458: {  	s15 =	sadd.s32 $0x40, s0;
	s16 =	simm.s32 $0xFB60  }
0x459: {  	[hbm4b:s15+s3] =	stream.linear.scatter [tilespmem:s16], [sflag:$0x2], $0x80, $0x38;
	[tilespmem:$0x12800] =	vst v63  }
0x45a: {  	s15 =	sadd.s32 $0x50, s0;
	s16 =	simm.s32 $0xFBE8  }
0x45b: {  	[hbm4b:s15+s3] =	stream.linear.scatter [tilespmem:s16], [sflag:$0x2], $0x80, $0x38;
	[tilespmem:$0x12800] =	vst v63  }
0x45c: {  	s15 =	sadd.s32 $0x60, s0;
	s16 =	simm.s32 $0xFC70  }
0x45d: {  	[hbm4b:s15+s3] =	stream.linear.scatter [tilespmem:s16], [sflag:$0x2], $0x80, $0x38;
	[tilespmem:$0x12800] =	vst v63  }
0x45e: {  	s0 =	sadd.s32 $0x70, s0;
	s16 =	simm.s32 $0xFCF8;
	s15 =	sor.u32 $0x18100, s28  }
0x45f: {  	[hbm4b:s0+s3] =	stream.linear.scatter [tilespmem:s16], [sflag:$0x2], $0x80, $0x38;
	[tilespmem:$0x12800] =	vst v63  }
0x460: {  	s0 =	sadd.s32 s2, s15;
	s16 =	simm.s32 $0xFD80  }
0x461: {  	[hbm4b:s0+s3] =	stream.linear.scatter [tilespmem:s16], [sflag:$0x2], $0x80, $0x38;
	[tilespmem:$0x12800] =	vst v63  }
0x462: {  	s15 =	sadd.s32 $0x10, s0;
	s16 =	simm.s32 $0xFE08  }
0x463: {  	[hbm4b:s15+s3] =	stream.linear.scatter [tilespmem:s16], [sflag:$0x2], $0x80, $0x38;
	[tilespmem:$0x12800] =	vst v63  }
0x464: {  	s15 =	sadd.s32 $0x20, s0;
	s16 =	simm.s32 $0xFE90  }
0x465: {  	[hbm4b:s15+s3] =	stream.linear.scatter [tilespmem:s16], [sflag:$0x2], $0x80, $0x38;
	[tilespmem:$0x12800] =	vst v63  }
0x466: {  	s15 =	sadd.s32 $0x30, s0;
	s16 =	simm.s32 $0xFF18  }
0x467: {  	[hbm4b:s15+s3] =	stream.linear.scatter [tilespmem:s16], [sflag:$0x2], $0x80, $0x38;
	[tilespmem:$0x12800] =	vst v63  }
0x468: {  	s15 =	sadd.s32 $0x40, s0;
	s16 =	simm.s32 $0xFFA0  }
0x469: {  	[hbm4b:s15+s3] =	stream.linear.scatter [tilespmem:s16], [sflag:$0x2], $0x80, $0x38;
	[tilespmem:$0x12800] =	vst v63  }
0x46a: {  	s15 =	sadd.s32 $0x50, s0;
	s16 =	simm.s32 $0x10028  }
0x46b: {  	[hbm4b:s15+s3] =	stream.linear.scatter [tilespmem:s16], [sflag:$0x2], $0x80, $0x38;
	[tilespmem:$0x12800] =	vst v63  }
0x46c: {  	s15 =	sadd.s32 $0x60, s0;
	s16 =	simm.s32 $0x100B0  }
0x46d: {  	[hbm4b:s15+s3] =	stream.linear.scatter [tilespmem:s16], [sflag:$0x2], $0x80, $0x38;
	[tilespmem:$0x12800] =	vst v63  }
0x46e: {  	s0 =	sadd.s32 $0x70, s0;
	s16 =	simm.s32 $0x10138;
	s15 =	sor.u32 $0x1C100, s28  }
0x46f: {  	[hbm4b:s0+s3] =	stream.linear.scatter [tilespmem:s16], [sflag:$0x2], $0x80, $0x38;
	[tilespmem:$0x12800] =	vst v63  }
0x470: {  	s0 =	sadd.s32 s2, s15;
	s16 =	simm.s32 $0x101C0  }
0x471: {  	[hbm4b:s0+s3] =	stream.linear.scatter [tilespmem:s16], [sflag:$0x2], $0x80, $0x38;
	[tilespmem:$0x12800] =	vst v63  }
0x472: {  	s15 =	sadd.s32 $0x10, s0;
	s16 =	simm.s32 $0x10248  }
0x473: {  	[hbm4b:s15+s3] =	stream.linear.scatter [tilespmem:s16], [sflag:$0x2], $0x80, $0x38;
	[tilespmem:$0x12800] =	vst v63  }
0x474: {  	s15 =	sadd.s32 $0x20, s0;
	s16 =	simm.s32 $0x102D0  }
0x475: {  	[hbm4b:s15+s3] =	stream.linear.scatter [tilespmem:s16], [sflag:$0x2], $0x80, $0x38;
	[tilespmem:$0x12800] =	vst v63  }
0x476: {  	s15 =	sadd.s32 $0x30, s0;
	s16 =	simm.s32 $0x10358  }
0x477: {  	[hbm4b:s15+s3] =	stream.linear.scatter [tilespmem:s16], [sflag:$0x2], $0x80, $0x38;
	[tilespmem:$0x12800] =	vst v63  }
0x478: {  	s15 =	sadd.s32 $0x40, s0;
	s16 =	simm.s32 $0x103E0  }
0x479: {  	[hbm4b:s15+s3] =	stream.linear.scatter [tilespmem:s16], [sflag:$0x2], $0x80, $0x38;
	[tilespmem:$0x12800] =	vst v63  }
0x47a: {  	s15 =	sadd.s32 $0x50, s0;
	s16 =	simm.s32 $0x10468  }
0x47b: {  	[hbm4b:s15+s3] =	stream.linear.scatter [tilespmem:s16], [sflag:$0x2], $0x80, $0x38;
	[tilespmem:$0x12800] =	vst v63  }
0x47c: {  	s15 =	sadd.s32 $0x60, s0;
	s16 =	simm.s32 $0x104F0  }
0x47d: {  	[hbm4b:s15+s3] =	stream.linear.scatter [tilespmem:s16], [sflag:$0x2], $0x80, $0x38;
	[tilespmem:$0x12800] =	vst v63  }
0x47e: {  	s0 =	sadd.s32 $0x70, s0;
	s16 =	simm.s32 $0x10578  }
0x47f: {  	[hbm4b:s0+s3] =	stream.linear.scatter [tilespmem:s16], [sflag:$0x2], $0x80, $0x38;
	[tilespmem:$0x12800] =	vst v63  }
0x480: {  	_ =	swait.ge [sflag:s23], $0x2000  }
0x481: {  	s1 =	simm.s32 @!p0 $0x80;
	[sflag:s23] =	ssyncset.done $0x0  }
0x482: {  	s15 =	simm.s32 @!p0 $0xA400;
	s0 =	sadd.s32 @!p0 $0x300, s29;
	[sflag:s23] =	ssyncadd.s32 $0xFFFFE000  }
0x483: {  	[tilespmem:s15], [sflag:$0x1] =	stream.indirect.gather @!p0 [hbm4b:s4+s1], $0x40, s0, s1, $0xb8;
	[tilespmem:$0x12800] =	vst v63  }
0x484: {  	_ =	swait.ge [sflag:s13], $0x400  }
0x485: {  	[sflag:s13] =	ssyncset.done $0x0  }
0x486: {  	[sflag:s13] =	ssyncadd.s32 $0xFFFFFC00  }
0x487: {  	_ =	swait.ge [sflag:s13], $0x400  }
0x488: {  	[sflag:s13] =	ssyncset.done $0x0  }
0x489: {  	[sflag:s13] =	ssyncadd.s32 $0xFFFFFC00  }
0x48a: {  	_ =	swait.ge [sflag:s13], $0x400  }
0x48b: {  	[sflag:s13] =	ssyncset.done $0x0  }
0x48c: {  	[sflag:s13] =	ssyncadd.s32 $0xFFFFFC00  }
0x48d: {  	_ =	swait.ge [sflag:s13], $0x400  }
0x48e: {  	[sflag:s13] =	ssyncset.done $0x0  }
0x48f: {  	[sflag:s13] =	ssyncadd.s32 $0xFFFFFC00  }
0x490: {  	_ =	swait.ge [sflag:s13], $0x400  }
0x491: {  	[sflag:s13] =	ssyncset.done $0x0  }
0x492: {  	[sflag:s13] =	ssyncadd.s32 $0xFFFFFC00  }
0x493: {  	_ =	swait.ge [sflag:s13], $0x400  }
0x494: {  	[sflag:s13] =	ssyncset.done $0x0  }
0x495: {  	[sflag:s13] =	ssyncadd.s32 $0xFFFFFC00  }
0x496: {  	s1 =	simm.s32 $0x0;
	_ =	swait.ge [sflag:s13], $0x400  }
0x497: {  	v58 =	vmov s1;
	[sflag:s13] =	ssyncset.done $0x0  }
0x498: {  	v33 =	vshrl.u32 v58, $0x3;
	[sflag:s13] =	ssyncadd.s32 $0xFFFFFC00  }
0x499: {  	v33 =	vshll.u32 v33, v1;
	_ =	swait.ge [sflag:s13], $0x400  }
0x49a: {  	v33 =	vbroadcast v33, $0x0;
	[sflag:s13] =	ssyncset.done $0x0  }
0x49b: {  	s29 =	simm.s32 $0xC500;
	[sflag:s13] =	ssyncadd.s32 $0xFFFFFC00  }
0x49c: {  	v60 =	vadd.s32 v0, v33;
	v59 =	vld [tilespmem:s29+$0xFFFFFF00]  }
0x49d: {  	v62 =	vadd.s32 v2, v33;
	v61 =	vld [tilespmem:s29+$0xFFFFFF10]  }
0x49e: {  	v44 =	vadd.s32 v3, v33;
	v63 =	vld [tilespmem:s29+$0xFFFFFF20]  }
0x49f: {  	s15 =	simm.s32 $0x1;
	v33 =	vadd.s32 v4, v33;
	v45 =	vld [tilespmem:s29+$0xFFFFFF30]  }
0x4a0: {  	v46 =	vmov s15  }
0x4a1: {  	v47 =	vshrl.u32 v46, $0x3;
	[tilespmem:v60+s21+$0x0] =	vst.idx.msk $0xffff, v59  }
0x4a2: {  	v34 =	vshll.u32 v47, v1;
	[tilespmem:v62+s21+$0x0] =	vst.idx.msk $0xffff, v61  }
0x4a3: {  	v34 =	vbroadcast v34, $0x0;
	[tilespmem:v44+s21+$0x0] =	vst.idx.msk $0xffff, v63  }
0x4a4: {  	[tilespmem:v33+s21+$0x0] =	vst.idx.msk $0xffff, v45  }
0x4a5: {  	v48 =	vadd.s32 v5, v34;
	v33 =	vld [tilespmem:s29+$0xFFFFFF40]  }
0x4a6: {  	v49 =	vadd.s32 v6, v34;
	v36 =	vld [tilespmem:s29+$0xFFFFFF50]  }
0x4a7: {  	v50 =	vadd.s32 v7, v34;
	v38 =	vld [tilespmem:s29+$0xFFFFFF60]  }
0x4a8: {  	s16 =	simm.s32 $0x2;
	v34 =	vadd.s32 v8, v34;
	v40 =	vld [tilespmem:s29+$0xFFFFFF70]  }
0x4a9: {  	v51 =	vmov s16  }
0x4aa: {  	v52 =	vshrl.u32 v51, $0x3;
	[tilespmem:v48+s21+$0x0] =	vst.idx.msk $0xffff, v33  }
0x4ab: {  	v33 =	vshll.u32 v52, v1;
	[tilespmem:v49+s21+$0x0] =	vst.idx.msk $0xffff, v36  }
0x4ac: {  	v33 =	vbroadcast v33, $0x0;
	[tilespmem:v50+s21+$0x0] =	vst.idx.msk $0xffff, v38  }
0x4ad: {  	[tilespmem:v34+s21+$0x0] =	vst.idx.msk $0xffff, v40  }
0x4ae: {  	v53 =	vadd.s32 v9, v33;
	v34 =	vld [tilespmem:s29+$0xFFFFFF80]  }
0x4af: {  	v54 =	vadd.s32 v10, v33;
	v36 =	vld [tilespmem:s29+$0xFFFFFF90]  }
0x4b0: {  	v55 =	vadd.s32 v11, v33;
	v38 =	vld [tilespmem:s29+$0xFFFFFFA0]  }
0x4b1: {  	s1 =	simm.s32 $0x3;
	v33 =	vadd.s32 v12, v33;
	v40 =	vld [tilespmem:s29+$0xFFFFFFB0]  }
0x4b2: {  	v56 =	vmov s1  }
0x4b3: {  	v57 =	vshrl.u32 v56, $0x3;
	[tilespmem:v53+s21+$0x0] =	vst.idx.msk $0xffff, v34  }
0x4b4: {  	v34 =	vshll.u32 v57, v1;
	[tilespmem:v54+s21+$0x0] =	vst.idx.msk $0xffff, v36  }
0x4b5: {  	v34 =	vbroadcast v34, $0x0;
	[tilespmem:v55+s21+$0x0] =	vst.idx.msk $0xffff, v38  }
0x4b6: {  	[tilespmem:v33+s21+$0x0] =	vst.idx.msk $0xffff, v40  }
0x4b7: {  	v58 =	vadd.s32 v13, v34;
	v33 =	vld [tilespmem:s29+$0xFFFFFFC0]  }
0x4b8: {  	v59 =	vadd.s32 v14, v34;
	v36 =	vld [tilespmem:s29+$0xFFFFFFD0]  }
0x4b9: {  	v60 =	vadd.s32 v15, v34;
	v38 =	vld [tilespmem:s29+$0xFFFFFFE0]  }
0x4ba: {  	s15 =	simm.s32 $0x4;
	v34 =	vadd.s32 v16, v34;
	v40 =	vld [tilespmem:s29+$0xFFFFFFF0]  }
0x4bb: {  	v61 =	vmov s15  }
0x4bc: {  	v62 =	vshrl.u32 v61, $0x3;
	[tilespmem:v58+s21+$0x0] =	vst.idx.msk $0xffff, v33  }
0x4bd: {  	v33 =	vshll.u32 v62, v1;
	[tilespmem:v59+s21+$0x0] =	vst.idx.msk $0xffff, v36  }
0x4be: {  	v33 =	vbroadcast v33, $0x0;
	[tilespmem:v60+s21+$0x0] =	vst.idx.msk $0xffff, v38  }
0x4bf: {  	[tilespmem:v34+s21+$0x0] =	vst.idx.msk $0xffff, v40  }
0x4c0: {  	v63 =	vadd.s32 v17, v33;
	v34 =	vld [tilespmem:s29+$0x0]  }
0x4c1: {  	v44 =	vadd.s32 v18, v33;
	v36 =	vld [tilespmem:s29+$0x10]  }
0x4c2: {  	v45 =	vadd.s32 v19, v33;
	v38 =	vld [tilespmem:s29+$0x20]  }
0x4c3: {  	s16 =	simm.s32 $0x5;
	v33 =	vadd.s32 v20, v33;
	v40 =	vld [tilespmem:s29+$0x30]  }
0x4c4: {  	v46 =	vmov s16  }
0x4c5: {  	v47 =	vshrl.u32 v46, $0x3;
	[tilespmem:v63+s21+$0x0] =	vst.idx.msk $0xffff, v34  }
0x4c6: {  	v34 =	vshll.u32 v47, v1;
	[tilespmem:v44+s21+$0x0] =	vst.idx.msk $0xffff, v36  }
0x4c7: {  	v34 =	vbroadcast v34, $0x0;
	[tilespmem:v45+s21+$0x0] =	vst.idx.msk $0xffff, v38  }
0x4c8: {  	[tilespmem:v33+s21+$0x0] =	vst.idx.msk $0xffff, v40  }
0x4c9: {  	v48 =	vadd.s32 v21, v34;
	v33 =	vld [tilespmem:s29+$0x40]  }
0x4ca: {  	v49 =	vadd.s32 v22, v34;
	v36 =	vld [tilespmem:s29+$0x50]  }
0x4cb: {  	v50 =	vadd.s32 v23, v34;
	v38 =	vld [tilespmem:s29+$0x60]  }
0x4cc: {  	s1 =	simm.s32 $0x6;
	v34 =	vadd.s32 v24, v34;
	v40 =	vld [tilespmem:s29+$0x70]  }
0x4cd: {  	v51 =	vmov s1  }
0x4ce: {  	v52 =	vshrl.u32 v51, $0x3;
	[tilespmem:v48+s21+$0x0] =	vst.idx.msk $0xffff, v33  }
0x4cf: {  	v33 =	vshll.u32 v52, v1;
	[tilespmem:v49+s21+$0x0] =	vst.idx.msk $0xffff, v36  }
0x4d0: {  	v33 =	vbroadcast v33, $0x0;
	[tilespmem:v50+s21+$0x0] =	vst.idx.msk $0xffff, v38  }
0x4d1: {  	[tilespmem:v34+s21+$0x0] =	vst.idx.msk $0xffff, v40  }
0x4d2: {  	v53 =	vadd.s32 v25, v33;
	v34 =	vld [tilespmem:s29+$0x80]  }
0x4d3: {  	v54 =	vadd.s32 v26, v33;
	v36 =	vld [tilespmem:s29+$0x90]  }
0x4d4: {  	v55 =	vadd.s32 v27, v33;
	v38 =	vld [tilespmem:s29+$0xA0]  }
0x4d5: {  	s15 =	simm.s32 $0x7;
	v33 =	vadd.s32 v28, v33;
	v40 =	vld [tilespmem:s29+$0xB0]  }
0x4d6: {  	v56 =	vmov s15  }
0x4d7: {  	v57 =	vshrl.u32 v56, $0x3;
	[tilespmem:v53+s21+$0x0] =	vst.idx.msk $0xffff, v34  }
0x4d8: {  	v34 =	vshll.u32 v57, v1;
	[tilespmem:v54+s21+$0x0] =	vst.idx.msk $0xffff, v36  }
0x4d9: {  	v58 =	vbroadcast v34, $0x0;
	[tilespmem:v55+s21+$0x0] =	vst.idx.msk $0xffff, v38  }
0x4da: {  	[tilespmem:v33+s21+$0x0] =	vst.idx.msk $0xffff, v40  }
0x4db: {  	v59 =	vadd.s32 v29, v58;
	v33 =	vld [tilespmem:s29+$0xC0]  }
0x4dc: {  	v60 =	vadd.s32 v30, v58;
	v37 =	vld [tilespmem:s29+$0xD0]  }
0x4dd: {  	v61 =	vadd.s32 v31, v58;
	v39 =	vld [tilespmem:s29+$0xE0]  }
0x4de: {  	s16 =	simm.s32 $0x8  }
0x4df: {  	v62 =	vmov s16;
	v35 =	vadd.s32 v32, v58;
	v34 =	vld [tilespmem:s29+$0xF0]  }
0x4e0: {  	v41 =	vshrl.u32 v62, $0x3;
	[tilespmem:v59+s21+$0x0] =	vst.idx.msk $0xffff, v33  }
0x4e1: {  	v63 =	vshll.u32 v41, v1;
	[tilespmem:v60+s21+$0x0] =	vst.idx.msk $0xffff, v37  }
0x4e2: {  	s0 =	simm.s32 $0xF;
	s1 =	simm.s32 $0x17;
	v33 =	vbroadcast v63, $0x0;
	[tilespmem:v61+s21+$0x0] =	vst.idx.msk $0xffff, v39  }
.LBB2_9:
0x4e3: {  	p0 =	sne.s32 s1, $0x7F  }
0x4e4: {  	[tilespmem:v35+s21+$0x0] =	vst.idx.msk $0xffff, v34;
	s29 =	sadd.s32 $0x200, s29;
	s15 =	smov.u32 s1;
	s1 =	sadd.s32 $0x8, s1  }
0x4e5: {  	v34 =	vld [tilespmem:s29+$0xFFFFFF00];
	v35 =	vadd.s32 v0, v33  }
0x4e6: {  	v37 =	vadd.s32 v2, v33;
	v36 =	vld [tilespmem:s29+$0xFFFFFF10]  }
0x4e7: {  	v39 =	vadd.s32 v3, v33;
	v38 =	vld [tilespmem:s29+$0xFFFFFF20]  }
0x4e8: {  	s16 =	sadd.s32 $0xFFFFFFFA, s0;
	v33 =	vadd.s32 v4, v33;
	v40 =	vld [tilespmem:s29+$0xFFFFFF30]  }
0x4e9: {  	v41 =	vmov s16  }
0x4ea: {  	[tilespmem:v35+s21+$0x0] =	vst.idx.msk $0xffff, v34;
	v34 =	vshrl.u32 v41, $0x3  }
0x4eb: {  	[tilespmem:v37+s21+$0x0] =	vst.idx.msk $0xffff, v36;
	v34 =	vshll.u32 v34, v1  }
0x4ec: {  	[tilespmem:v39+s21+$0x0] =	vst.idx.msk $0xffff, v38;
	v34 =	vbroadcast v34, $0x0  }
0x4ed: {  	[tilespmem:v33+s21+$0x0] =	vst.idx.msk $0xffff, v40  }
0x4ee: {  	v33 =	vld [tilespmem:s29+$0xFFFFFF40];
	v35 =	vadd.s32 v5, v34  }
0x4ef: {  	v37 =	vadd.s32 v6, v34;
	v36 =	vld [tilespmem:s29+$0xFFFFFF50]  }
0x4f0: {  	v39 =	vadd.s32 v7, v34;
	v38 =	vld [tilespmem:s29+$0xFFFFFF60]  }
0x4f1: {  	s16 =	sadd.s32 $0xFFFFFFFB, s0;
	v34 =	vadd.s32 v8, v34;
	v40 =	vld [tilespmem:s29+$0xFFFFFF70]  }
0x4f2: {  	v41 =	vmov s16  }
0x4f3: {  	[tilespmem:v35+s21+$0x0] =	vst.idx.msk $0xffff, v33;
	v33 =	vshrl.u32 v41, $0x3  }
0x4f4: {  	[tilespmem:v37+s21+$0x0] =	vst.idx.msk $0xffff, v36;
	v33 =	vshll.u32 v33, v1  }
0x4f5: {  	[tilespmem:v39+s21+$0x0] =	vst.idx.msk $0xffff, v38;
	v33 =	vbroadcast v33, $0x0  }
0x4f6: {  	[tilespmem:v34+s21+$0x0] =	vst.idx.msk $0xffff, v40  }
0x4f7: {  	v34 =	vld [tilespmem:s29+$0xFFFFFF80];
	v35 =	vadd.s32 v9, v33  }
0x4f8: {  	v37 =	vadd.s32 v10, v33;
	v36 =	vld [tilespmem:s29+$0xFFFFFF90]  }
0x4f9: {  	v39 =	vadd.s32 v11, v33;
	v38 =	vld [tilespmem:s29+$0xFFFFFFA0]  }
0x4fa: {  	s16 =	sadd.s32 $0xFFFFFFFC, s0;
	v33 =	vadd.s32 v12, v33;
	v40 =	vld [tilespmem:s29+$0xFFFFFFB0]  }
0x4fb: {  	v41 =	vmov s16  }
0x4fc: {  	[tilespmem:v35+s21+$0x0] =	vst.idx.msk $0xffff, v34;
	v34 =	vshrl.u32 v41, $0x3  }
0x4fd: {  	[tilespmem:v37+s21+$0x0] =	vst.idx.msk $0xffff, v36;
	v34 =	vshll.u32 v34, v1  }
0x4fe: {  	[tilespmem:v39+s21+$0x0] =	vst.idx.msk $0xffff, v38;
	v34 =	vbroadcast v34, $0x0  }
0x4ff: {  	[tilespmem:v33+s21+$0x0] =	vst.idx.msk $0xffff, v40  }
0x500: {  	v33 =	vld [tilespmem:s29+$0xFFFFFFC0];
	v35 =	vadd.s32 v13, v34  }
0x501: {  	v37 =	vadd.s32 v14, v34;
	v36 =	vld [tilespmem:s29+$0xFFFFFFD0]  }
0x502: {  	v39 =	vadd.s32 v15, v34;
	v38 =	vld [tilespmem:s29+$0xFFFFFFE0]  }
0x503: {  	s16 =	sadd.s32 $0xFFFFFFFD, s0;
	v34 =	vadd.s32 v16, v34;
	v40 =	vld [tilespmem:s29+$0xFFFFFFF0]  }
0x504: {  	v41 =	vmov s16  }
0x505: {  	[tilespmem:v35+s21+$0x0] =	vst.idx.msk $0xffff, v33;
	v33 =	vshrl.u32 v41, $0x3  }
0x506: {  	[tilespmem:v37+s21+$0x0] =	vst.idx.msk $0xffff, v36;
	v33 =	vshll.u32 v33, v1  }
0x507: {  	[tilespmem:v39+s21+$0x0] =	vst.idx.msk $0xffff, v38;
	v33 =	vbroadcast v33, $0x0  }
0x508: {  	[tilespmem:v34+s21+$0x0] =	vst.idx.msk $0xffff, v40  }
0x509: {  	v34 =	vld [tilespmem:s29+$0x0];
	v35 =	vadd.s32 v17, v33  }
0x50a: {  	v37 =	vadd.s32 v18, v33;
	v36 =	vld [tilespmem:s29+$0x10]  }
0x50b: {  	v39 =	vadd.s32 v19, v33;
	v38 =	vld [tilespmem:s29+$0x20]  }
0x50c: {  	s16 =	sadd.s32 $0xFFFFFFFE, s0;
	v33 =	vadd.s32 v20, v33;
	v40 =	vld [tilespmem:s29+$0x30]  }
0x50d: {  	v41 =	vmov s16  }
0x50e: {  	[tilespmem:v35+s21+$0x0] =	vst.idx.msk $0xffff, v34;
	v34 =	vshrl.u32 v41, $0x3  }
0x50f: {  	[tilespmem:v37+s21+$0x0] =	vst.idx.msk $0xffff, v36;
	v34 =	vshll.u32 v34, v1  }
0x510: {  	[tilespmem:v39+s21+$0x0] =	vst.idx.msk $0xffff, v38;
	v34 =	vbroadcast v34, $0x0  }
0x511: {  	[tilespmem:v33+s21+$0x0] =	vst.idx.msk $0xffff, v40  }
0x512: {  	v33 =	vld [tilespmem:s29+$0x40];
	v35 =	vadd.s32 v21, v34  }
0x513: {  	v37 =	vadd.s32 v22, v34;
	v36 =	vld [tilespmem:s29+$0x50]  }
0x514: {  	v39 =	vadd.s32 v23, v34;
	v38 =	vld [tilespmem:s29+$0x60]  }
0x515: {  	s16 =	sadd.s32 $0xFFFFFFFF, s0;
	v34 =	vadd.s32 v24, v34;
	v40 =	vld [tilespmem:s29+$0x70]  }
0x516: {  	v41 =	vmov s16  }
0x517: {  	[tilespmem:v35+s21+$0x0] =	vst.idx.msk $0xffff, v33;
	v33 =	vshrl.u32 v41, $0x3  }
0x518: {  	[tilespmem:v37+s21+$0x0] =	vst.idx.msk $0xffff, v36;
	v33 =	vshll.u32 v33, v1  }
0x519: {  	[tilespmem:v39+s21+$0x0] =	vst.idx.msk $0xffff, v38;
	v33 =	vbroadcast v33, $0x0  }
0x51a: {  	[tilespmem:v34+s21+$0x0] =	vst.idx.msk $0xffff, v40  }
0x51b: {  	v34 =	vld [tilespmem:s29+$0x80];
	v35 =	vadd.s32 v25, v33  }
0x51c: {  	v37 =	vadd.s32 v26, v33;
	v36 =	vld [tilespmem:s29+$0x90]  }
0x51d: {  	v39 =	vadd.s32 v27, v33;
	v38 =	vld [tilespmem:s29+$0xA0]  }
0x51e: {  	v33 =	vadd.s32 v28, v33;
	v40 =	vld [tilespmem:s29+$0xB0]  }
0x51f: {  	v41 =	vmov s0;
	s0 =	smov.u32 s15  }
0x520: {  	[tilespmem:v35+s21+$0x0] =	vst.idx.msk $0xffff, v34;
	v34 =	vshrl.u32 v41, $0x3  }
0x521: {  	[tilespmem:v37+s21+$0x0] =	vst.idx.msk $0xffff, v36;
	v34 =	vshll.u32 v34, v1  }
0x522: {  	[tilespmem:v39+s21+$0x0] =	vst.idx.msk $0xffff, v38;
	v35 =	vbroadcast v34, $0x0  }
0x523: {  	[tilespmem:v33+s21+$0x0] =	vst.idx.msk $0xffff, v40  }
0x524: {  	v33 =	vld [tilespmem:s29+$0xC0];
	v36 =	vadd.s32 v29, v35  }
0x525: {  	v38 =	vadd.s32 v30, v35;
	v37 =	vld [tilespmem:s29+$0xD0]  }
0x526: {  	v40 =	vadd.s32 v31, v35;
	v39 =	vld [tilespmem:s29+$0xE0]  }
.Ltmp3:
0x527: {  	s15 =	sadd.s32 $0xFFFFFFF9, s0;
	v35 =	vadd.s32 v32, v35;
	v34 =	vld [tilespmem:s29+$0xF0];
	(pc) =	sbr.rel @p0 .LBB2_9-.Ltmp3, $4  }
0x528: {  	v41 =	vmov s15  }
0x529: {  	v41 =	vshrl.u32 v41, $0x3;
	[tilespmem:v36+s21+$0x0] =	vst.idx.msk $0xffff, v33  }
0x52a: {  	v33 =	vshll.u32 v41, v1;
	[tilespmem:v38+s21+$0x0] =	vst.idx.msk $0xffff, v37  }
0x52b: {  	v33 =	vbroadcast v33, $0x0;
	[tilespmem:v40+s21+$0x0] =	vst.idx.msk $0xffff, v39  }
0x52c: {  	_ =	sdelay $0x3  }
0x52d: {  	[tilespmem:v35+s21+$0x0] =	vst.idx.msk $0xffff, v34;
	s1 =	sadd.s32 $0x200, s29  }
0x52e: {  	v34 =	vld [tilespmem:s1+$0xFFFFFF00];
	v48 =	vadd.s32 v0, v33  }
0x52f: {  	v36 =	vld [tilespmem:s1+$0xFFFFFF10];
	v37 =	vadd.s32 v2, v33  }
0x530: {  	v38 =	vld [tilespmem:s1+$0xFFFFFF20];
	v39 =	vadd.s32 v3, v33  }
0x531: {  	s15 =	sadd.s32 $0xFFFFFFFA, s0;
	v40 =	vld [tilespmem:s1+$0xFFFFFF30];
	v49 =	vadd.s32 v4, v33  }
0x532: {  	v41 =	vmov s15  }
0x533: {  	v50 =	vshrl.u32 v41, $0x3;
	[tilespmem:v48+s21+$0x0] =	vst.idx.msk $0xffff, v34  }
0x534: {  	v34 =	vshll.u32 v50, v1;
	[tilespmem:v37+s21+$0x0] =	vst.idx.msk $0xffff, v36  }
0x535: {  	v34 =	vbroadcast v34, $0x0;
	[tilespmem:v39+s21+$0x0] =	vst.idx.msk $0xffff, v38  }
0x536: {  	[tilespmem:v49+s21+$0x0] =	vst.idx.msk $0xffff, v40  }
0x537: {  	v51 =	vadd.s32 v5, v34;
	v33 =	vld [tilespmem:s1+$0xFFFFFF40]  }
0x538: {  	v52 =	vadd.s32 v6, v34;
	v36 =	vld [tilespmem:s1+$0xFFFFFF50]  }
0x539: {  	v53 =	vadd.s32 v7, v34;
	v38 =	vld [tilespmem:s1+$0xFFFFFF60]  }
0x53a: {  	s16 =	sadd.s32 $0xFFFFFFFB, s0;
	v34 =	vadd.s32 v8, v34;
	v40 =	vld [tilespmem:s1+$0xFFFFFF70]  }
0x53b: {  	v54 =	vmov s16  }
0x53c: {  	v55 =	vshrl.u32 v54, $0x3;
	[tilespmem:v51+s21+$0x0] =	vst.idx.msk $0xffff, v33  }
0x53d: {  	v33 =	vshll.u32 v55, v1;
	[tilespmem:v52+s21+$0x0] =	vst.idx.msk $0xffff, v36  }
0x53e: {  	v33 =	vbroadcast v33, $0x0;
	[tilespmem:v53+s21+$0x0] =	vst.idx.msk $0xffff, v38  }
0x53f: {  	[tilespmem:v34+s21+$0x0] =	vst.idx.msk $0xffff, v40  }
0x540: {  	v56 =	vadd.s32 v9, v33;
	v34 =	vld [tilespmem:s1+$0xFFFFFF80]  }
0x541: {  	v57 =	vadd.s32 v10, v33;
	v36 =	vld [tilespmem:s1+$0xFFFFFF90]  }
0x542: {  	v58 =	vadd.s32 v11, v33;
	v38 =	vld [tilespmem:s1+$0xFFFFFFA0]  }
0x543: {  	s29 =	sadd.s32 $0xFFFFFFFC, s0;
	v33 =	vadd.s32 v12, v33;
	v40 =	vld [tilespmem:s1+$0xFFFFFFB0]  }
0x544: {  	v59 =	vmov s29  }
0x545: {  	v60 =	vshrl.u32 v59, $0x3;
	[tilespmem:v56+s21+$0x0] =	vst.idx.msk $0xffff, v34  }
0x546: {  	v34 =	vshll.u32 v60, v1;
	[tilespmem:v57+s21+$0x0] =	vst.idx.msk $0xffff, v36  }
0x547: {  	v34 =	vbroadcast v34, $0x0;
	[tilespmem:v58+s21+$0x0] =	vst.idx.msk $0xffff, v38  }
0x548: {  	[tilespmem:v33+s21+$0x0] =	vst.idx.msk $0xffff, v40  }
0x549: {  	v61 =	vadd.s32 v13, v34;
	v33 =	vld [tilespmem:s1+$0xFFFFFFC0]  }
0x54a: {  	v62 =	vadd.s32 v14, v34;
	v36 =	vld [tilespmem:s1+$0xFFFFFFD0]  }
0x54b: {  	v63 =	vadd.s32 v15, v34;
	v38 =	vld [tilespmem:s1+$0xFFFFFFE0]  }
0x54c: {  	s16 =	sadd.s32 $0xFFFFFFFD, s0;
	v34 =	vadd.s32 v16, v34;
	v40 =	vld [tilespmem:s1+$0xFFFFFFF0]  }
0x54d: {  	v44 =	vmov s16  }
0x54e: {  	v45 =	vshrl.u32 v44, $0x3;
	[tilespmem:v61+s21+$0x0] =	vst.idx.msk $0xffff, v33  }
0x54f: {  	v33 =	vshll.u32 v45, v1;
	[tilespmem:v62+s21+$0x0] =	vst.idx.msk $0xffff, v36  }
0x550: {  	v33 =	vbroadcast v33, $0x0;
	[tilespmem:v63+s21+$0x0] =	vst.idx.msk $0xffff, v38  }
0x551: {  	[tilespmem:v34+s21+$0x0] =	vst.idx.msk $0xffff, v40  }
0x552: {  	v46 =	vadd.s32 v17, v33;
	v34 =	vld [tilespmem:s1+$0x0]  }
0x553: {  	v47 =	vadd.s32 v18, v33;
	v36 =	vld [tilespmem:s1+$0x10]  }
0x554: {  	v48 =	vadd.s32 v19, v33;
	v38 =	vld [tilespmem:s1+$0x20]  }
0x555: {  	s29 =	sadd.s32 $0xFFFFFFFE, s0;
	v33 =	vadd.s32 v20, v33;
	v40 =	vld [tilespmem:s1+$0x30]  }
0x556: {  	v49 =	vmov s29  }
0x557: {  	v50 =	vshrl.u32 v49, $0x3;
	[tilespmem:v46+s21+$0x0] =	vst.idx.msk $0xffff, v34  }
0x558: {  	v34 =	vshll.u32 v50, v1;
	[tilespmem:v47+s21+$0x0] =	vst.idx.msk $0xffff, v36  }
0x559: {  	v34 =	vbroadcast v34, $0x0;
	[tilespmem:v48+s21+$0x0] =	vst.idx.msk $0xffff, v38  }
0x55a: {  	[tilespmem:v33+s21+$0x0] =	vst.idx.msk $0xffff, v40  }
0x55b: {  	v51 =	vadd.s32 v21, v34;
	v33 =	vld [tilespmem:s1+$0x40]  }
0x55c: {  	v52 =	vadd.s32 v22, v34;
	v36 =	vld [tilespmem:s1+$0x50]  }
0x55d: {  	v53 =	vadd.s32 v23, v34;
	v38 =	vld [tilespmem:s1+$0x60]  }
0x55e: {  	s16 =	sadd.s32 $0xFFFFFFFF, s0;
	v34 =	vadd.s32 v24, v34;
	v40 =	vld [tilespmem:s1+$0x70]  }
0x55f: {  	v54 =	vmov s16  }
0x560: {  	v55 =	vshrl.u32 v54, $0x3;
	[tilespmem:v51+s21+$0x0] =	vst.idx.msk $0xffff, v33  }
0x561: {  	v33 =	vshll.u32 v55, v1;
	[tilespmem:v52+s21+$0x0] =	vst.idx.msk $0xffff, v36  }
0x562: {  	v33 =	vbroadcast v33, $0x0;
	[tilespmem:v53+s21+$0x0] =	vst.idx.msk $0xffff, v38  }
0x563: {  	[tilespmem:v34+s21+$0x0] =	vst.idx.msk $0xffff, v40  }
0x564: {  	v56 =	vadd.s32 v25, v33;
	v34 =	vld [tilespmem:s1+$0x80]  }
0x565: {  	v57 =	vadd.s32 v26, v33;
	v36 =	vld [tilespmem:s1+$0x90]  }
0x566: {  	v58 =	vadd.s32 v27, v33;
	v38 =	vld [tilespmem:s1+$0xA0]  }
0x567: {  	v33 =	vadd.s32 v28, v33;
	v40 =	vld [tilespmem:s1+$0xB0]  }
0x568: {  	v59 =	vmov s0  }
0x569: {  	v60 =	vshrl.u32 v59, $0x3;
	[tilespmem:v56+s21+$0x0] =	vst.idx.msk $0xffff, v34  }
0x56a: {  	v34 =	vshll.u32 v60, v1;
	[tilespmem:v57+s21+$0x0] =	vst.idx.msk $0xffff, v36  }
0x56b: {  	v34 =	vbroadcast v34, $0x0;
	[tilespmem:v58+s21+$0x0] =	vst.idx.msk $0xffff, v38  }
0x56c: {  	[tilespmem:v33+s21+$0x0] =	vst.idx.msk $0xffff, v40  }
0x56d: {  	v61 =	vadd.s32 v29, v34;
	v33 =	vld [tilespmem:s1+$0xC0]  }
0x56e: {  	v62 =	vadd.s32 v30, v34;
	v36 =	vld [tilespmem:s1+$0xD0]  }
0x56f: {  	v63 =	vadd.s32 v31, v34;
	v38 =	vld [tilespmem:s1+$0xE0]  }
0x570: {  	v34 =	vadd.s32 v32, v34;
	v40 =	vld [tilespmem:s1+$0xF0];
	_ =	sdelay $0x1  }
0x571: {  	[tilespmem:v61+s21+$0x0] =	vst.idx.msk $0xffff, v33  }
0x572: {  	[tilespmem:v62+s21+$0x0] =	vst.idx.msk $0xffff, v36  }
0x573: {  	[tilespmem:v63+s21+$0x0] =	vst.idx.msk $0xffff, v38  }
0x574: {  	s29 =	sadd.s32 $0x180, s30;
	[tilespmem:v34+s21+$0x0] =	vst.idx.msk $0xffff, v40  }
0x575: {  	[hbm4b:s29+s3] =	stream.linear.scatter [tilespmem:s21], [sflag:$0x2], $0x80, $0x38;
	[tilespmem:$0x12800] =	vst v63  }
0x576: {  	s16 =	simm.s32 $0x10688;
	s1 =	sadd.s32 $0x190, s30  }
0x577: {  	[hbm4b:s1+s3] =	stream.linear.scatter [tilespmem:s16], [sflag:$0x2], $0x80, $0x38;
	[tilespmem:$0x12800] =	vst v63  }
0x578: {  	s15 =	sadd.s32 $0x1A0, s30;
	s29 =	simm.s32 $0x10710  }
0x579: {  	[hbm4b:s15+s3] =	stream.linear.scatter [tilespmem:s29], [sflag:$0x2], $0x80, $0x38;
	[tilespmem:$0x12800] =	vst v63  }
0x57a: {  	s15 =	sadd.s32 $0x1B0, s30;
	s29 =	simm.s32 $0x10798  }
0x57b: {  	[hbm4b:s15+s3] =	stream.linear.scatter [tilespmem:s29], [sflag:$0x2], $0x80, $0x38;
	[tilespmem:$0x12800] =	vst v63  }
0x57c: {  	s15 =	sadd.s32 $0x1C0, s30;
	s29 =	simm.s32 $0x10820  }
0x57d: {  	[hbm4b:s15+s3] =	stream.linear.scatter [tilespmem:s29], [sflag:$0x2], $0x80, $0x38;
	[tilespmem:$0x12800] =	vst v63  }
0x57e: {  	s15 =	sadd.s32 $0x1D0, s30;
	s29 =	simm.s32 $0x108A8  }
0x57f: {  	[hbm4b:s15+s3] =	stream.linear.scatter [tilespmem:s29], [sflag:$0x2], $0x80, $0x38;
	[tilespmem:$0x12800] =	vst v63  }
0x580: {  	s1 =	sadd.s32 $0x1E0, s30;
	s15 =	simm.s32 $0x10930  }
0x581: {  	[hbm4b:s1+s3] =	stream.linear.scatter [tilespmem:s15], [sflag:$0x2], $0x80, $0x38;
	[tilespmem:$0x12800] =	vst v63  }
0x582: {  	s29 =	sadd.s32 $0x1F0, s30;
	s30 =	simm.s32 $0x109B8;
	s1 =	sor.u32 $0x4180, s28  }
0x583: {  	[hbm4b:s29+s3] =	stream.linear.scatter [tilespmem:s30], [sflag:$0x2], $0x80, $0x38;
	[tilespmem:$0x12800] =	vst v63  }
0x584: {  	s15 =	simm.s32 $0x10A40;
	s0 =	sadd.s32 s2, s1  }
0x585: {  	[hbm4b:s0+s3] =	stream.linear.scatter [tilespmem:s15], [sflag:$0x2], $0x80, $0x38;
	[tilespmem:$0x12800] =	vst v63  }
0x586: {  	s29 =	sadd.s32 $0x10, s0;
	s30 =	simm.s32 $0x10AC8  }
0x587: {  	[hbm4b:s29+s3] =	stream.linear.scatter [tilespmem:s30], [sflag:$0x2], $0x80, $0x38;
	[tilespmem:$0x12800] =	vst v63  }
0x588: {  	s29 =	sadd.s32 $0x20, s0;
	s30 =	simm.s32 $0x10B50  }
0x589: {  	[hbm4b:s29+s3] =	stream.linear.scatter [tilespmem:s30], [sflag:$0x2], $0x80, $0x38;
	[tilespmem:$0x12800] =	vst v63  }
0x58a: {  	s29 =	sadd.s32 $0x30, s0;
	s30 =	simm.s32 $0x10BD8  }
0x58b: {  	[hbm4b:s29+s3] =	stream.linear.scatter [tilespmem:s30], [sflag:$0x2], $0x80, $0x38;
	[tilespmem:$0x12800] =	vst v63  }
0x58c: {  	s29 =	sadd.s32 $0x40, s0;
	s30 =	simm.s32 $0x10C60  }
0x58d: {  	[hbm4b:s29+s3] =	stream.linear.scatter [tilespmem:s30], [sflag:$0x2], $0x80, $0x38;
	[tilespmem:$0x12800] =	vst v63  }
0x58e: {  	s29 =	sadd.s32 $0x50, s0;
	s30 =	simm.s32 $0x10CE8  }
0x58f: {  	[hbm4b:s29+s3] =	stream.linear.scatter [tilespmem:s30], [sflag:$0x2], $0x80, $0x38;
	[tilespmem:$0x12800] =	vst v63  }
0x590: {  	s15 =	sadd.s32 $0x60, s0;
	s29 =	simm.s32 $0x10D70  }
0x591: {  	[hbm4b:s15+s3] =	stream.linear.scatter [tilespmem:s29], [sflag:$0x2], $0x80, $0x38;
	[tilespmem:$0x12800] =	vst v63  }
0x592: {  	s1 =	sor.u32 $0x8180, s28;
	s0 =	sadd.s32 $0x70, s0;
	s30 =	simm.s32 $0x10DF8  }
0x593: {  	[hbm4b:s0+s3] =	stream.linear.scatter [tilespmem:s30], [sflag:$0x2], $0x80, $0x38;
	[tilespmem:$0x12800] =	vst v63  }
0x594: {  	s15 =	simm.s32 $0x10E80;
	s0 =	sadd.s32 s2, s1  }
0x595: {  	[hbm4b:s0+s3] =	stream.linear.scatter [tilespmem:s15], [sflag:$0x2], $0x80, $0x38;
	[tilespmem:$0x12800] =	vst v63  }
0x596: {  	s30 =	simm.s32 $0x10F08;
	s29 =	sadd.s32 $0x10, s0  }
0x597: {  	[hbm4b:s29+s3] =	stream.linear.scatter [tilespmem:s30], [sflag:$0x2], $0x80, $0x38;
	[tilespmem:$0x12800] =	vst v63  }
0x598: {  	s29 =	sadd.s32 $0x20, s0;
	s30 =	simm.s32 $0x10F90  }
0x599: {  	[hbm4b:s29+s3] =	stream.linear.scatter [tilespmem:s30], [sflag:$0x2], $0x80, $0x38;
	[tilespmem:$0x12800] =	vst v63  }
0x59a: {  	s29 =	sadd.s32 $0x30, s0;
	s30 =	simm.s32 $0x11018  }
0x59b: {  	[hbm4b:s29+s3] =	stream.linear.scatter [tilespmem:s30], [sflag:$0x2], $0x80, $0x38;
	[tilespmem:$0x12800] =	vst v63  }
0x59c: {  	s29 =	sadd.s32 $0x40, s0;
	s30 =	simm.s32 $0x110A0  }
0x59d: {  	[hbm4b:s29+s3] =	stream.linear.scatter [tilespmem:s30], [sflag:$0x2], $0x80, $0x38;
	[tilespmem:$0x12800] =	vst v63  }
0x59e: {  	s29 =	sadd.s32 $0x50, s0;
	s30 =	simm.s32 $0x11128  }
0x59f: {  	[hbm4b:s29+s3] =	stream.linear.scatter [tilespmem:s30], [sflag:$0x2], $0x80, $0x38;
	[tilespmem:$0x12800] =	vst v63  }
0x5a0: {  	s15 =	sadd.s32 $0x60, s0;
	s29 =	simm.s32 $0x111B0  }
0x5a1: {  	[hbm4b:s15+s3] =	stream.linear.scatter [tilespmem:s29], [sflag:$0x2], $0x80, $0x38;
	[tilespmem:$0x12800] =	vst v63  }
0x5a2: {  	s1 =	sor.u32 $0xC180, s28;
	s0 =	sadd.s32 $0x70, s0;
	s30 =	simm.s32 $0x11238  }
0x5a3: {  	[hbm4b:s0+s3] =	stream.linear.scatter [tilespmem:s30], [sflag:$0x2], $0x80, $0x38;
	[tilespmem:$0x12800] =	vst v63  }
0x5a4: {  	s15 =	simm.s32 $0x112C0;
	s0 =	sadd.s32 s2, s1  }
0x5a5: {  	[hbm4b:s0+s3] =	stream.linear.scatter [tilespmem:s15], [sflag:$0x2], $0x80, $0x38;
	[tilespmem:$0x12800] =	vst v63  }
0x5a6: {  	s30 =	simm.s32 $0x11348;
	s29 =	sadd.s32 $0x10, s0  }
0x5a7: {  	[hbm4b:s29+s3] =	stream.linear.scatter [tilespmem:s30], [sflag:$0x2], $0x80, $0x38;
	[tilespmem:$0x12800] =	vst v63  }
0x5a8: {  	s29 =	sadd.s32 $0x20, s0;
	s30 =	simm.s32 $0x113D0  }
0x5a9: {  	[hbm4b:s29+s3] =	stream.linear.scatter [tilespmem:s30], [sflag:$0x2], $0x80, $0x38;
	[tilespmem:$0x12800] =	vst v63  }
0x5aa: {  	s29 =	sadd.s32 $0x30, s0;
	s30 =	simm.s32 $0x11458  }
0x5ab: {  	[hbm4b:s29+s3] =	stream.linear.scatter [tilespmem:s30], [sflag:$0x2], $0x80, $0x38;
	[tilespmem:$0x12800] =	vst v63  }
0x5ac: {  	s29 =	sadd.s32 $0x40, s0;
	s30 =	simm.s32 $0x114E0  }
0x5ad: {  	[hbm4b:s29+s3] =	stream.linear.scatter [tilespmem:s30], [sflag:$0x2], $0x80, $0x38;
	[tilespmem:$0x12800] =	vst v63  }
0x5ae: {  	s29 =	sadd.s32 $0x50, s0;
	s30 =	simm.s32 $0x11568  }
0x5af: {  	[hbm4b:s29+s3] =	stream.linear.scatter [tilespmem:s30], [sflag:$0x2], $0x80, $0x38;
	[tilespmem:$0x12800] =	vst v63  }
0x5b0: {  	s15 =	sadd.s32 $0x60, s0;
	s29 =	simm.s32 $0x115F0  }
0x5b1: {  	[hbm4b:s15+s3] =	stream.linear.scatter [tilespmem:s29], [sflag:$0x2], $0x80, $0x38;
	[tilespmem:$0x12800] =	vst v63  }
0x5b2: {  	s1 =	sor.u32 $0x10180, s28;
	s0 =	sadd.s32 $0x70, s0;
	s30 =	simm.s32 $0x11678  }
0x5b3: {  	[hbm4b:s0+s3] =	stream.linear.scatter [tilespmem:s30], [sflag:$0x2], $0x80, $0x38;
	[tilespmem:$0x12800] =	vst v63  }
0x5b4: {  	s15 =	simm.s32 $0x11700;
	s0 =	sadd.s32 s2, s1  }
0x5b5: {  	[hbm4b:s0+s3] =	stream.linear.scatter [tilespmem:s15], [sflag:$0x2], $0x80, $0x38;
	[tilespmem:$0x12800] =	vst v63  }
0x5b6: {  	s30 =	simm.s32 $0x11788;
	s29 =	sadd.s32 $0x10, s0  }
0x5b7: {  	[hbm4b:s29+s3] =	stream.linear.scatter [tilespmem:s30], [sflag:$0x2], $0x80, $0x38;
	[tilespmem:$0x12800] =	vst v63  }
0x5b8: {  	s29 =	sadd.s32 $0x20, s0;
	s30 =	simm.s32 $0x11810  }
0x5b9: {  	[hbm4b:s29+s3] =	stream.linear.scatter [tilespmem:s30], [sflag:$0x2], $0x80, $0x38;
	[tilespmem:$0x12800] =	vst v63  }
0x5ba: {  	s29 =	sadd.s32 $0x30, s0;
	s30 =	simm.s32 $0x11898  }
0x5bb: {  	[hbm4b:s29+s3] =	stream.linear.scatter [tilespmem:s30], [sflag:$0x2], $0x80, $0x38;
	[tilespmem:$0x12800] =	vst v63  }
0x5bc: {  	s29 =	sadd.s32 $0x40, s0;
	s30 =	simm.s32 $0x11920  }
0x5bd: {  	[hbm4b:s29+s3] =	stream.linear.scatter [tilespmem:s30], [sflag:$0x2], $0x80, $0x38;
	[tilespmem:$0x12800] =	vst v63  }
0x5be: {  	s29 =	sadd.s32 $0x50, s0;
	s30 =	simm.s32 $0x119A8  }
0x5bf: {  	[hbm4b:s29+s3] =	stream.linear.scatter [tilespmem:s30], [sflag:$0x2], $0x80, $0x38;
	[tilespmem:$0x12800] =	vst v63  }
0x5c0: {  	s15 =	sadd.s32 $0x60, s0;
	s29 =	simm.s32 $0x11A30  }
0x5c1: {  	[hbm4b:s15+s3] =	stream.linear.scatter [tilespmem:s29], [sflag:$0x2], $0x80, $0x38;
	[tilespmem:$0x12800] =	vst v63  }
0x5c2: {  	s1 =	sor.u32 $0x14180, s28;
	s0 =	sadd.s32 $0x70, s0;
	s30 =	simm.s32 $0x11AB8  }
0x5c3: {  	[hbm4b:s0+s3] =	stream.linear.scatter [tilespmem:s30], [sflag:$0x2], $0x80, $0x38;
	[tilespmem:$0x12800] =	vst v63  }
0x5c4: {  	s15 =	simm.s32 $0x11B40;
	s0 =	sadd.s32 s2, s1  }
0x5c5: {  	[hbm4b:s0+s3] =	stream.linear.scatter [tilespmem:s15], [sflag:$0x2], $0x80, $0x38;
	[tilespmem:$0x12800] =	vst v63  }
0x5c6: {  	s30 =	simm.s32 $0x11BC8;
	s29 =	sadd.s32 $0x10, s0  }
0x5c7: {  	[hbm4b:s29+s3] =	stream.linear.scatter [tilespmem:s30], [sflag:$0x2], $0x80, $0x38;
	[tilespmem:$0x12800] =	vst v63  }
0x5c8: {  	s29 =	sadd.s32 $0x20, s0;
	s30 =	simm.s32 $0x11C50  }
0x5c9: {  	[hbm4b:s29+s3] =	stream.linear.scatter [tilespmem:s30], [sflag:$0x2], $0x80, $0x38;
	[tilespmem:$0x12800] =	vst v63  }
0x5ca: {  	s29 =	sadd.s32 $0x30, s0;
	s30 =	simm.s32 $0x11CD8  }
0x5cb: {  	[hbm4b:s29+s3] =	stream.linear.scatter [tilespmem:s30], [sflag:$0x2], $0x80, $0x38;
	[tilespmem:$0x12800] =	vst v63  }
0x5cc: {  	s29 =	sadd.s32 $0x40, s0;
	s30 =	simm.s32 $0x11D60  }
0x5cd: {  	[hbm4b:s29+s3] =	stream.linear.scatter [tilespmem:s30], [sflag:$0x2], $0x80, $0x38;
	[tilespmem:$0x12800] =	vst v63  }
0x5ce: {  	s29 =	sadd.s32 $0x50, s0;
	s30 =	simm.s32 $0x11DE8  }
0x5cf: {  	[hbm4b:s29+s3] =	stream.linear.scatter [tilespmem:s30], [sflag:$0x2], $0x80, $0x38;
	[tilespmem:$0x12800] =	vst v63  }
0x5d0: {  	s15 =	sadd.s32 $0x60, s0;
	s29 =	simm.s32 $0x11E70  }
0x5d1: {  	[hbm4b:s15+s3] =	stream.linear.scatter [tilespmem:s29], [sflag:$0x2], $0x80, $0x38;
	[tilespmem:$0x12800] =	vst v63  }
0x5d2: {  	s1 =	sor.u32 $0x18180, s28;
	s0 =	sadd.s32 $0x70, s0;
	s30 =	simm.s32 $0x11EF8  }
0x5d3: {  	[hbm4b:s0+s3] =	stream.linear.scatter [tilespmem:s30], [sflag:$0x2], $0x80, $0x38;
	[tilespmem:$0x12800] =	vst v63  }
0x5d4: {  	s15 =	simm.s32 $0x11F80;
	s0 =	sadd.s32 s2, s1  }
0x5d5: {  	[hbm4b:s0+s3] =	stream.linear.scatter [tilespmem:s15], [sflag:$0x2], $0x80, $0x38;
	[tilespmem:$0x12800] =	vst v63  }
0x5d6: {  	s29 =	sadd.s32 $0x10, s0  }
0x5d7: {  	[hbm4b:s29+s3] =	stream.linear.scatter [tilespmem:s19], [sflag:$0x2], $0x80, $0x38;
	[tilespmem:$0x12800] =	vst v63  }
0x5d8: {  	s30 =	sadd.s32 $0x20, s0  }
0x5d9: {  	[hbm4b:s30+s3] =	stream.linear.scatter [tilespmem:s20], [sflag:$0x2], $0x80, $0x38;
	[tilespmem:$0x12800] =	vst v63  }
0x5da: {  	s15 =	sadd.s32 $0x30, s0  }
0x5db: {  	[hbm4b:s15+s3] =	stream.linear.scatter [tilespmem:s22], [sflag:$0x2], $0x80, $0x38;
	[tilespmem:$0x12800] =	vst v63  }
0x5dc: {  	s29 =	sadd.s32 $0x40, s0  }
0x5dd: {  	[hbm4b:s29+s3] =	stream.linear.scatter [tilespmem:s5], [sflag:$0x2], $0x80, $0x38;
	[tilespmem:$0x12800] =	vst v63  }
0x5de: {  	s30 =	sadd.s32 $0x50, s0  }
0x5df: {  	[hbm4b:s30+s3] =	stream.linear.scatter [tilespmem:s14], [sflag:$0x2], $0x80, $0x38;
	[tilespmem:$0x12800] =	vst v63  }
0x5e0: {  	s15 =	sadd.s32 $0x60, s0  }
0x5e1: {  	[hbm4b:s15+s3] =	stream.linear.scatter [tilespmem:s17], [sflag:$0x2], $0x80, $0x38;
	[tilespmem:$0x12800] =	vst v63  }
0x5e2: {  	s28 =	sor.u32 $0x1C180, s28;
	s0 =	sadd.s32 $0x70, s0  }
0x5e3: {  	[hbm4b:s0+s3] =	stream.linear.scatter [tilespmem:s24], [sflag:$0x2], $0x80, $0x38;
	[tilespmem:$0x12800] =	vst v63  }
0x5e4: {  	s0 =	sadd.s32 s2, s28  }
0x5e5: {  	[hbm4b:s0+s3] =	stream.linear.scatter [tilespmem:s18], [sflag:$0x2], $0x80, $0x38;
	[tilespmem:$0x12800] =	vst v63  }
0x5e6: {  	s29 =	sadd.s32 $0x10, s0  }
0x5e7: {  	[hbm4b:s29+s3] =	stream.linear.scatter [tilespmem:s6], [sflag:$0x2], $0x80, $0x38;
	[tilespmem:$0x12800] =	vst v63  }
0x5e8: {  	s30 =	sadd.s32 $0x20, s0  }
0x5e9: {  	[hbm4b:s30+s3] =	stream.linear.scatter [tilespmem:s7], [sflag:$0x2], $0x80, $0x38;
	[tilespmem:$0x12800] =	vst v63  }
0x5ea: {  	s15 =	sadd.s32 $0x30, s0  }
0x5eb: {  	[hbm4b:s15+s3] =	stream.linear.scatter [tilespmem:s8], [sflag:$0x2], $0x80, $0x38;
	[tilespmem:$0x12800] =	vst v63  }
0x5ec: {  	s26 =	sadd.s32 $0x1, s26;
	s28 =	sadd.s32 $0x40, s0  }
0x5ed: {  	[hbm4b:s28+s3] =	stream.linear.scatter [tilespmem:s9], [sflag:$0x2], $0x80, $0x38;
	[tilespmem:$0x12800] =	vst v63  }
0x5ee: {  	p0 =	sne.s32 s26, $0x32;
	s29 =	sadd.s32 $0x50, s0  }
0x5ef: {  	[hbm4b:s29+s3] =	stream.linear.scatter [tilespmem:s10], [sflag:$0x2], $0x80, $0x38;
	[tilespmem:$0x12800] =	vst v63  }
.Ltmp4:
0x5f0: {  	_ = 	snop;
	(pc) =	sbr.rel @p0 .LBB2_2-.Ltmp4, $4  }
0x5f1: {  	s30 =	sadd.s32 $0x60, s0  }
0x5f2: {  	[hbm4b:s30+s3] =	stream.linear.scatter [tilespmem:s11], [sflag:$0x2], $0x80, $0x38;
	[tilespmem:$0x12800] =	vst v63  }
0x5f3: {  	s0 =	sadd.s32 $0x70, s0  }
0x5f4: {  	[hbm4b:s0+s3] =	stream.linear.scatter [tilespmem:s12], [sflag:$0x2], $0x80, $0x38;
	[tilespmem:$0x12800] =	vst v63  }
0x5f5: {  	_ =	swait.ge [sflag:s13], $0x400  }
0x5f6: {  	[sflag:s13] =	ssyncset.done $0x0  }
0x5f7: {  	[sflag:s13] =	ssyncadd.s32 $0xFFFFFC00  }
0x5f8: {  	_ =	swait.ge [sflag:s13], $0x400  }
0x5f9: {  	[sflag:s13] =	ssyncset.done $0x0  }
0x5fa: {  	[sflag:s13] =	ssyncadd.s32 $0xFFFFFC00  }
0x5fb: {  	_ =	swait.ge [sflag:s13], $0x400  }
0x5fc: {  	[sflag:s13] =	ssyncset.done $0x0  }
0x5fd: {  	[sflag:s13] =	ssyncadd.s32 $0xFFFFFC00  }
0x5fe: {  	_ =	swait.ge [sflag:s13], $0x400  }
0x5ff: {  	[sflag:s13] =	ssyncset.done $0x0  }
0x600: {  	[sflag:s13] =	ssyncadd.s32 $0xFFFFFC00  }
0x601: {  	_ =	swait.ge [sflag:s13], $0x400  }
0x602: {  	[sflag:s13] =	ssyncset.done $0x0  }
0x603: {  	[sflag:s13] =	ssyncadd.s32 $0xFFFFFC00  }
0x604: {  	_ =	swait.ge [sflag:s13], $0x400  }
0x605: {  	[sflag:s13] =	ssyncset.done $0x0  }
0x606: {  	[sflag:s13] =	ssyncadd.s32 $0xFFFFFC00  }
0x607: {  	_ =	swait.ge [sflag:s13], $0x400  }
0x608: {  	[sflag:s13] =	ssyncset.done $0x0  }
0x609: {  	[sflag:s13] =	ssyncadd.s32 $0xFFFFFC00  }
0x60a: {  	_ =	swait.ge [sflag:s13], $0x400  }
0x60b: {  	[sflag:s13] =	ssyncset.done $0x0  }
0x60c: {  	[sflag:s13] =	ssyncadd.s32 $0xFFFFFC00  }
0x60d: {  	_ =	swait.ge [sflag:s13], $0x400  }
0x60e: {  	[sflag:s13] =	ssyncset.done $0x0  }
0x60f: {  	[sflag:s13] =	ssyncadd.s32 $0xFFFFFC00  }
0x610: {  	_ =	swait.ge [sflag:s13], $0x400  }
0x611: {  	[sflag:s13] =	ssyncset.done $0x0  }
0x612: {  	[sflag:s13] =	ssyncadd.s32 $0xFFFFFC00  }
0x613: {  	_ =	swait.ge [sflag:s13], $0x400  }
0x614: {  	[sflag:s13] =	ssyncset.done $0x0  }
0x615: {  	[sflag:s13] =	ssyncadd.s32 $0xFFFFFC00  }
0x616: {  	_ =	swait.ge [sflag:s13], $0x400  }
0x617: {  	[sflag:s13] =	ssyncset.done $0x0  }
0x618: {  	[sflag:s13] =	ssyncadd.s32 $0xFFFFFC00  }
0x619: {  	_ =	swait.ge [sflag:s13], $0x400  }
0x61a: {  	[sflag:s13] =	ssyncset.done $0x0  }
0x61b: {  	[sflag:s13] =	ssyncadd.s32 $0xFFFFFC00  }
0x61c: {  	_ =	swait.ge [sflag:s13], $0x400  }
0x61d: {  	[sflag:s13] =	ssyncset.done $0x0  }
0x61e: {  	[sflag:s13] =	ssyncadd.s32 $0xFFFFFC00  }
0x61f: {  	_ =	swait.ge [sflag:s13], $0x400  }
0x620: {  	[sflag:s13] =	ssyncset.done $0x0  }
0x621: {  	[sflag:s13] =	ssyncadd.s32 $0xFFFFFC00  }
0x622: {  	_ =	swait.ge [sflag:s13], $0x400  }
0x623: {  	s1 =	rddreg [dreg:$0xd]  }
0x624: {  	s0 =	rddreg [dreg:$0xc];
	s1 =	sadd.s32 $0x1, s1  }
0x625: {  	p0 =	sne.s32 s1, s0  }
.Ltmp5:
0x626: {  	_ = 	snop;
	(pc) =	sbr.rel @p0 .LBB2_1-.Ltmp5, $3  }
0x627: {  	_ =	sdelay $0x1  }
0x628: {  	[sflag:s13] =	ssyncset.done $0x0  }
0x629: {  	[sflag:s13] =	ssyncadd.s32 $0xFFFFFC00  }
0x62a: {  	_ =	sfence.sel $0x180000  }
0x62b: {  	[bflag:$0x0] =	sbarrier.arrive $0xFFFF  }
0x62c: {  	_ =	strace $0x90000047  }
0x62d: {  	s0 =	stileid.u32;
	[bflag:$0x2] =	sbarrier.arrive $0xFFFF  }
0x62e: {  	p0 =	sne.s32 s0, $0x0;
	s0 =	rddreg [dreg:$0x2]  }
0x62f: {  	s0 =	sadd.s32 @!p0 $0x100000, s0  }
0x630: {  	[sflag:s0] =	ssyncadd.tile.s32 @!p0 $0x1;
	_ =	shalt  }
.Lfunc_end2:
_tile_overlayer_lowered:
.L_overlay_start_2:
0x631: {  	(tag) =	ssettag $0x2  }
0x632: {  	s0 =	rddreg [dreg:$0x0];
	s2 =	stileid.u32  }
0x633: {  	s1 =	rddreg [dreg:$0x1];
	p0 =	sne.s32 s2, $0x0  }
0x634: {  	s3 =	rddreg [dreg:$0x2];
	[bflag:$0x3] =	sbarrier.arrive $0xFFFF;
	s2 =	simm.s32 @!p0 $0x1C03  }
0x635: {  	[timem:s3], [sflag:s2] =	dma.local @!p0 [hbm:s0], s1  }
0x636: {  	s0 =	simm.s32 @!p0 $0x3  }
0x637: {  	_ =	swait.ge @!p0 [sflag:s0], s1  }
0x638: {  	s1 =	ssub.s32 @!p0 $0x0, s1;
	[sflag:s0] =	ssyncset.done @!p0 $0x0  }
0x639: {  	[sflag:s0] =	ssyncadd.s32 @!p0 s1  }
0x63a: {  	[bflag:$0x3] =	sbarrier.arrive $0xFFFF  }
0x63b: {  	_ =	shalt  }

</sc_bundles>
